<compile_context>
chip_gen: v7x
topology: tpu7x:2x2x1
jax: 0.10.2.dev20260603
libtpu: 0.0.44.dev20260713+nightly
codegen_flags: <defaults>
</compile_context>

<pallas_src>
import functools

import jax
import jax.numpy as jnp
import numpy as np
from jax import lax
from jax.experimental import pallas as pl
from jax.experimental.pallas import tpu as pltpu
from jax.experimental.pallas import tpu_sc as plsc

_N = 100000
_C = 128
_MAX_BINS = 32
_ROWS = 1000
_GRID = _N // _ROWS

_NW = 32
_CHUNK = 3136
_VECS = _CHUNK // 16
_PAD_N = _NW * _CHUNK
_SENT = np.int32(2**31 - 1)

_LP = 512
_HB = 1024
_HOFF = 0x3BF0


def _bin_edges(n, n_bins):
    spb = n // n_bins
    rem = n % n_bins
    edges = []
    start = 0
    for i in range(n_bins):
        size = spb + (1 if i < rem else 0)
        end = start + size
        if start >= n:
            break
        edges.append((start, end))
        start = end
    return edges


_RANKS = np.array(
    sorted({s for b in range(1, _MAX_BINS + 1)
            for (s, e) in _bin_edges(_N, b)} - {0}), dtype=np.int32)
_KP = len(_RANKS)
_KROWS = 400

_RANK_FULL = np.concatenate([[0], _RANKS, [_N]])
_RANK_POS = {int(r): i for i, r in enumerate(_RANK_FULL)}

_PAIR_B, _PAIR_S, _PAIR_E = [], [], []
for _b in range(1, _MAX_BINS + 1):
    for _s, _e in _bin_edges(_N, _b):
        _PAIR_B.append(_b)
        _PAIR_S.append(_RANK_POS[_s])
        _PAIR_E.append(_RANK_POS[_e])
_PAIR_B = np.array(_PAIR_B)
_PAIR_S = np.array(_PAIR_S)
_PAIR_E = np.array(_PAIR_E)
_PAIR_LEN = (_RANK_FULL[_PAIR_E] - _RANK_FULL[_PAIR_S]).astype(np.float32)
_ADJ = np.array([i for i in range(1, len(_PAIR_B))
                 if _PAIR_B[i] == _PAIR_B[i - 1]])
_VIOL_MAT = np.zeros((_MAX_BINS + 1, len(_ADJ)), np.float32)
for _i, _a in enumerate(_ADJ):
    _VIOL_MAT[_PAIR_B[_a], _i] = 1.0
_ECE_MAT = np.zeros((_MAX_BINS + 1, len(_PAIR_B)), np.float32)
for _i, _b in enumerate(_PAIR_B):
    _ECE_MAT[_b, _i] = 1.0


def _stage_a_body(logits_ref, labels_ref, packed_ref):
    x = logits_ref[0]
    m = jnp.max(x, axis=1, keepdims=True)
    q = jnp.exp(x - m)
    ones = jnp.ones((_C, 1), jnp.float32)
    s = jax.lax.dot_general(q, ones, (((1,), (0,)), ((), ())),
                            preferred_element_type=jnp.float32)
    conf = 1.0 / s[:, 0]
    lab = labels_ref[0, 0]
    lane = lax.broadcasted_iota(jnp.int32, x.shape, 1)
    xl = jnp.max(jnp.where(lane == lab[:, None], x, -jnp.inf), axis=1)
    corr = xl == m[:, 0]
    packed_ref[0, 0] = jnp.where(corr, -conf, conf)


def _stage_a(logits, labels):
    logits3 = logits.reshape(_GRID, _ROWS, _C)
    labels3 = labels.reshape(_GRID, 1, _ROWS)
    packed = pl.pallas_call(
        _stage_a_body,
        grid=(_GRID,),
        in_specs=[
            pl.BlockSpec((1, _ROWS, _C), lambda i: (i, 0, 0)),
            pl.BlockSpec((1, 1, _ROWS), lambda i: (i, 0, 0)),
        ],
        out_specs=pl.BlockSpec((1, 1, _ROWS), lambda i: (i, 0, 0)),
        out_shape=jax.ShapeDtypeStruct((_GRID, 1, _ROWS), jnp.float32),
    )(logits3, labels3)
    return packed.reshape(_N)


_MESH = plsc.VectorSubcoreMesh(core_axis_name="c", subcore_axis_name="s")


def _wid():
    return lax.axis_index("s") * 2 + lax.axis_index("c")


def _search_le(list_ref, v):
    lo = jnp.zeros((16,), jnp.int32)
    step = _LP // 2
    while step >= 1:
        probe = lo + (step - 1)
        t = plsc.load_gather(list_ref, [probe])
        lo = lo + jnp.where(t <= v, step, 0)
        step //= 2
    return lo


def _search_le4(list_ref, vs):
    los = [jnp.zeros((16,), jnp.int32) for _ in vs]
    step = _LP // 2
    while step >= 1:
        ts = [plsc.load_gather(list_ref, [lo + (step - 1)]) for lo in los]
        los = [lo + jnp.where(t <= v, step, 0)
               for lo, t, v in zip(los, ts, vs)]
        step //= 2
    return los


def _zero_ref2d(ref, rows):
    z = jnp.zeros((16,), ref.dtype)

    def body(i, _):
        ref[i // 8, pl.ds((i % 8) * 16, 16)] = z
        return 0

    lax.fori_loop(0, rows * 8, body, 0)


def _zero_ref(ref, nwords):
    z = jnp.zeros((16,), ref.dtype)

    def body(i, _):
        ref[pl.ds(i * 16, 16)] = z
        return 0

    lax.fori_loop(0, nwords // 16, body, 0)


@functools.partial(
    pl.kernel,
    out_type=jax.ShapeDtypeStruct((_NW, _HB), jnp.int32),
    mesh=_MESH,
    compiler_params=pltpu.CompilerParams(needs_layout_passes=False),
    scratch_types=[
        pltpu.VMEM((_CHUNK,), jnp.int32),
        pltpu.VMEM((_HB,), jnp.int32),
    ],
)
def _pass_a(key_hbm, out_hbm, keys_v, hist_v):
    w = _wid()
    pltpu.sync_copy(key_hbm.at[pl.ds(w * _CHUNK, _CHUNK)], keys_v)
    _zero_ref(hist_v, _HB)
    one = jnp.ones((16,), jnp.int32)
    full = jnp.ones((16,), jnp.bool_)

    def body(i, _):
        for j in range(4):
            k = jnp.bitwise_and(keys_v[pl.ds((i * 4 + j) * 16, 16)],
                                jnp.int32(0x7FFFFFFF))
            b = lax.shift_right_logical(k, 16) - _HOFF
            b = jnp.clip(b, 0, _HB - 1)
            plsc.addupdate_scatter(hist_v, [b], one, mask=full)
        return 0

    lax.fori_loop(0, _VECS // 4, body, 0)
    pltpu.sync_copy(hist_v, out_hbm.at[w])


_HROWS = _KROWS * 2
_HPAD = 896


def _make_refine(shift):
    @functools.partial(
        pl.kernel,
        out_type=jax.ShapeDtypeStruct((2, _HPAD, 128), jnp.int32),
        mesh=_MESH,
        compiler_params=pltpu.CompilerParams(needs_layout_passes=False),
        scratch_types=[
            pltpu.VMEM((_CHUNK,), jnp.int32),
            pltpu.VMEM((_LP,), jnp.int32),
            pltpu.VMEM((_HPAD, 128), jnp.int32),
            pltpu.VMEM((7, 128), jnp.int32),
            pltpu.VMEM_SHARED((_HPAD, 128), jnp.int32),
        ],
    )
    def refine(key_hbm, list_hbm, out_hbm, keys_v, list_v, hist_v,
               idx2_v, shared_v):
        w = _wid()
        sid = lax.axis_index("s")
        core = lax.axis_index("c")
        pltpu.sync_copy(key_hbm.at[pl.ds(w * _CHUNK, _CHUNK)], keys_v)
        pltpu.sync_copy(list_hbm, list_v)
        _zero_ref2d(hist_v, _HPAD)
        lanes = lax.iota(jnp.int32, 16)

        def idxbody(i, _):
            r = i // 8
            c = (i % 8) * 16
            idx2_v[r, pl.ds(c, 16)] = r * 128 + c + lanes
            return 0

        lax.fori_loop(0, 56, idxbody, 0)

        stripe = _HPAD // 16
        pltpu.sync_copy(hist_v.at[pl.ds(0, stripe)],
                        shared_v.at[pl.ds(sid * stripe, stripe)])
        plsc.subcore_barrier()

        one = jnp.ones((16,), jnp.int32)

        def body(i, _):
            ks = [jnp.bitwise_and(keys_v[pl.ds((i * 4 + j) * 16, 16)],
                                  jnp.int32(0x7FFFFFFF)) for j in range(4)]
            pfxs = [lax.shift_right_logical(k, 8 + shift) for k in ks]
            ss = _search_le4(list_v, pfxs)
            for k, pfx, s in zip(ks, pfxs, ss):
                slot = jnp.maximum(s - 1, 0)
                pv = plsc.load_gather(list_v, [slot])
                valid = jnp.logical_and(s >= 1, pv == pfx)
                dig = jnp.bitwise_and(lax.shift_right_logical(k, shift), 255)
                row = jnp.where(valid, slot * 2
                                + lax.shift_right_logical(dig, 7), 0)
                col = jnp.bitwise_and(dig, 127)
                plsc.addupdate_scatter(hist_v, [row, col], one, mask=valid)
            return 0

        lax.fori_loop(0, _VECS // 4, body, 0)

        for j in range(7):
            pltpu.sync_copy(hist_v.at[pl.ds(j * 128, 128)],
                            shared_v.at[idx2_v.at[j]], add=True)
        plsc.subcore_barrier()
        pltpu.sync_copy(shared_v.at[pl.ds(sid * stripe, stripe)],
                        out_hbm.at[core, pl.ds(sid * stripe, stripe)])

    return refine


_pass_b = _make_refine(8)
_pass_c = _make_refine(0)


@functools.partial(
    pl.kernel,
    out_type=jax.ShapeDtypeStruct((_NW, 5 * _LP), jnp.float32),
    mesh=_MESH,
    compiler_params=pltpu.CompilerParams(needs_layout_passes=False),
    scratch_types=[
        pltpu.VMEM((_CHUNK,), jnp.int32),
        pltpu.VMEM((_LP,), jnp.int32),
        pltpu.VMEM((5 * _LP,), jnp.float32),
    ],
)
def _pass_d(key_hbm, list_hbm, out_hbm, keys_v, list_v, seg_v):
    w = _wid()
    base = w * _CHUNK
    pltpu.sync_copy(key_hbm.at[pl.ds(base, _CHUNK)], keys_v)
    pltpu.sync_copy(list_hbm, list_v)
    _zero_ref(seg_v, 5 * _LP)
    onef = jnp.ones((16,), jnp.float32)
    lanes = lax.iota(jnp.int32, 16)

    def body(i, _):
        kraw = [keys_v[pl.ds((i * 4 + j) * 16, 16)] for j in range(4)]
        ks = [jnp.bitwise_and(k, jnp.int32(0x7FFFFFFF)) for k in kraw]
        ss = _search_le4(list_v, ks)
        for j, (kr, k, s) in enumerate(zip(kraw, ks, ss)):
            cf = plsc.bitcast(k, jnp.float32)
            cr = jnp.where(kr < 0, 1.0, 0.0).astype(jnp.float32)
            idx = base + (i * 4 + j) * 16 + lanes
            inb = idx < _N
            s = jnp.minimum(s, _KP)
            plsc.addupdate_scatter(seg_v, [s], onef, mask=inb)
            plsc.addupdate_scatter(seg_v, [_LP + s], cf, mask=inb)
            plsc.addupdate_scatter(seg_v, [2 * _LP + s], cr, mask=inb)
            slot = jnp.maximum(s - 1, 0)
            tv = plsc.load_gather(list_v, [slot])
            tie = jnp.logical_and(jnp.logical_and(s >= 1, tv == k), inb)
            plsc.addupdate_scatter(seg_v, [3 * _LP + slot], onef, mask=tie)
            plsc.addupdate_scatter(seg_v, [4 * _LP + slot], cr, mask=tie)
        return 0

    lax.fori_loop(0, _VECS // 4, body, 0)
    pltpu.sync_copy(seg_v, out_hbm.at[w])


def kernel(logits, labels):
    packed = _stage_a(logits, labels)
    ks = lax.bitcast_convert_type(packed, jnp.int32)

    padlen = _PAD_N - _N
    key_p = jnp.concatenate([ks, jnp.full((padlen,), _SENT, jnp.int32)])

    ranks = jnp.asarray(_RANKS)

    hist_a = _pass_a(key_p).sum(axis=0)
    cum_a = jnp.cumsum(hist_a)
    ib = jnp.searchsorted(cum_a, ranks, side="right").astype(jnp.int32)
    base16 = jnp.where(ib > 0, cum_a[jnp.maximum(ib - 1, 0)], 0)
    p16 = ib + _HOFF

    def padlist(v):
        return jnp.concatenate(
            [v, jnp.full((_LP - _KP,), _SENT, jnp.int32)])

    hist_b = _pass_b(key_p, padlist(p16)).sum(axis=0)[:_HROWS].reshape(_KROWS, 256)
    cum_b = jnp.cumsum(hist_b[:_KP], axis=1)
    rs_b = jnp.searchsorted(p16, p16, side="right").astype(jnp.int32) - 1
    row_b = cum_b[rs_b]
    m_b = (ranks - base16)[:, None]
    d_b = (row_b <= m_b).sum(axis=1).astype(jnp.int32)
    base24 = base16 + jnp.where(
        d_b > 0, row_b[jnp.arange(_KP), jnp.maximum(d_b - 1, 0)], 0)
    p24 = p16 * 256 + d_b

    hist_c = _pass_c(key_p, padlist(p24)).sum(axis=0)[:_HROWS].reshape(_KROWS, 256)
    cum_c = jnp.cumsum(hist_c[:_KP], axis=1)
    rs_c = jnp.searchsorted(p24, p24, side="right").astype(jnp.int32) - 1
    row_c = cum_c[rs_c]
    m_c = (ranks - base24)[:, None]
    d_c = (row_c <= m_c).sum(axis=1).astype(jnp.int32)
    tkeys = p24 * 256 + d_c

    segs = _pass_d(key_p, padlist(tkeys)).sum(axis=0).reshape(5, _LP)
    seg_cnt, seg_conf, seg_corr = segs[0], segs[1], segs[2]
    eq_cnt, eq_corr = segs[3], segs[4]

    cum_cnt = jnp.cumsum(seg_cnt)
    cum_conf = jnp.cumsum(seg_conf)
    cum_corr = jnp.cumsum(seg_corr)

    rs_t = jnp.searchsorted(tkeys, tkeys, side="right").astype(jnp.int32) - 1
    take = ranks.astype(jnp.float32) - cum_cnt[:_KP]
    conf_val = lax.bitcast_convert_type(tkeys, jnp.float32)
    ecnt = eq_cnt[rs_t]
    tie_avg = jnp.where(ecnt > 0, eq_corr[rs_t] / jnp.maximum(ecnt, 1.0), 0.0)
    pc_in = cum_conf[:_KP] + take * conf_val
    pr_in = cum_corr[:_KP] + take * tie_avg

    total_conf = cum_conf[_KP]
    total_corr = cum_corr[_KP]
    pc = jnp.concatenate([jnp.zeros((1,)), pc_in, total_conf[None]])
    pr = jnp.concatenate([jnp.zeros((1,)), pr_in, total_corr[None]])

    pair_s = jnp.asarray(_PAIR_S)
    pair_e = jnp.asarray(_PAIR_E)
    ln = jnp.asarray(_PAIR_LEN)
    avg_a = (pr[pair_e] - pr[pair_s]) / ln
    avg_c = (pc[pair_e] - pc[pair_s]) / ln

    adj = jnp.asarray(_ADJ)
    viol = (avg_a[adj] < avg_a[adj - 1]).astype(jnp.float32)
    viol_b = jnp.asarray(_VIOL_MAT) @ viol
    b_arr = jnp.arange(_MAX_BINS + 1)
    n_bins = jnp.min(jnp.where(viol_b > 0, b_arr - 1, _MAX_BINS))

    terms = (ln / _N) * jnp.abs(avg_c - avg_a)
    ece_b = jnp.asarray(_ECE_MAT) @ terms
    ece_b = ece_b.at[1].set(0.0)
    return ece_b[n_bins].astype(jnp.float32)

# --- scband reference (transcript-rebuilt; emitter-appended) ---
"""Pipeline reference for scband-ecesweep-35897336660465 (READ-ONLY COPY).

The authoritative reference and input builder live on the scoring server;
editing this copy changes nothing except your own understanding.
"""

import jax, jax.numpy as jnp
import numpy as np

P = 1
MAX_BINS = 32
N = 100000
C = 128


def _bin_slices(n, n_bins):
    spb = n // n_bins
    rem = n % n_bins
    slices = []
    start = 0
    for i in range(n_bins):
        size = spb + (1 if i < rem else 0)
        end = start + size
        if start >= n:
            break
        slices.append((start, end))
        start = end
    return slices


def _is_monotonic(sorted_correct_np, n_bins):
    if n_bins <= 1:
        return True
    n = len(sorted_correct_np)
    heights = []
    for s, e in _bin_slices(n, n_bins):
        if e > s:
            heights.append(float(np.mean(sorted_correct_np[s:e])))
    for i in range(1, len(heights)):
        if heights[i] < heights[i - 1]:
            return False
    return True


def _find_optimal_bins(sorted_correct_np, max_bins):
    n = len(sorted_correct_np)
    for b in range(2, min(max_bins + 1, n + 1)):
        if not _is_monotonic(sorted_correct_np, b):
            return b - 1
    return min(max_bins, n)


def setup_inputs(seed: int = 0) -> dict:
    key = jax.random.key(seed)
    k1, k2 = jax.random.split(key)
    logits = jax.random.normal(k1, (N, C), dtype=jnp.float32)
    labels = jax.random.randint(k2, (N,), 0, C, dtype=jnp.int32)
    return {"logits": logits, "labels": labels}


def reference(logits, labels):
    probs = jax.nn.softmax(logits, axis=1)
    confidences = jnp.max(probs, axis=1)
    predictions = jnp.argmax(probs, axis=1)
    correct = (predictions == labels.astype(predictions.dtype)).astype(jnp.float32)
    n = int(confidences.shape[0])
    order = jnp.argsort(confidences)
    sorted_conf = confidences[order]
    sorted_corr = correct[order]
    max_b = min(MAX_BINS, n)
    mono_flags = []
    for b in range(2, max_b + 1):
        heights = []
        for s, e in _bin_slices(n, b):
            if e > s:
                heights.append(jnp.mean(sorted_corr[s:e]))
        if len(heights) <= 1:
            mono_flags.append(jnp.asarray(True))
        else:
            h = jnp.stack(heights)
            mono_flags.append(jnp.all(h[1:] >= h[:-1]))
    n_bins = jnp.asarray(max_b, dtype=jnp.int32)
    found = jnp.asarray(False)
    for idx, b in enumerate(range(2, max_b + 1)):
        not_mono = jnp.logical_not(mono_flags[idx])
        hit = jnp.logical_and(jnp.logical_not(found), not_mono)
        n_bins = jnp.where(hit, jnp.asarray(b - 1, dtype=jnp.int32), n_bins)
        found = jnp.logical_or(found, not_mono)
    eces = []
    for b in range(1, max_b + 1):
        if b <= 1:
            eces.append(jnp.asarray(0.0, dtype=jnp.float32))
            continue
        ece = jnp.asarray(0.0, dtype=jnp.float32)
        for s, e in _bin_slices(n, b):
            if e > s:
                avg_conf = jnp.mean(sorted_conf[s:e])
                avg_acc = jnp.mean(sorted_corr[s:e])
                w = (e - s) / n
                ece = ece + w * jnp.abs(avg_conf - avg_acc) ** P
        eces.append(ece ** (1.0 / P))
    eces = jnp.stack(eces)
    return eces[n_bins - 1]

if __name__ == "__main__":
    import jax
    _d = setup_inputs()
    print(jax.jit(kernel)(*tuple(_d.values())))

</pallas_src>

<mosaic_0001>
#map = affine_map<(d0, d1) -> (0)>
#map1 = affine_map<(d0, d1) -> (0, 0)>
module attributes {stable_mosaic.version = 14 : i64} {
  func.func @_pass_a(%arg0: i32, %arg1: i32, %arg2: memref<100352xi32, #tpu.memory_space<hbm>>, %arg3: memref<32x1024xi32, #tpu.memory_space<hbm>>, %arg4: memref<3136xi32, #tpu.memory_space<vmem>>, %arg5: memref<1024xi32, #tpu.memory_space<vmem>>) attributes {dimension_semantics = [#tpu.dimension_semantics<core_parallel>, #tpu.dimension_semantics<subcore_parallel>], iteration_bounds = array<i64: 2, 16>, scalar_prefetch = 0 : i64, scratch_operands = 2 : i64, tpu.core_type = #tpu.core_type<sc_vector_subcore>, window_params = [{transform_indices = #map}, {transform_indices = #map1}]} {
    %mul3A = arith.constant 2 : i32
    %mul3A_0 = arith.muli %arg1, %mul3A : i32
    %add3A = arith.addi %mul3A_0, %arg0 : i32
    %mul3A_1 = arith.constant 3136 : i32
    %mul3A_2 = arith.muli %add3A, %mul3A_1 : i32
    "tpu.region"() ({
      %run_scoped3A = tpu.sem_alloc : memref<!tpu.dma_semaphore, #tpu.memory_space<semaphore_mem>>
      %dma_start3A = tpu.memref_slice %arg2[%mul3A_2] : memref<100352xi32, #tpu.memory_space<hbm>> -> memref<3136xi32, #tpu.memory_space<hbm>>
      %dma_start3A_21 = tpu.memref_slice %arg2[%mul3A_2] : memref<100352xi32, #tpu.memory_space<hbm>> -> memref<3136xi32, #tpu.memory_space<hbm>>
      tpu.enqueue_dma source(%dma_start3A_21 : memref<3136xi32, #tpu.memory_space<hbm>>) target(%arg4 : memref<3136xi32, #tpu.memory_space<vmem>>) target_semaphore(%run_scoped3A : memref<!tpu.dma_semaphore, #tpu.memory_space<semaphore_mem>>)
      %dma_wait3A = tpu.memref_slice %arg2[%mul3A_2] : memref<100352xi32, #tpu.memory_space<hbm>> -> memref<3136xi32, #tpu.memory_space<hbm>>
      %dma_wait3A_22 = tpu.memref_slice %arg2[%mul3A_2] : memref<100352xi32, #tpu.memory_space<hbm>> -> memref<3136xi32, #tpu.memory_space<hbm>>
      tpu.wait_dma2 semaphore(%run_scoped3A : memref<!tpu.dma_semaphore, #tpu.memory_space<semaphore_mem>>) src(%dma_wait3A_22 : memref<3136xi32, #tpu.memory_space<hbm>>) dst(%arg4 : memref<3136xi32, #tpu.memory_space<vmem>>)
      tpu.yield
    }) : () -> ()
    %broadcast_in_dim3A = arith.constant 0 : i32
    %broadcast_in_dim3A_3 = vector.broadcast %broadcast_in_dim3A : i32 to vector<16xi32>
    %scan3A = arith.constant 0 : i32
    %scan3A_4 = arith.constant 0 : i32
    %scan3A_5 = arith.constant 64 : i32
    %scan3A_6 = arith.addi %scan3A_4, %scan3A_5 : i32
    %scan3A_7 = arith.constant 1 : i32
    %scan3A_8 = scf.for %scan3A_21 = %scan3A_4 to %scan3A_6 step %scan3A_7 iter_args(%scan3A_22 = %scan3A) -> (i32)  : i32 {
      %mul3A_23 = arith.constant 16 : i32
      %mul3A_24 = arith.muli %scan3A_21, %mul3A_23 : i32
      %swap3A = arith.index_cast %mul3A_24 : i32 to index
      %swap3A_25 = tpu.vector_load %arg5[%swap3A] {strides = array<i32>} : memref<1024xi32, #tpu.memory_space<vmem>>, vector<16xi32>,
      tpu.vector_store %arg5[%swap3A], %broadcast_in_dim3A_3 {strides = array<i32>} : memref<1024xi32, #tpu.memory_space<vmem>>, vector<16xi32>,
      %scan3A_26 = arith.constant 0 : i32
      scf.yield %scan3A_26 : i32
    }
    %scan3A_9 = arith.constant 64 : i32
    %broadcast_in_dim3A_10 = arith.constant 1 : i32
    %broadcast_in_dim3A_11 = vector.broadcast %broadcast_in_dim3A_10 : i32 to vector<16xi32>
    %broadcast_in_dim3A_12 = arith.constant true
    %broadcast_in_dim3A_13 = vector.broadcast %broadcast_in_dim3A_12 : i1 to vector<16xi1>
    %scan3A_14 = arith.constant 0 : i32
    %scan3A_15 = arith.constant 0 : i32
    %scan3A_16 = arith.constant 49 : i32
    %scan3A_17 = arith.addi %scan3A_15, %scan3A_16 : i32
    %scan3A_18 = arith.constant 1 : i32
    %scan3A_19 = scf.for %scan3A_21 = %scan3A_15 to %scan3A_17 step %scan3A_18 iter_args(%scan3A_22 = %scan3A_14) -> (i32)  : i32 {
      %mul3A_23 = arith.constant 4 : i32
      %mul3A_24 = arith.muli %scan3A_21, %mul3A_23 : i32
      %add3A_25 = arith.constant 0 : i32
      %add3A_26 = arith.addi %mul3A_24, %add3A_25 : i32
      %mul3A_27 = arith.constant 16 : i32
      %mul3A_28 = arith.muli %add3A_26, %mul3A_27 : i32
      %get3A = arith.index_cast %mul3A_28 : i32 to index
      %get3A_29 = tpu.vector_load %arg4[%get3A] {strides = array<i32>} : memref<3136xi32, #tpu.memory_space<vmem>>, vector<16xi32>,
      %and3A = arith.constant 2147483647 : i32
      %and3A_30 = vector.broadcast %and3A : i32 to vector<16xi32>
      %and3A_31 = arith.andi %get3A_29, %and3A_30 : vector<16xi32>
      %shift_right_logical3A = arith.constant 16 : i32
      %shift_right_logical3A_32 = vector.broadcast %shift_right_logical3A : i32 to vector<16xi32>
      %shift_right_logical3A_33 = arith.shrui %and3A_31, %shift_right_logical3A_32 : vector<16xi32>
      %sub3A = arith.constant 15344 : i32
      %sub3A_34 = vector.broadcast %sub3A : i32 to vector<16xi32>
      %sub3A_35 = arith.subi %shift_right_logical3A_33, %sub3A_34 : vector<16xi32>
      %jit3A = arith.constant 0 : i32
      %jit3A_36 = arith.constant 1023 : i32
      %max3A = vector.broadcast %jit3A : i32 to vector<16xi32>
      %max3A_37 = arith.maxsi %max3A, %sub3A_35 : vector<16xi32>
      %min3A = vector.broadcast %jit3A_36 : i32 to vector<16xi32>
      %min3A_38 = arith.minsi %min3A, %max3A_37 : vector<16xi32>
      tpu.vector_store_idx %arg5[%min3A_38], %broadcast_in_dim3A_11 masked %broadcast_in_dim3A_13 {add = true} : memref<1024xi32, #tpu.memory_space<vmem>>[vector<16xi32>], vector<16xi32>, vector<16xi1>
      %mul3A_39 = arith.constant 4 : i32
      %mul3A_40 = arith.muli %scan3A_21, %mul3A_39 : i32
      %add3A_41 = arith.constant 1 : i32
      %add3A_42 = arith.addi %mul3A_40, %add3A_41 : i32
      %mul3A_43 = arith.constant 16 : i32
      %mul3A_44 = arith.muli %add3A_42, %mul3A_43 : i32
      %get3A_45 = arith.index_cast %mul3A_44 : i32 to index
      %get3A_46 = tpu.vector_load %arg4[%get3A_45] {strides = array<i32>} : memref<3136xi32, #tpu.memory_space<vmem>>, vector<16xi32>,
      %and3A_47 = arith.constant 2147483647 : i32
      %and3A_48 = vector.broadcast %and3A_47 : i32 to vector<16xi32>
      %and3A_49 = arith.andi %get3A_46, %and3A_48 : vector<16xi32>
      %shift_right_logical3A_50 = arith.constant 16 : i32
      %shift_right_logical3A_51 = vector.broadcast %shift_right_logical3A_50 : i32 to vector<16xi32>
      %shift_right_logical3A_52 = arith.shrui %and3A_49, %shift_right_logical3A_51 : vector<16xi32>
      %sub3A_53 = arith.constant 15344 : i32
      %sub3A_54 = vector.broadcast %sub3A_53 : i32 to vector<16xi32>
      %sub3A_55 = arith.subi %shift_right_logical3A_52, %sub3A_54 : vector<16xi32>
      %jit3A_56 = arith.constant 0 : i32
      %jit3A_57 = arith.constant 1023 : i32
      %max3A_58 = vector.broadcast %jit3A_56 : i32 to vector<16xi32>
      %max3A_59 = arith.maxsi %max3A_58, %sub3A_55 : vector<16xi32>
      %min3A_60 = vector.broadcast %jit3A_57 : i32 to vector<16xi32>
      %min3A_61 = arith.minsi %min3A_60, %max3A_59 : vector<16xi32>
      tpu.vector_store_idx %arg5[%min3A_61], %broadcast_in_dim3A_11 masked %broadcast_in_dim3A_13 {add = true} : memref<1024xi32, #tpu.memory_space<vmem>>[vector<16xi32>], vector<16xi32>, vector<16xi1>
      %mul3A_62 = arith.constant 4 : i32
      %mul3A_63 = arith.muli %scan3A_21, %mul3A_62 : i32
      %add3A_64 = arith.constant 2 : i32
      %add3A_65 = arith.addi %mul3A_63, %add3A_64 : i32
      %mul3A_66 = arith.constant 16 : i32
      %mul3A_67 = arith.muli %add3A_65, %mul3A_66 : i32
      %get3A_68 = arith.index_cast %mul3A_67 : i32 to index
      %get3A_69 = tpu.vector_load %arg4[%get3A_68] {strides = array<i32>} : memref<3136xi32, #tpu.memory_space<vmem>>, vector<16xi32>,
      %and3A_70 = arith.constant 2147483647 : i32
      %and3A_71 = vector.broadcast %and3A_70 : i32 to vector<16xi32>
      %and3A_72 = arith.andi %get3A_69, %and3A_71 : vector<16xi32>
      %shift_right_logical3A_73 = arith.constant 16 : i32
      %shift_right_logical3A_74 = vector.broadcast %shift_right_logical3A_73 : i32 to vector<16xi32>
      %shift_right_logical3A_75 = arith.shrui %and3A_72, %shift_right_logical3A_74 : vector<16xi32>
      %sub3A_76 = arith.constant 15344 : i32
      %sub3A_77 = vector.broadcast %sub3A_76 : i32 to vector<16xi32>
      %sub3A_78 = arith.subi %shift_right_logical3A_75, %sub3A_77 : vector<16xi32>
      %jit3A_79 = arith.constant 0 : i32
      %jit3A_80 = arith.constant 1023 : i32
      %max3A_81 = vector.broadcast %jit3A_79 : i32 to vector<16xi32>
      %max3A_82 = arith.maxsi %max3A_81, %sub3A_78 : vector<16xi32>
      %min3A_83 = vector.broadcast %jit3A_80 : i32 to vector<16xi32>
      %min3A_84 = arith.minsi %min3A_83, %max3A_82 : vector<16xi32>
      tpu.vector_store_idx %arg5[%min3A_84], %broadcast_in_dim3A_11 masked %broadcast_in_dim3A_13 {add = true} : memref<1024xi32, #tpu.memory_space<vmem>>[vector<16xi32>], vector<16xi32>, vector<16xi1>
      %mul3A_85 = arith.constant 4 : i32
      %mul3A_86 = arith.muli %scan3A_21, %mul3A_85 : i32
      %add3A_87 = arith.constant 3 : i32
      %add3A_88 = arith.addi %mul3A_86, %add3A_87 : i32
      %mul3A_89 = arith.constant 16 : i32
      %mul3A_90 = arith.muli %add3A_88, %mul3A_89 : i32
      %get3A_91 = arith.index_cast %mul3A_90 : i32 to index
      %get3A_92 = tpu.vector_load %arg4[%get3A_91] {strides = array<i32>} : memref<3136xi32, #tpu.memory_space<vmem>>, vector<16xi32>,
      %and3A_93 = arith.constant 2147483647 : i32
      %and3A_94 = vector.broadcast %and3A_93 : i32 to vector<16xi32>
      %and3A_95 = arith.andi %get3A_92, %and3A_94 : vector<16xi32>
      %shift_right_logical3A_96 = arith.constant 16 : i32
      %shift_right_logical3A_97 = vector.broadcast %shift_right_logical3A_96 : i32 to vector<16xi32>
      %shift_right_logical3A_98 = arith.shrui %and3A_95, %shift_right_logical3A_97 : vector<16xi32>
      %sub3A_99 = arith.constant 15344 : i32
      %sub3A_100 = vector.broadcast %sub3A_99 : i32 to vector<16xi32>
      %sub3A_101 = arith.subi %shift_right_logical3A_98, %sub3A_100 : vector<16xi32>
      %jit3A_102 = arith.constant 0 : i32
      %jit3A_103 = arith.constant 1023 : i32
      %max3A_104 = vector.broadcast %jit3A_102 : i32 to vector<16xi32>
      %max3A_105 = arith.maxsi %max3A_104, %sub3A_101 : vector<16xi32>
      %min3A_106 = vector.broadcast %jit3A_103 : i32 to vector<16xi32>
      %min3A_107 = arith.minsi %min3A_106, %max3A_105 : vector<16xi32>
      tpu.vector_store_idx %arg5[%min3A_107], %broadcast_in_dim3A_11 masked %broadcast_in_dim3A_13 {add = true} : memref<1024xi32, #tpu.memory_space<vmem>>[vector<16xi32>], vector<16xi32>, vector<16xi1>
      %scan3A_108 = arith.constant 0 : i32
      scf.yield %scan3A_108 : i32
    }
    %scan3A_20 = arith.constant 49 : i32
    "tpu.region"() ({
      %run_scoped3A = tpu.sem_alloc : memref<!tpu.dma_semaphore, #tpu.memory_space<semaphore_mem>>
      %dma_start3A = arith.constant 0 : i32
      %dma_start3A_21 = tpu.memref_slice %arg3[%add3A, %dma_start3A] : memref<32x1024xi32, #tpu.memory_space<hbm>> -> memref<1x1024xi32, #tpu.memory_space<hbm>>
      %dma_start3A_22 = tpu.memref_squeeze %dma_start3A_21 : memref<1x1024xi32, #tpu.memory_space<hbm>> -> memref<1024xi32, #tpu.memory_space<hbm>>
      %dma_start3A_23 = arith.constant 0 : i32
      %dma_start3A_24 = tpu.memref_slice %arg3[%add3A, %dma_start3A_23] : memref<32x1024xi32, #tpu.memory_space<hbm>> -> memref<1x1024xi32, #tpu.memory_space<hbm>>
      %dma_start3A_25 = tpu.memref_squeeze %dma_start3A_24 : memref<1x1024xi32, #tpu.memory_space<hbm>> -> memref<1024xi32, #tpu.memory_space<hbm>>
      tpu.enqueue_dma source(%arg5 : memref<1024xi32, #tpu.memory_space<vmem>>) target(%dma_start3A_25 : memref<1024xi32, #tpu.memory_space<hbm>>) target_semaphore(%run_scoped3A : memref<!tpu.dma_semaphore, #tpu.memory_space<semaphore_mem>>)
      %dma_wait3A = arith.constant 0 : i32
      %dma_wait3A_26 = tpu.memref_slice %arg3[%add3A, %dma_wait3A] : memref<32x1024xi32, #tpu.memory_space<hbm>> -> memref<1x1024xi32, #tpu.memory_space<hbm>>
      %dma_wait3A_27 = tpu.memref_squeeze %dma_wait3A_26 : memref<1x1024xi32, #tpu.memory_space<hbm>> -> memref<1024xi32, #tpu.memory_space<hbm>>
      %dma_wait3A_28 = arith.constant 0 : i32
      %dma_wait3A_29 = tpu.memref_slice %arg3[%add3A, %dma_wait3A_28] : memref<32x1024xi32, #tpu.memory_space<hbm>> -> memref<1x1024xi32, #tpu.memory_space<hbm>>
      %dma_wait3A_30 = tpu.memref_squeeze %dma_wait3A_29 : memref<1x1024xi32, #tpu.memory_space<hbm>> -> memref<1024xi32, #tpu.memory_space<hbm>>
      tpu.wait_dma2 semaphore(%run_scoped3A : memref<!tpu.dma_semaphore, #tpu.memory_space<semaphore_mem>>) src(%arg5 : memref<1024xi32, #tpu.memory_space<vmem>>) dst(%dma_wait3A_30 : memref<1024xi32, #tpu.memory_space<hbm>>)
      tpu.yield
    }) : () -> ()
    return
  }
}

#map = affine_map<(d0, d1) -> (0)>
#map1 = affine_map<(d0, d1) -> (0, 0)>
module attributes {stable_mosaic.version = 14 : i64} {
  func.func @_pass_d(%arg0: i32, %arg1: i32, %arg2: memref<100352xi32, #tpu.memory_space<hbm>>, %arg3: memref<512xi32, #tpu.memory_space<hbm>>, %arg4: memref<32x2560xf32, #tpu.memory_space<hbm>>, %arg5: memref<3136xi32, #tpu.memory_space<vmem>>, %arg6: memref<512xi32, #tpu.memory_space<vmem>>, %arg7: memref<2560xf32, #tpu.memory_space<vmem>>) attributes {dimension_semantics = [#tpu.dimension_semantics<core_parallel>, #tpu.dimension_semantics<subcore_parallel>], iteration_bounds = array<i64: 2, 16>, scalar_prefetch = 0 : i64, scratch_operands = 3 : i64, tpu.core_type = #tpu.core_type<sc_vector_subcore>, window_params = [{transform_indices = #map}, {transform_indices = #map}, {transform_indices = #map1}]} {
    %mul3A = arith.constant 2 : i32
    %mul3A_0 = arith.muli %arg1, %mul3A : i32
    %add3A = arith.addi %mul3A_0, %arg0 : i32
    %mul3A_1 = arith.constant 3136 : i32
    %mul3A_2 = arith.muli %add3A, %mul3A_1 : i32
    "tpu.region"() ({
      %run_scoped3A = tpu.sem_alloc : memref<!tpu.dma_semaphore, #tpu.memory_space<semaphore_mem>>
      %dma_start3A = tpu.memref_slice %arg2[%mul3A_2] : memref<100352xi32, #tpu.memory_space<hbm>> -> memref<3136xi32, #tpu.memory_space<hbm>>
      %dma_start3A_19 = tpu.memref_slice %arg2[%mul3A_2] : memref<100352xi32, #tpu.memory_space<hbm>> -> memref<3136xi32, #tpu.memory_space<hbm>>
      tpu.enqueue_dma source(%dma_start3A_19 : memref<3136xi32, #tpu.memory_space<hbm>>) target(%arg5 : memref<3136xi32, #tpu.memory_space<vmem>>) target_semaphore(%run_scoped3A : memref<!tpu.dma_semaphore, #tpu.memory_space<semaphore_mem>>)
      %dma_wait3A = tpu.memref_slice %arg2[%mul3A_2] : memref<100352xi32, #tpu.memory_space<hbm>> -> memref<3136xi32, #tpu.memory_space<hbm>>
      %dma_wait3A_20 = tpu.memref_slice %arg2[%mul3A_2] : memref<100352xi32, #tpu.memory_space<hbm>> -> memref<3136xi32, #tpu.memory_space<hbm>>
      tpu.wait_dma2 semaphore(%run_scoped3A : memref<!tpu.dma_semaphore, #tpu.memory_space<semaphore_mem>>) src(%dma_wait3A_20 : memref<3136xi32, #tpu.memory_space<hbm>>) dst(%arg5 : memref<3136xi32, #tpu.memory_space<vmem>>)
      tpu.yield
    }) : () -> ()
    "tpu.region"() ({
      %run_scoped3A = tpu.sem_alloc : memref<!tpu.dma_semaphore, #tpu.memory_space<semaphore_mem>>
      tpu.enqueue_dma source(%arg3 : memref<512xi32, #tpu.memory_space<hbm>>) target(%arg6 : memref<512xi32, #tpu.memory_space<vmem>>) target_semaphore(%run_scoped3A : memref<!tpu.dma_semaphore, #tpu.memory_space<semaphore_mem>>)
      tpu.wait_dma2 semaphore(%run_scoped3A : memref<!tpu.dma_semaphore, #tpu.memory_space<semaphore_mem>>) src(%arg3 : memref<512xi32, #tpu.memory_space<hbm>>) dst(%arg6 : memref<512xi32, #tpu.memory_space<vmem>>)
      tpu.yield
    }) : () -> ()
    %broadcast_in_dim3A = arith.constant 0.000000e+00 : f32
    %broadcast_in_dim3A_3 = vector.broadcast %broadcast_in_dim3A : f32 to vector<16xf32>
    %scan3A = arith.constant 0 : i32
    %scan3A_4 = arith.constant 0 : i32
    %scan3A_5 = arith.constant 160 : i32
    %scan3A_6 = arith.addi %scan3A_4, %scan3A_5 : i32
    %scan3A_7 = arith.constant 1 : i32
    %scan3A_8 = scf.for %scan3A_19 = %scan3A_4 to %scan3A_6 step %scan3A_7 iter_args(%scan3A_20 = %scan3A) -> (i32)  : i32 {
      %mul3A_21 = arith.constant 16 : i32
      %mul3A_22 = arith.muli %scan3A_19, %mul3A_21 : i32
      %swap3A = arith.index_cast %mul3A_22 : i32 to index
      %swap3A_23 = tpu.vector_load %arg7[%swap3A] {strides = array<i32>} : memref<2560xf32, #tpu.memory_space<vmem>>, vector<16xf32>,
      tpu.vector_store %arg7[%swap3A], %broadcast_in_dim3A_3 {strides = array<i32>} : memref<2560xf32, #tpu.memory_space<vmem>>, vector<16xf32>,
      %scan3A_24 = arith.constant 0 : i32
      scf.yield %scan3A_24 : i32
    }
    %scan3A_9 = arith.constant 160 : i32
    %broadcast_in_dim3A_10 = arith.constant 1.000000e+00 : f32
    %broadcast_in_dim3A_11 = vector.broadcast %broadcast_in_dim3A_10 : f32 to vector<16xf32>
    %iota3A = tpu.iota {dimensions = array<i32: 0>} : vector<16xi32>
    %scan3A_12 = arith.constant 0 : i32
    %scan3A_13 = arith.constant 0 : i32
    %scan3A_14 = arith.constant 49 : i32
    %scan3A_15 = arith.addi %scan3A_13, %scan3A_14 : i32
    %scan3A_16 = arith.constant 1 : i32
    %scan3A_17 = scf.for %scan3A_19 = %scan3A_13 to %scan3A_15 step %scan3A_16 iter_args(%scan3A_20 = %scan3A_12) -> (i32)  : i32 {
      %mul3A_21 = arith.constant 4 : i32
      %mul3A_22 = arith.muli %scan3A_19, %mul3A_21 : i32
      %add3A_23 = arith.constant 0 : i32
      %add3A_24 = arith.addi %mul3A_22, %add3A_23 : i32
      %mul3A_25 = arith.constant 16 : i32
      %mul3A_26 = arith.muli %add3A_24, %mul3A_25 : i32
      %get3A = arith.index_cast %mul3A_26 : i32 to index
      %get3A_27 = tpu.vector_load %arg5[%get3A] {strides = array<i32>} : memref<3136xi32, #tpu.memory_space<vmem>>, vector<16xi32>,
      %mul3A_28 = arith.constant 4 : i32
      %mul3A_29 = arith.muli %scan3A_19, %mul3A_28 : i32
      %add3A_30 = arith.constant 1 : i32
      %add3A_31 = arith.addi %mul3A_29, %add3A_30 : i32
      %mul3A_32 = arith.constant 16 : i32
      %mul3A_33 = arith.muli %add3A_31, %mul3A_32 : i32
      %get3A_34 = arith.index_cast %mul3A_33 : i32 to index
      %get3A_35 = tpu.vector_load %arg5[%get3A_34] {strides = array<i32>} : memref<3136xi32, #tpu.memory_space<vmem>>, vector<16xi32>,
      %mul3A_36 = arith.constant 4 : i32
      %mul3A_37 = arith.muli %scan3A_19, %mul3A_36 : i32
      %add3A_38 = arith.constant 2 : i32
      %add3A_39 = arith.addi %mul3A_37, %add3A_38 : i32
      %mul3A_40 = arith.constant 16 : i32
      %mul3A_41 = arith.muli %add3A_39, %mul3A_40 : i32
      %get3A_42 = arith.index_cast %mul3A_41 : i32 to index
      %get3A_43 = tpu.vector_load %arg5[%get3A_42] {strides = array<i32>} : memref<3136xi32, #tpu.memory_space<vmem>>, vector<16xi32>,
      %mul3A_44 = arith.constant 4 : i32
      %mul3A_45 = arith.muli %scan3A_19, %mul3A_44 : i32
      %add3A_46 = arith.constant 3 : i32
      %add3A_47 = arith.addi %mul3A_45, %add3A_46 : i32
      %mul3A_48 = arith.constant 16 : i32
      %mul3A_49 = arith.muli %add3A_47, %mul3A_48 : i32
      %get3A_50 = arith.index_cast %mul3A_49 : i32 to index
      %get3A_51 = tpu.vector_load %arg5[%get3A_50] {strides = array<i32>} : memref<3136xi32, #tpu.memory_space<vmem>>, vector<16xi32>,
      %and3A = arith.constant 2147483647 : i32
      %and3A_52 = vector.broadcast %and3A : i32 to vector<16xi32>
      %and3A_53 = arith.andi %get3A_27, %and3A_52 : vector<16xi32>
      %and3A_54 = arith.constant 2147483647 : i32
      %and3A_55 = vector.broadcast %and3A_54 : i32 to vector<16xi32>
      %and3A_56 = arith.andi %get3A_35, %and3A_55 : vector<16xi32>
      %and3A_57 = arith.constant 2147483647 : i32
      %and3A_58 = vector.broadcast %and3A_57 : i32 to vector<16xi32>
      %and3A_59 = arith.andi %get3A_43, %and3A_58 : vector<16xi32>
      %and3A_60 = arith.constant 2147483647 : i32
      %and3A_61 = vector.broadcast %and3A_60 : i32 to vector<16xi32>
      %and3A_62 = arith.andi %get3A_51, %and3A_61 : vector<16xi32>
      %broadcast_in_dim3A_63 = arith.constant 0 : i32
      %broadcast_in_dim3A_64 = vector.broadcast %broadcast_in_dim3A_63 : i32 to vector<16xi32>
      %broadcast_in_dim3A_65 = arith.constant 0 : i32
      %broadcast_in_dim3A_66 = vector.broadcast %broadcast_in_dim3A_65 : i32 to vector<16xi32>
      %broadcast_in_dim3A_67 = arith.constant 0 : i32
      %broadcast_in_dim3A_68 = vector.broadcast %broadcast_in_dim3A_67 : i32 to vector<16xi32>
      %broadcast_in_dim3A_69 = arith.constant 0 : i32
      %broadcast_in_dim3A_70 = vector.broadcast %broadcast_in_dim3A_69 : i32 to vector<16xi32>
      %add3A_71 = arith.constant 255 : i32
      %add3A_72 = vector.broadcast %add3A_71 : i32 to vector<16xi32>
      %add3A_73 = arith.addi %broadcast_in_dim3A_64, %add3A_72 : vector<16xi32>
      %gather3A = tpu.vector_load_idx %arg6[%add3A_73] : memref<512xi32, #tpu.memory_space<vmem>>[vector<16xi32>], vector<16xi32>,
      %add3A_74 = arith.constant 255 : i32
      %add3A_75 = vector.broadcast %add3A_74 : i32 to vector<16xi32>
      %add3A_76 = arith.addi %broadcast_in_dim3A_66, %add3A_75 : vector<16xi32>
      %gather3A_77 = tpu.vector_load_idx %arg6[%add3A_76] : memref<512xi32, #tpu.memory_space<vmem>>[vector<16xi32>], vector<16xi32>,
      %add3A_78 = arith.constant 255 : i32
      %add3A_79 = vector.broadcast %add3A_78 : i32 to vector<16xi32>
      %add3A_80 = arith.addi %broadcast_in_dim3A_68, %add3A_79 : vector<16xi32>
      %gather3A_81 = tpu.vector_load_idx %arg6[%add3A_80] : memref<512xi32, #tpu.memory_space<vmem>>[vector<16xi32>], vector<16xi32>,
      %add3A_82 = arith.constant 255 : i32
      %add3A_83 = vector.broadcast %add3A_82 : i32 to vector<16xi32>
      %add3A_84 = arith.addi %broadcast_in_dim3A_70, %add3A_83 : vector<16xi32>
      %gather3A_85 = tpu.vector_load_idx %arg6[%add3A_84] : memref<512xi32, #tpu.memory_space<vmem>>[vector<16xi32>], vector<16xi32>,
      %le3A = arith.cmpi sle, %gather3A, %and3A_53 : vector<16xi32>
      %jit3A = arith.constant 256 : i32
      %jit3A_86 = arith.constant 0 : i32
      %broadcast_in_dim3A_87 = vector.broadcast %jit3A : i32 to vector<16xi32>
      %broadcast_in_dim3A_88 = vector.broadcast %jit3A_86 : i32 to vector<16xi32>
      %select_n3A = arith.select %le3A, %broadcast_in_dim3A_87, %broadcast_in_dim3A_88 : vector<16xi1>, vector<16xi32>
      %add3A_89 = arith.addi %broadcast_in_dim3A_64, %select_n3A : vector<16xi32>
      %le3A_90 = arith.cmpi sle, %gather3A_77, %and3A_56 : vector<16xi32>
      %jit3A_91 = arith.constant 256 : i32
      %jit3A_92 = arith.constant 0 : i32
      %broadcast_in_dim3A_93 = vector.broadcast %jit3A_91 : i32 to vector<16xi32>
      %broadcast_in_dim3A_94 = vector.broadcast %jit3A_92 : i32 to vector<16xi32>
      %select_n3A_95 = arith.select %le3A_90, %broadcast_in_dim3A_93, %broadcast_in_dim3A_94 : vector<16xi1>, vector<16xi32>
      %add3A_96 = arith.addi %broadcast_in_dim3A_66, %select_n3A_95 : vector<16xi32>
      %le3A_97 = arith.cmpi sle, %gather3A_81, %and3A_59 : vector<16xi32>
      %jit3A_98 = arith.constant 256 : i32
      %jit3A_99 = arith.constant 0 : i32
      %broadcast_in_dim3A_100 = vector.broadcast %jit3A_98 : i32 to vector<16xi32>
      %broadcast_in_dim3A_101 = vector.broadcast %jit3A_99 : i32 to vector<16xi32>
      %select_n3A_102 = arith.select %le3A_97, %broadcast_in_dim3A_100, %broadcast_in_dim3A_101 : vector<16xi1>, vector<16xi32>
      %add3A_103 = arith.addi %broadcast_in_dim3A_68, %select_n3A_102 : vector<16xi32>
      %le3A_104 = arith.cmpi sle, %gather3A_85, %and3A_62 : vector<16xi32>
      %jit3A_105 = arith.constant 256 : i32
      %jit3A_106 = arith.constant 0 : i32
      %broadcast_in_dim3A_107 = vector.broadcast %jit3A_105 : i32 to vector<16xi32>
      %broadcast_in_dim3A_108 = vector.broadcast %jit3A_106 : i32 to vector<16xi32>
      %select_n3A_109 = arith.select %le3A_104, %broadcast_in_dim3A_107, %broadcast_in_dim3A_108 : vector<16xi1>, vector<16xi32>
      %add3A_110 = arith.addi %broadcast_in_dim3A_70, %select_n3A_109 : vector<16xi32>
      %add3A_111 = arith.constant 127 : i32
      %add3A_112 = vector.broadcast %add3A_111 : i32 to vector<16xi32>
      %add3A_113 = arith.addi %add3A_89, %add3A_112 : vector<16xi32>
      %gather3A_114 = tpu.vector_load_idx %arg6[%add3A_113] : memref<512xi32, #tpu.memory_space<vmem>>[vector<16xi32>], vector<16xi32>,
      %add3A_115 = arith.constant 127 : i32
      %add3A_116 = vector.broadcast %add3A_115 : i32 to vector<16xi32>
      %add3A_117 = arith.addi %add3A_96, %add3A_116 : vector<16xi32>
      %gather3A_118 = tpu.vector_load_idx %arg6[%add3A_117] : memref<512xi32, #tpu.memory_space<vmem>>[vector<16xi32>], vector<16xi32>,
      %add3A_119 = arith.constant 127 : i32
      %add3A_120 = vector.broadcast %add3A_119 : i32 to vector<16xi32>
      %add3A_121 = arith.addi %add3A_103, %add3A_120 : vector<16xi32>
      %gather3A_122 = tpu.vector_load_idx %arg6[%add3A_121] : memref<512xi32, #tpu.memory_space<vmem>>[vector<16xi32>], vector<16xi32>,
      %add3A_123 = arith.constant 127 : i32
      %add3A_124 = vector.broadcast %add3A_123 : i32 to vector<16xi32>
      %add3A_125 = arith.addi %add3A_110, %add3A_124 : vector<16xi32>
      %gather3A_126 = tpu.vector_load_idx %arg6[%add3A_125] : memref<512xi32, #tpu.memory_space<vmem>>[vector<16xi32>], vector<16xi32>,
      %le3A_127 = arith.cmpi sle, %gather3A_114, %and3A_53 : vector<16xi32>
      %jit3A_128 = arith.constant 128 : i32
      %jit3A_129 = arith.constant 0 : i32
      %broadcast_in_dim3A_130 = vector.broadcast %jit3A_128 : i32 to vector<16xi32>
      %broadcast_in_dim3A_131 = vector.broadcast %jit3A_129 : i32 to vector<16xi32>
      %select_n3A_132 = arith.select %le3A_127, %broadcast_in_dim3A_130, %broadcast_in_dim3A_131 : vector<16xi1>, vector<16xi32>
      %add3A_133 = arith.addi %add3A_89, %select_n3A_132 : vector<16xi32>
      %le3A_134 = arith.cmpi sle, %gather3A_118, %and3A_56 : vector<16xi32>
      %jit3A_135 = arith.constant 128 : i32
      %jit3A_136 = arith.constant 0 : i32
      %broadcast_in_dim3A_137 = vector.broadcast %jit3A_135 : i32 to vector<16xi32>
      %broadcast_in_dim3A_138 = vector.broadcast %jit3A_136 : i32 to vector<16xi32>
      %select_n3A_139 = arith.select %le3A_134, %broadcast_in_dim3A_137, %broadcast_in_dim3A_138 : vector<16xi1>, vector<16xi32>
      %add3A_140 = arith.addi %add3A_96, %select_n3A_139 : vector<16xi32>
      %le3A_141 = arith.cmpi sle, %gather3A_122, %and3A_59 : vector<16xi32>
      %jit3A_142 = arith.constant 128 : i32
      %jit3A_143 = arith.constant 0 : i32
      %broadcast_in_dim3A_144 = vector.broadcast %jit3A_142 : i32 to vector<16xi32>
      %broadcast_in_dim3A_145 = vector.broadcast %jit3A_143 : i32 to vector<16xi32>
      %select_n3A_146 = arith.select %le3A_141, %broadcast_in_dim3A_144, %broadcast_in_dim3A_145 : vector<16xi1>, vector<16xi32>
      %add3A_147 = arith.addi %add3A_103, %select_n3A_146 : vector<16xi32>
      %le3A_148 = arith.cmpi sle, %gather3A_126, %and3A_62 : vector<16xi32>
      %jit3A_149 = arith.constant 128 : i32
      %jit3A_150 = arith.constant 0 : i32
      %broadcast_in_dim3A_151 = vector.broadcast %jit3A_149 : i32 to vector<16xi32>
      %broadcast_in_dim3A_152 = vector.broadcast %jit3A_150 : i32 to vector<16xi32>
      %select_n3A_153 = arith.select %le3A_148, %broadcast_in_dim3A_151, %broadcast_in_dim3A_152 : vector<16xi1>, vector<16xi32>
      %add3A_154 = arith.addi %add3A_110, %select_n3A_153 : vector<16xi32>
      %add3A_155 = arith.constant 63 : i32
      %add3A_156 = vector.broadcast %add3A_155 : i32 to vector<16xi32>
      %add3A_157 = arith.addi %add3A_133, %add3A_156 : vector<16xi32>
      %gather3A_158 = tpu.vector_load_idx %arg6[%add3A_157] : memref<512xi32, #tpu.memory_space<vmem>>[vector<16xi32>], vector<16xi32>,
      %add3A_159 = arith.constant 63 : i32
      %add3A_160 = vector.broadcast %add3A_159 : i32 to vector<16xi32>
      %add3A_161 = arith.addi %add3A_140, %add3A_160 : vector<16xi32>
      %gather3A_162 = tpu.vector_load_idx %arg6[%add3A_161] : memref<512xi32, #tpu.memory_space<vmem>>[vector<16xi32>], vector<16xi32>,
      %add3A_163 = arith.constant 63 : i32
      %add3A_164 = vector.broadcast %add3A_163 : i32 to vector<16xi32>
      %add3A_165 = arith.addi %add3A_147, %add3A_164 : vector<16xi32>
      %gather3A_166 = tpu.vector_load_idx %arg6[%add3A_165] : memref<512xi32, #tpu.memory_space<vmem>>[vector<16xi32>], vector<16xi32>,
      %add3A_167 = arith.constant 63 : i32
      %add3A_168 = vector.broadcast %add3A_167 : i32 to vector<16xi32>
      %add3A_169 = arith.addi %add3A_154, %add3A_168 : vector<16xi32>
      %gather3A_170 = tpu.vector_load_idx %arg6[%add3A_169] : memref<512xi32, #tpu.memory_space<vmem>>[vector<16xi32>], vector<16xi32>,
      %le3A_171 = arith.cmpi sle, %gather3A_158, %and3A_53 : vector<16xi32>
      %jit3A_172 = arith.constant 64 : i32
      %jit3A_173 = arith.constant 0 : i32
      %broadcast_in_dim3A_174 = vector.broadcast %jit3A_172 : i32 to vector<16xi32>
      %broadcast_in_dim3A_175 = vector.broadcast %jit3A_173 : i32 to vector<16xi32>
      %select_n3A_176 = arith.select %le3A_171, %broadcast_in_dim3A_174, %broadcast_in_dim3A_175 : vector<16xi1>, vector<16xi32>
      %add3A_177 = arith.addi %add3A_133, %select_n3A_176 : vector<16xi32>
      %le3A_178 = arith.cmpi sle, %gather3A_162, %and3A_56 : vector<16xi32>
      %jit3A_179 = arith.constant 64 : i32
      %jit3A_180 = arith.constant 0 : i32
      %broadcast_in_dim3A_181 = vector.broadcast %jit3A_179 : i32 to vector<16xi32>
      %broadcast_in_dim3A_182 = vector.broadcast %jit3A_180 : i32 to vector<16xi32>
      %select_n3A_183 = arith.select %le3A_178, %broadcast_in_dim3A_181, %broadcast_in_dim3A_182 : vector<16xi1>, vector<16xi32>
      %add3A_184 = arith.addi %add3A_140, %select_n3A_183 : vector<16xi32>
      %le3A_185 = arith.cmpi sle, %gather3A_166, %and3A_59 : vector<16xi32>
      %jit3A_186 = arith.constant 64 : i32
      %jit3A_187 = arith.constant 0 : i32
      %broadcast_in_dim3A_188 = vector.broadcast %jit3A_186 : i32 to vector<16xi32>
      %broadcast_in_dim3A_189 = vector.broadcast %jit3A_187 : i32 to vector<16xi32>
      %select_n3A_190 = arith.select %le3A_185, %broadcast_in_dim3A_188, %broadcast_in_dim3A_189 : vector<16xi1>, vector<16xi32>
      %add3A_191 = arith.addi %add3A_147, %select_n3A_190 : vector<16xi32>
      %le3A_192 = arith.cmpi sle, %gather3A_170, %and3A_62 : vector<16xi32>
      %jit3A_193 = arith.constant 64 : i32
      %jit3A_194 = arith.constant 0 : i32
      %broadcast_in_dim3A_195 = vector.broadcast %jit3A_193 : i32 to vector<16xi32>
      %broadcast_in_dim3A_196 = vector.broadcast %jit3A_194 : i32 to vector<16xi32>
      %select_n3A_197 = arith.select %le3A_192, %broadcast_in_dim3A_195, %broadcast_in_dim3A_196 : vector<16xi1>, vector<16xi32>
      %add3A_198 = arith.addi %add3A_154, %select_n3A_197 : vector<16xi32>
      %add3A_199 = arith.constant 31 : i32
      %add3A_200 = vector.broadcast %add3A_199 : i32 to vector<16xi32>
      %add3A_201 = arith.addi %add3A_177, %add3A_200 : vector<16xi32>
      %gather3A_202 = tpu.vector_load_idx %arg6[%add3A_201] : memref<512xi32, #tpu.memory_space<vmem>>[vector<16xi32>], vector<16xi32>,
      %add3A_203 = arith.constant 31 : i32
      %add3A_204 = vector.broadcast %add3A_203 : i32 to vector<16xi32>
      %add3A_205 = arith.addi %add3A_184, %add3A_204 : vector<16xi32>
      %gather3A_206 = tpu.vector_load_idx %arg6[%add3A_205] : memref<512xi32, #tpu.memory_space<vmem>>[vector<16xi32>], vector<16xi32>,
      %add3A_207 = arith.constant 31 : i32
      %add3A_208 = vector.broadcast %add3A_207 : i32 to vector<16xi32>
      %add3A_209 = arith.addi %add3A_191, %add3A_208 : vector<16xi32>
      %gather3A_210 = tpu.vector_load_idx %arg6[%add3A_209] : memref<512xi32, #tpu.memory_space<vmem>>[vector<16xi32>], vector<16xi32>,
      %add3A_211 = arith.constant 31 : i32
      %add3A_212 = vector.broadcast %add3A_211 : i32 to vector<16xi32>
      %add3A_213 = arith.addi %add3A_198, %add3A_212 : vector<16xi32>
      %gather3A_214 = tpu.vector_load_idx %arg6[%add3A_213] : memref<512xi32, #tpu.memory_space<vmem>>[vector<16xi32>], vector<16xi32>,
      %le3A_215 = arith.cmpi sle, %gather3A_202, %and3A_53 : vector<16xi32>
      %jit3A_216 = arith.constant 32 : i32
      %jit3A_217 = arith.constant 0 : i32
      %broadcast_in_dim3A_218 = vector.broadcast %jit3A_216 : i32 to vector<16xi32>
      %broadcast_in_dim3A_219 = vector.broadcast %jit3A_217 : i32 to vector<16xi32>
      %select_n3A_220 = arith.select %le3A_215, %broadcast_in_dim3A_218, %broadcast_in_dim3A_219 : vector<16xi1>, vector<16xi32>
      %add3A_221 = arith.addi %add3A_177, %select_n3A_220 : vector<16xi32>
      %le3A_222 = arith.cmpi sle, %gather3A_206, %and3A_56 : vector<16xi32>
      %jit3A_223 = arith.constant 32 : i32
      %jit3A_224 = arith.constant 0 : i32
      %broadcast_in_dim3A_225 = vector.broadcast %jit3A_223 : i32 to vector<16xi32>
      %broadcast_in_dim3A_226 = vector.broadcast %jit3A_224 : i32 to vector<16xi32>
      %select_n3A_227 = arith.select %le3A_222, %broadcast_in_dim3A_225, %broadcast_in_dim3A_226 : vector<16xi1>, vector<16xi32>
      %add3A_228 = arith.addi %add3A_184, %select_n3A_227 : vector<16xi32>
      %le3A_229 = arith.cmpi sle, %gather3A_210, %and3A_59 : vector<16xi32>
      %jit3A_230 = arith.constant 32 : i32
      %jit3A_231 = arith.constant 0 : i32
      %broadcast_in_dim3A_232 = vector.broadcast %jit3A_230 : i32 to vector<16xi32>
      %broadcast_in_dim3A_233 = vector.broadcast %jit3A_231 : i32 to vector<16xi32>
      %select_n3A_234 = arith.select %le3A_229, %broadcast_in_dim3A_232, %broadcast_in_dim3A_233 : vector<16xi1>, vector<16xi32>
      %add3A_235 = arith.addi %add3A_191, %select_n3A_234 : vector<16xi32>
      %le3A_236 = arith.cmpi sle, %gather3A_214, %and3A_62 : vector<16xi32>
      %jit3A_237 = arith.constant 32 : i32
      %jit3A_238 = arith.constant 0 : i32
      %broadcast_in_dim3A_239 = vector.broadcast %jit3A_237 : i32 to vector<16xi32>
      %broadcast_in_dim3A_240 = vector.broadcast %jit3A_238 : i32 to vector<16xi32>
      %select_n3A_241 = arith.select %le3A_236, %broadcast_in_dim3A_239, %broadcast_in_dim3A_240 : vector<16xi1>, vector<16xi32>
      %add3A_242 = arith.addi %add3A_198, %select_n3A_241 : vector<16xi32>
      %add3A_243 = arith.constant 15 : i32
      %add3A_244 = vector.broadcast %add3A_243 : i32 to vector<16xi32>
      %add3A_245 = arith.addi %add3A_221, %add3A_244 : vector<16xi32>
      %gather3A_246 = tpu.vector_load_idx %arg6[%add3A_245] : memref<512xi32, #tpu.memory_space<vmem>>[vector<16xi32>], vector<16xi32>,
      %add3A_247 = arith.constant 15 : i32
      %add3A_248 = vector.broadcast %add3A_247 : i32 to vector<16xi32>
      %add3A_249 = arith.addi %add3A_228, %add3A_248 : vector<16xi32>
      %gather3A_250 = tpu.vector_load_idx %arg6[%add3A_249] : memref<512xi32, #tpu.memory_space<vmem>>[vector<16xi32>], vector<16xi32>,
      %add3A_251 = arith.constant 15 : i32
      %add3A_252 = vector.broadcast %add3A_251 : i32 to vector<16xi32>
      %add3A_253 = arith.addi %add3A_235, %add3A_252 : vector<16xi32>
      %gather3A_254 = tpu.vector_load_idx %arg6[%add3A_253] : memref<512xi32, #tpu.memory_space<vmem>>[vector<16xi32>], vector<16xi32>,
      %add3A_255 = arith.constant 15 : i32
      %add3A_256 = vector.broadcast %add3A_255 : i32 to vector<16xi32>
      %add3A_257 = arith.addi %add3A_242, %add3A_256 : vector<16xi32>
      %gather3A_258 = tpu.vector_load_idx %arg6[%add3A_257] : memref<512xi32, #tpu.memory_space<vmem>>[vector<16xi32>], vector<16xi32>,
      %le3A_259 = arith.cmpi sle, %gather3A_246, %and3A_53 : vector<16xi32>
      %jit3A_260 = arith.constant 16 : i32
      %jit3A_261 = arith.constant 0 : i32
      %broadcast_in_dim3A_262 = vector.broadcast %jit3A_260 : i32 to vector<16xi32>
      %broadcast_in_dim3A_263 = vector.broadcast %jit3A_261 : i32 to vector<16xi32>
      %select_n3A_264 = arith.select %le3A_259, %broadcast_in_dim3A_262, %broadcast_in_dim3A_263 : vector<16xi1>, vector<16xi32>
      %add3A_265 = arith.addi %add3A_221, %select_n3A_264 : vector<16xi32>
      %le3A_266 = arith.cmpi sle, %gather3A_250, %and3A_56 : vector<16xi32>
      %jit3A_267 = arith.constant 16 : i32
      %jit3A_268 = arith.constant 0 : i32
      %broadcast_in_dim3A_269 = vector.broadcast %jit3A_267 : i32 to vector<16xi32>
      %broadcast_in_dim3A_270 = vector.broadcast %jit3A_268 : i32 to vector<16xi32>
      %select_n3A_271 = arith.select %le3A_266, %broadcast_in_dim3A_269, %broadcast_in_dim3A_270 : vector<16xi1>, vector<16xi32>
      %add3A_272 = arith.addi %add3A_228, %select_n3A_271 : vector<16xi32>
      %le3A_273 = arith.cmpi sle, %gather3A_254, %and3A_59 : vector<16xi32>
      %jit3A_274 = arith.constant 16 : i32
      %jit3A_275 = arith.constant 0 : i32
      %broadcast_in_dim3A_276 = vector.broadcast %jit3A_274 : i32 to vector<16xi32>
      %broadcast_in_dim3A_277 = vector.broadcast %jit3A_275 : i32 to vector<16xi32>
      %select_n3A_278 = arith.select %le3A_273, %broadcast_in_dim3A_276, %broadcast_in_dim3A_277 : vector<16xi1>, vector<16xi32>
      %add3A_279 = arith.addi %add3A_235, %select_n3A_278 : vector<16xi32>
      %le3A_280 = arith.cmpi sle, %gather3A_258, %and3A_62 : vector<16xi32>
      %jit3A_281 = arith.constant 16 : i32
      %jit3A_282 = arith.constant 0 : i32
      %broadcast_in_dim3A_283 = vector.broadcast %jit3A_281 : i32 to vector<16xi32>
      %broadcast_in_dim3A_284 = vector.broadcast %jit3A_282 : i32 to vector<16xi32>
      %select_n3A_285 = arith.select %le3A_280, %broadcast_in_dim3A_283, %broadcast_in_dim3A_284 : vector<16xi1>, vector<16xi32>
      %add3A_286 = arith.addi %add3A_242, %select_n3A_285 : vector<16xi32>
      %add3A_287 = arith.constant 7 : i32
      %add3A_288 = vector.broadcast %add3A_287 : i32 to vector<16xi32>
      %add3A_289 = arith.addi %add3A_265, %add3A_288 : vector<16xi32>
      %gather3A_290 = tpu.vector_load_idx %arg6[%add3A_289] : memref<512xi32, #tpu.memory_space<vmem>>[vector<16xi32>], vector<16xi32>,
      %add3A_291 = arith.constant 7 : i32
      %add3A_292 = vector.broadcast %add3A_291 : i32 to vector<16xi32>
      %add3A_293 = arith.addi %add3A_272, %add3A_292 : vector<16xi32>
      %gather3A_294 = tpu.vector_load_idx %arg6[%add3A_293] : memref<512xi32, #tpu.memory_space<vmem>>[vector<16xi32>], vector<16xi32>,
      %add3A_295 = arith.constant 7 : i32
      %add3A_296 = vector.broadcast %add3A_295 : i32 to vector<16xi32>
      %add3A_297 = arith.addi %add3A_279, %add3A_296 : vector<16xi32>
      %gather3A_298 = tpu.vector_load_idx %arg6[%add3A_297] : memref<512xi32, #tpu.memory_space<vmem>>[vector<16xi32>], vector<16xi32>,
      %add3A_299 = arith.constant 7 : i32
      %add3A_300 = vector.broadcast %add3A_299 : i32 to vector<16xi32>
      %add3A_301 = arith.addi %add3A_286, %add3A_300 : vector<16xi32>
      %gather3A_302 = tpu.vector_load_idx %arg6[%add3A_301] : memref<512xi32, #tpu.memory_space<vmem>>[vector<16xi32>], vector<16xi32>,
      %le3A_303 = arith.cmpi sle, %gather3A_290, %and3A_53 : vector<16xi32>
      %jit3A_304 = arith.constant 8 : i32
      %jit3A_305 = arith.constant 0 : i32
      %broadcast_in_dim3A_306 = vector.broadcast %jit3A_304 : i32 to vector<16xi32>
      %broadcast_in_dim3A_307 = vector.broadcast %jit3A_305 : i32 to vector<16xi32>
      %select_n3A_308 = arith.select %le3A_303, %broadcast_in_dim3A_306, %broadcast_in_dim3A_307 : vector<16xi1>, vector<16xi32>
      %add3A_309 = arith.addi %add3A_265, %select_n3A_308 : vector<16xi32>
      %le3A_310 = arith.cmpi sle, %gather3A_294, %and3A_56 : vector<16xi32>
      %jit3A_311 = arith.constant 8 : i32
      %jit3A_312 = arith.constant 0 : i32
      %broadcast_in_dim3A_313 = vector.broadcast %jit3A_311 : i32 to vector<16xi32>
      %broadcast_in_dim3A_314 = vector.broadcast %jit3A_312 : i32 to vector<16xi32>
      %select_n3A_315 = arith.select %le3A_310, %broadcast_in_dim3A_313, %broadcast_in_dim3A_314 : vector<16xi1>, vector<16xi32>
      %add3A_316 = arith.addi %add3A_272, %select_n3A_315 : vector<16xi32>
      %le3A_317 = arith.cmpi sle, %gather3A_298, %and3A_59 : vector<16xi32>
      %jit3A_318 = arith.constant 8 : i32
      %jit3A_319 = arith.constant 0 : i32
      %broadcast_in_dim3A_320 = vector.broadcast %jit3A_318 : i32 to vector<16xi32>
      %broadcast_in_dim3A_321 = vector.broadcast %jit3A_319 : i32 to vector<16xi32>
      %select_n3A_322 = arith.select %le3A_317, %broadcast_in_dim3A_320, %broadcast_in_dim3A_321 : vector<16xi1>, vector<16xi32>
      %add3A_323 = arith.addi %add3A_279, %select_n3A_322 : vector<16xi32>
      %le3A_324 = arith.cmpi sle, %gather3A_302, %and3A_62 : vector<16xi32>
      %jit3A_325 = arith.constant 8 : i32
      %jit3A_326 = arith.constant 0 : i32
      %broadcast_in_dim3A_327 = vector.broadcast %jit3A_325 : i32 to vector<16xi32>
      %broadcast_in_dim3A_328 = vector.broadcast %jit3A_326 : i32 to vector<16xi32>
      %select_n3A_329 = arith.select %le3A_324, %broadcast_in_dim3A_327, %broadcast_in_dim3A_328 : vector<16xi1>, vector<16xi32>
      %add3A_330 = arith.addi %add3A_286, %select_n3A_329 : vector<16xi32>
      %add3A_331 = arith.constant 3 : i32
      %add3A_332 = vector.broadcast %add3A_331 : i32 to vector<16xi32>
      %add3A_333 = arith.addi %add3A_309, %add3A_332 : vector<16xi32>
      %gather3A_334 = tpu.vector_load_idx %arg6[%add3A_333] : memref<512xi32, #tpu.memory_space<vmem>>[vector<16xi32>], vector<16xi32>,
      %add3A_335 = arith.constant 3 : i32
      %add3A_336 = vector.broadcast %add3A_335 : i32 to vector<16xi32>
      %add3A_337 = arith.addi %add3A_316, %add3A_336 : vector<16xi32>
      %gather3A_338 = tpu.vector_load_idx %arg6[%add3A_337] : memref<512xi32, #tpu.memory_space<vmem>>[vector<16xi32>], vector<16xi32>,
      %add3A_339 = arith.constant 3 : i32
      %add3A_340 = vector.broadcast %add3A_339 : i32 to vector<16xi32>
      %add3A_341 = arith.addi %add3A_323, %add3A_340 : vector<16xi32>
      %gather3A_342 = tpu.vector_load_idx %arg6[%add3A_341] : memref<512xi32, #tpu.memory_space<vmem>>[vector<16xi32>], vector<16xi32>,
      %add3A_343 = arith.constant 3 : i32
      %add3A_344 = vector.broadcast %add3A_343 : i32 to vector<16xi32>
      %add3A_345 = arith.addi %add3A_330, %add3A_344 : vector<16xi32>
      %gather3A_346 = tpu.vector_load_idx %arg6[%add3A_345] : memref<512xi32, #tpu.memory_space<vmem>>[vector<16xi32>], vector<16xi32>,
      %le3A_347 = arith.cmpi sle, %gather3A_334, %and3A_53 : vector<16xi32>
      %jit3A_348 = arith.constant 4 : i32
      %jit3A_349 = arith.constant 0 : i32
      %broadcast_in_dim3A_350 = vector.broadcast %jit3A_348 : i32 to vector<16xi32>
      %broadcast_in_dim3A_351 = vector.broadcast %jit3A_349 : i32 to vector<16xi32>
      %select_n3A_352 = arith.select %le3A_347, %broadcast_in_dim3A_350, %broadcast_in_dim3A_351 : vector<16xi1>, vector<16xi32>
      %add3A_353 = arith.addi %add3A_309, %select_n3A_352 : vector<16xi32>
      %le3A_354 = arith.cmpi sle, %gather3A_338, %and3A_56 : vector<16xi32>
      %jit3A_355 = arith.constant 4 : i32
      %jit3A_356 = arith.constant 0 : i32
      %broadcast_in_dim3A_357 = vector.broadcast %jit3A_355 : i32 to vector<16xi32>
      %broadcast_in_dim3A_358 = vector.broadcast %jit3A_356 : i32 to vector<16xi32>
      %select_n3A_359 = arith.select %le3A_354, %broadcast_in_dim3A_357, %broadcast_in_dim3A_358 : vector<16xi1>, vector<16xi32>
      %add3A_360 = arith.addi %add3A_316, %select_n3A_359 : vector<16xi32>
      %le3A_361 = arith.cmpi sle, %gather3A_342, %and3A_59 : vector<16xi32>
      %jit3A_362 = arith.constant 4 : i32
      %jit3A_363 = arith.constant 0 : i32
      %broadcast_in_dim3A_364 = vector.broadcast %jit3A_362 : i32 to vector<16xi32>
      %broadcast_in_dim3A_365 = vector.broadcast %jit3A_363 : i32 to vector<16xi32>
      %select_n3A_366 = arith.select %le3A_361, %broadcast_in_dim3A_364, %broadcast_in_dim3A_365 : vector<16xi1>, vector<16xi32>
      %add3A_367 = arith.addi %add3A_323, %select_n3A_366 : vector<16xi32>
      %le3A_368 = arith.cmpi sle, %gather3A_346, %and3A_62 : vector<16xi32>
      %jit3A_369 = arith.constant 4 : i32
      %jit3A_370 = arith.constant 0 : i32
      %broadcast_in_dim3A_371 = vector.broadcast %jit3A_369 : i32 to vector<16xi32>
      %broadcast_in_dim3A_372 = vector.broadcast %jit3A_370 : i32 to vector<16xi32>
      %select_n3A_373 = arith.select %le3A_368, %broadcast_in_dim3A_371, %broadcast_in_dim3A_372 : vector<16xi1>, vector<16xi32>
      %add3A_374 = arith.addi %add3A_330, %select_n3A_373 : vector<16xi32>
      %add3A_375 = arith.constant 1 : i32
      %add3A_376 = vector.broadcast %add3A_375 : i32 to vector<16xi32>
      %add3A_377 = arith.addi %add3A_353, %add3A_376 : vector<16xi32>
      %gather3A_378 = tpu.vector_load_idx %arg6[%add3A_377] : memref<512xi32, #tpu.memory_space<vmem>>[vector<16xi32>], vector<16xi32>,
      %add3A_379 = arith.constant 1 : i32
      %add3A_380 = vector.broadcast %add3A_379 : i32 to vector<16xi32>
      %add3A_381 = arith.addi %add3A_360, %add3A_380 : vector<16xi32>
      %gather3A_382 = tpu.vector_load_idx %arg6[%add3A_381] : memref<512xi32, #tpu.memory_space<vmem>>[vector<16xi32>], vector<16xi32>,
      %add3A_383 = arith.constant 1 : i32
      %add3A_384 = vector.broadcast %add3A_383 : i32 to vector<16xi32>
      %add3A_385 = arith.addi %add3A_367, %add3A_384 : vector<16xi32>
      %gather3A_386 = tpu.vector_load_idx %arg6[%add3A_385] : memref<512xi32, #tpu.memory_space<vmem>>[vector<16xi32>], vector<16xi32>,
      %add3A_387 = arith.constant 1 : i32
      %add3A_388 = vector.broadcast %add3A_387 : i32 to vector<16xi32>
      %add3A_389 = arith.addi %add3A_374, %add3A_388 : vector<16xi32>
      %gather3A_390 = tpu.vector_load_idx %arg6[%add3A_389] : memref<512xi32, #tpu.memory_space<vmem>>[vector<16xi32>], vector<16xi32>,
      %le3A_391 = arith.cmpi sle, %gather3A_378, %and3A_53 : vector<16xi32>
      %jit3A_392 = arith.constant 2 : i32
      %jit3A_393 = arith.constant 0 : i32
      %broadcast_in_dim3A_394 = vector.broadcast %jit3A_392 : i32 to vector<16xi32>
      %broadcast_in_dim3A_395 = vector.broadcast %jit3A_393 : i32 to vector<16xi32>
      %select_n3A_396 = arith.select %le3A_391, %broadcast_in_dim3A_394, %broadcast_in_dim3A_395 : vector<16xi1>, vector<16xi32>
      %add3A_397 = arith.addi %add3A_353, %select_n3A_396 : vector<16xi32>
      %le3A_398 = arith.cmpi sle, %gather3A_382, %and3A_56 : vector<16xi32>
      %jit3A_399 = arith.constant 2 : i32
      %jit3A_400 = arith.constant 0 : i32
      %broadcast_in_dim3A_401 = vector.broadcast %jit3A_399 : i32 to vector<16xi32>
      %broadcast_in_dim3A_402 = vector.broadcast %jit3A_400 : i32 to vector<16xi32>
      %select_n3A_403 = arith.select %le3A_398, %broadcast_in_dim3A_401, %broadcast_in_dim3A_402 : vector<16xi1>, vector<16xi32>
      %add3A_404 = arith.addi %add3A_360, %select_n3A_403 : vector<16xi32>
      %le3A_405 = arith.cmpi sle, %gather3A_386, %and3A_59 : vector<16xi32>
      %jit3A_406 = arith.constant 2 : i32
      %jit3A_407 = arith.constant 0 : i32
      %broadcast_in_dim3A_408 = vector.broadcast %jit3A_406 : i32 to vector<16xi32>
      %broadcast_in_dim3A_409 = vector.broadcast %jit3A_407 : i32 to vector<16xi32>
      %select_n3A_410 = arith.select %le3A_405, %broadcast_in_dim3A_408, %broadcast_in_dim3A_409 : vector<16xi1>, vector<16xi32>
      %add3A_411 = arith.addi %add3A_367, %select_n3A_410 : vector<16xi32>
      %le3A_412 = arith.cmpi sle, %gather3A_390, %and3A_62 : vector<16xi32>
      %jit3A_413 = arith.constant 2 : i32
      %jit3A_414 = arith.constant 0 : i32
      %broadcast_in_dim3A_415 = vector.broadcast %jit3A_413 : i32 to vector<16xi32>
      %broadcast_in_dim3A_416 = vector.broadcast %jit3A_414 : i32 to vector<16xi32>
      %select_n3A_417 = arith.select %le3A_412, %broadcast_in_dim3A_415, %broadcast_in_dim3A_416 : vector<16xi1>, vector<16xi32>
      %add3A_418 = arith.addi %add3A_374, %select_n3A_417 : vector<16xi32>
      %add3A_419 = arith.constant 0 : i32
      %add3A_420 = vector.broadcast %add3A_419 : i32 to vector<16xi32>
      %add3A_421 = arith.addi %add3A_397, %add3A_420 : vector<16xi32>
      %gather3A_422 = tpu.vector_load_idx %arg6[%add3A_421] : memref<512xi32, #tpu.memory_space<vmem>>[vector<16xi32>], vector<16xi32>,
      %add3A_423 = arith.constant 0 : i32
      %add3A_424 = vector.broadcast %add3A_423 : i32 to vector<16xi32>
      %add3A_425 = arith.addi %add3A_404, %add3A_424 : vector<16xi32>
      %gather3A_426 = tpu.vector_load_idx %arg6[%add3A_425] : memref<512xi32, #tpu.memory_space<vmem>>[vector<16xi32>], vector<16xi32>,
      %add3A_427 = arith.constant 0 : i32
      %add3A_428 = vector.broadcast %add3A_427 : i32 to vector<16xi32>
      %add3A_429 = arith.addi %add3A_411, %add3A_428 : vector<16xi32>
      %gather3A_430 = tpu.vector_load_idx %arg6[%add3A_429] : memref<512xi32, #tpu.memory_space<vmem>>[vector<16xi32>], vector<16xi32>,
      %add3A_431 = arith.constant 0 : i32
      %add3A_432 = vector.broadcast %add3A_431 : i32 to vector<16xi32>
      %add3A_433 = arith.addi %add3A_418, %add3A_432 : vector<16xi32>
      %gather3A_434 = tpu.vector_load_idx %arg6[%add3A_433] : memref<512xi32, #tpu.memory_space<vmem>>[vector<16xi32>], vector<16xi32>,
      %le3A_435 = arith.cmpi sle, %gather3A_422, %and3A_53 : vector<16xi32>
      %jit3A_436 = arith.constant 1 : i32
      %jit3A_437 = arith.constant 0 : i32
      %broadcast_in_dim3A_438 = vector.broadcast %jit3A_436 : i32 to vector<16xi32>
      %broadcast_in_dim3A_439 = vector.broadcast %jit3A_437 : i32 to vector<16xi32>
      %select_n3A_440 = arith.select %le3A_435, %broadcast_in_dim3A_438, %broadcast_in_dim3A_439 : vector<16xi1>, vector<16xi32>
      %add3A_441 = arith.addi %add3A_397, %select_n3A_440 : vector<16xi32>
      %le3A_442 = arith.cmpi sle, %gather3A_426, %and3A_56 : vector<16xi32>
      %jit3A_443 = arith.constant 1 : i32
      %jit3A_444 = arith.constant 0 : i32
      %broadcast_in_dim3A_445 = vector.broadcast %jit3A_443 : i32 to vector<16xi32>
      %broadcast_in_dim3A_446 = vector.broadcast %jit3A_444 : i32 to vector<16xi32>
      %select_n3A_447 = arith.select %le3A_442, %broadcast_in_dim3A_445, %broadcast_in_dim3A_446 : vector<16xi1>, vector<16xi32>
      %add3A_448 = arith.addi %add3A_404, %select_n3A_447 : vector<16xi32>
      %le3A_449 = arith.cmpi sle, %gather3A_430, %and3A_59 : vector<16xi32>
      %jit3A_450 = arith.constant 1 : i32
      %jit3A_451 = arith.constant 0 : i32
      %broadcast_in_dim3A_452 = vector.broadcast %jit3A_450 : i32 to vector<16xi32>
      %broadcast_in_dim3A_453 = vector.broadcast %jit3A_451 : i32 to vector<16xi32>
      %select_n3A_454 = arith.select %le3A_449, %broadcast_in_dim3A_452, %broadcast_in_dim3A_453 : vector<16xi1>, vector<16xi32>
      %add3A_455 = arith.addi %add3A_411, %select_n3A_454 : vector<16xi32>
      %le3A_456 = arith.cmpi sle, %gather3A_434, %and3A_62 : vector<16xi32>
      %jit3A_457 = arith.constant 1 : i32
      %jit3A_458 = arith.constant 0 : i32
      %broadcast_in_dim3A_459 = vector.broadcast %jit3A_457 : i32 to vector<16xi32>
      %broadcast_in_dim3A_460 = vector.broadcast %jit3A_458 : i32 to vector<16xi32>
      %select_n3A_461 = arith.select %le3A_456, %broadcast_in_dim3A_459, %broadcast_in_dim3A_460 : vector<16xi1>, vector<16xi32>
      %add3A_462 = arith.addi %add3A_418, %select_n3A_461 : vector<16xi32>
      %bitcast3A = vector.bitcast %and3A_53 : vector<16xi32> to vector<16xf32>
      %lt3A = arith.constant 0 : i32
      %lt3A_463 = vector.broadcast %lt3A : i32 to vector<16xi32>
      %lt3A_464 = arith.cmpi slt, %get3A_27, %lt3A_463 : vector<16xi32>
      %jit3A_465 = arith.constant 1.000000e+00 : f32
      %jit3A_466 = arith.constant 0.000000e+00 : f32
      %broadcast_in_dim3A_467 = vector.broadcast %jit3A_465 : f32 to vector<16xf32>
      %broadcast_in_dim3A_468 = vector.broadcast %jit3A_466 : f32 to vector<16xf32>
      %select_n3A_469 = arith.select %lt3A_464, %broadcast_in_dim3A_467, %broadcast_in_dim3A_468 : vector<16xi1>, vector<16xf32>
      %mul3A_470 = arith.constant 4 : i32
      %mul3A_471 = arith.muli %scan3A_19, %mul3A_470 : i32
      %add3A_472 = arith.constant 0 : i32
      %add3A_473 = arith.addi %mul3A_471, %add3A_472 : i32
      %mul3A_474 = arith.constant 16 : i32
      %mul3A_475 = arith.muli %add3A_473, %mul3A_474 : i32
      %add3A_476 = arith.addi %mul3A_2, %mul3A_475 : i32
      %add3A_477 = vector.broadcast %add3A_476 : i32 to vector<16xi32>
      %add3A_478 = arith.addi %add3A_477, %iota3A : vector<16xi32>
      %lt3A_479 = arith.constant 100000 : i32
      %lt3A_480 = vector.broadcast %lt3A_479 : i32 to vector<16xi32>
      %lt3A_481 = arith.cmpi slt, %add3A_478, %lt3A_480 : vector<16xi32>
      %min3A = arith.constant 396 : i32
      %min3A_482 = vector.broadcast %min3A : i32 to vector<16xi32>
      %min3A_483 = arith.minsi %add3A_441, %min3A_482 : vector<16xi32>
      tpu.vector_store_idx %arg7[%min3A_483], %broadcast_in_dim3A_11 masked %lt3A_481 {add = true} : memref<2560xf32, #tpu.memory_space<vmem>>[vector<16xi32>], vector<16xf32>, vector<16xi1>
      %add3A_484 = arith.constant 512 : i32
      %add3A_485 = vector.broadcast %add3A_484 : i32 to vector<16xi32>
      %add3A_486 = arith.addi %add3A_485, %min3A_483 : vector<16xi32>
      tpu.vector_store_idx %arg7[%add3A_486], %bitcast3A masked %lt3A_481 {add = true} : memref<2560xf32, #tpu.memory_space<vmem>>[vector<16xi32>], vector<16xf32>, vector<16xi1>
      %add3A_487 = arith.constant 1024 : i32
      %add3A_488 = vector.broadcast %add3A_487 : i32 to vector<16xi32>
      %add3A_489 = arith.addi %add3A_488, %min3A_483 : vector<16xi32>
      tpu.vector_store_idx %arg7[%add3A_489], %select_n3A_469 masked %lt3A_481 {add = true} : memref<2560xf32, #tpu.memory_space<vmem>>[vector<16xi32>], vector<16xf32>, vector<16xi1>
      %sub3A = arith.constant 1 : i32
      %sub3A_490 = vector.broadcast %sub3A : i32 to vector<16xi32>
      %sub3A_491 = arith.subi %min3A_483, %sub3A_490 : vector<16xi32>
      %max3A = arith.constant 0 : i32
      %max3A_492 = vector.broadcast %max3A : i32 to vector<16xi32>
      %max3A_493 = arith.maxsi %sub3A_491, %max3A_492 : vector<16xi32>
      %gather3A_494 = tpu.vector_load_idx %arg6[%max3A_493] : memref<512xi32, #tpu.memory_space<vmem>>[vector<16xi32>], vector<16xi32>,
      %ge3A = arith.constant 1 : i32
      %ge3A_495 = vector.broadcast %ge3A : i32 to vector<16xi32>
      %ge3A_496 = arith.cmpi sge, %min3A_483, %ge3A_495 : vector<16xi32>
      %eq3A = arith.cmpi eq, %gather3A_494, %and3A_53 : vector<16xi32>
      %and3A_497 = arith.andi %ge3A_496, %eq3A : vector<16xi1>
      %and3A_498 = arith.andi %and3A_497, %lt3A_481 : vector<16xi1>
      %add3A_499 = arith.constant 1536 : i32
      %add3A_500 = vector.broadcast %add3A_499 : i32 to vector<16xi32>
      %add3A_501 = arith.addi %add3A_500, %max3A_493 : vector<16xi32>
      tpu.vector_store_idx %arg7[%add3A_501], %broadcast_in_dim3A_11 masked %and3A_498 {add = true} : memref<2560xf32, #tpu.memory_space<vmem>>[vector<16xi32>], vector<16xf32>, vector<16xi1>
      %add3A_502 = arith.constant 2048 : i32
      %add3A_503 = vector.broadcast %add3A_502 : i32 to vector<16xi32>
      %add3A_504 = arith.addi %add3A_503, %max3A_493 : vector<16xi32>
      tpu.vector_store_idx %arg7[%add3A_504], %select_n3A_469 masked %and3A_498 {add = true} : memref<2560xf32, #tpu.memory_space<vmem>>[vector<16xi32>], vector<16xf32>, vector<16xi1>
      %bitcast3A_505 = vector.bitcast %and3A_56 : vector<16xi32> to vector<16xf32>
      %lt3A_506 = arith.constant 0 : i32
      %lt3A_507 = vector.broadcast %lt3A_506 : i32 to vector<16xi32>
      %lt3A_508 = arith.cmpi slt, %get3A_35, %lt3A_507 : vector<16xi32>
      %jit3A_509 = arith.constant 1.000000e+00 : f32
      %jit3A_510 = arith.constant 0.000000e+00 : f32
      %broadcast_in_dim3A_511 = vector.broadcast %jit3A_509 : f32 to vector<16xf32>
      %broadcast_in_dim3A_512 = vector.broadcast %jit3A_510 : f32 to vector<16xf32>
      %select_n3A_513 = arith.select %lt3A_508, %broadcast_in_dim3A_511, %broadcast_in_dim3A_512 : vector<16xi1>, vector<16xf32>
      %mul3A_514 = arith.constant 4 : i32
      %mul3A_515 = arith.muli %scan3A_19, %mul3A_514 : i32
      %add3A_516 = arith.constant 1 : i32
      %add3A_517 = arith.addi %mul3A_515, %add3A_516 : i32
      %mul3A_518 = arith.constant 16 : i32
      %mul3A_519 = arith.muli %add3A_517, %mul3A_518 : i32
      %add3A_520 = arith.addi %mul3A_2, %mul3A_519 : i32
      %add3A_521 = vector.broadcast %add3A_520 : i32 to vector<16xi32>
      %add3A_522 = arith.addi %add3A_521, %iota3A : vector<16xi32>
      %lt3A_523 = arith.constant 100000 : i32
      %lt3A_524 = vector.broadcast %lt3A_523 : i32 to vector<16xi32>
      %lt3A_525 = arith.cmpi slt, %add3A_522, %lt3A_524 : vector<16xi32>
      %min3A_526 = arith.constant 396 : i32
      %min3A_527 = vector.broadcast %min3A_526 : i32 to vector<16xi32>
      %min3A_528 = arith.minsi %add3A_448, %min3A_527 : vector<16xi32>
      tpu.vector_store_idx %arg7[%min3A_528], %broadcast_in_dim3A_11 masked %lt3A_525 {add = true} : memref<2560xf32, #tpu.memory_space<vmem>>[vector<16xi32>], vector<16xf32>, vector<16xi1>
      %add3A_529 = arith.constant 512 : i32
      %add3A_530 = vector.broadcast %add3A_529 : i32 to vector<16xi32>
      %add3A_531 = arith.addi %add3A_530, %min3A_528 : vector<16xi32>
      tpu.vector_store_idx %arg7[%add3A_531], %bitcast3A_505 masked %lt3A_525 {add = true} : memref<2560xf32, #tpu.memory_space<vmem>>[vector<16xi32>], vector<16xf32>, vector<16xi1>
      %add3A_532 = arith.constant 1024 : i32
      %add3A_533 = vector.broadcast %add3A_532 : i32 to vector<16xi32>
      %add3A_534 = arith.addi %add3A_533, %min3A_528 : vector<16xi32>
      tpu.vector_store_idx %arg7[%add3A_534], %select_n3A_513 masked %lt3A_525 {add = true} : memref<2560xf32, #tpu.memory_space<vmem>>[vector<16xi32>], vector<16xf32>, vector<16xi1>
      %sub3A_535 = arith.constant 1 : i32
      %sub3A_536 = vector.broadcast %sub3A_535 : i32 to vector<16xi32>
      %sub3A_537 = arith.subi %min3A_528, %sub3A_536 : vector<16xi32>
      %max3A_538 = arith.constant 0 : i32
      %max3A_539 = vector.broadcast %max3A_538 : i32 to vector<16xi32>
      %max3A_540 = arith.maxsi %sub3A_537, %max3A_539 : vector<16xi32>
      %gather3A_541 = tpu.vector_load_idx %arg6[%max3A_540] : memref<512xi32, #tpu.memory_space<vmem>>[vector<16xi32>], vector<16xi32>,
      %ge3A_542 = arith.constant 1 : i32
      %ge3A_543 = vector.broadcast %ge3A_542 : i32 to vector<16xi32>
      %ge3A_544 = arith.cmpi sge, %min3A_528, %ge3A_543 : vector<16xi32>
      %eq3A_545 = arith.cmpi eq, %gather3A_541, %and3A_56 : vector<16xi32>
      %and3A_546 = arith.andi %ge3A_544, %eq3A_545 : vector<16xi1>
      %and3A_547 = arith.andi %and3A_546, %lt3A_525 : vector<16xi1>
      %add3A_548 = arith.constant 1536 : i32
      %add3A_549 = vector.broadcast %add3A_548 : i32 to vector<16xi32>
      %add3A_550 = arith.addi %add3A_549, %max3A_540 : vector<16xi32>
      tpu.vector_store_idx %arg7[%add3A_550], %broadcast_in_dim3A_11 masked %and3A_547 {add = true} : memref<2560xf32, #tpu.memory_space<vmem>>[vector<16xi32>], vector<16xf32>, vector<16xi1>
      %add3A_551 = arith.constant 2048 : i32
      %add3A_552 = vector.broadcast %add3A_551 : i32 to vector<16xi32>
      %add3A_553 = arith.addi %add3A_552, %max3A_540 : vector<16xi32>
      tpu.vector_store_idx %arg7[%add3A_553], %select_n3A_513 masked %and3A_547 {add = true} : memref<2560xf32, #tpu.memory_space<vmem>>[vector<16xi32>], vector<16xf32>, vector<16xi1>
      %bitcast3A_554 = vector.bitcast %and3A_59 : vector<16xi32> to vector<16xf32>
      %lt3A_555 = arith.constant 0 : i32
      %lt3A_556 = vector.broadcast %lt3A_555 : i32 to vector<16xi32>
      %lt3A_557 = arith.cmpi slt, %get3A_43, %lt3A_556 : vector<16xi32>
      %jit3A_558 = arith.constant 1.000000e+00 : f32
      %jit3A_559 = arith.constant 0.000000e+00 : f32
      %broadcast_in_dim3A_560 = vector.broadcast %jit3A_558 : f32 to vector<16xf32>
      %broadcast_in_dim3A_561 = vector.broadcast %jit3A_559 : f32 to vector<16xf32>
      %select_n3A_562 = arith.select %lt3A_557, %broadcast_in_dim3A_560, %broadcast_in_dim3A_561 : vector<16xi1>, vector<16xf32>
      %mul3A_563 = arith.constant 4 : i32
      %mul3A_564 = arith.muli %scan3A_19, %mul3A_563 : i32
      %add3A_565 = arith.constant 2 : i32
      %add3A_566 = arith.addi %mul3A_564, %add3A_565 : i32
      %mul3A_567 = arith.constant 16 : i32
      %mul3A_568 = arith.muli %add3A_566, %mul3A_567 : i32
      %add3A_569 = arith.addi %mul3A_2, %mul3A_568 : i32
      %add3A_570 = vector.broadcast %add3A_569 : i32 to vector<16xi32>
      %add3A_571 = arith.addi %add3A_570, %iota3A : vector<16xi32>
      %lt3A_572 = arith.constant 100000 : i32
      %lt3A_573 = vector.broadcast %lt3A_572 : i32 to vector<16xi32>
      %lt3A_574 = arith.cmpi slt, %add3A_571, %lt3A_573 : vector<16xi32>
      %min3A_575 = arith.constant 396 : i32
      %min3A_576 = vector.broadcast %min3A_575 : i32 to vector<16xi32>
      %min3A_577 = arith.minsi %add3A_455, %min3A_576 : vector<16xi32>
      tpu.vector_store_idx %arg7[%min3A_577], %broadcast_in_dim3A_11 masked %lt3A_574 {add = true} : memref<2560xf32, #tpu.memory_space<vmem>>[vector<16xi32>], vector<16xf32>, vector<16xi1>
      %add3A_578 = arith.constant 512 : i32
      %add3A_579 = vector.broadcast %add3A_578 : i32 to vector<16xi32>
      %add3A_580 = arith.addi %add3A_579, %min3A_577 : vector<16xi32>
      tpu.vector_store_idx %arg7[%add3A_580], %bitcast3A_554 masked %lt3A_574 {add = true} : memref<2560xf32, #tpu.memory_space<vmem>>[vector<16xi32>], vector<16xf32>, vector<16xi1>
      %add3A_581 = arith.constant 1024 : i32
      %add3A_582 = vector.broadcast %add3A_581 : i32 to vector<16xi32>
      %add3A_583 = arith.addi %add3A_582, %min3A_577 : vector<16xi32>
      tpu.vector_store_idx %arg7[%add3A_583], %select_n3A_562 masked %lt3A_574 {add = true} : memref<2560xf32, #tpu.memory_space<vmem>>[vector<16xi32>], vector<16xf32>, vector<16xi1>
      %sub3A_584 = arith.constant 1 : i32
      %sub3A_585 = vector.broadcast %sub3A_584 : i32 to vector<16xi32>
      %sub3A_586 = arith.subi %min3A_577, %sub3A_585 : vector<16xi32>
      %max3A_587 = arith.constant 0 : i32
      %max3A_588 = vector.broadcast %max3A_587 : i32 to vector<16xi32>
      %max3A_589 = arith.maxsi %sub3A_586, %max3A_588 : vector<16xi32>
      %gather3A_590 = tpu.vector_load_idx %arg6[%max3A_589] : memref<512xi32, #tpu.memory_space<vmem>>[vector<16xi32>], vector<16xi32>,
      %ge3A_591 = arith.constant 1 : i32
      %ge3A_592 = vector.broadcast %ge3A_591 : i32 to vector<16xi32>
      %ge3A_593 = arith.cmpi sge, %min3A_577, %ge3A_592 : vector<16xi32>
      %eq3A_594 = arith.cmpi eq, %gather3A_590, %and3A_59 : vector<16xi32>
      %and3A_595 = arith.andi %ge3A_593, %eq3A_594 : vector<16xi1>
      %and3A_596 = arith.andi %and3A_595, %lt3A_574 : vector<16xi1>
      %add3A_597 = arith.constant 1536 : i32
      %add3A_598 = vector.broadcast %add3A_597 : i32 to vector<16xi32>
      %add3A_599 = arith.addi %add3A_598, %max3A_589 : vector<16xi32>
      tpu.vector_store_idx %arg7[%add3A_599], %broadcast_in_dim3A_11 masked %and3A_596 {add = true} : memref<2560xf32, #tpu.memory_space<vmem>>[vector<16xi32>], vector<16xf32>, vector<16xi1>
      %add3A_600 = arith.constant 2048 : i32
      %add3A_601 = vector.broadcast %add3A_600 : i32 to vector<16xi32>
      %add3A_602 = arith.addi %add3A_601, %max3A_589 : vector<16xi32>
      tpu.vector_store_idx %arg7[%add3A_602], %select_n3A_562 masked %and3A_596 {add = true} : memref<2560xf32, #tpu.memory_space<vmem>>[vector<16xi32>], vector<16xf32>, vector<16xi1>
      %bitcast3A_603 = vector.bitcast %and3A_62 : vector<16xi32> to vector<16xf32>
      %lt3A_604 = arith.constant 0 : i32
      %lt3A_605 = vector.broadcast %lt3A_604 : i32 to vector<16xi32>
      %lt3A_606 = arith.cmpi slt, %get3A_51, %lt3A_605 : vector<16xi32>
      %jit3A_607 = arith.constant 1.000000e+00 : f32
      %jit3A_608 = arith.constant 0.000000e+00 : f32
      %broadcast_in_dim3A_609 = vector.broadcast %jit3A_607 : f32 to vector<16xf32>
      %broadcast_in_dim3A_610 = vector.broadcast %jit3A_608 : f32 to vector<16xf32>
      %select_n3A_611 = arith.select %lt3A_606, %broadcast_in_dim3A_609, %broadcast_in_dim3A_610 : vector<16xi1>, vector<16xf32>
      %mul3A_612 = arith.constant 4 : i32
      %mul3A_613 = arith.muli %scan3A_19, %mul3A_612 : i32
      %add3A_614 = arith.constant 3 : i32
      %add3A_615 = arith.addi %mul3A_613, %add3A_614 : i32
      %mul3A_616 = arith.constant 16 : i32
      %mul3A_617 = arith.muli %add3A_615, %mul3A_616 : i32
      %add3A_618 = arith.addi %mul3A_2, %mul3A_617 : i32
      %add3A_619 = vector.broadcast %add3A_618 : i32 to vector<16xi32>
      %add3A_620 = arith.addi %add3A_619, %iota3A : vector<16xi32>
      %lt3A_621 = arith.constant 100000 : i32
      %lt3A_622 = vector.broadcast %lt3A_621 : i32 to vector<16xi32>
      %lt3A_623 = arith.cmpi slt, %add3A_620, %lt3A_622 : vector<16xi32>
      %min3A_624 = arith.constant 396 : i32
      %min3A_625 = vector.broadcast %min3A_624 : i32 to vector<16xi32>
      %min3A_626 = arith.minsi %add3A_462, %min3A_625 : vector<16xi32>
      tpu.vector_store_idx %arg7[%min3A_626], %broadcast_in_dim3A_11 masked %lt3A_623 {add = true} : memref<2560xf32, #tpu.memory_space<vmem>>[vector<16xi32>], vector<16xf32>, vector<16xi1>
      %add3A_627 = arith.constant 512 : i32
      %add3A_628 = vector.broadcast %add3A_627 : i32 to vector<16xi32>
      %add3A_629 = arith.addi %add3A_628, %min3A_626 : vector<16xi32>
      tpu.vector_store_idx %arg7[%add3A_629], %bitcast3A_603 masked %lt3A_623 {add = true} : memref<2560xf32, #tpu.memory_space<vmem>>[vector<16xi32>], vector<16xf32>, vector<16xi1>
      %add3A_630 = arith.constant 1024 : i32
      %add3A_631 = vector.broadcast %add3A_630 : i32 to vector<16xi32>
      %add3A_632 = arith.addi %add3A_631, %min3A_626 : vector<16xi32>
      tpu.vector_store_idx %arg7[%add3A_632], %select_n3A_611 masked %lt3A_623 {add = true} : memref<2560xf32, #tpu.memory_space<vmem>>[vector<16xi32>], vector<16xf32>, vector<16xi1>
      %sub3A_633 = arith.constant 1 : i32
      %sub3A_634 = vector.broadcast %sub3A_633 : i32 to vector<16xi32>
      %sub3A_635 = arith.subi %min3A_626, %sub3A_634 : vector<16xi32>
      %max3A_636 = arith.constant 0 : i32
      %max3A_637 = vector.broadcast %max3A_636 : i32 to vector<16xi32>
      %max3A_638 = arith.maxsi %sub3A_635, %max3A_637 : vector<16xi32>
      %gather3A_639 = tpu.vector_load_idx %arg6[%max3A_638] : memref<512xi32, #tpu.memory_space<vmem>>[vector<16xi32>], vector<16xi32>,
      %ge3A_640 = arith.constant 1 : i32
      %ge3A_641 = vector.broadcast %ge3A_640 : i32 to vector<16xi32>
      %ge3A_642 = arith.cmpi sge, %min3A_626, %ge3A_641 : vector<16xi32>
      %eq3A_643 = arith.cmpi eq, %gather3A_639, %and3A_62 : vector<16xi32>
      %and3A_644 = arith.andi %ge3A_642, %eq3A_643 : vector<16xi1>
      %and3A_645 = arith.andi %and3A_644, %lt3A_623 : vector<16xi1>
      %add3A_646 = arith.constant 1536 : i32
      %add3A_647 = vector.broadcast %add3A_646 : i32 to vector<16xi32>
      %add3A_648 = arith.addi %add3A_647, %max3A_638 : vector<16xi32>
      tpu.vector_store_idx %arg7[%add3A_648], %broadcast_in_dim3A_11 masked %and3A_645 {add = true} : memref<2560xf32, #tpu.memory_space<vmem>>[vector<16xi32>], vector<16xf32>, vector<16xi1>
      %add3A_649 = arith.constant 2048 : i32
      %add3A_650 = vector.broadcast %add3A_649 : i32 to vector<16xi32>
      %add3A_651 = arith.addi %add3A_650, %max3A_638 : vector<16xi32>
      tpu.vector_store_idx %arg7[%add3A_651], %select_n3A_611 masked %and3A_645 {add = true} : memref<2560xf32, #tpu.memory_space<vmem>>[vector<16xi32>], vector<16xf32>, vector<16xi1>
      %scan3A_652 = arith.constant 0 : i32
      scf.yield %scan3A_652 : i32
    }
    %scan3A_18 = arith.constant 49 : i32
    "tpu.region"() ({
      %run_scoped3A = tpu.sem_alloc : memref<!tpu.dma_semaphore, #tpu.memory_space<semaphore_mem>>
      %dma_start3A = arith.constant 0 : i32
      %dma_start3A_19 = tpu.memref_slice %arg4[%add3A, %dma_start3A] : memref<32x2560xf32, #tpu.memory_space<hbm>> -> memref<1x2560xf32, #tpu.memory_space<hbm>>
      %dma_start3A_20 = tpu.memref_squeeze %dma_start3A_19 : memref<1x2560xf32, #tpu.memory_space<hbm>> -> memref<2560xf32, #tpu.memory_space<hbm>>
      %dma_start3A_21 = arith.constant 0 : i32
      %dma_start3A_22 = tpu.memref_slice %arg4[%add3A, %dma_start3A_21] : memref<32x2560xf32, #tpu.memory_space<hbm>> -> memref<1x2560xf32, #tpu.memory_space<hbm>>
      %dma_start3A_23 = tpu.memref_squeeze %dma_start3A_22 : memref<1x2560xf32, #tpu.memory_space<hbm>> -> memref<2560xf32, #tpu.memory_space<hbm>>
      tpu.enqueue_dma source(%arg7 : memref<2560xf32, #tpu.memory_space<vmem>>) target(%dma_start3A_23 : memref<2560xf32, #tpu.memory_space<hbm>>) target_semaphore(%run_scoped3A : memref<!tpu.dma_semaphore, #tpu.memory_space<semaphore_mem>>)
      %dma_wait3A = arith.constant 0 : i32
      %dma_wait3A_24 = tpu.memref_slice %arg4[%add3A, %dma_wait3A] : memref<32x2560xf32, #tpu.memory_space<hbm>> -> memref<1x2560xf32, #tpu.memory_space<hbm>>
      %dma_wait3A_25 = tpu.memref_squeeze %dma_wait3A_24 : memref<1x2560xf32, #tpu.memory_space<hbm>> -> memref<2560xf32, #tpu.memory_space<hbm>>
      %dma_wait3A_26 = arith.constant 0 : i32
      %dma_wait3A_27 = tpu.memref_slice %arg4[%add3A, %dma_wait3A_26] : memref<32x2560xf32, #tpu.memory_space<hbm>> -> memref<1x2560xf32, #tpu.memory_space<hbm>>
      %dma_wait3A_28 = tpu.memref_squeeze %dma_wait3A_27 : memref<1x2560xf32, #tpu.memory_space<hbm>> -> memref<2560xf32, #tpu.memory_space<hbm>>
      tpu.wait_dma2 semaphore(%run_scoped3A : memref<!tpu.dma_semaphore, #tpu.memory_space<semaphore_mem>>) src(%arg7 : memref<2560xf32, #tpu.memory_space<vmem>>) dst(%dma_wait3A_28 : memref<2560xf32, #tpu.memory_space<hbm>>)
      tpu.yield
    }) : () -> ()
    return
  }
}

#map = affine_map<(d0, d1) -> (0)>
#map1 = affine_map<(d0, d1) -> (0, 0, 0)>
module attributes {stable_mosaic.version = 14 : i64} {
  func.func @refine(%arg0: i32, %arg1: i32, %arg2: memref<100352xi32, #tpu.memory_space<hbm>>, %arg3: memref<512xi32, #tpu.memory_space<hbm>>, %arg4: memref<2x896x128xi32, #tpu.memory_space<hbm>>, %arg5: memref<3136xi32, #tpu.memory_space<vmem>>, %arg6: memref<512xi32, #tpu.memory_space<vmem>>, %arg7: memref<896x128xi32, #tpu.memory_space<vmem>>, %arg8: memref<7x128xi32, #tpu.memory_space<vmem>>, %arg9: memref<896x128xi32, #tpu.memory_space<vmem_shared>>) attributes {dimension_semantics = [#tpu.dimension_semantics<core_parallel>, #tpu.dimension_semantics<subcore_parallel>], iteration_bounds = array<i64: 2, 16>, scalar_prefetch = 0 : i64, scratch_operands = 5 : i64, tpu.core_type = #tpu.core_type<sc_vector_subcore>, window_params = [{transform_indices = #map}, {transform_indices = #map}, {transform_indices = #map1}]} {
    %mul3A = arith.constant 2 : i32
    %mul3A_0 = arith.muli %arg1, %mul3A : i32
    %add3A = arith.addi %mul3A_0, %arg0 : i32
    %mul3A_1 = arith.constant 3136 : i32
    %mul3A_2 = arith.muli %add3A, %mul3A_1 : i32
    "tpu.region"() ({
      %run_scoped3A_39 = tpu.sem_alloc : memref<!tpu.dma_semaphore, #tpu.memory_space<semaphore_mem>>
      %dma_start3A = tpu.memref_slice %arg2[%mul3A_2] : memref<100352xi32, #tpu.memory_space<hbm>> -> memref<3136xi32, #tpu.memory_space<hbm>>
      %dma_start3A_40 = tpu.memref_slice %arg2[%mul3A_2] : memref<100352xi32, #tpu.memory_space<hbm>> -> memref<3136xi32, #tpu.memory_space<hbm>>
      tpu.enqueue_dma source(%dma_start3A_40 : memref<3136xi32, #tpu.memory_space<hbm>>) target(%arg5 : memref<3136xi32, #tpu.memory_space<vmem>>) target_semaphore(%run_scoped3A_39 : memref<!tpu.dma_semaphore, #tpu.memory_space<semaphore_mem>>)
      %dma_wait3A = tpu.memref_slice %arg2[%mul3A_2] : memref<100352xi32, #tpu.memory_space<hbm>> -> memref<3136xi32, #tpu.memory_space<hbm>>
      %dma_wait3A_41 = tpu.memref_slice %arg2[%mul3A_2] : memref<100352xi32, #tpu.memory_space<hbm>> -> memref<3136xi32, #tpu.memory_space<hbm>>
      tpu.wait_dma2 semaphore(%run_scoped3A_39 : memref<!tpu.dma_semaphore, #tpu.memory_space<semaphore_mem>>) src(%dma_wait3A_41 : memref<3136xi32, #tpu.memory_space<hbm>>) dst(%arg5 : memref<3136xi32, #tpu.memory_space<vmem>>)
      tpu.yield
    }) : () -> ()
    "tpu.region"() ({
      %run_scoped3A_39 = tpu.sem_alloc : memref<!tpu.dma_semaphore, #tpu.memory_space<semaphore_mem>>
      tpu.enqueue_dma source(%arg3 : memref<512xi32, #tpu.memory_space<hbm>>) target(%arg6 : memref<512xi32, #tpu.memory_space<vmem>>) target_semaphore(%run_scoped3A_39 : memref<!tpu.dma_semaphore, #tpu.memory_space<semaphore_mem>>)
      tpu.wait_dma2 semaphore(%run_scoped3A_39 : memref<!tpu.dma_semaphore, #tpu.memory_space<semaphore_mem>>) src(%arg3 : memref<512xi32, #tpu.memory_space<hbm>>) dst(%arg6 : memref<512xi32, #tpu.memory_space<vmem>>)
      tpu.yield
    }) : () -> ()
    %broadcast_in_dim3A = arith.constant 0 : i32
    %broadcast_in_dim3A_3 = vector.broadcast %broadcast_in_dim3A : i32 to vector<16xi32>
    %scan3A = arith.constant 0 : i32
    %scan3A_4 = arith.constant 0 : i32
    %scan3A_5 = arith.constant 7168 : i32
    %scan3A_6 = arith.addi %scan3A_4, %scan3A_5 : i32
    %scan3A_7 = arith.constant 1 : i32
    %scan3A_8 = scf.for %scan3A_39 = %scan3A_4 to %scan3A_6 step %scan3A_7 iter_args(%scan3A_40 = %scan3A) -> (i32)  : i32 {
      %jit3A = arith.constant 8 : i32
      %div3A = arith.divsi %scan3A_39, %jit3A : i32
      %sign3A = arith.constant 0 : i32
      %sign3A_41 = arith.cmpi sgt, %scan3A_39, %sign3A : i32
      %sign3A_42 = arith.extui %sign3A_41 : i1 to i32
      %sign3A_43 = arith.constant 0 : i32
      %sign3A_44 = arith.cmpi slt, %scan3A_39, %sign3A_43 : i32
      %sign3A_45 = arith.extui %sign3A_44 : i1 to i32
      %sign3A_46 = arith.subi %sign3A_42, %sign3A_45 : i32
      %sign3A_47 = arith.constant 0 : i32
      %sign3A_48 = arith.cmpi sgt, %jit3A, %sign3A_47 : i32
      %sign3A_49 = arith.extui %sign3A_48 : i1 to i32
      %sign3A_50 = arith.constant 0 : i32
      %sign3A_51 = arith.cmpi slt, %jit3A, %sign3A_50 : i32
      %sign3A_52 = arith.extui %sign3A_51 : i1 to i32
      %sign3A_53 = arith.subi %sign3A_49, %sign3A_52 : i32
      %ne3A = arith.cmpi ne, %sign3A_46, %sign3A_53 : i32
      %rem3A = arith.remsi %scan3A_39, %jit3A : i32
      %ne3A_54 = arith.constant 0 : i32
      %ne3A_55 = arith.cmpi ne, %rem3A, %ne3A_54 : i32
      %and3A = arith.andi %ne3A, %ne3A_55 : i1
      %sub3A = arith.constant 1 : i32
      %sub3A_56 = arith.subi %div3A, %sub3A : i32
      %select_n3A = arith.select %and3A, %sub3A_56, %div3A : i32
      %jit3A_57 = arith.constant 8 : i32
      %eq3A = arith.constant 0 : i32
      %eq3A_58 = arith.cmpi eq, %jit3A_57, %eq3A : i32
      %jit3A_59 = arith.constant 1 : i32
      %select_n3A_60 = arith.select %eq3A_58, %jit3A_59, %jit3A_57 : i32
      %rem3A_61 = arith.remsi %scan3A_39, %select_n3A_60 : i32
      %ne3A_62 = arith.constant 0 : i32
      %ne3A_63 = arith.cmpi ne, %rem3A_61, %ne3A_62 : i32
      %lt3A = arith.constant 0 : i32
      %lt3A_64 = arith.cmpi slt, %rem3A_61, %lt3A : i32
      %lt3A_65 = arith.constant 0 : i32
      %lt3A_66 = arith.cmpi slt, %select_n3A_60, %lt3A_65 : i32
      %ne3A_67 = arith.xori %lt3A_64, %lt3A_66 : i1
      %and3A_68 = arith.andi %ne3A_67, %ne3A_63 : i1
      %add3A_69 = arith.addi %rem3A_61, %select_n3A_60 : i32
      %select_n3A_70 = arith.select %and3A_68, %add3A_69, %rem3A_61 : i32
      %mul3A_71 = arith.constant 16 : i32
      %mul3A_72 = arith.muli %select_n3A_70, %mul3A_71 : i32
      %swap3A = arith.index_cast %select_n3A : i32 to index
      %swap3A_73 = arith.index_cast %mul3A_72 : i32 to index
      %swap3A_74 = tpu.vector_load %arg7[%swap3A, %swap3A_73] {strides = array<i32>} : memref<896x128xi32, #tpu.memory_space<vmem>>, vector<16xi32>,
      tpu.vector_store %arg7[%swap3A, %swap3A_73], %broadcast_in_dim3A_3 {strides = array<i32>} : memref<896x128xi32, #tpu.memory_space<vmem>>, vector<16xi32>,
      %scan3A_75 = arith.constant 0 : i32
      scf.yield %scan3A_75 : i32
    }
    %scan3A_9 = arith.constant 7168 : i32
    %iota3A = tpu.iota {dimensions = array<i32: 0>} : vector<16xi32>
    %scan3A_10 = arith.constant 0 : i32
    %scan3A_11 = arith.constant 0 : i32
    %scan3A_12 = arith.constant 56 : i32
    %scan3A_13 = arith.addi %scan3A_11, %scan3A_12 : i32
    %scan3A_14 = arith.constant 1 : i32
    %scan3A_15 = scf.for %scan3A_39 = %scan3A_11 to %scan3A_13 step %scan3A_14 iter_args(%scan3A_40 = %scan3A_10) -> (i32)  : i32 {
      %jit3A = arith.constant 8 : i32
      %div3A = arith.divsi %scan3A_39, %jit3A : i32
      %sign3A = arith.constant 0 : i32
      %sign3A_41 = arith.cmpi sgt, %scan3A_39, %sign3A : i32
      %sign3A_42 = arith.extui %sign3A_41 : i1 to i32
      %sign3A_43 = arith.constant 0 : i32
      %sign3A_44 = arith.cmpi slt, %scan3A_39, %sign3A_43 : i32
      %sign3A_45 = arith.extui %sign3A_44 : i1 to i32
      %sign3A_46 = arith.subi %sign3A_42, %sign3A_45 : i32
      %sign3A_47 = arith.constant 0 : i32
      %sign3A_48 = arith.cmpi sgt, %jit3A, %sign3A_47 : i32
      %sign3A_49 = arith.extui %sign3A_48 : i1 to i32
      %sign3A_50 = arith.constant 0 : i32
      %sign3A_51 = arith.cmpi slt, %jit3A, %sign3A_50 : i32
      %sign3A_52 = arith.extui %sign3A_51 : i1 to i32
      %sign3A_53 = arith.subi %sign3A_49, %sign3A_52 : i32
      %ne3A = arith.cmpi ne, %sign3A_46, %sign3A_53 : i32
      %rem3A = arith.remsi %scan3A_39, %jit3A : i32
      %ne3A_54 = arith.constant 0 : i32
      %ne3A_55 = arith.cmpi ne, %rem3A, %ne3A_54 : i32
      %and3A = arith.andi %ne3A, %ne3A_55 : i1
      %sub3A = arith.constant 1 : i32
      %sub3A_56 = arith.subi %div3A, %sub3A : i32
      %select_n3A = arith.select %and3A, %sub3A_56, %div3A : i32
      %jit3A_57 = arith.constant 8 : i32
      %eq3A = arith.constant 0 : i32
      %eq3A_58 = arith.cmpi eq, %jit3A_57, %eq3A : i32
      %jit3A_59 = arith.constant 1 : i32
      %select_n3A_60 = arith.select %eq3A_58, %jit3A_59, %jit3A_57 : i32
      %rem3A_61 = arith.remsi %scan3A_39, %select_n3A_60 : i32
      %ne3A_62 = arith.constant 0 : i32
      %ne3A_63 = arith.cmpi ne, %rem3A_61, %ne3A_62 : i32
      %lt3A = arith.constant 0 : i32
      %lt3A_64 = arith.cmpi slt, %rem3A_61, %lt3A : i32
      %lt3A_65 = arith.constant 0 : i32
      %lt3A_66 = arith.cmpi slt, %select_n3A_60, %lt3A_65 : i32
      %ne3A_67 = arith.xori %lt3A_64, %lt3A_66 : i1
      %and3A_68 = arith.andi %ne3A_67, %ne3A_63 : i1
      %add3A_69 = arith.addi %rem3A_61, %select_n3A_60 : i32
      %select_n3A_70 = arith.select %and3A_68, %add3A_69, %rem3A_61 : i32
      %mul3A_71 = arith.constant 16 : i32
      %mul3A_72 = arith.muli %select_n3A_70, %mul3A_71 : i32
      %mul3A_73 = arith.constant 128 : i32
      %mul3A_74 = arith.muli %select_n3A, %mul3A_73 : i32
      %add3A_75 = arith.addi %mul3A_74, %mul3A_72 : i32
      %add3A_76 = vector.broadcast %add3A_75 : i32 to vector<16xi32>
      %add3A_77 = arith.addi %add3A_76, %iota3A : vector<16xi32>
      %swap3A = arith.index_cast %select_n3A : i32 to index
      %swap3A_78 = arith.index_cast %mul3A_72 : i32 to index
      %swap3A_79 = tpu.vector_load %arg8[%swap3A, %swap3A_78] {strides = array<i32>} : memref<7x128xi32, #tpu.memory_space<vmem>>, vector<16xi32>,
      tpu.vector_store %arg8[%swap3A, %swap3A_78], %add3A_77 {strides = array<i32>} : memref<7x128xi32, #tpu.memory_space<vmem>>, vector<16xi32>,
      %scan3A_80 = arith.constant 0 : i32
      scf.yield %scan3A_80 : i32
    }
    %scan3A_16 = arith.constant 56 : i32
    %mul3A_17 = arith.constant 56 : i32
    %mul3A_18 = arith.muli %arg1, %mul3A_17 : i32
    "tpu.region"() ({
      %run_scoped3A_39 = tpu.sem_alloc : memref<!tpu.dma_semaphore, #tpu.memory_space<semaphore_mem>>
      %dma_start3A = arith.constant 0 : i32
      %dma_start3A_40 = arith.constant 0 : i32
      %dma_start3A_41 = tpu.memref_slice %arg7[%dma_start3A, %dma_start3A_40] : memref<896x128xi32, #tpu.memory_space<vmem>> -> memref<56x128xi32, #tpu.memory_space<vmem>>
      %dma_start3A_42 = arith.constant 0 : i32
      %dma_start3A_43 = tpu.memref_slice %arg9[%mul3A_18, %dma_start3A_42] : memref<896x128xi32, #tpu.memory_space<vmem_shared>> -> memref<56x128xi32, #tpu.memory_space<vmem_shared>>
      %dma_start3A_44 = arith.constant 0 : i32
      %dma_start3A_45 = tpu.memref_slice %arg9[%mul3A_18, %dma_start3A_44] : memref<896x128xi32, #tpu.memory_space<vmem_shared>> -> memref<56x128xi32, #tpu.memory_space<vmem_shared>>
      %dma_start3A_46 = arith.constant 0 : i32
      %dma_start3A_47 = arith.constant 0 : i32
      %dma_start3A_48 = tpu.memref_slice %arg7[%dma_start3A_46, %dma_start3A_47] : memref<896x128xi32, #tpu.memory_space<vmem>> -> memref<56x128xi32, #tpu.memory_space<vmem>>
      tpu.enqueue_dma source(%dma_start3A_48 : memref<56x128xi32, #tpu.memory_space<vmem>>) target(%dma_start3A_45 : memref<56x128xi32, #tpu.memory_space<vmem_shared>>) target_semaphore(%run_scoped3A_39 : memref<!tpu.dma_semaphore, #tpu.memory_space<semaphore_mem>>)
      %dma_wait3A = arith.constant 0 : i32
      %dma_wait3A_49 = arith.constant 0 : i32
      %dma_wait3A_50 = tpu.memref_slice %arg7[%dma_wait3A, %dma_wait3A_49] : memref<896x128xi32, #tpu.memory_space<vmem>> -> memref<56x128xi32, #tpu.memory_space<vmem>>
      %dma_wait3A_51 = arith.constant 0 : i32
      %dma_wait3A_52 = tpu.memref_slice %arg9[%mul3A_18, %dma_wait3A_51] : memref<896x128xi32, #tpu.memory_space<vmem_shared>> -> memref<56x128xi32, #tpu.memory_space<vmem_shared>>
      %dma_wait3A_53 = arith.constant 0 : i32
      %dma_wait3A_54 = tpu.memref_slice %arg9[%mul3A_18, %dma_wait3A_53] : memref<896x128xi32, #tpu.memory_space<vmem_shared>> -> memref<56x128xi32, #tpu.memory_space<vmem_shared>>
      %dma_wait3A_55 = arith.constant 0 : i32
      %dma_wait3A_56 = arith.constant 0 : i32
      %dma_wait3A_57 = tpu.memref_slice %arg7[%dma_wait3A_55, %dma_wait3A_56] : memref<896x128xi32, #tpu.memory_space<vmem>> -> memref<56x128xi32, #tpu.memory_space<vmem>>
      tpu.wait_dma2 semaphore(%run_scoped3A_39 : memref<!tpu.dma_semaphore, #tpu.memory_space<semaphore_mem>>) src(%dma_wait3A_57 : memref<56x128xi32, #tpu.memory_space<vmem>>) dst(%dma_wait3A_54 : memref<56x128xi32, #tpu.memory_space<vmem_shared>>)
      tpu.yield
    }) : () -> ()
    %barrier3A = arith.constant 0 : index
    tpu.barrier barrier_id(%barrier3A)
    %broadcast_in_dim3A_19 = arith.constant 1 : i32
    %broadcast_in_dim3A_20 = vector.broadcast %broadcast_in_dim3A_19 : i32 to vector<16xi32>
    %scan3A_21 = arith.constant 0 : i32
    %scan3A_22 = arith.constant 0 : i32
    %scan3A_23 = arith.constant 49 : i32
    %scan3A_24 = arith.addi %scan3A_22, %scan3A_23 : i32
    %scan3A_25 = arith.constant 1 : i32
    %scan3A_26 = scf.for %scan3A_39 = %scan3A_22 to %scan3A_24 step %scan3A_25 iter_args(%scan3A_40 = %scan3A_21) -> (i32)  : i32 {
      %mul3A_41 = arith.constant 4 : i32
      %mul3A_42 = arith.muli %scan3A_39, %mul3A_41 : i32
      %add3A_43 = arith.constant 0 : i32
      %add3A_44 = arith.addi %mul3A_42, %add3A_43 : i32
      %mul3A_45 = arith.constant 16 : i32
      %mul3A_46 = arith.muli %add3A_44, %mul3A_45 : i32
      %get3A = arith.index_cast %mul3A_46 : i32 to index
      %get3A_47 = tpu.vector_load %arg5[%get3A] {strides = array<i32>} : memref<3136xi32, #tpu.memory_space<vmem>>, vector<16xi32>,
      %and3A = arith.constant 2147483647 : i32
      %and3A_48 = vector.broadcast %and3A : i32 to vector<16xi32>
      %and3A_49 = arith.andi %get3A_47, %and3A_48 : vector<16xi32>
      %mul3A_50 = arith.constant 4 : i32
      %mul3A_51 = arith.muli %scan3A_39, %mul3A_50 : i32
      %add3A_52 = arith.constant 1 : i32
      %add3A_53 = arith.addi %mul3A_51, %add3A_52 : i32
      %mul3A_54 = arith.constant 16 : i32
      %mul3A_55 = arith.muli %add3A_53, %mul3A_54 : i32
      %get3A_56 = arith.index_cast %mul3A_55 : i32 to index
      %get3A_57 = tpu.vector_load %arg5[%get3A_56] {strides = array<i32>} : memref<3136xi32, #tpu.memory_space<vmem>>, vector<16xi32>,
      %and3A_58 = arith.constant 2147483647 : i32
      %and3A_59 = vector.broadcast %and3A_58 : i32 to vector<16xi32>
      %and3A_60 = arith.andi %get3A_57, %and3A_59 : vector<16xi32>
      %mul3A_61 = arith.constant 4 : i32
      %mul3A_62 = arith.muli %scan3A_39, %mul3A_61 : i32
      %add3A_63 = arith.constant 2 : i32
      %add3A_64 = arith.addi %mul3A_62, %add3A_63 : i32
      %mul3A_65 = arith.constant 16 : i32
      %mul3A_66 = arith.muli %add3A_64, %mul3A_65 : i32
      %get3A_67 = arith.index_cast %mul3A_66 : i32 to index
      %get3A_68 = tpu.vector_load %arg5[%get3A_67] {strides = array<i32>} : memref<3136xi32, #tpu.memory_space<vmem>>, vector<16xi32>,
      %and3A_69 = arith.constant 2147483647 : i32
      %and3A_70 = vector.broadcast %and3A_69 : i32 to vector<16xi32>
      %and3A_71 = arith.andi %get3A_68, %and3A_70 : vector<16xi32>
      %mul3A_72 = arith.constant 4 : i32
      %mul3A_73 = arith.muli %scan3A_39, %mul3A_72 : i32
      %add3A_74 = arith.constant 3 : i32
      %add3A_75 = arith.addi %mul3A_73, %add3A_74 : i32
      %mul3A_76 = arith.constant 16 : i32
      %mul3A_77 = arith.muli %add3A_75, %mul3A_76 : i32
      %get3A_78 = arith.index_cast %mul3A_77 : i32 to index
      %get3A_79 = tpu.vector_load %arg5[%get3A_78] {strides = array<i32>} : memref<3136xi32, #tpu.memory_space<vmem>>, vector<16xi32>,
      %and3A_80 = arith.constant 2147483647 : i32
      %and3A_81 = vector.broadcast %and3A_80 : i32 to vector<16xi32>
      %and3A_82 = arith.andi %get3A_79, %and3A_81 : vector<16xi32>
      %shift_right_logical3A = arith.constant 8 : i32
      %shift_right_logical3A_83 = vector.broadcast %shift_right_logical3A : i32 to vector<16xi32>
      %shift_right_logical3A_84 = arith.shrui %and3A_49, %shift_right_logical3A_83 : vector<16xi32>
      %shift_right_logical3A_85 = arith.constant 8 : i32
      %shift_right_logical3A_86 = vector.broadcast %shift_right_logical3A_85 : i32 to vector<16xi32>
      %shift_right_logical3A_87 = arith.shrui %and3A_60, %shift_right_logical3A_86 : vector<16xi32>
      %shift_right_logical3A_88 = arith.constant 8 : i32
      %shift_right_logical3A_89 = vector.broadcast %shift_right_logical3A_88 : i32 to vector<16xi32>
      %shift_right_logical3A_90 = arith.shrui %and3A_71, %shift_right_logical3A_89 : vector<16xi32>
      %shift_right_logical3A_91 = arith.constant 8 : i32
      %shift_right_logical3A_92 = vector.broadcast %shift_right_logical3A_91 : i32 to vector<16xi32>
      %shift_right_logical3A_93 = arith.shrui %and3A_82, %shift_right_logical3A_92 : vector<16xi32>
      %broadcast_in_dim3A_94 = arith.constant 0 : i32
      %broadcast_in_dim3A_95 = vector.broadcast %broadcast_in_dim3A_94 : i32 to vector<16xi32>
      %broadcast_in_dim3A_96 = arith.constant 0 : i32
      %broadcast_in_dim3A_97 = vector.broadcast %broadcast_in_dim3A_96 : i32 to vector<16xi32>
      %broadcast_in_dim3A_98 = arith.constant 0 : i32
      %broadcast_in_dim3A_99 = vector.broadcast %broadcast_in_dim3A_98 : i32 to vector<16xi32>
      %broadcast_in_dim3A_100 = arith.constant 0 : i32
      %broadcast_in_dim3A_101 = vector.broadcast %broadcast_in_dim3A_100 : i32 to vector<16xi32>
      %add3A_102 = arith.constant 255 : i32
      %add3A_103 = vector.broadcast %add3A_102 : i32 to vector<16xi32>
      %add3A_104 = arith.addi %broadcast_in_dim3A_95, %add3A_103 : vector<16xi32>
      %gather3A = tpu.vector_load_idx %arg6[%add3A_104] : memref<512xi32, #tpu.memory_space<vmem>>[vector<16xi32>], vector<16xi32>,
      %add3A_105 = arith.constant 255 : i32
      %add3A_106 = vector.broadcast %add3A_105 : i32 to vector<16xi32>
      %add3A_107 = arith.addi %broadcast_in_dim3A_97, %add3A_106 : vector<16xi32>
      %gather3A_108 = tpu.vector_load_idx %arg6[%add3A_107] : memref<512xi32, #tpu.memory_space<vmem>>[vector<16xi32>], vector<16xi32>,
      %add3A_109 = arith.constant 255 : i32
      %add3A_110 = vector.broadcast %add3A_109 : i32 to vector<16xi32>
      %add3A_111 = arith.addi %broadcast_in_dim3A_99, %add3A_110 : vector<16xi32>
      %gather3A_112 = tpu.vector_load_idx %arg6[%add3A_111] : memref<512xi32, #tpu.memory_space<vmem>>[vector<16xi32>], vector<16xi32>,
      %add3A_113 = arith.constant 255 : i32
      %add3A_114 = vector.broadcast %add3A_113 : i32 to vector<16xi32>
      %add3A_115 = arith.addi %broadcast_in_dim3A_101, %add3A_114 : vector<16xi32>
      %gather3A_116 = tpu.vector_load_idx %arg6[%add3A_115] : memref<512xi32, #tpu.memory_space<vmem>>[vector<16xi32>], vector<16xi32>,
      %le3A = arith.cmpi sle, %gather3A, %shift_right_logical3A_84 : vector<16xi32>
      %jit3A = arith.constant 256 : i32
      %jit3A_117 = arith.constant 0 : i32
      %broadcast_in_dim3A_118 = vector.broadcast %jit3A : i32 to vector<16xi32>
      %broadcast_in_dim3A_119 = vector.broadcast %jit3A_117 : i32 to vector<16xi32>
      %select_n3A = arith.select %le3A, %broadcast_in_dim3A_118, %broadcast_in_dim3A_119 : vector<16xi1>, vector<16xi32>
      %add3A_120 = arith.addi %broadcast_in_dim3A_95, %select_n3A : vector<16xi32>
      %le3A_121 = arith.cmpi sle, %gather3A_108, %shift_right_logical3A_87 : vector<16xi32>
      %jit3A_122 = arith.constant 256 : i32
      %jit3A_123 = arith.constant 0 : i32
      %broadcast_in_dim3A_124 = vector.broadcast %jit3A_122 : i32 to vector<16xi32>
      %broadcast_in_dim3A_125 = vector.broadcast %jit3A_123 : i32 to vector<16xi32>
      %select_n3A_126 = arith.select %le3A_121, %broadcast_in_dim3A_124, %broadcast_in_dim3A_125 : vector<16xi1>, vector<16xi32>
      %add3A_127 = arith.addi %broadcast_in_dim3A_97, %select_n3A_126 : vector<16xi32>
      %le3A_128 = arith.cmpi sle, %gather3A_112, %shift_right_logical3A_90 : vector<16xi32>
      %jit3A_129 = arith.constant 256 : i32
      %jit3A_130 = arith.constant 0 : i32
      %broadcast_in_dim3A_131 = vector.broadcast %jit3A_129 : i32 to vector<16xi32>
      %broadcast_in_dim3A_132 = vector.broadcast %jit3A_130 : i32 to vector<16xi32>
      %select_n3A_133 = arith.select %le3A_128, %broadcast_in_dim3A_131, %broadcast_in_dim3A_132 : vector<16xi1>, vector<16xi32>
      %add3A_134 = arith.addi %broadcast_in_dim3A_99, %select_n3A_133 : vector<16xi32>
      %le3A_135 = arith.cmpi sle, %gather3A_116, %shift_right_logical3A_93 : vector<16xi32>
      %jit3A_136 = arith.constant 256 : i32
      %jit3A_137 = arith.constant 0 : i32
      %broadcast_in_dim3A_138 = vector.broadcast %jit3A_136 : i32 to vector<16xi32>
      %broadcast_in_dim3A_139 = vector.broadcast %jit3A_137 : i32 to vector<16xi32>
      %select_n3A_140 = arith.select %le3A_135, %broadcast_in_dim3A_138, %broadcast_in_dim3A_139 : vector<16xi1>, vector<16xi32>
      %add3A_141 = arith.addi %broadcast_in_dim3A_101, %select_n3A_140 : vector<16xi32>
      %add3A_142 = arith.constant 127 : i32
      %add3A_143 = vector.broadcast %add3A_142 : i32 to vector<16xi32>
      %add3A_144 = arith.addi %add3A_120, %add3A_143 : vector<16xi32>
      %gather3A_145 = tpu.vector_load_idx %arg6[%add3A_144] : memref<512xi32, #tpu.memory_space<vmem>>[vector<16xi32>], vector<16xi32>,
      %add3A_146 = arith.constant 127 : i32
      %add3A_147 = vector.broadcast %add3A_146 : i32 to vector<16xi32>
      %add3A_148 = arith.addi %add3A_127, %add3A_147 : vector<16xi32>
      %gather3A_149 = tpu.vector_load_idx %arg6[%add3A_148] : memref<512xi32, #tpu.memory_space<vmem>>[vector<16xi32>], vector<16xi32>,
      %add3A_150 = arith.constant 127 : i32
      %add3A_151 = vector.broadcast %add3A_150 : i32 to vector<16xi32>
      %add3A_152 = arith.addi %add3A_134, %add3A_151 : vector<16xi32>
      %gather3A_153 = tpu.vector_load_idx %arg6[%add3A_152] : memref<512xi32, #tpu.memory_space<vmem>>[vector<16xi32>], vector<16xi32>,
      %add3A_154 = arith.constant 127 : i32
      %add3A_155 = vector.broadcast %add3A_154 : i32 to vector<16xi32>
      %add3A_156 = arith.addi %add3A_141, %add3A_155 : vector<16xi32>
      %gather3A_157 = tpu.vector_load_idx %arg6[%add3A_156] : memref<512xi32, #tpu.memory_space<vmem>>[vector<16xi32>], vector<16xi32>,
      %le3A_158 = arith.cmpi sle, %gather3A_145, %shift_right_logical3A_84 : vector<16xi32>
      %jit3A_159 = arith.constant 128 : i32
      %jit3A_160 = arith.constant 0 : i32
      %broadcast_in_dim3A_161 = vector.broadcast %jit3A_159 : i32 to vector<16xi32>
      %broadcast_in_dim3A_162 = vector.broadcast %jit3A_160 : i32 to vector<16xi32>
      %select_n3A_163 = arith.select %le3A_158, %broadcast_in_dim3A_161, %broadcast_in_dim3A_162 : vector<16xi1>, vector<16xi32>
      %add3A_164 = arith.addi %add3A_120, %select_n3A_163 : vector<16xi32>
      %le3A_165 = arith.cmpi sle, %gather3A_149, %shift_right_logical3A_87 : vector<16xi32>
      %jit3A_166 = arith.constant 128 : i32
      %jit3A_167 = arith.constant 0 : i32
      %broadcast_in_dim3A_168 = vector.broadcast %jit3A_166 : i32 to vector<16xi32>
      %broadcast_in_dim3A_169 = vector.broadcast %jit3A_167 : i32 to vector<16xi32>
      %select_n3A_170 = arith.select %le3A_165, %broadcast_in_dim3A_168, %broadcast_in_dim3A_169 : vector<16xi1>, vector<16xi32>
      %add3A_171 = arith.addi %add3A_127, %select_n3A_170 : vector<16xi32>
      %le3A_172 = arith.cmpi sle, %gather3A_153, %shift_right_logical3A_90 : vector<16xi32>
      %jit3A_173 = arith.constant 128 : i32
      %jit3A_174 = arith.constant 0 : i32
      %broadcast_in_dim3A_175 = vector.broadcast %jit3A_173 : i32 to vector<16xi32>
      %broadcast_in_dim3A_176 = vector.broadcast %jit3A_174 : i32 to vector<16xi32>
      %select_n3A_177 = arith.select %le3A_172, %broadcast_in_dim3A_175, %broadcast_in_dim3A_176 : vector<16xi1>, vector<16xi32>
      %add3A_178 = arith.addi %add3A_134, %select_n3A_177 : vector<16xi32>
      %le3A_179 = arith.cmpi sle, %gather3A_157, %shift_right_logical3A_93 : vector<16xi32>
      %jit3A_180 = arith.constant 128 : i32
      %jit3A_181 = arith.constant 0 : i32
      %broadcast_in_dim3A_182 = vector.broadcast %jit3A_180 : i32 to vector<16xi32>
      %broadcast_in_dim3A_183 = vector.broadcast %jit3A_181 : i32 to vector<16xi32>
      %select_n3A_184 = arith.select %le3A_179, %broadcast_in_dim3A_182, %broadcast_in_dim3A_183 : vector<16xi1>, vector<16xi32>
      %add3A_185 = arith.addi %add3A_141, %select_n3A_184 : vector<16xi32>
      %add3A_186 = arith.constant 63 : i32
      %add3A_187 = vector.broadcast %add3A_186 : i32 to vector<16xi32>
      %add3A_188 = arith.addi %add3A_164, %add3A_187 : vector<16xi32>
      %gather3A_189 = tpu.vector_load_idx %arg6[%add3A_188] : memref<512xi32, #tpu.memory_space<vmem>>[vector<16xi32>], vector<16xi32>,
      %add3A_190 = arith.constant 63 : i32
      %add3A_191 = vector.broadcast %add3A_190 : i32 to vector<16xi32>
      %add3A_192 = arith.addi %add3A_171, %add3A_191 : vector<16xi32>
      %gather3A_193 = tpu.vector_load_idx %arg6[%add3A_192] : memref<512xi32, #tpu.memory_space<vmem>>[vector<16xi32>], vector<16xi32>,
      %add3A_194 = arith.constant 63 : i32
      %add3A_195 = vector.broadcast %add3A_194 : i32 to vector<16xi32>
      %add3A_196 = arith.addi %add3A_178, %add3A_195 : vector<16xi32>
      %gather3A_197 = tpu.vector_load_idx %arg6[%add3A_196] : memref<512xi32, #tpu.memory_space<vmem>>[vector<16xi32>], vector<16xi32>,
      %add3A_198 = arith.constant 63 : i32
      %add3A_199 = vector.broadcast %add3A_198 : i32 to vector<16xi32>
      %add3A_200 = arith.addi %add3A_185, %add3A_199 : vector<16xi32>
      %gather3A_201 = tpu.vector_load_idx %arg6[%add3A_200] : memref<512xi32, #tpu.memory_space<vmem>>[vector<16xi32>], vector<16xi32>,
      %le3A_202 = arith.cmpi sle, %gather3A_189, %shift_right_logical3A_84 : vector<16xi32>
      %jit3A_203 = arith.constant 64 : i32
      %jit3A_204 = arith.constant 0 : i32
      %broadcast_in_dim3A_205 = vector.broadcast %jit3A_203 : i32 to vector<16xi32>
      %broadcast_in_dim3A_206 = vector.broadcast %jit3A_204 : i32 to vector<16xi32>
      %select_n3A_207 = arith.select %le3A_202, %broadcast_in_dim3A_205, %broadcast_in_dim3A_206 : vector<16xi1>, vector<16xi32>
      %add3A_208 = arith.addi %add3A_164, %select_n3A_207 : vector<16xi32>
      %le3A_209 = arith.cmpi sle, %gather3A_193, %shift_right_logical3A_87 : vector<16xi32>
      %jit3A_210 = arith.constant 64 : i32
      %jit3A_211 = arith.constant 0 : i32
      %broadcast_in_dim3A_212 = vector.broadcast %jit3A_210 : i32 to vector<16xi32>
      %broadcast_in_dim3A_213 = vector.broadcast %jit3A_211 : i32 to vector<16xi32>
      %select_n3A_214 = arith.select %le3A_209, %broadcast_in_dim3A_212, %broadcast_in_dim3A_213 : vector<16xi1>, vector<16xi32>
      %add3A_215 = arith.addi %add3A_171, %select_n3A_214 : vector<16xi32>
      %le3A_216 = arith.cmpi sle, %gather3A_197, %shift_right_logical3A_90 : vector<16xi32>
      %jit3A_217 = arith.constant 64 : i32
      %jit3A_218 = arith.constant 0 : i32
      %broadcast_in_dim3A_219 = vector.broadcast %jit3A_217 : i32 to vector<16xi32>
      %broadcast_in_dim3A_220 = vector.broadcast %jit3A_218 : i32 to vector<16xi32>
      %select_n3A_221 = arith.select %le3A_216, %broadcast_in_dim3A_219, %broadcast_in_dim3A_220 : vector<16xi1>, vector<16xi32>
      %add3A_222 = arith.addi %add3A_178, %select_n3A_221 : vector<16xi32>
      %le3A_223 = arith.cmpi sle, %gather3A_201, %shift_right_logical3A_93 : vector<16xi32>
      %jit3A_224 = arith.constant 64 : i32
      %jit3A_225 = arith.constant 0 : i32
      %broadcast_in_dim3A_226 = vector.broadcast %jit3A_224 : i32 to vector<16xi32>
      %broadcast_in_dim3A_227 = vector.broadcast %jit3A_225 : i32 to vector<16xi32>
      %select_n3A_228 = arith.select %le3A_223, %broadcast_in_dim3A_226, %broadcast_in_dim3A_227 : vector<16xi1>, vector<16xi32>
      %add3A_229 = arith.addi %add3A_185, %select_n3A_228 : vector<16xi32>
      %add3A_230 = arith.constant 31 : i32
      %add3A_231 = vector.broadcast %add3A_230 : i32 to vector<16xi32>
      %add3A_232 = arith.addi %add3A_208, %add3A_231 : vector<16xi32>
      %gather3A_233 = tpu.vector_load_idx %arg6[%add3A_232] : memref<512xi32, #tpu.memory_space<vmem>>[vector<16xi32>], vector<16xi32>,
      %add3A_234 = arith.constant 31 : i32
      %add3A_235 = vector.broadcast %add3A_234 : i32 to vector<16xi32>
      %add3A_236 = arith.addi %add3A_215, %add3A_235 : vector<16xi32>
      %gather3A_237 = tpu.vector_load_idx %arg6[%add3A_236] : memref<512xi32, #tpu.memory_space<vmem>>[vector<16xi32>], vector<16xi32>,
      %add3A_238 = arith.constant 31 : i32
      %add3A_239 = vector.broadcast %add3A_238 : i32 to vector<16xi32>
      %add3A_240 = arith.addi %add3A_222, %add3A_239 : vector<16xi32>
      %gather3A_241 = tpu.vector_load_idx %arg6[%add3A_240] : memref<512xi32, #tpu.memory_space<vmem>>[vector<16xi32>], vector<16xi32>,
      %add3A_242 = arith.constant 31 : i32
      %add3A_243 = vector.broadcast %add3A_242 : i32 to vector<16xi32>
      %add3A_244 = arith.addi %add3A_229, %add3A_243 : vector<16xi32>
      %gather3A_245 = tpu.vector_load_idx %arg6[%add3A_244] : memref<512xi32, #tpu.memory_space<vmem>>[vector<16xi32>], vector<16xi32>,
      %le3A_246 = arith.cmpi sle, %gather3A_233, %shift_right_logical3A_84 : vector<16xi32>
      %jit3A_247 = arith.constant 32 : i32
      %jit3A_248 = arith.constant 0 : i32
      %broadcast_in_dim3A_249 = vector.broadcast %jit3A_247 : i32 to vector<16xi32>
      %broadcast_in_dim3A_250 = vector.broadcast %jit3A_248 : i32 to vector<16xi32>
      %select_n3A_251 = arith.select %le3A_246, %broadcast_in_dim3A_249, %broadcast_in_dim3A_250 : vector<16xi1>, vector<16xi32>
      %add3A_252 = arith.addi %add3A_208, %select_n3A_251 : vector<16xi32>
      %le3A_253 = arith.cmpi sle, %gather3A_237, %shift_right_logical3A_87 : vector<16xi32>
      %jit3A_254 = arith.constant 32 : i32
      %jit3A_255 = arith.constant 0 : i32
      %broadcast_in_dim3A_256 = vector.broadcast %jit3A_254 : i32 to vector<16xi32>
      %broadcast_in_dim3A_257 = vector.broadcast %jit3A_255 : i32 to vector<16xi32>
      %select_n3A_258 = arith.select %le3A_253, %broadcast_in_dim3A_256, %broadcast_in_dim3A_257 : vector<16xi1>, vector<16xi32>
      %add3A_259 = arith.addi %add3A_215, %select_n3A_258 : vector<16xi32>
      %le3A_260 = arith.cmpi sle, %gather3A_241, %shift_right_logical3A_90 : vector<16xi32>
      %jit3A_261 = arith.constant 32 : i32
      %jit3A_262 = arith.constant 0 : i32
      %broadcast_in_dim3A_263 = vector.broadcast %jit3A_261 : i32 to vector<16xi32>
      %broadcast_in_dim3A_264 = vector.broadcast %jit3A_262 : i32 to vector<16xi32>
      %select_n3A_265 = arith.select %le3A_260, %broadcast_in_dim3A_263, %broadcast_in_dim3A_264 : vector<16xi1>, vector<16xi32>
      %add3A_266 = arith.addi %add3A_222, %select_n3A_265 : vector<16xi32>
      %le3A_267 = arith.cmpi sle, %gather3A_245, %shift_right_logical3A_93 : vector<16xi32>
      %jit3A_268 = arith.constant 32 : i32
      %jit3A_269 = arith.constant 0 : i32
      %broadcast_in_dim3A_270 = vector.broadcast %jit3A_268 : i32 to vector<16xi32>
      %broadcast_in_dim3A_271 = vector.broadcast %jit3A_269 : i32 to vector<16xi32>
      %select_n3A_272 = arith.select %le3A_267, %broadcast_in_dim3A_270, %broadcast_in_dim3A_271 : vector<16xi1>, vector<16xi32>
      %add3A_273 = arith.addi %add3A_229, %select_n3A_272 : vector<16xi32>
      %add3A_274 = arith.constant 15 : i32
      %add3A_275 = vector.broadcast %add3A_274 : i32 to vector<16xi32>
      %add3A_276 = arith.addi %add3A_252, %add3A_275 : vector<16xi32>
      %gather3A_277 = tpu.vector_load_idx %arg6[%add3A_276] : memref<512xi32, #tpu.memory_space<vmem>>[vector<16xi32>], vector<16xi32>,
      %add3A_278 = arith.constant 15 : i32
      %add3A_279 = vector.broadcast %add3A_278 : i32 to vector<16xi32>
      %add3A_280 = arith.addi %add3A_259, %add3A_279 : vector<16xi32>
      %gather3A_281 = tpu.vector_load_idx %arg6[%add3A_280] : memref<512xi32, #tpu.memory_space<vmem>>[vector<16xi32>], vector<16xi32>,
      %add3A_282 = arith.constant 15 : i32
      %add3A_283 = vector.broadcast %add3A_282 : i32 to vector<16xi32>
      %add3A_284 = arith.addi %add3A_266, %add3A_283 : vector<16xi32>
      %gather3A_285 = tpu.vector_load_idx %arg6[%add3A_284] : memref<512xi32, #tpu.memory_space<vmem>>[vector<16xi32>], vector<16xi32>,
      %add3A_286 = arith.constant 15 : i32
      %add3A_287 = vector.broadcast %add3A_286 : i32 to vector<16xi32>
      %add3A_288 = arith.addi %add3A_273, %add3A_287 : vector<16xi32>
      %gather3A_289 = tpu.vector_load_idx %arg6[%add3A_288] : memref<512xi32, #tpu.memory_space<vmem>>[vector<16xi32>], vector<16xi32>,
      %le3A_290 = arith.cmpi sle, %gather3A_277, %shift_right_logical3A_84 : vector<16xi32>
      %jit3A_291 = arith.constant 16 : i32
      %jit3A_292 = arith.constant 0 : i32
      %broadcast_in_dim3A_293 = vector.broadcast %jit3A_291 : i32 to vector<16xi32>
      %broadcast_in_dim3A_294 = vector.broadcast %jit3A_292 : i32 to vector<16xi32>
      %select_n3A_295 = arith.select %le3A_290, %broadcast_in_dim3A_293, %broadcast_in_dim3A_294 : vector<16xi1>, vector<16xi32>
      %add3A_296 = arith.addi %add3A_252, %select_n3A_295 : vector<16xi32>
      %le3A_297 = arith.cmpi sle, %gather3A_281, %shift_right_logical3A_87 : vector<16xi32>
      %jit3A_298 = arith.constant 16 : i32
      %jit3A_299 = arith.constant 0 : i32
      %broadcast_in_dim3A_300 = vector.broadcast %jit3A_298 : i32 to vector<16xi32>
      %broadcast_in_dim3A_301 = vector.broadcast %jit3A_299 : i32 to vector<16xi32>
      %select_n3A_302 = arith.select %le3A_297, %broadcast_in_dim3A_300, %broadcast_in_dim3A_301 : vector<16xi1>, vector<16xi32>
      %add3A_303 = arith.addi %add3A_259, %select_n3A_302 : vector<16xi32>
      %le3A_304 = arith.cmpi sle, %gather3A_285, %shift_right_logical3A_90 : vector<16xi32>
      %jit3A_305 = arith.constant 16 : i32
      %jit3A_306 = arith.constant 0 : i32
      %broadcast_in_dim3A_307 = vector.broadcast %jit3A_305 : i32 to vector<16xi32>
      %broadcast_in_dim3A_308 = vector.broadcast %jit3A_306 : i32 to vector<16xi32>
      %select_n3A_309 = arith.select %le3A_304, %broadcast_in_dim3A_307, %broadcast_in_dim3A_308 : vector<16xi1>, vector<16xi32>
      %add3A_310 = arith.addi %add3A_266, %select_n3A_309 : vector<16xi32>
      %le3A_311 = arith.cmpi sle, %gather3A_289, %shift_right_logical3A_93 : vector<16xi32>
      %jit3A_312 = arith.constant 16 : i32
      %jit3A_313 = arith.constant 0 : i32
      %broadcast_in_dim3A_314 = vector.broadcast %jit3A_312 : i32 to vector<16xi32>
      %broadcast_in_dim3A_315 = vector.broadcast %jit3A_313 : i32 to vector<16xi32>
      %select_n3A_316 = arith.select %le3A_311, %broadcast_in_dim3A_314, %broadcast_in_dim3A_315 : vector<16xi1>, vector<16xi32>
      %add3A_317 = arith.addi %add3A_273, %select_n3A_316 : vector<16xi32>
      %add3A_318 = arith.constant 7 : i32
      %add3A_319 = vector.broadcast %add3A_318 : i32 to vector<16xi32>
      %add3A_320 = arith.addi %add3A_296, %add3A_319 : vector<16xi32>
      %gather3A_321 = tpu.vector_load_idx %arg6[%add3A_320] : memref<512xi32, #tpu.memory_space<vmem>>[vector<16xi32>], vector<16xi32>,
      %add3A_322 = arith.constant 7 : i32
      %add3A_323 = vector.broadcast %add3A_322 : i32 to vector<16xi32>
      %add3A_324 = arith.addi %add3A_303, %add3A_323 : vector<16xi32>
      %gather3A_325 = tpu.vector_load_idx %arg6[%add3A_324] : memref<512xi32, #tpu.memory_space<vmem>>[vector<16xi32>], vector<16xi32>,
      %add3A_326 = arith.constant 7 : i32
      %add3A_327 = vector.broadcast %add3A_326 : i32 to vector<16xi32>
      %add3A_328 = arith.addi %add3A_310, %add3A_327 : vector<16xi32>
      %gather3A_329 = tpu.vector_load_idx %arg6[%add3A_328] : memref<512xi32, #tpu.memory_space<vmem>>[vector<16xi32>], vector<16xi32>,
      %add3A_330 = arith.constant 7 : i32
      %add3A_331 = vector.broadcast %add3A_330 : i32 to vector<16xi32>
      %add3A_332 = arith.addi %add3A_317, %add3A_331 : vector<16xi32>
      %gather3A_333 = tpu.vector_load_idx %arg6[%add3A_332] : memref<512xi32, #tpu.memory_space<vmem>>[vector<16xi32>], vector<16xi32>,
      %le3A_334 = arith.cmpi sle, %gather3A_321, %shift_right_logical3A_84 : vector<16xi32>
      %jit3A_335 = arith.constant 8 : i32
      %jit3A_336 = arith.constant 0 : i32
      %broadcast_in_dim3A_337 = vector.broadcast %jit3A_335 : i32 to vector<16xi32>
      %broadcast_in_dim3A_338 = vector.broadcast %jit3A_336 : i32 to vector<16xi32>
      %select_n3A_339 = arith.select %le3A_334, %broadcast_in_dim3A_337, %broadcast_in_dim3A_338 : vector<16xi1>, vector<16xi32>
      %add3A_340 = arith.addi %add3A_296, %select_n3A_339 : vector<16xi32>
      %le3A_341 = arith.cmpi sle, %gather3A_325, %shift_right_logical3A_87 : vector<16xi32>
      %jit3A_342 = arith.constant 8 : i32
      %jit3A_343 = arith.constant 0 : i32
      %broadcast_in_dim3A_344 = vector.broadcast %jit3A_342 : i32 to vector<16xi32>
      %broadcast_in_dim3A_345 = vector.broadcast %jit3A_343 : i32 to vector<16xi32>
      %select_n3A_346 = arith.select %le3A_341, %broadcast_in_dim3A_344, %broadcast_in_dim3A_345 : vector<16xi1>, vector<16xi32>
      %add3A_347 = arith.addi %add3A_303, %select_n3A_346 : vector<16xi32>
      %le3A_348 = arith.cmpi sle, %gather3A_329, %shift_right_logical3A_90 : vector<16xi32>
      %jit3A_349 = arith.constant 8 : i32
      %jit3A_350 = arith.constant 0 : i32
      %broadcast_in_dim3A_351 = vector.broadcast %jit3A_349 : i32 to vector<16xi32>
      %broadcast_in_dim3A_352 = vector.broadcast %jit3A_350 : i32 to vector<16xi32>
      %select_n3A_353 = arith.select %le3A_348, %broadcast_in_dim3A_351, %broadcast_in_dim3A_352 : vector<16xi1>, vector<16xi32>
      %add3A_354 = arith.addi %add3A_310, %select_n3A_353 : vector<16xi32>
      %le3A_355 = arith.cmpi sle, %gather3A_333, %shift_right_logical3A_93 : vector<16xi32>
      %jit3A_356 = arith.constant 8 : i32
      %jit3A_357 = arith.constant 0 : i32
      %broadcast_in_dim3A_358 = vector.broadcast %jit3A_356 : i32 to vector<16xi32>
      %broadcast_in_dim3A_359 = vector.broadcast %jit3A_357 : i32 to vector<16xi32>
      %select_n3A_360 = arith.select %le3A_355, %broadcast_in_dim3A_358, %broadcast_in_dim3A_359 : vector<16xi1>, vector<16xi32>
      %add3A_361 = arith.addi %add3A_317, %select_n3A_360 : vector<16xi32>
      %add3A_362 = arith.constant 3 : i32
      %add3A_363 = vector.broadcast %add3A_362 : i32 to vector<16xi32>
      %add3A_364 = arith.addi %add3A_340, %add3A_363 : vector<16xi32>
      %gather3A_365 = tpu.vector_load_idx %arg6[%add3A_364] : memref<512xi32, #tpu.memory_space<vmem>>[vector<16xi32>], vector<16xi32>,
      %add3A_366 = arith.constant 3 : i32
      %add3A_367 = vector.broadcast %add3A_366 : i32 to vector<16xi32>
      %add3A_368 = arith.addi %add3A_347, %add3A_367 : vector<16xi32>
      %gather3A_369 = tpu.vector_load_idx %arg6[%add3A_368] : memref<512xi32, #tpu.memory_space<vmem>>[vector<16xi32>], vector<16xi32>,
      %add3A_370 = arith.constant 3 : i32
      %add3A_371 = vector.broadcast %add3A_370 : i32 to vector<16xi32>
      %add3A_372 = arith.addi %add3A_354, %add3A_371 : vector<16xi32>
      %gather3A_373 = tpu.vector_load_idx %arg6[%add3A_372] : memref<512xi32, #tpu.memory_space<vmem>>[vector<16xi32>], vector<16xi32>,
      %add3A_374 = arith.constant 3 : i32
      %add3A_375 = vector.broadcast %add3A_374 : i32 to vector<16xi32>
      %add3A_376 = arith.addi %add3A_361, %add3A_375 : vector<16xi32>
      %gather3A_377 = tpu.vector_load_idx %arg6[%add3A_376] : memref<512xi32, #tpu.memory_space<vmem>>[vector<16xi32>], vector<16xi32>,
      %le3A_378 = arith.cmpi sle, %gather3A_365, %shift_right_logical3A_84 : vector<16xi32>
      %jit3A_379 = arith.constant 4 : i32
      %jit3A_380 = arith.constant 0 : i32
      %broadcast_in_dim3A_381 = vector.broadcast %jit3A_379 : i32 to vector<16xi32>
      %broadcast_in_dim3A_382 = vector.broadcast %jit3A_380 : i32 to vector<16xi32>
      %select_n3A_383 = arith.select %le3A_378, %broadcast_in_dim3A_381, %broadcast_in_dim3A_382 : vector<16xi1>, vector<16xi32>
      %add3A_384 = arith.addi %add3A_340, %select_n3A_383 : vector<16xi32>
      %le3A_385 = arith.cmpi sle, %gather3A_369, %shift_right_logical3A_87 : vector<16xi32>
      %jit3A_386 = arith.constant 4 : i32
      %jit3A_387 = arith.constant 0 : i32
      %broadcast_in_dim3A_388 = vector.broadcast %jit3A_386 : i32 to vector<16xi32>
      %broadcast_in_dim3A_389 = vector.broadcast %jit3A_387 : i32 to vector<16xi32>
      %select_n3A_390 = arith.select %le3A_385, %broadcast_in_dim3A_388, %broadcast_in_dim3A_389 : vector<16xi1>, vector<16xi32>
      %add3A_391 = arith.addi %add3A_347, %select_n3A_390 : vector<16xi32>
      %le3A_392 = arith.cmpi sle, %gather3A_373, %shift_right_logical3A_90 : vector<16xi32>
      %jit3A_393 = arith.constant 4 : i32
      %jit3A_394 = arith.constant 0 : i32
      %broadcast_in_dim3A_395 = vector.broadcast %jit3A_393 : i32 to vector<16xi32>
      %broadcast_in_dim3A_396 = vector.broadcast %jit3A_394 : i32 to vector<16xi32>
      %select_n3A_397 = arith.select %le3A_392, %broadcast_in_dim3A_395, %broadcast_in_dim3A_396 : vector<16xi1>, vector<16xi32>
      %add3A_398 = arith.addi %add3A_354, %select_n3A_397 : vector<16xi32>
      %le3A_399 = arith.cmpi sle, %gather3A_377, %shift_right_logical3A_93 : vector<16xi32>
      %jit3A_400 = arith.constant 4 : i32
      %jit3A_401 = arith.constant 0 : i32
      %broadcast_in_dim3A_402 = vector.broadcast %jit3A_400 : i32 to vector<16xi32>
      %broadcast_in_dim3A_403 = vector.broadcast %jit3A_401 : i32 to vector<16xi32>
      %select_n3A_404 = arith.select %le3A_399, %broadcast_in_dim3A_402, %broadcast_in_dim3A_403 : vector<16xi1>, vector<16xi32>
      %add3A_405 = arith.addi %add3A_361, %select_n3A_404 : vector<16xi32>
      %add3A_406 = arith.constant 1 : i32
      %add3A_407 = vector.broadcast %add3A_406 : i32 to vector<16xi32>
      %add3A_408 = arith.addi %add3A_384, %add3A_407 : vector<16xi32>
      %gather3A_409 = tpu.vector_load_idx %arg6[%add3A_408] : memref<512xi32, #tpu.memory_space<vmem>>[vector<16xi32>], vector<16xi32>,
      %add3A_410 = arith.constant 1 : i32
      %add3A_411 = vector.broadcast %add3A_410 : i32 to vector<16xi32>
      %add3A_412 = arith.addi %add3A_391, %add3A_411 : vector<16xi32>
      %gather3A_413 = tpu.vector_load_idx %arg6[%add3A_412] : memref<512xi32, #tpu.memory_space<vmem>>[vector<16xi32>], vector<16xi32>,
      %add3A_414 = arith.constant 1 : i32
      %add3A_415 = vector.broadcast %add3A_414 : i32 to vector<16xi32>
      %add3A_416 = arith.addi %add3A_398, %add3A_415 : vector<16xi32>
      %gather3A_417 = tpu.vector_load_idx %arg6[%add3A_416] : memref<512xi32, #tpu.memory_space<vmem>>[vector<16xi32>], vector<16xi32>,
      %add3A_418 = arith.constant 1 : i32
      %add3A_419 = vector.broadcast %add3A_418 : i32 to vector<16xi32>
      %add3A_420 = arith.addi %add3A_405, %add3A_419 : vector<16xi32>
      %gather3A_421 = tpu.vector_load_idx %arg6[%add3A_420] : memref<512xi32, #tpu.memory_space<vmem>>[vector<16xi32>], vector<16xi32>,
      %le3A_422 = arith.cmpi sle, %gather3A_409, %shift_right_logical3A_84 : vector<16xi32>
      %jit3A_423 = arith.constant 2 : i32
      %jit3A_424 = arith.constant 0 : i32
      %broadcast_in_dim3A_425 = vector.broadcast %jit3A_423 : i32 to vector<16xi32>
      %broadcast_in_dim3A_426 = vector.broadcast %jit3A_424 : i32 to vector<16xi32>
      %select_n3A_427 = arith.select %le3A_422, %broadcast_in_dim3A_425, %broadcast_in_dim3A_426 : vector<16xi1>, vector<16xi32>
      %add3A_428 = arith.addi %add3A_384, %select_n3A_427 : vector<16xi32>
      %le3A_429 = arith.cmpi sle, %gather3A_413, %shift_right_logical3A_87 : vector<16xi32>
      %jit3A_430 = arith.constant 2 : i32
      %jit3A_431 = arith.constant 0 : i32
      %broadcast_in_dim3A_432 = vector.broadcast %jit3A_430 : i32 to vector<16xi32>
      %broadcast_in_dim3A_433 = vector.broadcast %jit3A_431 : i32 to vector<16xi32>
      %select_n3A_434 = arith.select %le3A_429, %broadcast_in_dim3A_432, %broadcast_in_dim3A_433 : vector<16xi1>, vector<16xi32>
      %add3A_435 = arith.addi %add3A_391, %select_n3A_434 : vector<16xi32>
      %le3A_436 = arith.cmpi sle, %gather3A_417, %shift_right_logical3A_90 : vector<16xi32>
      %jit3A_437 = arith.constant 2 : i32
      %jit3A_438 = arith.constant 0 : i32
      %broadcast_in_dim3A_439 = vector.broadcast %jit3A_437 : i32 to vector<16xi32>
      %broadcast_in_dim3A_440 = vector.broadcast %jit3A_438 : i32 to vector<16xi32>
      %select_n3A_441 = arith.select %le3A_436, %broadcast_in_dim3A_439, %broadcast_in_dim3A_440 : vector<16xi1>, vector<16xi32>
      %add3A_442 = arith.addi %add3A_398, %select_n3A_441 : vector<16xi32>
      %le3A_443 = arith.cmpi sle, %gather3A_421, %shift_right_logical3A_93 : vector<16xi32>
      %jit3A_444 = arith.constant 2 : i32
      %jit3A_445 = arith.constant 0 : i32
      %broadcast_in_dim3A_446 = vector.broadcast %jit3A_444 : i32 to vector<16xi32>
      %broadcast_in_dim3A_447 = vector.broadcast %jit3A_445 : i32 to vector<16xi32>
      %select_n3A_448 = arith.select %le3A_443, %broadcast_in_dim3A_446, %broadcast_in_dim3A_447 : vector<16xi1>, vector<16xi32>
      %add3A_449 = arith.addi %add3A_405, %select_n3A_448 : vector<16xi32>
      %add3A_450 = arith.constant 0 : i32
      %add3A_451 = vector.broadcast %add3A_450 : i32 to vector<16xi32>
      %add3A_452 = arith.addi %add3A_428, %add3A_451 : vector<16xi32>
      %gather3A_453 = tpu.vector_load_idx %arg6[%add3A_452] : memref<512xi32, #tpu.memory_space<vmem>>[vector<16xi32>], vector<16xi32>,
      %add3A_454 = arith.constant 0 : i32
      %add3A_455 = vector.broadcast %add3A_454 : i32 to vector<16xi32>
      %add3A_456 = arith.addi %add3A_435, %add3A_455 : vector<16xi32>
      %gather3A_457 = tpu.vector_load_idx %arg6[%add3A_456] : memref<512xi32, #tpu.memory_space<vmem>>[vector<16xi32>], vector<16xi32>,
      %add3A_458 = arith.constant 0 : i32
      %add3A_459 = vector.broadcast %add3A_458 : i32 to vector<16xi32>
      %add3A_460 = arith.addi %add3A_442, %add3A_459 : vector<16xi32>
      %gather3A_461 = tpu.vector_load_idx %arg6[%add3A_460] : memref<512xi32, #tpu.memory_space<vmem>>[vector<16xi32>], vector<16xi32>,
      %add3A_462 = arith.constant 0 : i32
      %add3A_463 = vector.broadcast %add3A_462 : i32 to vector<16xi32>
      %add3A_464 = arith.addi %add3A_449, %add3A_463 : vector<16xi32>
      %gather3A_465 = tpu.vector_load_idx %arg6[%add3A_464] : memref<512xi32, #tpu.memory_space<vmem>>[vector<16xi32>], vector<16xi32>,
      %le3A_466 = arith.cmpi sle, %gather3A_453, %shift_right_logical3A_84 : vector<16xi32>
      %jit3A_467 = arith.constant 1 : i32
      %jit3A_468 = arith.constant 0 : i32
      %broadcast_in_dim3A_469 = vector.broadcast %jit3A_467 : i32 to vector<16xi32>
      %broadcast_in_dim3A_470 = vector.broadcast %jit3A_468 : i32 to vector<16xi32>
      %select_n3A_471 = arith.select %le3A_466, %broadcast_in_dim3A_469, %broadcast_in_dim3A_470 : vector<16xi1>, vector<16xi32>
      %add3A_472 = arith.addi %add3A_428, %select_n3A_471 : vector<16xi32>
      %le3A_473 = arith.cmpi sle, %gather3A_457, %shift_right_logical3A_87 : vector<16xi32>
      %jit3A_474 = arith.constant 1 : i32
      %jit3A_475 = arith.constant 0 : i32
      %broadcast_in_dim3A_476 = vector.broadcast %jit3A_474 : i32 to vector<16xi32>
      %broadcast_in_dim3A_477 = vector.broadcast %jit3A_475 : i32 to vector<16xi32>
      %select_n3A_478 = arith.select %le3A_473, %broadcast_in_dim3A_476, %broadcast_in_dim3A_477 : vector<16xi1>, vector<16xi32>
      %add3A_479 = arith.addi %add3A_435, %select_n3A_478 : vector<16xi32>
      %le3A_480 = arith.cmpi sle, %gather3A_461, %shift_right_logical3A_90 : vector<16xi32>
      %jit3A_481 = arith.constant 1 : i32
      %jit3A_482 = arith.constant 0 : i32
      %broadcast_in_dim3A_483 = vector.broadcast %jit3A_481 : i32 to vector<16xi32>
      %broadcast_in_dim3A_484 = vector.broadcast %jit3A_482 : i32 to vector<16xi32>
      %select_n3A_485 = arith.select %le3A_480, %broadcast_in_dim3A_483, %broadcast_in_dim3A_484 : vector<16xi1>, vector<16xi32>
      %add3A_486 = arith.addi %add3A_442, %select_n3A_485 : vector<16xi32>
      %le3A_487 = arith.cmpi sle, %gather3A_465, %shift_right_logical3A_93 : vector<16xi32>
      %jit3A_488 = arith.constant 1 : i32
      %jit3A_489 = arith.constant 0 : i32
      %broadcast_in_dim3A_490 = vector.broadcast %jit3A_488 : i32 to vector<16xi32>
      %broadcast_in_dim3A_491 = vector.broadcast %jit3A_489 : i32 to vector<16xi32>
      %select_n3A_492 = arith.select %le3A_487, %broadcast_in_dim3A_490, %broadcast_in_dim3A_491 : vector<16xi1>, vector<16xi32>
      %add3A_493 = arith.addi %add3A_449, %select_n3A_492 : vector<16xi32>
      %sub3A = arith.constant 1 : i32
      %sub3A_494 = vector.broadcast %sub3A : i32 to vector<16xi32>
      %sub3A_495 = arith.subi %add3A_472, %sub3A_494 : vector<16xi32>
      %max3A = arith.constant 0 : i32
      %max3A_496 = vector.broadcast %max3A : i32 to vector<16xi32>
      %max3A_497 = arith.maxsi %sub3A_495, %max3A_496 : vector<16xi32>
      %gather3A_498 = tpu.vector_load_idx %arg6[%max3A_497] : memref<512xi32, #tpu.memory_space<vmem>>[vector<16xi32>], vector<16xi32>,
      %ge3A = arith.constant 1 : i32
      %ge3A_499 = vector.broadcast %ge3A : i32 to vector<16xi32>
      %ge3A_500 = arith.cmpi sge, %add3A_472, %ge3A_499 : vector<16xi32>
      %eq3A = arith.cmpi eq, %gather3A_498, %shift_right_logical3A_84 : vector<16xi32>
      %and3A_501 = arith.andi %ge3A_500, %eq3A : vector<16xi1>
      %shift_right_logical3A_502 = arith.constant 0 : i32
      %shift_right_logical3A_503 = vector.broadcast %shift_right_logical3A_502 : i32 to vector<16xi32>
      %shift_right_logical3A_504 = arith.shrui %and3A_49, %shift_right_logical3A_503 : vector<16xi32>
      %and3A_505 = arith.constant 255 : i32
      %and3A_506 = vector.broadcast %and3A_505 : i32 to vector<16xi32>
      %and3A_507 = arith.andi %shift_right_logical3A_504, %and3A_506 : vector<16xi32>
      %mul3A_508 = arith.constant 2 : i32
      %mul3A_509 = vector.broadcast %mul3A_508 : i32 to vector<16xi32>
      %mul3A_510 = arith.muli %max3A_497, %mul3A_509 : vector<16xi32>
      %shift_right_logical3A_511 = arith.constant 7 : i32
      %shift_right_logical3A_512 = vector.broadcast %shift_right_logical3A_511 : i32 to vector<16xi32>
      %shift_right_logical3A_513 = arith.shrui %and3A_507, %shift_right_logical3A_512 : vector<16xi32>
      %add3A_514 = arith.addi %mul3A_510, %shift_right_logical3A_513 : vector<16xi32>
      %jit3A_515 = arith.constant 0 : i32
      %broadcast_in_dim3A_516 = vector.broadcast %jit3A_515 : i32 to vector<16xi32>
      %select_n3A_517 = arith.select %and3A_501, %add3A_514, %broadcast_in_dim3A_516 : vector<16xi1>, vector<16xi32>
      %and3A_518 = arith.constant 127 : i32
      %and3A_519 = vector.broadcast %and3A_518 : i32 to vector<16xi32>
      %and3A_520 = arith.andi %and3A_507, %and3A_519 : vector<16xi32>
      tpu.vector_store_idx %arg7[%select_n3A_517, %and3A_520], %broadcast_in_dim3A_20 masked %and3A_501 {add = true} : memref<896x128xi32, #tpu.memory_space<vmem>>[vector<16xi32>, vector<16xi32>], vector<16xi32>, vector<16xi1>
      %sub3A_521 = arith.constant 1 : i32
      %sub3A_522 = vector.broadcast %sub3A_521 : i32 to vector<16xi32>
      %sub3A_523 = arith.subi %add3A_479, %sub3A_522 : vector<16xi32>
      %max3A_524 = arith.constant 0 : i32
      %max3A_525 = vector.broadcast %max3A_524 : i32 to vector<16xi32>
      %max3A_526 = arith.maxsi %sub3A_523, %max3A_525 : vector<16xi32>
      %gather3A_527 = tpu.vector_load_idx %arg6[%max3A_526] : memref<512xi32, #tpu.memory_space<vmem>>[vector<16xi32>], vector<16xi32>,
      %ge3A_528 = arith.constant 1 : i32
      %ge3A_529 = vector.broadcast %ge3A_528 : i32 to vector<16xi32>
      %ge3A_530 = arith.cmpi sge, %add3A_479, %ge3A_529 : vector<16xi32>
      %eq3A_531 = arith.cmpi eq, %gather3A_527, %shift_right_logical3A_87 : vector<16xi32>
      %and3A_532 = arith.andi %ge3A_530, %eq3A_531 : vector<16xi1>
      %shift_right_logical3A_533 = arith.constant 0 : i32
      %shift_right_logical3A_534 = vector.broadcast %shift_right_logical3A_533 : i32 to vector<16xi32>
      %shift_right_logical3A_535 = arith.shrui %and3A_60, %shift_right_logical3A_534 : vector<16xi32>
      %and3A_536 = arith.constant 255 : i32
      %and3A_537 = vector.broadcast %and3A_536 : i32 to vector<16xi32>
      %and3A_538 = arith.andi %shift_right_logical3A_535, %and3A_537 : vector<16xi32>
      %mul3A_539 = arith.constant 2 : i32
      %mul3A_540 = vector.broadcast %mul3A_539 : i32 to vector<16xi32>
      %mul3A_541 = arith.muli %max3A_526, %mul3A_540 : vector<16xi32>
      %shift_right_logical3A_542 = arith.constant 7 : i32
      %shift_right_logical3A_543 = vector.broadcast %shift_right_logical3A_542 : i32 to vector<16xi32>
      %shift_right_logical3A_544 = arith.shrui %and3A_538, %shift_right_logical3A_543 : vector<16xi32>
      %add3A_545 = arith.addi %mul3A_541, %shift_right_logical3A_544 : vector<16xi32>
      %jit3A_546 = arith.constant 0 : i32
      %broadcast_in_dim3A_547 = vector.broadcast %jit3A_546 : i32 to vector<16xi32>
      %select_n3A_548 = arith.select %and3A_532, %add3A_545, %broadcast_in_dim3A_547 : vector<16xi1>, vector<16xi32>
      %and3A_549 = arith.constant 127 : i32
      %and3A_550 = vector.broadcast %and3A_549 : i32 to vector<16xi32>
      %and3A_551 = arith.andi %and3A_538, %and3A_550 : vector<16xi32>
      tpu.vector_store_idx %arg7[%select_n3A_548, %and3A_551], %broadcast_in_dim3A_20 masked %and3A_532 {add = true} : memref<896x128xi32, #tpu.memory_space<vmem>>[vector<16xi32>, vector<16xi32>], vector<16xi32>, vector<16xi1>
      %sub3A_552 = arith.constant 1 : i32
      %sub3A_553 = vector.broadcast %sub3A_552 : i32 to vector<16xi32>
      %sub3A_554 = arith.subi %add3A_486, %sub3A_553 : vector<16xi32>
      %max3A_555 = arith.constant 0 : i32
      %max3A_556 = vector.broadcast %max3A_555 : i32 to vector<16xi32>
      %max3A_557 = arith.maxsi %sub3A_554, %max3A_556 : vector<16xi32>
      %gather3A_558 = tpu.vector_load_idx %arg6[%max3A_557] : memref<512xi32, #tpu.memory_space<vmem>>[vector<16xi32>], vector<16xi32>,
      %ge3A_559 = arith.constant 1 : i32
      %ge3A_560 = vector.broadcast %ge3A_559 : i32 to vector<16xi32>
      %ge3A_561 = arith.cmpi sge, %add3A_486, %ge3A_560 : vector<16xi32>
      %eq3A_562 = arith.cmpi eq, %gather3A_558, %shift_right_logical3A_90 : vector<16xi32>
      %and3A_563 = arith.andi %ge3A_561, %eq3A_562 : vector<16xi1>
      %shift_right_logical3A_564 = arith.constant 0 : i32
      %shift_right_logical3A_565 = vector.broadcast %shift_right_logical3A_564 : i32 to vector<16xi32>
      %shift_right_logical3A_566 = arith.shrui %and3A_71, %shift_right_logical3A_565 : vector<16xi32>
      %and3A_567 = arith.constant 255 : i32
      %and3A_568 = vector.broadcast %and3A_567 : i32 to vector<16xi32>
      %and3A_569 = arith.andi %shift_right_logical3A_566, %and3A_568 : vector<16xi32>
      %mul3A_570 = arith.constant 2 : i32
      %mul3A_571 = vector.broadcast %mul3A_570 : i32 to vector<16xi32>
      %mul3A_572 = arith.muli %max3A_557, %mul3A_571 : vector<16xi32>
      %shift_right_logical3A_573 = arith.constant 7 : i32
      %shift_right_logical3A_574 = vector.broadcast %shift_right_logical3A_573 : i32 to vector<16xi32>
      %shift_right_logical3A_575 = arith.shrui %and3A_569, %shift_right_logical3A_574 : vector<16xi32>
      %add3A_576 = arith.addi %mul3A_572, %shift_right_logical3A_575 : vector<16xi32>
      %jit3A_577 = arith.constant 0 : i32
      %broadcast_in_dim3A_578 = vector.broadcast %jit3A_577 : i32 to vector<16xi32>
      %select_n3A_579 = arith.select %and3A_563, %add3A_576, %broadcast_in_dim3A_578 : vector<16xi1>, vector<16xi32>
      %and3A_580 = arith.constant 127 : i32
      %and3A_581 = vector.broadcast %and3A_580 : i32 to vector<16xi32>
      %and3A_582 = arith.andi %and3A_569, %and3A_581 : vector<16xi32>
      tpu.vector_store_idx %arg7[%select_n3A_579, %and3A_582], %broadcast_in_dim3A_20 masked %and3A_563 {add = true} : memref<896x128xi32, #tpu.memory_space<vmem>>[vector<16xi32>, vector<16xi32>], vector<16xi32>, vector<16xi1>
      %sub3A_583 = arith.constant 1 : i32
      %sub3A_584 = vector.broadcast %sub3A_583 : i32 to vector<16xi32>
      %sub3A_585 = arith.subi %add3A_493, %sub3A_584 : vector<16xi32>
      %max3A_586 = arith.constant 0 : i32
      %max3A_587 = vector.broadcast %max3A_586 : i32 to vector<16xi32>
      %max3A_588 = arith.maxsi %sub3A_585, %max3A_587 : vector<16xi32>
      %gather3A_589 = tpu.vector_load_idx %arg6[%max3A_588] : memref<512xi32, #tpu.memory_space<vmem>>[vector<16xi32>], vector<16xi32>,
      %ge3A_590 = arith.constant 1 : i32
      %ge3A_591 = vector.broadcast %ge3A_590 : i32 to vector<16xi32>
      %ge3A_592 = arith.cmpi sge, %add3A_493, %ge3A_591 : vector<16xi32>
      %eq3A_593 = arith.cmpi eq, %gather3A_589, %shift_right_logical3A_93 : vector<16xi32>
      %and3A_594 = arith.andi %ge3A_592, %eq3A_593 : vector<16xi1>
      %shift_right_logical3A_595 = arith.constant 0 : i32
      %shift_right_logical3A_596 = vector.broadcast %shift_right_logical3A_595 : i32 to vector<16xi32>
      %shift_right_logical3A_597 = arith.shrui %and3A_82, %shift_right_logical3A_596 : vector<16xi32>
      %and3A_598 = arith.constant 255 : i32
      %and3A_599 = vector.broadcast %and3A_598 : i32 to vector<16xi32>
      %and3A_600 = arith.andi %shift_right_logical3A_597, %and3A_599 : vector<16xi32>
      %mul3A_601 = arith.constant 2 : i32
      %mul3A_602 = vector.broadcast %mul3A_601 : i32 to vector<16xi32>
      %mul3A_603 = arith.muli %max3A_588, %mul3A_602 : vector<16xi32>
      %shift_right_logical3A_604 = arith.constant 7 : i32
      %shift_right_logical3A_605 = vector.broadcast %shift_right_logical3A_604 : i32 to vector<16xi32>
      %shift_right_logical3A_606 = arith.shrui %and3A_600, %shift_right_logical3A_605 : vector<16xi32>
      %add3A_607 = arith.addi %mul3A_603, %shift_right_logical3A_606 : vector<16xi32>
      %jit3A_608 = arith.constant 0 : i32
      %broadcast_in_dim3A_609 = vector.broadcast %jit3A_608 : i32 to vector<16xi32>
      %select_n3A_610 = arith.select %and3A_594, %add3A_607, %broadcast_in_dim3A_609 : vector<16xi1>, vector<16xi32>
      %and3A_611 = arith.constant 127 : i32
      %and3A_612 = vector.broadcast %and3A_611 : i32 to vector<16xi32>
      %and3A_613 = arith.andi %and3A_600, %and3A_612 : vector<16xi32>
      tpu.vector_store_idx %arg7[%select_n3A_610, %and3A_613], %broadcast_in_dim3A_20 masked %and3A_594 {add = true} : memref<896x128xi32, #tpu.memory_space<vmem>>[vector<16xi32>, vector<16xi32>], vector<16xi32>, vector<16xi1>
      %scan3A_614 = arith.constant 0 : i32
      scf.yield %scan3A_614 : i32
    }
    %scan3A_27 = arith.constant 49 : i32
    %run_scoped3A = arith.constant 0 : i32
    "tpu.region"() ({
      %run_scoped3A_39 = tpu.sem_alloc : memref<!tpu.dma_semaphore, #tpu.memory_space<semaphore_mem>>
      %dma_start3A = arith.constant 0 : i32
      %dma_start3A_40 = arith.constant 0 : i32
      %dma_start3A_41 = tpu.memref_slice %arg7[%dma_start3A, %dma_start3A_40] : memref<896x128xi32, #tpu.memory_space<vmem>> -> memref<128x128xi32, #tpu.memory_space<vmem>>
      %dma_start3A_42 = arith.constant 0 : i32
      %dma_start3A_43 = tpu.memref_slice %arg8[%run_scoped3A, %dma_start3A_42] : memref<7x128xi32, #tpu.memory_space<vmem>> -> memref<1x128xi32, #tpu.memory_space<vmem>>
      %dma_start3A_44 = tpu.memref_squeeze %dma_start3A_43 : memref<1x128xi32, #tpu.memory_space<vmem>> -> memref<128xi32, #tpu.memory_space<vmem>>
      %dma_start3A_45 = arith.constant 0 : i32
      %dma_start3A_46 = arith.constant 0 : i32
      %dma_start3A_47 = tpu.memref_slice %arg9[%dma_start3A_45, %dma_start3A_46] : memref<896x128xi32, #tpu.memory_space<vmem_shared>> -> memref<896x128xi32, #tpu.memory_space<vmem_shared>>
      tpu.enqueue_indirect_dma source(%dma_start3A_41 : memref<128x128xi32, #tpu.memory_space<vmem>>) target(%dma_start3A_47 : memref<896x128xi32, #tpu.memory_space<vmem_shared>>) offsets(%dma_start3A_44 : memref<128xi32, #tpu.memory_space<vmem>>) semaphore(%run_scoped3A_39 : memref<!tpu.dma_semaphore, #tpu.memory_space<semaphore_mem>>) {add = true}
      %dma_wait3A = arith.constant 0 : i32
      %dma_wait3A_48 = arith.constant 0 : i32
      %dma_wait3A_49 = tpu.memref_slice %arg7[%dma_wait3A, %dma_wait3A_48] : memref<896x128xi32, #tpu.memory_space<vmem>> -> memref<128x128xi32, #tpu.memory_space<vmem>>
      %dma_wait3A_50 = arith.constant 0 : i32
      %dma_wait3A_51 = tpu.memref_slice %arg8[%run_scoped3A, %dma_wait3A_50] : memref<7x128xi32, #tpu.memory_space<vmem>> -> memref<1x128xi32, #tpu.memory_space<vmem>>
      %dma_wait3A_52 = tpu.memref_squeeze %dma_wait3A_51 : memref<1x128xi32, #tpu.memory_space<vmem>> -> memref<128xi32, #tpu.memory_space<vmem>>
      %dma_wait3A_53 = arith.constant 0 : i32
      %dma_wait3A_54 = arith.constant 0 : i32
      %dma_wait3A_55 = tpu.memref_slice %arg9[%dma_wait3A_53, %dma_wait3A_54] : memref<896x128xi32, #tpu.memory_space<vmem_shared>> -> memref<896x128xi32, #tpu.memory_space<vmem_shared>>
      tpu.wait_indirect_dma semaphore(%run_scoped3A_39 : memref<!tpu.dma_semaphore, #tpu.memory_space<semaphore_mem>>) src(%dma_wait3A_49 : memref<128x128xi32, #tpu.memory_space<vmem>>) dst(%dma_wait3A_55 : memref<896x128xi32, #tpu.memory_space<vmem_shared>>)
      tpu.yield
    }) : () -> ()
    %run_scoped3A_28 = arith.constant 1 : i32
    "tpu.region"() ({
      %run_scoped3A_39 = tpu.sem_alloc : memref<!tpu.dma_semaphore, #tpu.memory_space<semaphore_mem>>
      %dma_start3A = arith.constant 128 : i32
      %dma_start3A_40 = arith.constant 0 : i32
      %dma_start3A_41 = tpu.memref_slice %arg7[%dma_start3A, %dma_start3A_40] : memref<896x128xi32, #tpu.memory_space<vmem>> -> memref<128x128xi32, #tpu.memory_space<vmem>>
      %dma_start3A_42 = arith.constant 0 : i32
      %dma_start3A_43 = tpu.memref_slice %arg8[%run_scoped3A_28, %dma_start3A_42] : memref<7x128xi32, #tpu.memory_space<vmem>> -> memref<1x128xi32, #tpu.memory_space<vmem>>
      %dma_start3A_44 = tpu.memref_squeeze %dma_start3A_43 : memref<1x128xi32, #tpu.memory_space<vmem>> -> memref<128xi32, #tpu.memory_space<vmem>>
      %dma_start3A_45 = arith.constant 0 : i32
      %dma_start3A_46 = arith.constant 0 : i32
      %dma_start3A_47 = tpu.memref_slice %arg9[%dma_start3A_45, %dma_start3A_46] : memref<896x128xi32, #tpu.memory_space<vmem_shared>> -> memref<896x128xi32, #tpu.memory_space<vmem_shared>>
      tpu.enqueue_indirect_dma source(%dma_start3A_41 : memref<128x128xi32, #tpu.memory_space<vmem>>) target(%dma_start3A_47 : memref<896x128xi32, #tpu.memory_space<vmem_shared>>) offsets(%dma_start3A_44 : memref<128xi32, #tpu.memory_space<vmem>>) semaphore(%run_scoped3A_39 : memref<!tpu.dma_semaphore, #tpu.memory_space<semaphore_mem>>) {add = true}
      %dma_wait3A = arith.constant 128 : i32
      %dma_wait3A_48 = arith.constant 0 : i32
      %dma_wait3A_49 = tpu.memref_slice %arg7[%dma_wait3A, %dma_wait3A_48] : memref<896x128xi32, #tpu.memory_space<vmem>> -> memref<128x128xi32, #tpu.memory_space<vmem>>
      %dma_wait3A_50 = arith.constant 0 : i32
      %dma_wait3A_51 = tpu.memref_slice %arg8[%run_scoped3A_28, %dma_wait3A_50] : memref<7x128xi32, #tpu.memory_space<vmem>> -> memref<1x128xi32, #tpu.memory_space<vmem>>
      %dma_wait3A_52 = tpu.memref_squeeze %dma_wait3A_51 : memref<1x128xi32, #tpu.memory_space<vmem>> -> memref<128xi32, #tpu.memory_space<vmem>>
      %dma_wait3A_53 = arith.constant 0 : i32
      %dma_wait3A_54 = arith.constant 0 : i32
      %dma_wait3A_55 = tpu.memref_slice %arg9[%dma_wait3A_53, %dma_wait3A_54] : memref<896x128xi32, #tpu.memory_space<vmem_shared>> -> memref<896x128xi32, #tpu.memory_space<vmem_shared>>
      tpu.wait_indirect_dma semaphore(%run_scoped3A_39 : memref<!tpu.dma_semaphore, #tpu.memory_space<semaphore_mem>>) src(%dma_wait3A_49 : memref<128x128xi32, #tpu.memory_space<vmem>>) dst(%dma_wait3A_55 : memref<896x128xi32, #tpu.memory_space<vmem_shared>>)
      tpu.yield
    }) : () -> ()
    %run_scoped3A_29 = arith.constant 2 : i32
    "tpu.region"() ({
      %run_scoped3A_39 = tpu.sem_alloc : memref<!tpu.dma_semaphore, #tpu.memory_space<semaphore_mem>>
      %dma_start3A = arith.constant 256 : i32
      %dma_start3A_40 = arith.constant 0 : i32
      %dma_start3A_41 = tpu.memref_slice %arg7[%dma_start3A, %dma_start3A_40] : memref<896x128xi32, #tpu.memory_space<vmem>> -> memref<128x128xi32, #tpu.memory_space<vmem>>
      %dma_start3A_42 = arith.constant 0 : i32
      %dma_start3A_43 = tpu.memref_slice %arg8[%run_scoped3A_29, %dma_start3A_42] : memref<7x128xi32, #tpu.memory_space<vmem>> -> memref<1x128xi32, #tpu.memory_space<vmem>>
      %dma_start3A_44 = tpu.memref_squeeze %dma_start3A_43 : memref<1x128xi32, #tpu.memory_space<vmem>> -> memref<128xi32, #tpu.memory_space<vmem>>
      %dma_start3A_45 = arith.constant 0 : i32
      %dma_start3A_46 = arith.constant 0 : i32
      %dma_start3A_47 = tpu.memref_slice %arg9[%dma_start3A_45, %dma_start3A_46] : memref<896x128xi32, #tpu.memory_space<vmem_shared>> -> memref<896x128xi32, #tpu.memory_space<vmem_shared>>
      tpu.enqueue_indirect_dma source(%dma_start3A_41 : memref<128x128xi32, #tpu.memory_space<vmem>>) target(%dma_start3A_47 : memref<896x128xi32, #tpu.memory_space<vmem_shared>>) offsets(%dma_start3A_44 : memref<128xi32, #tpu.memory_space<vmem>>) semaphore(%run_scoped3A_39 : memref<!tpu.dma_semaphore, #tpu.memory_space<semaphore_mem>>) {add = true}
      %dma_wait3A = arith.constant 256 : i32
      %dma_wait3A_48 = arith.constant 0 : i32
      %dma_wait3A_49 = tpu.memref_slice %arg7[%dma_wait3A, %dma_wait3A_48] : memref<896x128xi32, #tpu.memory_space<vmem>> -> memref<128x128xi32, #tpu.memory_space<vmem>>
      %dma_wait3A_50 = arith.constant 0 : i32
      %dma_wait3A_51 = tpu.memref_slice %arg8[%run_scoped3A_29, %dma_wait3A_50] : memref<7x128xi32, #tpu.memory_space<vmem>> -> memref<1x128xi32, #tpu.memory_space<vmem>>
      %dma_wait3A_52 = tpu.memref_squeeze %dma_wait3A_51 : memref<1x128xi32, #tpu.memory_space<vmem>> -> memref<128xi32, #tpu.memory_space<vmem>>
      %dma_wait3A_53 = arith.constant 0 : i32
      %dma_wait3A_54 = arith.constant 0 : i32
      %dma_wait3A_55 = tpu.memref_slice %arg9[%dma_wait3A_53, %dma_wait3A_54] : memref<896x128xi32, #tpu.memory_space<vmem_shared>> -> memref<896x128xi32, #tpu.memory_space<vmem_shared>>
      tpu.wait_indirect_dma semaphore(%run_scoped3A_39 : memref<!tpu.dma_semaphore, #tpu.memory_space<semaphore_mem>>) src(%dma_wait3A_49 : memref<128x128xi32, #tpu.memory_space<vmem>>) dst(%dma_wait3A_55 : memref<896x128xi32, #tpu.memory_space<vmem_shared>>)
      tpu.yield
    }) : () -> ()
    %run_scoped3A_30 = arith.constant 3 : i32
    "tpu.region"() ({
      %run_scoped3A_39 = tpu.sem_alloc : memref<!tpu.dma_semaphore, #tpu.memory_space<semaphore_mem>>
      %dma_start3A = arith.constant 384 : i32
      %dma_start3A_40 = arith.constant 0 : i32
      %dma_start3A_41 = tpu.memref_slice %arg7[%dma_start3A, %dma_start3A_40] : memref<896x128xi32, #tpu.memory_space<vmem>> -> memref<128x128xi32, #tpu.memory_space<vmem>>
      %dma_start3A_42 = arith.constant 0 : i32
      %dma_start3A_43 = tpu.memref_slice %arg8[%run_scoped3A_30, %dma_start3A_42] : memref<7x128xi32, #tpu.memory_space<vmem>> -> memref<1x128xi32, #tpu.memory_space<vmem>>
      %dma_start3A_44 = tpu.memref_squeeze %dma_start3A_43 : memref<1x128xi32, #tpu.memory_space<vmem>> -> memref<128xi32, #tpu.memory_space<vmem>>
      %dma_start3A_45 = arith.constant 0 : i32
      %dma_start3A_46 = arith.constant 0 : i32
      %dma_start3A_47 = tpu.memref_slice %arg9[%dma_start3A_45, %dma_start3A_46] : memref<896x128xi32, #tpu.memory_space<vmem_shared>> -> memref<896x128xi32, #tpu.memory_space<vmem_shared>>
      tpu.enqueue_indirect_dma source(%dma_start3A_41 : memref<128x128xi32, #tpu.memory_space<vmem>>) target(%dma_start3A_47 : memref<896x128xi32, #tpu.memory_space<vmem_shared>>) offsets(%dma_start3A_44 : memref<128xi32, #tpu.memory_space<vmem>>) semaphore(%run_scoped3A_39 : memref<!tpu.dma_semaphore, #tpu.memory_space<semaphore_mem>>) {add = true}
      %dma_wait3A = arith.constant 384 : i32
      %dma_wait3A_48 = arith.constant 0 : i32
      %dma_wait3A_49 = tpu.memref_slice %arg7[%dma_wait3A, %dma_wait3A_48] : memref<896x128xi32, #tpu.memory_space<vmem>> -> memref<128x128xi32, #tpu.memory_space<vmem>>
      %dma_wait3A_50 = arith.constant 0 : i32
      %dma_wait3A_51 = tpu.memref_slice %arg8[%run_scoped3A_30, %dma_wait3A_50] : memref<7x128xi32, #tpu.memory_space<vmem>> -> memref<1x128xi32, #tpu.memory_space<vmem>>
      %dma_wait3A_52 = tpu.memref_squeeze %dma_wait3A_51 : memref<1x128xi32, #tpu.memory_space<vmem>> -> memref<128xi32, #tpu.memory_space<vmem>>
      %dma_wait3A_53 = arith.constant 0 : i32
      %dma_wait3A_54 = arith.constant 0 : i32
      %dma_wait3A_55 = tpu.memref_slice %arg9[%dma_wait3A_53, %dma_wait3A_54] : memref<896x128xi32, #tpu.memory_space<vmem_shared>> -> memref<896x128xi32, #tpu.memory_space<vmem_shared>>
      tpu.wait_indirect_dma semaphore(%run_scoped3A_39 : memref<!tpu.dma_semaphore, #tpu.memory_space<semaphore_mem>>) src(%dma_wait3A_49 : memref<128x128xi32, #tpu.memory_space<vmem>>) dst(%dma_wait3A_55 : memref<896x128xi32, #tpu.memory_space<vmem_shared>>)
      tpu.yield
    }) : () -> ()
    %run_scoped3A_31 = arith.constant 4 : i32
    "tpu.region"() ({
      %run_scoped3A_39 = tpu.sem_alloc : memref<!tpu.dma_semaphore, #tpu.memory_space<semaphore_mem>>
      %dma_start3A = arith.constant 512 : i32
      %dma_start3A_40 = arith.constant 0 : i32
      %dma_start3A_41 = tpu.memref_slice %arg7[%dma_start3A, %dma_start3A_40] : memref<896x128xi32, #tpu.memory_space<vmem>> -> memref<128x128xi32, #tpu.memory_space<vmem>>
      %dma_start3A_42 = arith.constant 0 : i32
      %dma_start3A_43 = tpu.memref_slice %arg8[%run_scoped3A_31, %dma_start3A_42] : memref<7x128xi32, #tpu.memory_space<vmem>> -> memref<1x128xi32, #tpu.memory_space<vmem>>
      %dma_start3A_44 = tpu.memref_squeeze %dma_start3A_43 : memref<1x128xi32, #tpu.memory_space<vmem>> -> memref<128xi32, #tpu.memory_space<vmem>>
      %dma_start3A_45 = arith.constant 0 : i32
      %dma_start3A_46 = arith.constant 0 : i32
      %dma_start3A_47 = tpu.memref_slice %arg9[%dma_start3A_45, %dma_start3A_46] : memref<896x128xi32, #tpu.memory_space<vmem_shared>> -> memref<896x128xi32, #tpu.memory_space<vmem_shared>>
      tpu.enqueue_indirect_dma source(%dma_start3A_41 : memref<128x128xi32, #tpu.memory_space<vmem>>) target(%dma_start3A_47 : memref<896x128xi32, #tpu.memory_space<vmem_shared>>) offsets(%dma_start3A_44 : memref<128xi32, #tpu.memory_space<vmem>>) semaphore(%run_scoped3A_39 : memref<!tpu.dma_semaphore, #tpu.memory_space<semaphore_mem>>) {add = true}
      %dma_wait3A = arith.constant 512 : i32
      %dma_wait3A_48 = arith.constant 0 : i32
      %dma_wait3A_49 = tpu.memref_slice %arg7[%dma_wait3A, %dma_wait3A_48] : memref<896x128xi32, #tpu.memory_space<vmem>> -> memref<128x128xi32, #tpu.memory_space<vmem>>
      %dma_wait3A_50 = arith.constant 0 : i32
      %dma_wait3A_51 = tpu.memref_slice %arg8[%run_scoped3A_31, %dma_wait3A_50] : memref<7x128xi32, #tpu.memory_space<vmem>> -> memref<1x128xi32, #tpu.memory_space<vmem>>
      %dma_wait3A_52 = tpu.memref_squeeze %dma_wait3A_51 : memref<1x128xi32, #tpu.memory_space<vmem>> -> memref<128xi32, #tpu.memory_space<vmem>>
      %dma_wait3A_53 = arith.constant 0 : i32
      %dma_wait3A_54 = arith.constant 0 : i32
      %dma_wait3A_55 = tpu.memref_slice %arg9[%dma_wait3A_53, %dma_wait3A_54] : memref<896x128xi32, #tpu.memory_space<vmem_shared>> -> memref<896x128xi32, #tpu.memory_space<vmem_shared>>
      tpu.wait_indirect_dma semaphore(%run_scoped3A_39 : memref<!tpu.dma_semaphore, #tpu.memory_space<semaphore_mem>>) src(%dma_wait3A_49 : memref<128x128xi32, #tpu.memory_space<vmem>>) dst(%dma_wait3A_55 : memref<896x128xi32, #tpu.memory_space<vmem_shared>>)
      tpu.yield
    }) : () -> ()
    %run_scoped3A_32 = arith.constant 5 : i32
    "tpu.region"() ({
      %run_scoped3A_39 = tpu.sem_alloc : memref<!tpu.dma_semaphore, #tpu.memory_space<semaphore_mem>>
      %dma_start3A = arith.constant 640 : i32
      %dma_start3A_40 = arith.constant 0 : i32
      %dma_start3A_41 = tpu.memref_slice %arg7[%dma_start3A, %dma_start3A_40] : memref<896x128xi32, #tpu.memory_space<vmem>> -> memref<128x128xi32, #tpu.memory_space<vmem>>
      %dma_start3A_42 = arith.constant 0 : i32
      %dma_start3A_43 = tpu.memref_slice %arg8[%run_scoped3A_32, %dma_start3A_42] : memref<7x128xi32, #tpu.memory_space<vmem>> -> memref<1x128xi32, #tpu.memory_space<vmem>>
      %dma_start3A_44 = tpu.memref_squeeze %dma_start3A_43 : memref<1x128xi32, #tpu.memory_space<vmem>> -> memref<128xi32, #tpu.memory_space<vmem>>
      %dma_start3A_45 = arith.constant 0 : i32
      %dma_start3A_46 = arith.constant 0 : i32
      %dma_start3A_47 = tpu.memref_slice %arg9[%dma_start3A_45, %dma_start3A_46] : memref<896x128xi32, #tpu.memory_space<vmem_shared>> -> memref<896x128xi32, #tpu.memory_space<vmem_shared>>
      tpu.enqueue_indirect_dma source(%dma_start3A_41 : memref<128x128xi32, #tpu.memory_space<vmem>>) target(%dma_start3A_47 : memref<896x128xi32, #tpu.memory_space<vmem_shared>>) offsets(%dma_start3A_44 : memref<128xi32, #tpu.memory_space<vmem>>) semaphore(%run_scoped3A_39 : memref<!tpu.dma_semaphore, #tpu.memory_space<semaphore_mem>>) {add = true}
      %dma_wait3A = arith.constant 640 : i32
      %dma_wait3A_48 = arith.constant 0 : i32
      %dma_wait3A_49 = tpu.memref_slice %arg7[%dma_wait3A, %dma_wait3A_48] : memref<896x128xi32, #tpu.memory_space<vmem>> -> memref<128x128xi32, #tpu.memory_space<vmem>>
      %dma_wait3A_50 = arith.constant 0 : i32
      %dma_wait3A_51 = tpu.memref_slice %arg8[%run_scoped3A_32, %dma_wait3A_50] : memref<7x128xi32, #tpu.memory_space<vmem>> -> memref<1x128xi32, #tpu.memory_space<vmem>>
      %dma_wait3A_52 = tpu.memref_squeeze %dma_wait3A_51 : memref<1x128xi32, #tpu.memory_space<vmem>> -> memref<128xi32, #tpu.memory_space<vmem>>
      %dma_wait3A_53 = arith.constant 0 : i32
      %dma_wait3A_54 = arith.constant 0 : i32
      %dma_wait3A_55 = tpu.memref_slice %arg9[%dma_wait3A_53, %dma_wait3A_54] : memref<896x128xi32, #tpu.memory_space<vmem_shared>> -> memref<896x128xi32, #tpu.memory_space<vmem_shared>>
      tpu.wait_indirect_dma semaphore(%run_scoped3A_39 : memref<!tpu.dma_semaphore, #tpu.memory_space<semaphore_mem>>) src(%dma_wait3A_49 : memref<128x128xi32, #tpu.memory_space<vmem>>) dst(%dma_wait3A_55 : memref<896x128xi32, #tpu.memory_space<vmem_shared>>)
      tpu.yield
    }) : () -> ()
    %run_scoped3A_33 = arith.constant 6 : i32
    "tpu.region"() ({
      %run_scoped3A_39 = tpu.sem_alloc : memref<!tpu.dma_semaphore, #tpu.memory_space<semaphore_mem>>
      %dma_start3A = arith.constant 768 : i32
      %dma_start3A_40 = arith.constant 0 : i32
      %dma_start3A_41 = tpu.memref_slice %arg7[%dma_start3A, %dma_start3A_40] : memref<896x128xi32, #tpu.memory_space<vmem>> -> memref<128x128xi32, #tpu.memory_space<vmem>>
      %dma_start3A_42 = arith.constant 0 : i32
      %dma_start3A_43 = tpu.memref_slice %arg8[%run_scoped3A_33, %dma_start3A_42] : memref<7x128xi32, #tpu.memory_space<vmem>> -> memref<1x128xi32, #tpu.memory_space<vmem>>
      %dma_start3A_44 = tpu.memref_squeeze %dma_start3A_43 : memref<1x128xi32, #tpu.memory_space<vmem>> -> memref<128xi32, #tpu.memory_space<vmem>>
      %dma_start3A_45 = arith.constant 0 : i32
      %dma_start3A_46 = arith.constant 0 : i32
      %dma_start3A_47 = tpu.memref_slice %arg9[%dma_start3A_45, %dma_start3A_46] : memref<896x128xi32, #tpu.memory_space<vmem_shared>> -> memref<896x128xi32, #tpu.memory_space<vmem_shared>>
      tpu.enqueue_indirect_dma source(%dma_start3A_41 : memref<128x128xi32, #tpu.memory_space<vmem>>) target(%dma_start3A_47 : memref<896x128xi32, #tpu.memory_space<vmem_shared>>) offsets(%dma_start3A_44 : memref<128xi32, #tpu.memory_space<vmem>>) semaphore(%run_scoped3A_39 : memref<!tpu.dma_semaphore, #tpu.memory_space<semaphore_mem>>) {add = true}
      %dma_wait3A = arith.constant 768 : i32
      %dma_wait3A_48 = arith.constant 0 : i32
      %dma_wait3A_49 = tpu.memref_slice %arg7[%dma_wait3A, %dma_wait3A_48] : memref<896x128xi32, #tpu.memory_space<vmem>> -> memref<128x128xi32, #tpu.memory_space<vmem>>
      %dma_wait3A_50 = arith.constant 0 : i32
      %dma_wait3A_51 = tpu.memref_slice %arg8[%run_scoped3A_33, %dma_wait3A_50] : memref<7x128xi32, #tpu.memory_space<vmem>> -> memref<1x128xi32, #tpu.memory_space<vmem>>
      %dma_wait3A_52 = tpu.memref_squeeze %dma_wait3A_51 : memref<1x128xi32, #tpu.memory_space<vmem>> -> memref<128xi32, #tpu.memory_space<vmem>>
      %dma_wait3A_53 = arith.constant 0 : i32
      %dma_wait3A_54 = arith.constant 0 : i32
      %dma_wait3A_55 = tpu.memref_slice %arg9[%dma_wait3A_53, %dma_wait3A_54] : memref<896x128xi32, #tpu.memory_space<vmem_shared>> -> memref<896x128xi32, #tpu.memory_space<vmem_shared>>
      tpu.wait_indirect_dma semaphore(%run_scoped3A_39 : memref<!tpu.dma_semaphore, #tpu.memory_space<semaphore_mem>>) src(%dma_wait3A_49 : memref<128x128xi32, #tpu.memory_space<vmem>>) dst(%dma_wait3A_55 : memref<896x128xi32, #tpu.memory_space<vmem_shared>>)
      tpu.yield
    }) : () -> ()
    %barrier3A_34 = arith.constant 0 : index
    tpu.barrier barrier_id(%barrier3A_34)
    %mul3A_35 = arith.constant 56 : i32
    %mul3A_36 = arith.muli %arg1, %mul3A_35 : i32
    %mul3A_37 = arith.constant 56 : i32
    %mul3A_38 = arith.muli %arg1, %mul3A_37 : i32
    "tpu.region"() ({
      %run_scoped3A_39 = tpu.sem_alloc : memref<!tpu.dma_semaphore, #tpu.memory_space<semaphore_mem>>
      %dma_start3A = arith.constant 0 : i32
      %dma_start3A_40 = tpu.memref_slice %arg4[%arg0, %mul3A_38, %dma_start3A] : memref<2x896x128xi32, #tpu.memory_space<hbm>> -> memref<1x56x128xi32, #tpu.memory_space<hbm>>
      %dma_start3A_41 = tpu.memref_squeeze %dma_start3A_40 : memref<1x56x128xi32, #tpu.memory_space<hbm>> -> memref<56x128xi32, #tpu.memory_space<hbm>>
      %dma_start3A_42 = arith.constant 0 : i32
      %dma_start3A_43 = tpu.memref_slice %arg9[%mul3A_36, %dma_start3A_42] : memref<896x128xi32, #tpu.memory_space<vmem_shared>> -> memref<56x128xi32, #tpu.memory_space<vmem_shared>>
      tpu.enqueue_dma source(%dma_start3A_43 : memref<56x128xi32, #tpu.memory_space<vmem_shared>>) target(%dma_start3A_41 : memref<56x128xi32, #tpu.memory_space<hbm>>) target_semaphore(%run_scoped3A_39 : memref<!tpu.dma_semaphore, #tpu.memory_space<semaphore_mem>>)
      %dma_wait3A = arith.constant 0 : i32
      %dma_wait3A_44 = tpu.memref_slice %arg4[%arg0, %mul3A_38, %dma_wait3A] : memref<2x896x128xi32, #tpu.memory_space<hbm>> -> memref<1x56x128xi32, #tpu.memory_space<hbm>>
      %dma_wait3A_45 = tpu.memref_squeeze %dma_wait3A_44 : memref<1x56x128xi32, #tpu.memory_space<hbm>> -> memref<56x128xi32, #tpu.memory_space<hbm>>
      %dma_wait3A_46 = arith.constant 0 : i32
      %dma_wait3A_47 = tpu.memref_slice %arg9[%mul3A_36, %dma_wait3A_46] : memref<896x128xi32, #tpu.memory_space<vmem_shared>> -> memref<56x128xi32, #tpu.memory_space<vmem_shared>>
      tpu.wait_dma2 semaphore(%run_scoped3A_39 : memref<!tpu.dma_semaphore, #tpu.memory_space<semaphore_mem>>) src(%dma_wait3A_47 : memref<56x128xi32, #tpu.memory_space<vmem_shared>>) dst(%dma_wait3A_45 : memref<56x128xi32, #tpu.memory_space<hbm>>)
      tpu.yield
    }) : () -> ()
    return
  }
}

#map = affine_map<(d0, d1) -> (0)>
#map1 = affine_map<(d0, d1) -> (0, 0, 0)>
module attributes {stable_mosaic.version = 14 : i64} {
  func.func @refine(%arg0: i32, %arg1: i32, %arg2: memref<100352xi32, #tpu.memory_space<hbm>>, %arg3: memref<512xi32, #tpu.memory_space<hbm>>, %arg4: memref<2x896x128xi32, #tpu.memory_space<hbm>>, %arg5: memref<3136xi32, #tpu.memory_space<vmem>>, %arg6: memref<512xi32, #tpu.memory_space<vmem>>, %arg7: memref<896x128xi32, #tpu.memory_space<vmem>>, %arg8: memref<7x128xi32, #tpu.memory_space<vmem>>, %arg9: memref<896x128xi32, #tpu.memory_space<vmem_shared>>) attributes {dimension_semantics = [#tpu.dimension_semantics<core_parallel>, #tpu.dimension_semantics<subcore_parallel>], iteration_bounds = array<i64: 2, 16>, scalar_prefetch = 0 : i64, scratch_operands = 5 : i64, tpu.core_type = #tpu.core_type<sc_vector_subcore>, window_params = [{transform_indices = #map}, {transform_indices = #map}, {transform_indices = #map1}]} {
    %mul3A = arith.constant 2 : i32
    %mul3A_0 = arith.muli %arg1, %mul3A : i32
    %add3A = arith.addi %mul3A_0, %arg0 : i32
    %mul3A_1 = arith.constant 3136 : i32
    %mul3A_2 = arith.muli %add3A, %mul3A_1 : i32
    "tpu.region"() ({
      %run_scoped3A_39 = tpu.sem_alloc : memref<!tpu.dma_semaphore, #tpu.memory_space<semaphore_mem>>
      %dma_start3A = tpu.memref_slice %arg2[%mul3A_2] : memref<100352xi32, #tpu.memory_space<hbm>> -> memref<3136xi32, #tpu.memory_space<hbm>>
      %dma_start3A_40 = tpu.memref_slice %arg2[%mul3A_2] : memref<100352xi32, #tpu.memory_space<hbm>> -> memref<3136xi32, #tpu.memory_space<hbm>>
      tpu.enqueue_dma source(%dma_start3A_40 : memref<3136xi32, #tpu.memory_space<hbm>>) target(%arg5 : memref<3136xi32, #tpu.memory_space<vmem>>) target_semaphore(%run_scoped3A_39 : memref<!tpu.dma_semaphore, #tpu.memory_space<semaphore_mem>>)
      %dma_wait3A = tpu.memref_slice %arg2[%mul3A_2] : memref<100352xi32, #tpu.memory_space<hbm>> -> memref<3136xi32, #tpu.memory_space<hbm>>
      %dma_wait3A_41 = tpu.memref_slice %arg2[%mul3A_2] : memref<100352xi32, #tpu.memory_space<hbm>> -> memref<3136xi32, #tpu.memory_space<hbm>>
      tpu.wait_dma2 semaphore(%run_scoped3A_39 : memref<!tpu.dma_semaphore, #tpu.memory_space<semaphore_mem>>) src(%dma_wait3A_41 : memref<3136xi32, #tpu.memory_space<hbm>>) dst(%arg5 : memref<3136xi32, #tpu.memory_space<vmem>>)
      tpu.yield
    }) : () -> ()
    "tpu.region"() ({
      %run_scoped3A_39 = tpu.sem_alloc : memref<!tpu.dma_semaphore, #tpu.memory_space<semaphore_mem>>
      tpu.enqueue_dma source(%arg3 : memref<512xi32, #tpu.memory_space<hbm>>) target(%arg6 : memref<512xi32, #tpu.memory_space<vmem>>) target_semaphore(%run_scoped3A_39 : memref<!tpu.dma_semaphore, #tpu.memory_space<semaphore_mem>>)
      tpu.wait_dma2 semaphore(%run_scoped3A_39 : memref<!tpu.dma_semaphore, #tpu.memory_space<semaphore_mem>>) src(%arg3 : memref<512xi32, #tpu.memory_space<hbm>>) dst(%arg6 : memref<512xi32, #tpu.memory_space<vmem>>)
      tpu.yield
    }) : () -> ()
    %broadcast_in_dim3A = arith.constant 0 : i32
    %broadcast_in_dim3A_3 = vector.broadcast %broadcast_in_dim3A : i32 to vector<16xi32>
    %scan3A = arith.constant 0 : i32
    %scan3A_4 = arith.constant 0 : i32
    %scan3A_5 = arith.constant 7168 : i32
    %scan3A_6 = arith.addi %scan3A_4, %scan3A_5 : i32
    %scan3A_7 = arith.constant 1 : i32
    %scan3A_8 = scf.for %scan3A_39 = %scan3A_4 to %scan3A_6 step %scan3A_7 iter_args(%scan3A_40 = %scan3A) -> (i32)  : i32 {
      %jit3A = arith.constant 8 : i32
      %div3A = arith.divsi %scan3A_39, %jit3A : i32
      %sign3A = arith.constant 0 : i32
      %sign3A_41 = arith.cmpi sgt, %scan3A_39, %sign3A : i32
      %sign3A_42 = arith.extui %sign3A_41 : i1 to i32
      %sign3A_43 = arith.constant 0 : i32
      %sign3A_44 = arith.cmpi slt, %scan3A_39, %sign3A_43 : i32
      %sign3A_45 = arith.extui %sign3A_44 : i1 to i32
      %sign3A_46 = arith.subi %sign3A_42, %sign3A_45 : i32
      %sign3A_47 = arith.constant 0 : i32
      %sign3A_48 = arith.cmpi sgt, %jit3A, %sign3A_47 : i32
      %sign3A_49 = arith.extui %sign3A_48 : i1 to i32
      %sign3A_50 = arith.constant 0 : i32
      %sign3A_51 = arith.cmpi slt, %jit3A, %sign3A_50 : i32
      %sign3A_52 = arith.extui %sign3A_51 : i1 to i32
      %sign3A_53 = arith.subi %sign3A_49, %sign3A_52 : i32
      %ne3A = arith.cmpi ne, %sign3A_46, %sign3A_53 : i32
      %rem3A = arith.remsi %scan3A_39, %jit3A : i32
      %ne3A_54 = arith.constant 0 : i32
      %ne3A_55 = arith.cmpi ne, %rem3A, %ne3A_54 : i32
      %and3A = arith.andi %ne3A, %ne3A_55 : i1
      %sub3A = arith.constant 1 : i32
      %sub3A_56 = arith.subi %div3A, %sub3A : i32
      %select_n3A = arith.select %and3A, %sub3A_56, %div3A : i32
      %jit3A_57 = arith.constant 8 : i32
      %eq3A = arith.constant 0 : i32
      %eq3A_58 = arith.cmpi eq, %jit3A_57, %eq3A : i32
      %jit3A_59 = arith.constant 1 : i32
      %select_n3A_60 = arith.select %eq3A_58, %jit3A_59, %jit3A_57 : i32
      %rem3A_61 = arith.remsi %scan3A_39, %select_n3A_60 : i32
      %ne3A_62 = arith.constant 0 : i32
      %ne3A_63 = arith.cmpi ne, %rem3A_61, %ne3A_62 : i32
      %lt3A = arith.constant 0 : i32
      %lt3A_64 = arith.cmpi slt, %rem3A_61, %lt3A : i32
      %lt3A_65 = arith.constant 0 : i32
      %lt3A_66 = arith.cmpi slt, %select_n3A_60, %lt3A_65 : i32
      %ne3A_67 = arith.xori %lt3A_64, %lt3A_66 : i1
      %and3A_68 = arith.andi %ne3A_67, %ne3A_63 : i1
      %add3A_69 = arith.addi %rem3A_61, %select_n3A_60 : i32
      %select_n3A_70 = arith.select %and3A_68, %add3A_69, %rem3A_61 : i32
      %mul3A_71 = arith.constant 16 : i32
      %mul3A_72 = arith.muli %select_n3A_70, %mul3A_71 : i32
      %swap3A = arith.index_cast %select_n3A : i32 to index
      %swap3A_73 = arith.index_cast %mul3A_72 : i32 to index
      %swap3A_74 = tpu.vector_load %arg7[%swap3A, %swap3A_73] {strides = array<i32>} : memref<896x128xi32, #tpu.memory_space<vmem>>, vector<16xi32>,
      tpu.vector_store %arg7[%swap3A, %swap3A_73], %broadcast_in_dim3A_3 {strides = array<i32>} : memref<896x128xi32, #tpu.memory_space<vmem>>, vector<16xi32>,
      %scan3A_75 = arith.constant 0 : i32
      scf.yield %scan3A_75 : i32
    }
    %scan3A_9 = arith.constant 7168 : i32
    %iota3A = tpu.iota {dimensions = array<i32: 0>} : vector<16xi32>
    %scan3A_10 = arith.constant 0 : i32
    %scan3A_11 = arith.constant 0 : i32
    %scan3A_12 = arith.constant 56 : i32
    %scan3A_13 = arith.addi %scan3A_11, %scan3A_12 : i32
    %scan3A_14 = arith.constant 1 : i32
    %scan3A_15 = scf.for %scan3A_39 = %scan3A_11 to %scan3A_13 step %scan3A_14 iter_args(%scan3A_40 = %scan3A_10) -> (i32)  : i32 {
      %jit3A = arith.constant 8 : i32
      %div3A = arith.divsi %scan3A_39, %jit3A : i32
      %sign3A = arith.constant 0 : i32
      %sign3A_41 = arith.cmpi sgt, %scan3A_39, %sign3A : i32
      %sign3A_42 = arith.extui %sign3A_41 : i1 to i32
      %sign3A_43 = arith.constant 0 : i32
      %sign3A_44 = arith.cmpi slt, %scan3A_39, %sign3A_43 : i32
      %sign3A_45 = arith.extui %sign3A_44 : i1 to i32
      %sign3A_46 = arith.subi %sign3A_42, %sign3A_45 : i32
      %sign3A_47 = arith.constant 0 : i32
      %sign3A_48 = arith.cmpi sgt, %jit3A, %sign3A_47 : i32
      %sign3A_49 = arith.extui %sign3A_48 : i1 to i32
      %sign3A_50 = arith.constant 0 : i32
      %sign3A_51 = arith.cmpi slt, %jit3A, %sign3A_50 : i32
      %sign3A_52 = arith.extui %sign3A_51 : i1 to i32
      %sign3A_53 = arith.subi %sign3A_49, %sign3A_52 : i32
      %ne3A = arith.cmpi ne, %sign3A_46, %sign3A_53 : i32
      %rem3A = arith.remsi %scan3A_39, %jit3A : i32
      %ne3A_54 = arith.constant 0 : i32
      %ne3A_55 = arith.cmpi ne, %rem3A, %ne3A_54 : i32
      %and3A = arith.andi %ne3A, %ne3A_55 : i1
      %sub3A = arith.constant 1 : i32
      %sub3A_56 = arith.subi %div3A, %sub3A : i32
      %select_n3A = arith.select %and3A, %sub3A_56, %div3A : i32
      %jit3A_57 = arith.constant 8 : i32
      %eq3A = arith.constant 0 : i32
      %eq3A_58 = arith.cmpi eq, %jit3A_57, %eq3A : i32
      %jit3A_59 = arith.constant 1 : i32
      %select_n3A_60 = arith.select %eq3A_58, %jit3A_59, %jit3A_57 : i32
      %rem3A_61 = arith.remsi %scan3A_39, %select_n3A_60 : i32
      %ne3A_62 = arith.constant 0 : i32
      %ne3A_63 = arith.cmpi ne, %rem3A_61, %ne3A_62 : i32
      %lt3A = arith.constant 0 : i32
      %lt3A_64 = arith.cmpi slt, %rem3A_61, %lt3A : i32
      %lt3A_65 = arith.constant 0 : i32
      %lt3A_66 = arith.cmpi slt, %select_n3A_60, %lt3A_65 : i32
      %ne3A_67 = arith.xori %lt3A_64, %lt3A_66 : i1
      %and3A_68 = arith.andi %ne3A_67, %ne3A_63 : i1
      %add3A_69 = arith.addi %rem3A_61, %select_n3A_60 : i32
      %select_n3A_70 = arith.select %and3A_68, %add3A_69, %rem3A_61 : i32
      %mul3A_71 = arith.constant 16 : i32
      %mul3A_72 = arith.muli %select_n3A_70, %mul3A_71 : i32
      %mul3A_73 = arith.constant 128 : i32
      %mul3A_74 = arith.muli %select_n3A, %mul3A_73 : i32
      %add3A_75 = arith.addi %mul3A_74, %mul3A_72 : i32
      %add3A_76 = vector.broadcast %add3A_75 : i32 to vector<16xi32>
      %add3A_77 = arith.addi %add3A_76, %iota3A : vector<16xi32>
      %swap3A = arith.index_cast %select_n3A : i32 to index
      %swap3A_78 = arith.index_cast %mul3A_72 : i32 to index
      %swap3A_79 = tpu.vector_load %arg8[%swap3A, %swap3A_78] {strides = array<i32>} : memref<7x128xi32, #tpu.memory_space<vmem>>, vector<16xi32>,
      tpu.vector_store %arg8[%swap3A, %swap3A_78], %add3A_77 {strides = array<i32>} : memref<7x128xi32, #tpu.memory_space<vmem>>, vector<16xi32>,
      %scan3A_80 = arith.constant 0 : i32
      scf.yield %scan3A_80 : i32
    }
    %scan3A_16 = arith.constant 56 : i32
    %mul3A_17 = arith.constant 56 : i32
    %mul3A_18 = arith.muli %arg1, %mul3A_17 : i32
    "tpu.region"() ({
      %run_scoped3A_39 = tpu.sem_alloc : memref<!tpu.dma_semaphore, #tpu.memory_space<semaphore_mem>>
      %dma_start3A = arith.constant 0 : i32
      %dma_start3A_40 = arith.constant 0 : i32
      %dma_start3A_41 = tpu.memref_slice %arg7[%dma_start3A, %dma_start3A_40] : memref<896x128xi32, #tpu.memory_space<vmem>> -> memref<56x128xi32, #tpu.memory_space<vmem>>
      %dma_start3A_42 = arith.constant 0 : i32
      %dma_start3A_43 = tpu.memref_slice %arg9[%mul3A_18, %dma_start3A_42] : memref<896x128xi32, #tpu.memory_space<vmem_shared>> -> memref<56x128xi32, #tpu.memory_space<vmem_shared>>
      %dma_start3A_44 = arith.constant 0 : i32
      %dma_start3A_45 = tpu.memref_slice %arg9[%mul3A_18, %dma_start3A_44] : memref<896x128xi32, #tpu.memory_space<vmem_shared>> -> memref<56x128xi32, #tpu.memory_space<vmem_shared>>
      %dma_start3A_46 = arith.constant 0 : i32
      %dma_start3A_47 = arith.constant 0 : i32
      %dma_start3A_48 = tpu.memref_slice %arg7[%dma_start3A_46, %dma_start3A_47] : memref<896x128xi32, #tpu.memory_space<vmem>> -> memref<56x128xi32, #tpu.memory_space<vmem>>
      tpu.enqueue_dma source(%dma_start3A_48 : memref<56x128xi32, #tpu.memory_space<vmem>>) target(%dma_start3A_45 : memref<56x128xi32, #tpu.memory_space<vmem_shared>>) target_semaphore(%run_scoped3A_39 : memref<!tpu.dma_semaphore, #tpu.memory_space<semaphore_mem>>)
      %dma_wait3A = arith.constant 0 : i32
      %dma_wait3A_49 = arith.constant 0 : i32
      %dma_wait3A_50 = tpu.memref_slice %arg7[%dma_wait3A, %dma_wait3A_49] : memref<896x128xi32, #tpu.memory_space<vmem>> -> memref<56x128xi32, #tpu.memory_space<vmem>>
      %dma_wait3A_51 = arith.constant 0 : i32
      %dma_wait3A_52 = tpu.memref_slice %arg9[%mul3A_18, %dma_wait3A_51] : memref<896x128xi32, #tpu.memory_space<vmem_shared>> -> memref<56x128xi32, #tpu.memory_space<vmem_shared>>
      %dma_wait3A_53 = arith.constant 0 : i32
      %dma_wait3A_54 = tpu.memref_slice %arg9[%mul3A_18, %dma_wait3A_53] : memref<896x128xi32, #tpu.memory_space<vmem_shared>> -> memref<56x128xi32, #tpu.memory_space<vmem_shared>>
      %dma_wait3A_55 = arith.constant 0 : i32
      %dma_wait3A_56 = arith.constant 0 : i32
      %dma_wait3A_57 = tpu.memref_slice %arg7[%dma_wait3A_55, %dma_wait3A_56] : memref<896x128xi32, #tpu.memory_space<vmem>> -> memref<56x128xi32, #tpu.memory_space<vmem>>
      tpu.wait_dma2 semaphore(%run_scoped3A_39 : memref<!tpu.dma_semaphore, #tpu.memory_space<semaphore_mem>>) src(%dma_wait3A_57 : memref<56x128xi32, #tpu.memory_space<vmem>>) dst(%dma_wait3A_54 : memref<56x128xi32, #tpu.memory_space<vmem_shared>>)
      tpu.yield
    }) : () -> ()
    %barrier3A = arith.constant 0 : index
    tpu.barrier barrier_id(%barrier3A)
    %broadcast_in_dim3A_19 = arith.constant 1 : i32
    %broadcast_in_dim3A_20 = vector.broadcast %broadcast_in_dim3A_19 : i32 to vector<16xi32>
    %scan3A_21 = arith.constant 0 : i32
    %scan3A_22 = arith.constant 0 : i32
    %scan3A_23 = arith.constant 49 : i32
    %scan3A_24 = arith.addi %scan3A_22, %scan3A_23 : i32
    %scan3A_25 = arith.constant 1 : i32
    %scan3A_26 = scf.for %scan3A_39 = %scan3A_22 to %scan3A_24 step %scan3A_25 iter_args(%scan3A_40 = %scan3A_21) -> (i32)  : i32 {
      %mul3A_41 = arith.constant 4 : i32
      %mul3A_42 = arith.muli %scan3A_39, %mul3A_41 : i32
      %add3A_43 = arith.constant 0 : i32
      %add3A_44 = arith.addi %mul3A_42, %add3A_43 : i32
      %mul3A_45 = arith.constant 16 : i32
      %mul3A_46 = arith.muli %add3A_44, %mul3A_45 : i32
      %get3A = arith.index_cast %mul3A_46 : i32 to index
      %get3A_47 = tpu.vector_load %arg5[%get3A] {strides = array<i32>} : memref<3136xi32, #tpu.memory_space<vmem>>, vector<16xi32>,
      %and3A = arith.constant 2147483647 : i32
      %and3A_48 = vector.broadcast %and3A : i32 to vector<16xi32>
      %and3A_49 = arith.andi %get3A_47, %and3A_48 : vector<16xi32>
      %mul3A_50 = arith.constant 4 : i32
      %mul3A_51 = arith.muli %scan3A_39, %mul3A_50 : i32
      %add3A_52 = arith.constant 1 : i32
      %add3A_53 = arith.addi %mul3A_51, %add3A_52 : i32
      %mul3A_54 = arith.constant 16 : i32
      %mul3A_55 = arith.muli %add3A_53, %mul3A_54 : i32
      %get3A_56 = arith.index_cast %mul3A_55 : i32 to index
      %get3A_57 = tpu.vector_load %arg5[%get3A_56] {strides = array<i32>} : memref<3136xi32, #tpu.memory_space<vmem>>, vector<16xi32>,
      %and3A_58 = arith.constant 2147483647 : i32
      %and3A_59 = vector.broadcast %and3A_58 : i32 to vector<16xi32>
      %and3A_60 = arith.andi %get3A_57, %and3A_59 : vector<16xi32>
      %mul3A_61 = arith.constant 4 : i32
      %mul3A_62 = arith.muli %scan3A_39, %mul3A_61 : i32
      %add3A_63 = arith.constant 2 : i32
      %add3A_64 = arith.addi %mul3A_62, %add3A_63 : i32
      %mul3A_65 = arith.constant 16 : i32
      %mul3A_66 = arith.muli %add3A_64, %mul3A_65 : i32
      %get3A_67 = arith.index_cast %mul3A_66 : i32 to index
      %get3A_68 = tpu.vector_load %arg5[%get3A_67] {strides = array<i32>} : memref<3136xi32, #tpu.memory_space<vmem>>, vector<16xi32>,
      %and3A_69 = arith.constant 2147483647 : i32
      %and3A_70 = vector.broadcast %and3A_69 : i32 to vector<16xi32>
      %and3A_71 = arith.andi %get3A_68, %and3A_70 : vector<16xi32>
      %mul3A_72 = arith.constant 4 : i32
      %mul3A_73 = arith.muli %scan3A_39, %mul3A_72 : i32
      %add3A_74 = arith.constant 3 : i32
      %add3A_75 = arith.addi %mul3A_73, %add3A_74 : i32
      %mul3A_76 = arith.constant 16 : i32
      %mul3A_77 = arith.muli %add3A_75, %mul3A_76 : i32
      %get3A_78 = arith.index_cast %mul3A_77 : i32 to index
      %get3A_79 = tpu.vector_load %arg5[%get3A_78] {strides = array<i32>} : memref<3136xi32, #tpu.memory_space<vmem>>, vector<16xi32>,
      %and3A_80 = arith.constant 2147483647 : i32
      %and3A_81 = vector.broadcast %and3A_80 : i32 to vector<16xi32>
      %and3A_82 = arith.andi %get3A_79, %and3A_81 : vector<16xi32>
      %shift_right_logical3A = arith.constant 16 : i32
      %shift_right_logical3A_83 = vector.broadcast %shift_right_logical3A : i32 to vector<16xi32>
      %shift_right_logical3A_84 = arith.shrui %and3A_49, %shift_right_logical3A_83 : vector<16xi32>
      %shift_right_logical3A_85 = arith.constant 16 : i32
      %shift_right_logical3A_86 = vector.broadcast %shift_right_logical3A_85 : i32 to vector<16xi32>
      %shift_right_logical3A_87 = arith.shrui %and3A_60, %shift_right_logical3A_86 : vector<16xi32>
      %shift_right_logical3A_88 = arith.constant 16 : i32
      %shift_right_logical3A_89 = vector.broadcast %shift_right_logical3A_88 : i32 to vector<16xi32>
      %shift_right_logical3A_90 = arith.shrui %and3A_71, %shift_right_logical3A_89 : vector<16xi32>
      %shift_right_logical3A_91 = arith.constant 16 : i32
      %shift_right_logical3A_92 = vector.broadcast %shift_right_logical3A_91 : i32 to vector<16xi32>
      %shift_right_logical3A_93 = arith.shrui %and3A_82, %shift_right_logical3A_92 : vector<16xi32>
      %broadcast_in_dim3A_94 = arith.constant 0 : i32
      %broadcast_in_dim3A_95 = vector.broadcast %broadcast_in_dim3A_94 : i32 to vector<16xi32>
      %broadcast_in_dim3A_96 = arith.constant 0 : i32
      %broadcast_in_dim3A_97 = vector.broadcast %broadcast_in_dim3A_96 : i32 to vector<16xi32>
      %broadcast_in_dim3A_98 = arith.constant 0 : i32
      %broadcast_in_dim3A_99 = vector.broadcast %broadcast_in_dim3A_98 : i32 to vector<16xi32>
      %broadcast_in_dim3A_100 = arith.constant 0 : i32
      %broadcast_in_dim3A_101 = vector.broadcast %broadcast_in_dim3A_100 : i32 to vector<16xi32>
      %add3A_102 = arith.constant 255 : i32
      %add3A_103 = vector.broadcast %add3A_102 : i32 to vector<16xi32>
      %add3A_104 = arith.addi %broadcast_in_dim3A_95, %add3A_103 : vector<16xi32>
      %gather3A = tpu.vector_load_idx %arg6[%add3A_104] : memref<512xi32, #tpu.memory_space<vmem>>[vector<16xi32>], vector<16xi32>,
      %add3A_105 = arith.constant 255 : i32
      %add3A_106 = vector.broadcast %add3A_105 : i32 to vector<16xi32>
      %add3A_107 = arith.addi %broadcast_in_dim3A_97, %add3A_106 : vector<16xi32>
      %gather3A_108 = tpu.vector_load_idx %arg6[%add3A_107] : memref<512xi32, #tpu.memory_space<vmem>>[vector<16xi32>], vector<16xi32>,
      %add3A_109 = arith.constant 255 : i32
      %add3A_110 = vector.broadcast %add3A_109 : i32 to vector<16xi32>
      %add3A_111 = arith.addi %broadcast_in_dim3A_99, %add3A_110 : vector<16xi32>
      %gather3A_112 = tpu.vector_load_idx %arg6[%add3A_111] : memref<512xi32, #tpu.memory_space<vmem>>[vector<16xi32>], vector<16xi32>,
      %add3A_113 = arith.constant 255 : i32
      %add3A_114 = vector.broadcast %add3A_113 : i32 to vector<16xi32>
      %add3A_115 = arith.addi %broadcast_in_dim3A_101, %add3A_114 : vector<16xi32>
      %gather3A_116 = tpu.vector_load_idx %arg6[%add3A_115] : memref<512xi32, #tpu.memory_space<vmem>>[vector<16xi32>], vector<16xi32>,
      %le3A = arith.cmpi sle, %gather3A, %shift_right_logical3A_84 : vector<16xi32>
      %jit3A = arith.constant 256 : i32
      %jit3A_117 = arith.constant 0 : i32
      %broadcast_in_dim3A_118 = vector.broadcast %jit3A : i32 to vector<16xi32>
      %broadcast_in_dim3A_119 = vector.broadcast %jit3A_117 : i32 to vector<16xi32>
      %select_n3A = arith.select %le3A, %broadcast_in_dim3A_118, %broadcast_in_dim3A_119 : vector<16xi1>, vector<16xi32>
      %add3A_120 = arith.addi %broadcast_in_dim3A_95, %select_n3A : vector<16xi32>
      %le3A_121 = arith.cmpi sle, %gather3A_108, %shift_right_logical3A_87 : vector<16xi32>
      %jit3A_122 = arith.constant 256 : i32
      %jit3A_123 = arith.constant 0 : i32
      %broadcast_in_dim3A_124 = vector.broadcast %jit3A_122 : i32 to vector<16xi32>
      %broadcast_in_dim3A_125 = vector.broadcast %jit3A_123 : i32 to vector<16xi32>
      %select_n3A_126 = arith.select %le3A_121, %broadcast_in_dim3A_124, %broadcast_in_dim3A_125 : vector<16xi1>, vector<16xi32>
      %add3A_127 = arith.addi %broadcast_in_dim3A_97, %select_n3A_126 : vector<16xi32>
      %le3A_128 = arith.cmpi sle, %gather3A_112, %shift_right_logical3A_90 : vector<16xi32>
      %jit3A_129 = arith.constant 256 : i32
      %jit3A_130 = arith.constant 0 : i32
      %broadcast_in_dim3A_131 = vector.broadcast %jit3A_129 : i32 to vector<16xi32>
      %broadcast_in_dim3A_132 = vector.broadcast %jit3A_130 : i32 to vector<16xi32>
      %select_n3A_133 = arith.select %le3A_128, %broadcast_in_dim3A_131, %broadcast_in_dim3A_132 : vector<16xi1>, vector<16xi32>
      %add3A_134 = arith.addi %broadcast_in_dim3A_99, %select_n3A_133 : vector<16xi32>
      %le3A_135 = arith.cmpi sle, %gather3A_116, %shift_right_logical3A_93 : vector<16xi32>
      %jit3A_136 = arith.constant 256 : i32
      %jit3A_137 = arith.constant 0 : i32
      %broadcast_in_dim3A_138 = vector.broadcast %jit3A_136 : i32 to vector<16xi32>
      %broadcast_in_dim3A_139 = vector.broadcast %jit3A_137 : i32 to vector<16xi32>
      %select_n3A_140 = arith.select %le3A_135, %broadcast_in_dim3A_138, %broadcast_in_dim3A_139 : vector<16xi1>, vector<16xi32>
      %add3A_141 = arith.addi %broadcast_in_dim3A_101, %select_n3A_140 : vector<16xi32>
      %add3A_142 = arith.constant 127 : i32
      %add3A_143 = vector.broadcast %add3A_142 : i32 to vector<16xi32>
      %add3A_144 = arith.addi %add3A_120, %add3A_143 : vector<16xi32>
      %gather3A_145 = tpu.vector_load_idx %arg6[%add3A_144] : memref<512xi32, #tpu.memory_space<vmem>>[vector<16xi32>], vector<16xi32>,
      %add3A_146 = arith.constant 127 : i32
      %add3A_147 = vector.broadcast %add3A_146 : i32 to vector<16xi32>
      %add3A_148 = arith.addi %add3A_127, %add3A_147 : vector<16xi32>
      %gather3A_149 = tpu.vector_load_idx %arg6[%add3A_148] : memref<512xi32, #tpu.memory_space<vmem>>[vector<16xi32>], vector<16xi32>,
      %add3A_150 = arith.constant 127 : i32
      %add3A_151 = vector.broadcast %add3A_150 : i32 to vector<16xi32>
      %add3A_152 = arith.addi %add3A_134, %add3A_151 : vector<16xi32>
      %gather3A_153 = tpu.vector_load_idx %arg6[%add3A_152] : memref<512xi32, #tpu.memory_space<vmem>>[vector<16xi32>], vector<16xi32>,
      %add3A_154 = arith.constant 127 : i32
      %add3A_155 = vector.broadcast %add3A_154 : i32 to vector<16xi32>
      %add3A_156 = arith.addi %add3A_141, %add3A_155 : vector<16xi32>
      %gather3A_157 = tpu.vector_load_idx %arg6[%add3A_156] : memref<512xi32, #tpu.memory_space<vmem>>[vector<16xi32>], vector<16xi32>,
      %le3A_158 = arith.cmpi sle, %gather3A_145, %shift_right_logical3A_84 : vector<16xi32>
      %jit3A_159 = arith.constant 128 : i32
      %jit3A_160 = arith.constant 0 : i32
      %broadcast_in_dim3A_161 = vector.broadcast %jit3A_159 : i32 to vector<16xi32>
      %broadcast_in_dim3A_162 = vector.broadcast %jit3A_160 : i32 to vector<16xi32>
      %select_n3A_163 = arith.select %le3A_158, %broadcast_in_dim3A_161, %broadcast_in_dim3A_162 : vector<16xi1>, vector<16xi32>
      %add3A_164 = arith.addi %add3A_120, %select_n3A_163 : vector<16xi32>
      %le3A_165 = arith.cmpi sle, %gather3A_149, %shift_right_logical3A_87 : vector<16xi32>
      %jit3A_166 = arith.constant 128 : i32
      %jit3A_167 = arith.constant 0 : i32
      %broadcast_in_dim3A_168 = vector.broadcast %jit3A_166 : i32 to vector<16xi32>
      %broadcast_in_dim3A_169 = vector.broadcast %jit3A_167 : i32 to vector<16xi32>
      %select_n3A_170 = arith.select %le3A_165, %broadcast_in_dim3A_168, %broadcast_in_dim3A_169 : vector<16xi1>, vector<16xi32>
      %add3A_171 = arith.addi %add3A_127, %select_n3A_170 : vector<16xi32>
      %le3A_172 = arith.cmpi sle, %gather3A_153, %shift_right_logical3A_90 : vector<16xi32>
      %jit3A_173 = arith.constant 128 : i32
      %jit3A_174 = arith.constant 0 : i32
      %broadcast_in_dim3A_175 = vector.broadcast %jit3A_173 : i32 to vector<16xi32>
      %broadcast_in_dim3A_176 = vector.broadcast %jit3A_174 : i32 to vector<16xi32>
      %select_n3A_177 = arith.select %le3A_172, %broadcast_in_dim3A_175, %broadcast_in_dim3A_176 : vector<16xi1>, vector<16xi32>
      %add3A_178 = arith.addi %add3A_134, %select_n3A_177 : vector<16xi32>
      %le3A_179 = arith.cmpi sle, %gather3A_157, %shift_right_logical3A_93 : vector<16xi32>
      %jit3A_180 = arith.constant 128 : i32
      %jit3A_181 = arith.constant 0 : i32
      %broadcast_in_dim3A_182 = vector.broadcast %jit3A_180 : i32 to vector<16xi32>
      %broadcast_in_dim3A_183 = vector.broadcast %jit3A_181 : i32 to vector<16xi32>
      %select_n3A_184 = arith.select %le3A_179, %broadcast_in_dim3A_182, %broadcast_in_dim3A_183 : vector<16xi1>, vector<16xi32>
      %add3A_185 = arith.addi %add3A_141, %select_n3A_184 : vector<16xi32>
      %add3A_186 = arith.constant 63 : i32
      %add3A_187 = vector.broadcast %add3A_186 : i32 to vector<16xi32>
      %add3A_188 = arith.addi %add3A_164, %add3A_187 : vector<16xi32>
      %gather3A_189 = tpu.vector_load_idx %arg6[%add3A_188] : memref<512xi32, #tpu.memory_space<vmem>>[vector<16xi32>], vector<16xi32>,
      %add3A_190 = arith.constant 63 : i32
      %add3A_191 = vector.broadcast %add3A_190 : i32 to vector<16xi32>
      %add3A_192 = arith.addi %add3A_171, %add3A_191 : vector<16xi32>
      %gather3A_193 = tpu.vector_load_idx %arg6[%add3A_192] : memref<512xi32, #tpu.memory_space<vmem>>[vector<16xi32>], vector<16xi32>,
      %add3A_194 = arith.constant 63 : i32
      %add3A_195 = vector.broadcast %add3A_194 : i32 to vector<16xi32>
      %add3A_196 = arith.addi %add3A_178, %add3A_195 : vector<16xi32>
      %gather3A_197 = tpu.vector_load_idx %arg6[%add3A_196] : memref<512xi32, #tpu.memory_space<vmem>>[vector<16xi32>], vector<16xi32>,
      %add3A_198 = arith.constant 63 : i32
      %add3A_199 = vector.broadcast %add3A_198 : i32 to vector<16xi32>
      %add3A_200 = arith.addi %add3A_185, %add3A_199 : vector<16xi32>
      %gather3A_201 = tpu.vector_load_idx %arg6[%add3A_200] : memref<512xi32, #tpu.memory_space<vmem>>[vector<16xi32>], vector<16xi32>,
      %le3A_202 = arith.cmpi sle, %gather3A_189, %shift_right_logical3A_84 : vector<16xi32>
      %jit3A_203 = arith.constant 64 : i32
      %jit3A_204 = arith.constant 0 : i32
      %broadcast_in_dim3A_205 = vector.broadcast %jit3A_203 : i32 to vector<16xi32>
      %broadcast_in_dim3A_206 = vector.broadcast %jit3A_204 : i32 to vector<16xi32>
      %select_n3A_207 = arith.select %le3A_202, %broadcast_in_dim3A_205, %broadcast_in_dim3A_206 : vector<16xi1>, vector<16xi32>
      %add3A_208 = arith.addi %add3A_164, %select_n3A_207 : vector<16xi32>
      %le3A_209 = arith.cmpi sle, %gather3A_193, %shift_right_logical3A_87 : vector<16xi32>
      %jit3A_210 = arith.constant 64 : i32
      %jit3A_211 = arith.constant 0 : i32
      %broadcast_in_dim3A_212 = vector.broadcast %jit3A_210 : i32 to vector<16xi32>
      %broadcast_in_dim3A_213 = vector.broadcast %jit3A_211 : i32 to vector<16xi32>
      %select_n3A_214 = arith.select %le3A_209, %broadcast_in_dim3A_212, %broadcast_in_dim3A_213 : vector<16xi1>, vector<16xi32>
      %add3A_215 = arith.addi %add3A_171, %select_n3A_214 : vector<16xi32>
      %le3A_216 = arith.cmpi sle, %gather3A_197, %shift_right_logical3A_90 : vector<16xi32>
      %jit3A_217 = arith.constant 64 : i32
      %jit3A_218 = arith.constant 0 : i32
      %broadcast_in_dim3A_219 = vector.broadcast %jit3A_217 : i32 to vector<16xi32>
      %broadcast_in_dim3A_220 = vector.broadcast %jit3A_218 : i32 to vector<16xi32>
      %select_n3A_221 = arith.select %le3A_216, %broadcast_in_dim3A_219, %broadcast_in_dim3A_220 : vector<16xi1>, vector<16xi32>
      %add3A_222 = arith.addi %add3A_178, %select_n3A_221 : vector<16xi32>
      %le3A_223 = arith.cmpi sle, %gather3A_201, %shift_right_logical3A_93 : vector<16xi32>
      %jit3A_224 = arith.constant 64 : i32
      %jit3A_225 = arith.constant 0 : i32
      %broadcast_in_dim3A_226 = vector.broadcast %jit3A_224 : i32 to vector<16xi32>
      %broadcast_in_dim3A_227 = vector.broadcast %jit3A_225 : i32 to vector<16xi32>
      %select_n3A_228 = arith.select %le3A_223, %broadcast_in_dim3A_226, %broadcast_in_dim3A_227 : vector<16xi1>, vector<16xi32>
      %add3A_229 = arith.addi %add3A_185, %select_n3A_228 : vector<16xi32>
      %add3A_230 = arith.constant 31 : i32
      %add3A_231 = vector.broadcast %add3A_230 : i32 to vector<16xi32>
      %add3A_232 = arith.addi %add3A_208, %add3A_231 : vector<16xi32>
      %gather3A_233 = tpu.vector_load_idx %arg6[%add3A_232] : memref<512xi32, #tpu.memory_space<vmem>>[vector<16xi32>], vector<16xi32>,
      %add3A_234 = arith.constant 31 : i32
      %add3A_235 = vector.broadcast %add3A_234 : i32 to vector<16xi32>
      %add3A_236 = arith.addi %add3A_215, %add3A_235 : vector<16xi32>
      %gather3A_237 = tpu.vector_load_idx %arg6[%add3A_236] : memref<512xi32, #tpu.memory_space<vmem>>[vector<16xi32>], vector<16xi32>,
      %add3A_238 = arith.constant 31 : i32
      %add3A_239 = vector.broadcast %add3A_238 : i32 to vector<16xi32>
      %add3A_240 = arith.addi %add3A_222, %add3A_239 : vector<16xi32>
      %gather3A_241 = tpu.vector_load_idx %arg6[%add3A_240] : memref<512xi32, #tpu.memory_space<vmem>>[vector<16xi32>], vector<16xi32>,
      %add3A_242 = arith.constant 31 : i32
      %add3A_243 = vector.broadcast %add3A_242 : i32 to vector<16xi32>
      %add3A_244 = arith.addi %add3A_229, %add3A_243 : vector<16xi32>
      %gather3A_245 = tpu.vector_load_idx %arg6[%add3A_244] : memref<512xi32, #tpu.memory_space<vmem>>[vector<16xi32>], vector<16xi32>,
      %le3A_246 = arith.cmpi sle, %gather3A_233, %shift_right_logical3A_84 : vector<16xi32>
      %jit3A_247 = arith.constant 32 : i32
      %jit3A_248 = arith.constant 0 : i32
      %broadcast_in_dim3A_249 = vector.broadcast %jit3A_247 : i32 to vector<16xi32>
      %broadcast_in_dim3A_250 = vector.broadcast %jit3A_248 : i32 to vector<16xi32>
      %select_n3A_251 = arith.select %le3A_246, %broadcast_in_dim3A_249, %broadcast_in_dim3A_250 : vector<16xi1>, vector<16xi32>
      %add3A_252 = arith.addi %add3A_208, %select_n3A_251 : vector<16xi32>
      %le3A_253 = arith.cmpi sle, %gather3A_237, %shift_right_logical3A_87 : vector<16xi32>
      %jit3A_254 = arith.constant 32 : i32
      %jit3A_255 = arith.constant 0 : i32
      %broadcast_in_dim3A_256 = vector.broadcast %jit3A_254 : i32 to vector<16xi32>
      %broadcast_in_dim3A_257 = vector.broadcast %jit3A_255 : i32 to vector<16xi32>
      %select_n3A_258 = arith.select %le3A_253, %broadcast_in_dim3A_256, %broadcast_in_dim3A_257 : vector<16xi1>, vector<16xi32>
      %add3A_259 = arith.addi %add3A_215, %select_n3A_258 : vector<16xi32>
      %le3A_260 = arith.cmpi sle, %gather3A_241, %shift_right_logical3A_90 : vector<16xi32>
      %jit3A_261 = arith.constant 32 : i32
      %jit3A_262 = arith.constant 0 : i32
      %broadcast_in_dim3A_263 = vector.broadcast %jit3A_261 : i32 to vector<16xi32>
      %broadcast_in_dim3A_264 = vector.broadcast %jit3A_262 : i32 to vector<16xi32>
      %select_n3A_265 = arith.select %le3A_260, %broadcast_in_dim3A_263, %broadcast_in_dim3A_264 : vector<16xi1>, vector<16xi32>
      %add3A_266 = arith.addi %add3A_222, %select_n3A_265 : vector<16xi32>
      %le3A_267 = arith.cmpi sle, %gather3A_245, %shift_right_logical3A_93 : vector<16xi32>
      %jit3A_268 = arith.constant 32 : i32
      %jit3A_269 = arith.constant 0 : i32
      %broadcast_in_dim3A_270 = vector.broadcast %jit3A_268 : i32 to vector<16xi32>
      %broadcast_in_dim3A_271 = vector.broadcast %jit3A_269 : i32 to vector<16xi32>
      %select_n3A_272 = arith.select %le3A_267, %broadcast_in_dim3A_270, %broadcast_in_dim3A_271 : vector<16xi1>, vector<16xi32>
      %add3A_273 = arith.addi %add3A_229, %select_n3A_272 : vector<16xi32>
      %add3A_274 = arith.constant 15 : i32
      %add3A_275 = vector.broadcast %add3A_274 : i32 to vector<16xi32>
      %add3A_276 = arith.addi %add3A_252, %add3A_275 : vector<16xi32>
      %gather3A_277 = tpu.vector_load_idx %arg6[%add3A_276] : memref<512xi32, #tpu.memory_space<vmem>>[vector<16xi32>], vector<16xi32>,
      %add3A_278 = arith.constant 15 : i32
      %add3A_279 = vector.broadcast %add3A_278 : i32 to vector<16xi32>
      %add3A_280 = arith.addi %add3A_259, %add3A_279 : vector<16xi32>
      %gather3A_281 = tpu.vector_load_idx %arg6[%add3A_280] : memref<512xi32, #tpu.memory_space<vmem>>[vector<16xi32>], vector<16xi32>,
      %add3A_282 = arith.constant 15 : i32
      %add3A_283 = vector.broadcast %add3A_282 : i32 to vector<16xi32>
      %add3A_284 = arith.addi %add3A_266, %add3A_283 : vector<16xi32>
      %gather3A_285 = tpu.vector_load_idx %arg6[%add3A_284] : memref<512xi32, #tpu.memory_space<vmem>>[vector<16xi32>], vector<16xi32>,
      %add3A_286 = arith.constant 15 : i32
      %add3A_287 = vector.broadcast %add3A_286 : i32 to vector<16xi32>
      %add3A_288 = arith.addi %add3A_273, %add3A_287 : vector<16xi32>
      %gather3A_289 = tpu.vector_load_idx %arg6[%add3A_288] : memref<512xi32, #tpu.memory_space<vmem>>[vector<16xi32>], vector<16xi32>,
      %le3A_290 = arith.cmpi sle, %gather3A_277, %shift_right_logical3A_84 : vector<16xi32>
      %jit3A_291 = arith.constant 16 : i32
      %jit3A_292 = arith.constant 0 : i32
      %broadcast_in_dim3A_293 = vector.broadcast %jit3A_291 : i32 to vector<16xi32>
      %broadcast_in_dim3A_294 = vector.broadcast %jit3A_292 : i32 to vector<16xi32>
      %select_n3A_295 = arith.select %le3A_290, %broadcast_in_dim3A_293, %broadcast_in_dim3A_294 : vector<16xi1>, vector<16xi32>
      %add3A_296 = arith.addi %add3A_252, %select_n3A_295 : vector<16xi32>
      %le3A_297 = arith.cmpi sle, %gather3A_281, %shift_right_logical3A_87 : vector<16xi32>
      %jit3A_298 = arith.constant 16 : i32
      %jit3A_299 = arith.constant 0 : i32
      %broadcast_in_dim3A_300 = vector.broadcast %jit3A_298 : i32 to vector<16xi32>
      %broadcast_in_dim3A_301 = vector.broadcast %jit3A_299 : i32 to vector<16xi32>
      %select_n3A_302 = arith.select %le3A_297, %broadcast_in_dim3A_300, %broadcast_in_dim3A_301 : vector<16xi1>, vector<16xi32>
      %add3A_303 = arith.addi %add3A_259, %select_n3A_302 : vector<16xi32>
      %le3A_304 = arith.cmpi sle, %gather3A_285, %shift_right_logical3A_90 : vector<16xi32>
      %jit3A_305 = arith.constant 16 : i32
      %jit3A_306 = arith.constant 0 : i32
      %broadcast_in_dim3A_307 = vector.broadcast %jit3A_305 : i32 to vector<16xi32>
      %broadcast_in_dim3A_308 = vector.broadcast %jit3A_306 : i32 to vector<16xi32>
      %select_n3A_309 = arith.select %le3A_304, %broadcast_in_dim3A_307, %broadcast_in_dim3A_308 : vector<16xi1>, vector<16xi32>
      %add3A_310 = arith.addi %add3A_266, %select_n3A_309 : vector<16xi32>
      %le3A_311 = arith.cmpi sle, %gather3A_289, %shift_right_logical3A_93 : vector<16xi32>
      %jit3A_312 = arith.constant 16 : i32
      %jit3A_313 = arith.constant 0 : i32
      %broadcast_in_dim3A_314 = vector.broadcast %jit3A_312 : i32 to vector<16xi32>
      %broadcast_in_dim3A_315 = vector.broadcast %jit3A_313 : i32 to vector<16xi32>
      %select_n3A_316 = arith.select %le3A_311, %broadcast_in_dim3A_314, %broadcast_in_dim3A_315 : vector<16xi1>, vector<16xi32>
      %add3A_317 = arith.addi %add3A_273, %select_n3A_316 : vector<16xi32>
      %add3A_318 = arith.constant 7 : i32
      %add3A_319 = vector.broadcast %add3A_318 : i32 to vector<16xi32>
      %add3A_320 = arith.addi %add3A_296, %add3A_319 : vector<16xi32>
      %gather3A_321 = tpu.vector_load_idx %arg6[%add3A_320] : memref<512xi32, #tpu.memory_space<vmem>>[vector<16xi32>], vector<16xi32>,
      %add3A_322 = arith.constant 7 : i32
      %add3A_323 = vector.broadcast %add3A_322 : i32 to vector<16xi32>
      %add3A_324 = arith.addi %add3A_303, %add3A_323 : vector<16xi32>
      %gather3A_325 = tpu.vector_load_idx %arg6[%add3A_324] : memref<512xi32, #tpu.memory_space<vmem>>[vector<16xi32>], vector<16xi32>,
      %add3A_326 = arith.constant 7 : i32
      %add3A_327 = vector.broadcast %add3A_326 : i32 to vector<16xi32>
      %add3A_328 = arith.addi %add3A_310, %add3A_327 : vector<16xi32>
      %gather3A_329 = tpu.vector_load_idx %arg6[%add3A_328] : memref<512xi32, #tpu.memory_space<vmem>>[vector<16xi32>], vector<16xi32>,
      %add3A_330 = arith.constant 7 : i32
      %add3A_331 = vector.broadcast %add3A_330 : i32 to vector<16xi32>
      %add3A_332 = arith.addi %add3A_317, %add3A_331 : vector<16xi32>
      %gather3A_333 = tpu.vector_load_idx %arg6[%add3A_332] : memref<512xi32, #tpu.memory_space<vmem>>[vector<16xi32>], vector<16xi32>,
      %le3A_334 = arith.cmpi sle, %gather3A_321, %shift_right_logical3A_84 : vector<16xi32>
      %jit3A_335 = arith.constant 8 : i32
      %jit3A_336 = arith.constant 0 : i32
      %broadcast_in_dim3A_337 = vector.broadcast %jit3A_335 : i32 to vector<16xi32>
      %broadcast_in_dim3A_338 = vector.broadcast %jit3A_336 : i32 to vector<16xi32>
      %select_n3A_339 = arith.select %le3A_334, %broadcast_in_dim3A_337, %broadcast_in_dim3A_338 : vector<16xi1>, vector<16xi32>
      %add3A_340 = arith.addi %add3A_296, %select_n3A_339 : vector<16xi32>
      %le3A_341 = arith.cmpi sle, %gather3A_325, %shift_right_logical3A_87 : vector<16xi32>
      %jit3A_342 = arith.constant 8 : i32
      %jit3A_343 = arith.constant 0 : i32
      %broadcast_in_dim3A_344 = vector.broadcast %jit3A_342 : i32 to vector<16xi32>
      %broadcast_in_dim3A_345 = vector.broadcast %jit3A_343 : i32 to vector<16xi32>
      %select_n3A_346 = arith.select %le3A_341, %broadcast_in_dim3A_344, %broadcast_in_dim3A_345 : vector<16xi1>, vector<16xi32>
      %add3A_347 = arith.addi %add3A_303, %select_n3A_346 : vector<16xi32>
      %le3A_348 = arith.cmpi sle, %gather3A_329, %shift_right_logical3A_90 : vector<16xi32>
      %jit3A_349 = arith.constant 8 : i32
      %jit3A_350 = arith.constant 0 : i32
      %broadcast_in_dim3A_351 = vector.broadcast %jit3A_349 : i32 to vector<16xi32>
      %broadcast_in_dim3A_352 = vector.broadcast %jit3A_350 : i32 to vector<16xi32>
      %select_n3A_353 = arith.select %le3A_348, %broadcast_in_dim3A_351, %broadcast_in_dim3A_352 : vector<16xi1>, vector<16xi32>
      %add3A_354 = arith.addi %add3A_310, %select_n3A_353 : vector<16xi32>
      %le3A_355 = arith.cmpi sle, %gather3A_333, %shift_right_logical3A_93 : vector<16xi32>
      %jit3A_356 = arith.constant 8 : i32
      %jit3A_357 = arith.constant 0 : i32
      %broadcast_in_dim3A_358 = vector.broadcast %jit3A_356 : i32 to vector<16xi32>
      %broadcast_in_dim3A_359 = vector.broadcast %jit3A_357 : i32 to vector<16xi32>
      %select_n3A_360 = arith.select %le3A_355, %broadcast_in_dim3A_358, %broadcast_in_dim3A_359 : vector<16xi1>, vector<16xi32>
      %add3A_361 = arith.addi %add3A_317, %select_n3A_360 : vector<16xi32>
      %add3A_362 = arith.constant 3 : i32
      %add3A_363 = vector.broadcast %add3A_362 : i32 to vector<16xi32>
      %add3A_364 = arith.addi %add3A_340, %add3A_363 : vector<16xi32>
      %gather3A_365 = tpu.vector_load_idx %arg6[%add3A_364] : memref<512xi32, #tpu.memory_space<vmem>>[vector<16xi32>], vector<16xi32>,
      %add3A_366 = arith.constant 3 : i32
      %add3A_367 = vector.broadcast %add3A_366 : i32 to vector<16xi32>
      %add3A_368 = arith.addi %add3A_347, %add3A_367 : vector<16xi32>
      %gather3A_369 = tpu.vector_load_idx %arg6[%add3A_368] : memref<512xi32, #tpu.memory_space<vmem>>[vector<16xi32>], vector<16xi32>,
      %add3A_370 = arith.constant 3 : i32
      %add3A_371 = vector.broadcast %add3A_370 : i32 to vector<16xi32>
      %add3A_372 = arith.addi %add3A_354, %add3A_371 : vector<16xi32>
      %gather3A_373 = tpu.vector_load_idx %arg6[%add3A_372] : memref<512xi32, #tpu.memory_space<vmem>>[vector<16xi32>], vector<16xi32>,
      %add3A_374 = arith.constant 3 : i32
      %add3A_375 = vector.broadcast %add3A_374 : i32 to vector<16xi32>
      %add3A_376 = arith.addi %add3A_361, %add3A_375 : vector<16xi32>
      %gather3A_377 = tpu.vector_load_idx %arg6[%add3A_376] : memref<512xi32, #tpu.memory_space<vmem>>[vector<16xi32>], vector<16xi32>,
      %le3A_378 = arith.cmpi sle, %gather3A_365, %shift_right_logical3A_84 : vector<16xi32>
      %jit3A_379 = arith.constant 4 : i32
      %jit3A_380 = arith.constant 0 : i32
      %broadcast_in_dim3A_381 = vector.broadcast %jit3A_379 : i32 to vector<16xi32>
      %broadcast_in_dim3A_382 = vector.broadcast %jit3A_380 : i32 to vector<16xi32>
      %select_n3A_383 = arith.select %le3A_378, %broadcast_in_dim3A_381, %broadcast_in_dim3A_382 : vector<16xi1>, vector<16xi32>
      %add3A_384 = arith.addi %add3A_340, %select_n3A_383 : vector<16xi32>
      %le3A_385 = arith.cmpi sle, %gather3A_369, %shift_right_logical3A_87 : vector<16xi32>
      %jit3A_386 = arith.constant 4 : i32
      %jit3A_387 = arith.constant 0 : i32
      %broadcast_in_dim3A_388 = vector.broadcast %jit3A_386 : i32 to vector<16xi32>
      %broadcast_in_dim3A_389 = vector.broadcast %jit3A_387 : i32 to vector<16xi32>
      %select_n3A_390 = arith.select %le3A_385, %broadcast_in_dim3A_388, %broadcast_in_dim3A_389 : vector<16xi1>, vector<16xi32>
      %add3A_391 = arith.addi %add3A_347, %select_n3A_390 : vector<16xi32>
      %le3A_392 = arith.cmpi sle, %gather3A_373, %shift_right_logical3A_90 : vector<16xi32>
      %jit3A_393 = arith.constant 4 : i32
      %jit3A_394 = arith.constant 0 : i32
      %broadcast_in_dim3A_395 = vector.broadcast %jit3A_393 : i32 to vector<16xi32>
      %broadcast_in_dim3A_396 = vector.broadcast %jit3A_394 : i32 to vector<16xi32>
      %select_n3A_397 = arith.select %le3A_392, %broadcast_in_dim3A_395, %broadcast_in_dim3A_396 : vector<16xi1>, vector<16xi32>
      %add3A_398 = arith.addi %add3A_354, %select_n3A_397 : vector<16xi32>
      %le3A_399 = arith.cmpi sle, %gather3A_377, %shift_right_logical3A_93 : vector<16xi32>
      %jit3A_400 = arith.constant 4 : i32
      %jit3A_401 = arith.constant 0 : i32
      %broadcast_in_dim3A_402 = vector.broadcast %jit3A_400 : i32 to vector<16xi32>
      %broadcast_in_dim3A_403 = vector.broadcast %jit3A_401 : i32 to vector<16xi32>
      %select_n3A_404 = arith.select %le3A_399, %broadcast_in_dim3A_402, %broadcast_in_dim3A_403 : vector<16xi1>, vector<16xi32>
      %add3A_405 = arith.addi %add3A_361, %select_n3A_404 : vector<16xi32>
      %add3A_406 = arith.constant 1 : i32
      %add3A_407 = vector.broadcast %add3A_406 : i32 to vector<16xi32>
      %add3A_408 = arith.addi %add3A_384, %add3A_407 : vector<16xi32>
      %gather3A_409 = tpu.vector_load_idx %arg6[%add3A_408] : memref<512xi32, #tpu.memory_space<vmem>>[vector<16xi32>], vector<16xi32>,
      %add3A_410 = arith.constant 1 : i32
      %add3A_411 = vector.broadcast %add3A_410 : i32 to vector<16xi32>
      %add3A_412 = arith.addi %add3A_391, %add3A_411 : vector<16xi32>
      %gather3A_413 = tpu.vector_load_idx %arg6[%add3A_412] : memref<512xi32, #tpu.memory_space<vmem>>[vector<16xi32>], vector<16xi32>,
      %add3A_414 = arith.constant 1 : i32
      %add3A_415 = vector.broadcast %add3A_414 : i32 to vector<16xi32>
      %add3A_416 = arith.addi %add3A_398, %add3A_415 : vector<16xi32>
      %gather3A_417 = tpu.vector_load_idx %arg6[%add3A_416] : memref<512xi32, #tpu.memory_space<vmem>>[vector<16xi32>], vector<16xi32>,
      %add3A_418 = arith.constant 1 : i32
      %add3A_419 = vector.broadcast %add3A_418 : i32 to vector<16xi32>
      %add3A_420 = arith.addi %add3A_405, %add3A_419 : vector<16xi32>
      %gather3A_421 = tpu.vector_load_idx %arg6[%add3A_420] : memref<512xi32, #tpu.memory_space<vmem>>[vector<16xi32>], vector<16xi32>,
      %le3A_422 = arith.cmpi sle, %gather3A_409, %shift_right_logical3A_84 : vector<16xi32>
      %jit3A_423 = arith.constant 2 : i32
      %jit3A_424 = arith.constant 0 : i32
      %broadcast_in_dim3A_425 = vector.broadcast %jit3A_423 : i32 to vector<16xi32>
      %broadcast_in_dim3A_426 = vector.broadcast %jit3A_424 : i32 to vector<16xi32>
      %select_n3A_427 = arith.select %le3A_422, %broadcast_in_dim3A_425, %broadcast_in_dim3A_426 : vector<16xi1>, vector<16xi32>
      %add3A_428 = arith.addi %add3A_384, %select_n3A_427 : vector<16xi32>
      %le3A_429 = arith.cmpi sle, %gather3A_413, %shift_right_logical3A_87 : vector<16xi32>
      %jit3A_430 = arith.constant 2 : i32
      %jit3A_431 = arith.constant 0 : i32
      %broadcast_in_dim3A_432 = vector.broadcast %jit3A_430 : i32 to vector<16xi32>
      %broadcast_in_dim3A_433 = vector.broadcast %jit3A_431 : i32 to vector<16xi32>
      %select_n3A_434 = arith.select %le3A_429, %broadcast_in_dim3A_432, %broadcast_in_dim3A_433 : vector<16xi1>, vector<16xi32>
      %add3A_435 = arith.addi %add3A_391, %select_n3A_434 : vector<16xi32>
      %le3A_436 = arith.cmpi sle, %gather3A_417, %shift_right_logical3A_90 : vector<16xi32>
      %jit3A_437 = arith.constant 2 : i32
      %jit3A_438 = arith.constant 0 : i32
      %broadcast_in_dim3A_439 = vector.broadcast %jit3A_437 : i32 to vector<16xi32>
      %broadcast_in_dim3A_440 = vector.broadcast %jit3A_438 : i32 to vector<16xi32>
      %select_n3A_441 = arith.select %le3A_436, %broadcast_in_dim3A_439, %broadcast_in_dim3A_440 : vector<16xi1>, vector<16xi32>
      %add3A_442 = arith.addi %add3A_398, %select_n3A_441 : vector<16xi32>
      %le3A_443 = arith.cmpi sle, %gather3A_421, %shift_right_logical3A_93 : vector<16xi32>
      %jit3A_444 = arith.constant 2 : i32
      %jit3A_445 = arith.constant 0 : i32
      %broadcast_in_dim3A_446 = vector.broadcast %jit3A_444 : i32 to vector<16xi32>
      %broadcast_in_dim3A_447 = vector.broadcast %jit3A_445 : i32 to vector<16xi32>
      %select_n3A_448 = arith.select %le3A_443, %broadcast_in_dim3A_446, %broadcast_in_dim3A_447 : vector<16xi1>, vector<16xi32>
      %add3A_449 = arith.addi %add3A_405, %select_n3A_448 : vector<16xi32>
      %add3A_450 = arith.constant 0 : i32
      %add3A_451 = vector.broadcast %add3A_450 : i32 to vector<16xi32>
      %add3A_452 = arith.addi %add3A_428, %add3A_451 : vector<16xi32>
      %gather3A_453 = tpu.vector_load_idx %arg6[%add3A_452] : memref<512xi32, #tpu.memory_space<vmem>>[vector<16xi32>], vector<16xi32>,
      %add3A_454 = arith.constant 0 : i32
      %add3A_455 = vector.broadcast %add3A_454 : i32 to vector<16xi32>
      %add3A_456 = arith.addi %add3A_435, %add3A_455 : vector<16xi32>
      %gather3A_457 = tpu.vector_load_idx %arg6[%add3A_456] : memref<512xi32, #tpu.memory_space<vmem>>[vector<16xi32>], vector<16xi32>,
      %add3A_458 = arith.constant 0 : i32
      %add3A_459 = vector.broadcast %add3A_458 : i32 to vector<16xi32>
      %add3A_460 = arith.addi %add3A_442, %add3A_459 : vector<16xi32>
      %gather3A_461 = tpu.vector_load_idx %arg6[%add3A_460] : memref<512xi32, #tpu.memory_space<vmem>>[vector<16xi32>], vector<16xi32>,
      %add3A_462 = arith.constant 0 : i32
      %add3A_463 = vector.broadcast %add3A_462 : i32 to vector<16xi32>
      %add3A_464 = arith.addi %add3A_449, %add3A_463 : vector<16xi32>
      %gather3A_465 = tpu.vector_load_idx %arg6[%add3A_464] : memref<512xi32, #tpu.memory_space<vmem>>[vector<16xi32>], vector<16xi32>,
      %le3A_466 = arith.cmpi sle, %gather3A_453, %shift_right_logical3A_84 : vector<16xi32>
      %jit3A_467 = arith.constant 1 : i32
      %jit3A_468 = arith.constant 0 : i32
      %broadcast_in_dim3A_469 = vector.broadcast %jit3A_467 : i32 to vector<16xi32>
      %broadcast_in_dim3A_470 = vector.broadcast %jit3A_468 : i32 to vector<16xi32>
      %select_n3A_471 = arith.select %le3A_466, %broadcast_in_dim3A_469, %broadcast_in_dim3A_470 : vector<16xi1>, vector<16xi32>
      %add3A_472 = arith.addi %add3A_428, %select_n3A_471 : vector<16xi32>
      %le3A_473 = arith.cmpi sle, %gather3A_457, %shift_right_logical3A_87 : vector<16xi32>
      %jit3A_474 = arith.constant 1 : i32
      %jit3A_475 = arith.constant 0 : i32
      %broadcast_in_dim3A_476 = vector.broadcast %jit3A_474 : i32 to vector<16xi32>
      %broadcast_in_dim3A_477 = vector.broadcast %jit3A_475 : i32 to vector<16xi32>
      %select_n3A_478 = arith.select %le3A_473, %broadcast_in_dim3A_476, %broadcast_in_dim3A_477 : vector<16xi1>, vector<16xi32>
      %add3A_479 = arith.addi %add3A_435, %select_n3A_478 : vector<16xi32>
      %le3A_480 = arith.cmpi sle, %gather3A_461, %shift_right_logical3A_90 : vector<16xi32>
      %jit3A_481 = arith.constant 1 : i32
      %jit3A_482 = arith.constant 0 : i32
      %broadcast_in_dim3A_483 = vector.broadcast %jit3A_481 : i32 to vector<16xi32>
      %broadcast_in_dim3A_484 = vector.broadcast %jit3A_482 : i32 to vector<16xi32>
      %select_n3A_485 = arith.select %le3A_480, %broadcast_in_dim3A_483, %broadcast_in_dim3A_484 : vector<16xi1>, vector<16xi32>
      %add3A_486 = arith.addi %add3A_442, %select_n3A_485 : vector<16xi32>
      %le3A_487 = arith.cmpi sle, %gather3A_465, %shift_right_logical3A_93 : vector<16xi32>
      %jit3A_488 = arith.constant 1 : i32
      %jit3A_489 = arith.constant 0 : i32
      %broadcast_in_dim3A_490 = vector.broadcast %jit3A_488 : i32 to vector<16xi32>
      %broadcast_in_dim3A_491 = vector.broadcast %jit3A_489 : i32 to vector<16xi32>
      %select_n3A_492 = arith.select %le3A_487, %broadcast_in_dim3A_490, %broadcast_in_dim3A_491 : vector<16xi1>, vector<16xi32>
      %add3A_493 = arith.addi %add3A_449, %select_n3A_492 : vector<16xi32>
      %sub3A = arith.constant 1 : i32
      %sub3A_494 = vector.broadcast %sub3A : i32 to vector<16xi32>
      %sub3A_495 = arith.subi %add3A_472, %sub3A_494 : vector<16xi32>
      %max3A = arith.constant 0 : i32
      %max3A_496 = vector.broadcast %max3A : i32 to vector<16xi32>
      %max3A_497 = arith.maxsi %sub3A_495, %max3A_496 : vector<16xi32>
      %gather3A_498 = tpu.vector_load_idx %arg6[%max3A_497] : memref<512xi32, #tpu.memory_space<vmem>>[vector<16xi32>], vector<16xi32>,
      %ge3A = arith.constant 1 : i32
      %ge3A_499 = vector.broadcast %ge3A : i32 to vector<16xi32>
      %ge3A_500 = arith.cmpi sge, %add3A_472, %ge3A_499 : vector<16xi32>
      %eq3A = arith.cmpi eq, %gather3A_498, %shift_right_logical3A_84 : vector<16xi32>
      %and3A_501 = arith.andi %ge3A_500, %eq3A : vector<16xi1>
      %shift_right_logical3A_502 = arith.constant 8 : i32
      %shift_right_logical3A_503 = vector.broadcast %shift_right_logical3A_502 : i32 to vector<16xi32>
      %shift_right_logical3A_504 = arith.shrui %and3A_49, %shift_right_logical3A_503 : vector<16xi32>
      %and3A_505 = arith.constant 255 : i32
      %and3A_506 = vector.broadcast %and3A_505 : i32 to vector<16xi32>
      %and3A_507 = arith.andi %shift_right_logical3A_504, %and3A_506 : vector<16xi32>
      %mul3A_508 = arith.constant 2 : i32
      %mul3A_509 = vector.broadcast %mul3A_508 : i32 to vector<16xi32>
      %mul3A_510 = arith.muli %max3A_497, %mul3A_509 : vector<16xi32>
      %shift_right_logical3A_511 = arith.constant 7 : i32
      %shift_right_logical3A_512 = vector.broadcast %shift_right_logical3A_511 : i32 to vector<16xi32>
      %shift_right_logical3A_513 = arith.shrui %and3A_507, %shift_right_logical3A_512 : vector<16xi32>
      %add3A_514 = arith.addi %mul3A_510, %shift_right_logical3A_513 : vector<16xi32>
      %jit3A_515 = arith.constant 0 : i32
      %broadcast_in_dim3A_516 = vector.broadcast %jit3A_515 : i32 to vector<16xi32>
      %select_n3A_517 = arith.select %and3A_501, %add3A_514, %broadcast_in_dim3A_516 : vector<16xi1>, vector<16xi32>
      %and3A_518 = arith.constant 127 : i32
      %and3A_519 = vector.broadcast %and3A_518 : i32 to vector<16xi32>
      %and3A_520 = arith.andi %and3A_507, %and3A_519 : vector<16xi32>
      tpu.vector_store_idx %arg7[%select_n3A_517, %and3A_520], %broadcast_in_dim3A_20 masked %and3A_501 {add = true} : memref<896x128xi32, #tpu.memory_space<vmem>>[vector<16xi32>, vector<16xi32>], vector<16xi32>, vector<16xi1>
      %sub3A_521 = arith.constant 1 : i32
      %sub3A_522 = vector.broadcast %sub3A_521 : i32 to vector<16xi32>
      %sub3A_523 = arith.subi %add3A_479, %sub3A_522 : vector<16xi32>
      %max3A_524 = arith.constant 0 : i32
      %max3A_525 = vector.broadcast %max3A_524 : i32 to vector<16xi32>
      %max3A_526 = arith.maxsi %sub3A_523, %max3A_525 : vector<16xi32>
      %gather3A_527 = tpu.vector_load_idx %arg6[%max3A_526] : memref<512xi32, #tpu.memory_space<vmem>>[vector<16xi32>], vector<16xi32>,
      %ge3A_528 = arith.constant 1 : i32
      %ge3A_529 = vector.broadcast %ge3A_528 : i32 to vector<16xi32>
      %ge3A_530 = arith.cmpi sge, %add3A_479, %ge3A_529 : vector<16xi32>
      %eq3A_531 = arith.cmpi eq, %gather3A_527, %shift_right_logical3A_87 : vector<16xi32>
      %and3A_532 = arith.andi %ge3A_530, %eq3A_531 : vector<16xi1>
      %shift_right_logical3A_533 = arith.constant 8 : i32
      %shift_right_logical3A_534 = vector.broadcast %shift_right_logical3A_533 : i32 to vector<16xi32>
      %shift_right_logical3A_535 = arith.shrui %and3A_60, %shift_right_logical3A_534 : vector<16xi32>
      %and3A_536 = arith.constant 255 : i32
      %and3A_537 = vector.broadcast %and3A_536 : i32 to vector<16xi32>
      %and3A_538 = arith.andi %shift_right_logical3A_535, %and3A_537 : vector<16xi32>
      %mul3A_539 = arith.constant 2 : i32
      %mul3A_540 = vector.broadcast %mul3A_539 : i32 to vector<16xi32>
      %mul3A_541 = arith.muli %max3A_526, %mul3A_540 : vector<16xi32>
      %shift_right_logical3A_542 = arith.constant 7 : i32
      %shift_right_logical3A_543 = vector.broadcast %shift_right_logical3A_542 : i32 to vector<16xi32>
      %shift_right_logical3A_544 = arith.shrui %and3A_538, %shift_right_logical3A_543 : vector<16xi32>
      %add3A_545 = arith.addi %mul3A_541, %shift_right_logical3A_544 : vector<16xi32>
      %jit3A_546 = arith.constant 0 : i32
      %broadcast_in_dim3A_547 = vector.broadcast %jit3A_546 : i32 to vector<16xi32>
      %select_n3A_548 = arith.select %and3A_532, %add3A_545, %broadcast_in_dim3A_547 : vector<16xi1>, vector<16xi32>
      %and3A_549 = arith.constant 127 : i32
      %and3A_550 = vector.broadcast %and3A_549 : i32 to vector<16xi32>
      %and3A_551 = arith.andi %and3A_538, %and3A_550 : vector<16xi32>
      tpu.vector_store_idx %arg7[%select_n3A_548, %and3A_551], %broadcast_in_dim3A_20 masked %and3A_532 {add = true} : memref<896x128xi32, #tpu.memory_space<vmem>>[vector<16xi32>, vector<16xi32>], vector<16xi32>, vector<16xi1>
      %sub3A_552 = arith.constant 1 : i32
      %sub3A_553 = vector.broadcast %sub3A_552 : i32 to vector<16xi32>
      %sub3A_554 = arith.subi %add3A_486, %sub3A_553 : vector<16xi32>
      %max3A_555 = arith.constant 0 : i32
      %max3A_556 = vector.broadcast %max3A_555 : i32 to vector<16xi32>
      %max3A_557 = arith.maxsi %sub3A_554, %max3A_556 : vector<16xi32>
      %gather3A_558 = tpu.vector_load_idx %arg6[%max3A_557] : memref<512xi32, #tpu.memory_space<vmem>>[vector<16xi32>], vector<16xi32>,
      %ge3A_559 = arith.constant 1 : i32
      %ge3A_560 = vector.broadcast %ge3A_559 : i32 to vector<16xi32>
      %ge3A_561 = arith.cmpi sge, %add3A_486, %ge3A_560 : vector<16xi32>
      %eq3A_562 = arith.cmpi eq, %gather3A_558, %shift_right_logical3A_90 : vector<16xi32>
      %and3A_563 = arith.andi %ge3A_561, %eq3A_562 : vector<16xi1>
      %shift_right_logical3A_564 = arith.constant 8 : i32
      %shift_right_logical3A_565 = vector.broadcast %shift_right_logical3A_564 : i32 to vector<16xi32>
      %shift_right_logical3A_566 = arith.shrui %and3A_71, %shift_right_logical3A_565 : vector<16xi32>
      %and3A_567 = arith.constant 255 : i32
      %and3A_568 = vector.broadcast %and3A_567 : i32 to vector<16xi32>
      %and3A_569 = arith.andi %shift_right_logical3A_566, %and3A_568 : vector<16xi32>
      %mul3A_570 = arith.constant 2 : i32
      %mul3A_571 = vector.broadcast %mul3A_570 : i32 to vector<16xi32>
      %mul3A_572 = arith.muli %max3A_557, %mul3A_571 : vector<16xi32>
      %shift_right_logical3A_573 = arith.constant 7 : i32
      %shift_right_logical3A_574 = vector.broadcast %shift_right_logical3A_573 : i32 to vector<16xi32>
      %shift_right_logical3A_575 = arith.shrui %and3A_569, %shift_right_logical3A_574 : vector<16xi32>
      %add3A_576 = arith.addi %mul3A_572, %shift_right_logical3A_575 : vector<16xi32>
      %jit3A_577 = arith.constant 0 : i32
      %broadcast_in_dim3A_578 = vector.broadcast %jit3A_577 : i32 to vector<16xi32>
      %select_n3A_579 = arith.select %and3A_563, %add3A_576, %broadcast_in_dim3A_578 : vector<16xi1>, vector<16xi32>
      %and3A_580 = arith.constant 127 : i32
      %and3A_581 = vector.broadcast %and3A_580 : i32 to vector<16xi32>
      %and3A_582 = arith.andi %and3A_569, %and3A_581 : vector<16xi32>
      tpu.vector_store_idx %arg7[%select_n3A_579, %and3A_582], %broadcast_in_dim3A_20 masked %and3A_563 {add = true} : memref<896x128xi32, #tpu.memory_space<vmem>>[vector<16xi32>, vector<16xi32>], vector<16xi32>, vector<16xi1>
      %sub3A_583 = arith.constant 1 : i32
      %sub3A_584 = vector.broadcast %sub3A_583 : i32 to vector<16xi32>
      %sub3A_585 = arith.subi %add3A_493, %sub3A_584 : vector<16xi32>
      %max3A_586 = arith.constant 0 : i32
      %max3A_587 = vector.broadcast %max3A_586 : i32 to vector<16xi32>
      %max3A_588 = arith.maxsi %sub3A_585, %max3A_587 : vector<16xi32>
      %gather3A_589 = tpu.vector_load_idx %arg6[%max3A_588] : memref<512xi32, #tpu.memory_space<vmem>>[vector<16xi32>], vector<16xi32>,
      %ge3A_590 = arith.constant 1 : i32
      %ge3A_591 = vector.broadcast %ge3A_590 : i32 to vector<16xi32>
      %ge3A_592 = arith.cmpi sge, %add3A_493, %ge3A_591 : vector<16xi32>
      %eq3A_593 = arith.cmpi eq, %gather3A_589, %shift_right_logical3A_93 : vector<16xi32>
      %and3A_594 = arith.andi %ge3A_592, %eq3A_593 : vector<16xi1>
      %shift_right_logical3A_595 = arith.constant 8 : i32
      %shift_right_logical3A_596 = vector.broadcast %shift_right_logical3A_595 : i32 to vector<16xi32>
      %shift_right_logical3A_597 = arith.shrui %and3A_82, %shift_right_logical3A_596 : vector<16xi32>
      %and3A_598 = arith.constant 255 : i32
      %and3A_599 = vector.broadcast %and3A_598 : i32 to vector<16xi32>
      %and3A_600 = arith.andi %shift_right_logical3A_597, %and3A_599 : vector<16xi32>
      %mul3A_601 = arith.constant 2 : i32
      %mul3A_602 = vector.broadcast %mul3A_601 : i32 to vector<16xi32>
      %mul3A_603 = arith.muli %max3A_588, %mul3A_602 : vector<16xi32>
      %shift_right_logical3A_604 = arith.constant 7 : i32
      %shift_right_logical3A_605 = vector.broadcast %shift_right_logical3A_604 : i32 to vector<16xi32>
      %shift_right_logical3A_606 = arith.shrui %and3A_600, %shift_right_logical3A_605 : vector<16xi32>
      %add3A_607 = arith.addi %mul3A_603, %shift_right_logical3A_606 : vector<16xi32>
      %jit3A_608 = arith.constant 0 : i32
      %broadcast_in_dim3A_609 = vector.broadcast %jit3A_608 : i32 to vector<16xi32>
      %select_n3A_610 = arith.select %and3A_594, %add3A_607, %broadcast_in_dim3A_609 : vector<16xi1>, vector<16xi32>
      %and3A_611 = arith.constant 127 : i32
      %and3A_612 = vector.broadcast %and3A_611 : i32 to vector<16xi32>
      %and3A_613 = arith.andi %and3A_600, %and3A_612 : vector<16xi32>
      tpu.vector_store_idx %arg7[%select_n3A_610, %and3A_613], %broadcast_in_dim3A_20 masked %and3A_594 {add = true} : memref<896x128xi32, #tpu.memory_space<vmem>>[vector<16xi32>, vector<16xi32>], vector<16xi32>, vector<16xi1>
      %scan3A_614 = arith.constant 0 : i32
      scf.yield %scan3A_614 : i32
    }
    %scan3A_27 = arith.constant 49 : i32
    %run_scoped3A = arith.constant 0 : i32
    "tpu.region"() ({
      %run_scoped3A_39 = tpu.sem_alloc : memref<!tpu.dma_semaphore, #tpu.memory_space<semaphore_mem>>
      %dma_start3A = arith.constant 0 : i32
      %dma_start3A_40 = arith.constant 0 : i32
      %dma_start3A_41 = tpu.memref_slice %arg7[%dma_start3A, %dma_start3A_40] : memref<896x128xi32, #tpu.memory_space<vmem>> -> memref<128x128xi32, #tpu.memory_space<vmem>>
      %dma_start3A_42 = arith.constant 0 : i32
      %dma_start3A_43 = tpu.memref_slice %arg8[%run_scoped3A, %dma_start3A_42] : memref<7x128xi32, #tpu.memory_space<vmem>> -> memref<1x128xi32, #tpu.memory_space<vmem>>
      %dma_start3A_44 = tpu.memref_squeeze %dma_start3A_43 : memref<1x128xi32, #tpu.memory_space<vmem>> -> memref<128xi32, #tpu.memory_space<vmem>>
      %dma_start3A_45 = arith.constant 0 : i32
      %dma_start3A_46 = arith.constant 0 : i32
      %dma_start3A_47 = tpu.memref_slice %arg9[%dma_start3A_45, %dma_start3A_46] : memref<896x128xi32, #tpu.memory_space<vmem_shared>> -> memref<896x128xi32, #tpu.memory_space<vmem_shared>>
      tpu.enqueue_indirect_dma source(%dma_start3A_41 : memref<128x128xi32, #tpu.memory_space<vmem>>) target(%dma_start3A_47 : memref<896x128xi32, #tpu.memory_space<vmem_shared>>) offsets(%dma_start3A_44 : memref<128xi32, #tpu.memory_space<vmem>>) semaphore(%run_scoped3A_39 : memref<!tpu.dma_semaphore, #tpu.memory_space<semaphore_mem>>) {add = true}
      %dma_wait3A = arith.constant 0 : i32
      %dma_wait3A_48 = arith.constant 0 : i32
      %dma_wait3A_49 = tpu.memref_slice %arg7[%dma_wait3A, %dma_wait3A_48] : memref<896x128xi32, #tpu.memory_space<vmem>> -> memref<128x128xi32, #tpu.memory_space<vmem>>
      %dma_wait3A_50 = arith.constant 0 : i32
      %dma_wait3A_51 = tpu.memref_slice %arg8[%run_scoped3A, %dma_wait3A_50] : memref<7x128xi32, #tpu.memory_space<vmem>> -> memref<1x128xi32, #tpu.memory_space<vmem>>
      %dma_wait3A_52 = tpu.memref_squeeze %dma_wait3A_51 : memref<1x128xi32, #tpu.memory_space<vmem>> -> memref<128xi32, #tpu.memory_space<vmem>>
      %dma_wait3A_53 = arith.constant 0 : i32
      %dma_wait3A_54 = arith.constant 0 : i32
      %dma_wait3A_55 = tpu.memref_slice %arg9[%dma_wait3A_53, %dma_wait3A_54] : memref<896x128xi32, #tpu.memory_space<vmem_shared>> -> memref<896x128xi32, #tpu.memory_space<vmem_shared>>
      tpu.wait_indirect_dma semaphore(%run_scoped3A_39 : memref<!tpu.dma_semaphore, #tpu.memory_space<semaphore_mem>>) src(%dma_wait3A_49 : memref<128x128xi32, #tpu.memory_space<vmem>>) dst(%dma_wait3A_55 : memref<896x128xi32, #tpu.memory_space<vmem_shared>>)
      tpu.yield
    }) : () -> ()
    %run_scoped3A_28 = arith.constant 1 : i32
    "tpu.region"() ({
      %run_scoped3A_39 = tpu.sem_alloc : memref<!tpu.dma_semaphore, #tpu.memory_space<semaphore_mem>>
      %dma_start3A = arith.constant 128 : i32
      %dma_start3A_40 = arith.constant 0 : i32
      %dma_start3A_41 = tpu.memref_slice %arg7[%dma_start3A, %dma_start3A_40] : memref<896x128xi32, #tpu.memory_space<vmem>> -> memref<128x128xi32, #tpu.memory_space<vmem>>
      %dma_start3A_42 = arith.constant 0 : i32
      %dma_start3A_43 = tpu.memref_slice %arg8[%run_scoped3A_28, %dma_start3A_42] : memref<7x128xi32, #tpu.memory_space<vmem>> -> memref<1x128xi32, #tpu.memory_space<vmem>>
      %dma_start3A_44 = tpu.memref_squeeze %dma_start3A_43 : memref<1x128xi32, #tpu.memory_space<vmem>> -> memref<128xi32, #tpu.memory_space<vmem>>
      %dma_start3A_45 = arith.constant 0 : i32
      %dma_start3A_46 = arith.constant 0 : i32
      %dma_start3A_47 = tpu.memref_slice %arg9[%dma_start3A_45, %dma_start3A_46] : memref<896x128xi32, #tpu.memory_space<vmem_shared>> -> memref<896x128xi32, #tpu.memory_space<vmem_shared>>
      tpu.enqueue_indirect_dma source(%dma_start3A_41 : memref<128x128xi32, #tpu.memory_space<vmem>>) target(%dma_start3A_47 : memref<896x128xi32, #tpu.memory_space<vmem_shared>>) offsets(%dma_start3A_44 : memref<128xi32, #tpu.memory_space<vmem>>) semaphore(%run_scoped3A_39 : memref<!tpu.dma_semaphore, #tpu.memory_space<semaphore_mem>>) {add = true}
      %dma_wait3A = arith.constant 128 : i32
      %dma_wait3A_48 = arith.constant 0 : i32
      %dma_wait3A_49 = tpu.memref_slice %arg7[%dma_wait3A, %dma_wait3A_48] : memref<896x128xi32, #tpu.memory_space<vmem>> -> memref<128x128xi32, #tpu.memory_space<vmem>>
      %dma_wait3A_50 = arith.constant 0 : i32
      %dma_wait3A_51 = tpu.memref_slice %arg8[%run_scoped3A_28, %dma_wait3A_50] : memref<7x128xi32, #tpu.memory_space<vmem>> -> memref<1x128xi32, #tpu.memory_space<vmem>>
      %dma_wait3A_52 = tpu.memref_squeeze %dma_wait3A_51 : memref<1x128xi32, #tpu.memory_space<vmem>> -> memref<128xi32, #tpu.memory_space<vmem>>
      %dma_wait3A_53 = arith.constant 0 : i32
      %dma_wait3A_54 = arith.constant 0 : i32
      %dma_wait3A_55 = tpu.memref_slice %arg9[%dma_wait3A_53, %dma_wait3A_54] : memref<896x128xi32, #tpu.memory_space<vmem_shared>> -> memref<896x128xi32, #tpu.memory_space<vmem_shared>>
      tpu.wait_indirect_dma semaphore(%run_scoped3A_39 : memref<!tpu.dma_semaphore, #tpu.memory_space<semaphore_mem>>) src(%dma_wait3A_49 : memref<128x128xi32, #tpu.memory_space<vmem>>) dst(%dma_wait3A_55 : memref<896x128xi32, #tpu.memory_space<vmem_shared>>)
      tpu.yield
    }) : () -> ()
    %run_scoped3A_29 = arith.constant 2 : i32
    "tpu.region"() ({
      %run_scoped3A_39 = tpu.sem_alloc : memref<!tpu.dma_semaphore, #tpu.memory_space<semaphore_mem>>
      %dma_start3A = arith.constant 256 : i32
      %dma_start3A_40 = arith.constant 0 : i32
      %dma_start3A_41 = tpu.memref_slice %arg7[%dma_start3A, %dma_start3A_40] : memref<896x128xi32, #tpu.memory_space<vmem>> -> memref<128x128xi32, #tpu.memory_space<vmem>>
      %dma_start3A_42 = arith.constant 0 : i32
      %dma_start3A_43 = tpu.memref_slice %arg8[%run_scoped3A_29, %dma_start3A_42] : memref<7x128xi32, #tpu.memory_space<vmem>> -> memref<1x128xi32, #tpu.memory_space<vmem>>
      %dma_start3A_44 = tpu.memref_squeeze %dma_start3A_43 : memref<1x128xi32, #tpu.memory_space<vmem>> -> memref<128xi32, #tpu.memory_space<vmem>>
      %dma_start3A_45 = arith.constant 0 : i32
      %dma_start3A_46 = arith.constant 0 : i32
      %dma_start3A_47 = tpu.memref_slice %arg9[%dma_start3A_45, %dma_start3A_46] : memref<896x128xi32, #tpu.memory_space<vmem_shared>> -> memref<896x128xi32, #tpu.memory_space<vmem_shared>>
      tpu.enqueue_indirect_dma source(%dma_start3A_41 : memref<128x128xi32, #tpu.memory_space<vmem>>) target(%dma_start3A_47 : memref<896x128xi32, #tpu.memory_space<vmem_shared>>) offsets(%dma_start3A_44 : memref<128xi32, #tpu.memory_space<vmem>>) semaphore(%run_scoped3A_39 : memref<!tpu.dma_semaphore, #tpu.memory_space<semaphore_mem>>) {add = true}
      %dma_wait3A = arith.constant 256 : i32
      %dma_wait3A_48 = arith.constant 0 : i32
      %dma_wait3A_49 = tpu.memref_slice %arg7[%dma_wait3A, %dma_wait3A_48] : memref<896x128xi32, #tpu.memory_space<vmem>> -> memref<128x128xi32, #tpu.memory_space<vmem>>
      %dma_wait3A_50 = arith.constant 0 : i32
      %dma_wait3A_51 = tpu.memref_slice %arg8[%run_scoped3A_29, %dma_wait3A_50] : memref<7x128xi32, #tpu.memory_space<vmem>> -> memref<1x128xi32, #tpu.memory_space<vmem>>
      %dma_wait3A_52 = tpu.memref_squeeze %dma_wait3A_51 : memref<1x128xi32, #tpu.memory_space<vmem>> -> memref<128xi32, #tpu.memory_space<vmem>>
      %dma_wait3A_53 = arith.constant 0 : i32
      %dma_wait3A_54 = arith.constant 0 : i32
      %dma_wait3A_55 = tpu.memref_slice %arg9[%dma_wait3A_53, %dma_wait3A_54] : memref<896x128xi32, #tpu.memory_space<vmem_shared>> -> memref<896x128xi32, #tpu.memory_space<vmem_shared>>
      tpu.wait_indirect_dma semaphore(%run_scoped3A_39 : memref<!tpu.dma_semaphore, #tpu.memory_space<semaphore_mem>>) src(%dma_wait3A_49 : memref<128x128xi32, #tpu.memory_space<vmem>>) dst(%dma_wait3A_55 : memref<896x128xi32, #tpu.memory_space<vmem_shared>>)
      tpu.yield
    }) : () -> ()
    %run_scoped3A_30 = arith.constant 3 : i32
    "tpu.region"() ({
      %run_scoped3A_39 = tpu.sem_alloc : memref<!tpu.dma_semaphore, #tpu.memory_space<semaphore_mem>>
      %dma_start3A = arith.constant 384 : i32
      %dma_start3A_40 = arith.constant 0 : i32
      %dma_start3A_41 = tpu.memref_slice %arg7[%dma_start3A, %dma_start3A_40] : memref<896x128xi32, #tpu.memory_space<vmem>> -> memref<128x128xi32, #tpu.memory_space<vmem>>
      %dma_start3A_42 = arith.constant 0 : i32
      %dma_start3A_43 = tpu.memref_slice %arg8[%run_scoped3A_30, %dma_start3A_42] : memref<7x128xi32, #tpu.memory_space<vmem>> -> memref<1x128xi32, #tpu.memory_space<vmem>>
      %dma_start3A_44 = tpu.memref_squeeze %dma_start3A_43 : memref<1x128xi32, #tpu.memory_space<vmem>> -> memref<128xi32, #tpu.memory_space<vmem>>
      %dma_start3A_45 = arith.constant 0 : i32
      %dma_start3A_46 = arith.constant 0 : i32
      %dma_start3A_47 = tpu.memref_slice %arg9[%dma_start3A_45, %dma_start3A_46] : memref<896x128xi32, #tpu.memory_space<vmem_shared>> -> memref<896x128xi32, #tpu.memory_space<vmem_shared>>
      tpu.enqueue_indirect_dma source(%dma_start3A_41 : memref<128x128xi32, #tpu.memory_space<vmem>>) target(%dma_start3A_47 : memref<896x128xi32, #tpu.memory_space<vmem_shared>>) offsets(%dma_start3A_44 : memref<128xi32, #tpu.memory_space<vmem>>) semaphore(%run_scoped3A_39 : memref<!tpu.dma_semaphore, #tpu.memory_space<semaphore_mem>>) {add = true}
      %dma_wait3A = arith.constant 384 : i32
      %dma_wait3A_48 = arith.constant 0 : i32
      %dma_wait3A_49 = tpu.memref_slice %arg7[%dma_wait3A, %dma_wait3A_48] : memref<896x128xi32, #tpu.memory_space<vmem>> -> memref<128x128xi32, #tpu.memory_space<vmem>>
      %dma_wait3A_50 = arith.constant 0 : i32
      %dma_wait3A_51 = tpu.memref_slice %arg8[%run_scoped3A_30, %dma_wait3A_50] : memref<7x128xi32, #tpu.memory_space<vmem>> -> memref<1x128xi32, #tpu.memory_space<vmem>>
      %dma_wait3A_52 = tpu.memref_squeeze %dma_wait3A_51 : memref<1x128xi32, #tpu.memory_space<vmem>> -> memref<128xi32, #tpu.memory_space<vmem>>
      %dma_wait3A_53 = arith.constant 0 : i32
      %dma_wait3A_54 = arith.constant 0 : i32
      %dma_wait3A_55 = tpu.memref_slice %arg9[%dma_wait3A_53, %dma_wait3A_54] : memref<896x128xi32, #tpu.memory_space<vmem_shared>> -> memref<896x128xi32, #tpu.memory_space<vmem_shared>>
      tpu.wait_indirect_dma semaphore(%run_scoped3A_39 : memref<!tpu.dma_semaphore, #tpu.memory_space<semaphore_mem>>) src(%dma_wait3A_49 : memref<128x128xi32, #tpu.memory_space<vmem>>) dst(%dma_wait3A_55 : memref<896x128xi32, #tpu.memory_space<vmem_shared>>)
      tpu.yield
    }) : () -> ()
    %run_scoped3A_31 = arith.constant 4 : i32
    "tpu.region"() ({
      %run_scoped3A_39 = tpu.sem_alloc : memref<!tpu.dma_semaphore, #tpu.memory_space<semaphore_mem>>
      %dma_start3A = arith.constant 512 : i32
      %dma_start3A_40 = arith.constant 0 : i32
      %dma_start3A_41 = tpu.memref_slice %arg7[%dma_start3A, %dma_start3A_40] : memref<896x128xi32, #tpu.memory_space<vmem>> -> memref<128x128xi32, #tpu.memory_space<vmem>>
      %dma_start3A_42 = arith.constant 0 : i32
      %dma_start3A_43 = tpu.memref_slice %arg8[%run_scoped3A_31, %dma_start3A_42] : memref<7x128xi32, #tpu.memory_space<vmem>> -> memref<1x128xi32, #tpu.memory_space<vmem>>
      %dma_start3A_44 = tpu.memref_squeeze %dma_start3A_43 : memref<1x128xi32, #tpu.memory_space<vmem>> -> memref<128xi32, #tpu.memory_space<vmem>>
      %dma_start3A_45 = arith.constant 0 : i32
      %dma_start3A_46 = arith.constant 0 : i32
      %dma_start3A_47 = tpu.memref_slice %arg9[%dma_start3A_45, %dma_start3A_46] : memref<896x128xi32, #tpu.memory_space<vmem_shared>> -> memref<896x128xi32, #tpu.memory_space<vmem_shared>>
      tpu.enqueue_indirect_dma source(%dma_start3A_41 : memref<128x128xi32, #tpu.memory_space<vmem>>) target(%dma_start3A_47 : memref<896x128xi32, #tpu.memory_space<vmem_shared>>) offsets(%dma_start3A_44 : memref<128xi32, #tpu.memory_space<vmem>>) semaphore(%run_scoped3A_39 : memref<!tpu.dma_semaphore, #tpu.memory_space<semaphore_mem>>) {add = true}
      %dma_wait3A = arith.constant 512 : i32
      %dma_wait3A_48 = arith.constant 0 : i32
      %dma_wait3A_49 = tpu.memref_slice %arg7[%dma_wait3A, %dma_wait3A_48] : memref<896x128xi32, #tpu.memory_space<vmem>> -> memref<128x128xi32, #tpu.memory_space<vmem>>
      %dma_wait3A_50 = arith.constant 0 : i32
      %dma_wait3A_51 = tpu.memref_slice %arg8[%run_scoped3A_31, %dma_wait3A_50] : memref<7x128xi32, #tpu.memory_space<vmem>> -> memref<1x128xi32, #tpu.memory_space<vmem>>
      %dma_wait3A_52 = tpu.memref_squeeze %dma_wait3A_51 : memref<1x128xi32, #tpu.memory_space<vmem>> -> memref<128xi32, #tpu.memory_space<vmem>>
      %dma_wait3A_53 = arith.constant 0 : i32
      %dma_wait3A_54 = arith.constant 0 : i32
      %dma_wait3A_55 = tpu.memref_slice %arg9[%dma_wait3A_53, %dma_wait3A_54] : memref<896x128xi32, #tpu.memory_space<vmem_shared>> -> memref<896x128xi32, #tpu.memory_space<vmem_shared>>
      tpu.wait_indirect_dma semaphore(%run_scoped3A_39 : memref<!tpu.dma_semaphore, #tpu.memory_space<semaphore_mem>>) src(%dma_wait3A_49 : memref<128x128xi32, #tpu.memory_space<vmem>>) dst(%dma_wait3A_55 : memref<896x128xi32, #tpu.memory_space<vmem_shared>>)
      tpu.yield
    }) : () -> ()
    %run_scoped3A_32 = arith.constant 5 : i32
    "tpu.region"() ({
      %run_scoped3A_39 = tpu.sem_alloc : memref<!tpu.dma_semaphore, #tpu.memory_space<semaphore_mem>>
      %dma_start3A = arith.constant 640 : i32
      %dma_start3A_40 = arith.constant 0 : i32
      %dma_start3A_41 = tpu.memref_slice %arg7[%dma_start3A, %dma_start3A_40] : memref<896x128xi32, #tpu.memory_space<vmem>> -> memref<128x128xi32, #tpu.memory_space<vmem>>
      %dma_start3A_42 = arith.constant 0 : i32
      %dma_start3A_43 = tpu.memref_slice %arg8[%run_scoped3A_32, %dma_start3A_42] : memref<7x128xi32, #tpu.memory_space<vmem>> -> memref<1x128xi32, #tpu.memory_space<vmem>>
      %dma_start3A_44 = tpu.memref_squeeze %dma_start3A_43 : memref<1x128xi32, #tpu.memory_space<vmem>> -> memref<128xi32, #tpu.memory_space<vmem>>
      %dma_start3A_45 = arith.constant 0 : i32
      %dma_start3A_46 = arith.constant 0 : i32
      %dma_start3A_47 = tpu.memref_slice %arg9[%dma_start3A_45, %dma_start3A_46] : memref<896x128xi32, #tpu.memory_space<vmem_shared>> -> memref<896x128xi32, #tpu.memory_space<vmem_shared>>
      tpu.enqueue_indirect_dma source(%dma_start3A_41 : memref<128x128xi32, #tpu.memory_space<vmem>>) target(%dma_start3A_47 : memref<896x128xi32, #tpu.memory_space<vmem_shared>>) offsets(%dma_start3A_44 : memref<128xi32, #tpu.memory_space<vmem>>) semaphore(%run_scoped3A_39 : memref<!tpu.dma_semaphore, #tpu.memory_space<semaphore_mem>>) {add = true}
      %dma_wait3A = arith.constant 640 : i32
      %dma_wait3A_48 = arith.constant 0 : i32
      %dma_wait3A_49 = tpu.memref_slice %arg7[%dma_wait3A, %dma_wait3A_48] : memref<896x128xi32, #tpu.memory_space<vmem>> -> memref<128x128xi32, #tpu.memory_space<vmem>>
      %dma_wait3A_50 = arith.constant 0 : i32
      %dma_wait3A_51 = tpu.memref_slice %arg8[%run_scoped3A_32, %dma_wait3A_50] : memref<7x128xi32, #tpu.memory_space<vmem>> -> memref<1x128xi32, #tpu.memory_space<vmem>>
      %dma_wait3A_52 = tpu.memref_squeeze %dma_wait3A_51 : memref<1x128xi32, #tpu.memory_space<vmem>> -> memref<128xi32, #tpu.memory_space<vmem>>
      %dma_wait3A_53 = arith.constant 0 : i32
      %dma_wait3A_54 = arith.constant 0 : i32
      %dma_wait3A_55 = tpu.memref_slice %arg9[%dma_wait3A_53, %dma_wait3A_54] : memref<896x128xi32, #tpu.memory_space<vmem_shared>> -> memref<896x128xi32, #tpu.memory_space<vmem_shared>>
      tpu.wait_indirect_dma semaphore(%run_scoped3A_39 : memref<!tpu.dma_semaphore, #tpu.memory_space<semaphore_mem>>) src(%dma_wait3A_49 : memref<128x128xi32, #tpu.memory_space<vmem>>) dst(%dma_wait3A_55 : memref<896x128xi32, #tpu.memory_space<vmem_shared>>)
      tpu.yield
    }) : () -> ()
    %run_scoped3A_33 = arith.constant 6 : i32
    "tpu.region"() ({
      %run_scoped3A_39 = tpu.sem_alloc : memref<!tpu.dma_semaphore, #tpu.memory_space<semaphore_mem>>
      %dma_start3A = arith.constant 768 : i32
      %dma_start3A_40 = arith.constant 0 : i32
      %dma_start3A_41 = tpu.memref_slice %arg7[%dma_start3A, %dma_start3A_40] : memref<896x128xi32, #tpu.memory_space<vmem>> -> memref<128x128xi32, #tpu.memory_space<vmem>>
      %dma_start3A_42 = arith.constant 0 : i32
      %dma_start3A_43 = tpu.memref_slice %arg8[%run_scoped3A_33, %dma_start3A_42] : memref<7x128xi32, #tpu.memory_space<vmem>> -> memref<1x128xi32, #tpu.memory_space<vmem>>
      %dma_start3A_44 = tpu.memref_squeeze %dma_start3A_43 : memref<1x128xi32, #tpu.memory_space<vmem>> -> memref<128xi32, #tpu.memory_space<vmem>>
      %dma_start3A_45 = arith.constant 0 : i32
      %dma_start3A_46 = arith.constant 0 : i32
      %dma_start3A_47 = tpu.memref_slice %arg9[%dma_start3A_45, %dma_start3A_46] : memref<896x128xi32, #tpu.memory_space<vmem_shared>> -> memref<896x128xi32, #tpu.memory_space<vmem_shared>>
      tpu.enqueue_indirect_dma source(%dma_start3A_41 : memref<128x128xi32, #tpu.memory_space<vmem>>) target(%dma_start3A_47 : memref<896x128xi32, #tpu.memory_space<vmem_shared>>) offsets(%dma_start3A_44 : memref<128xi32, #tpu.memory_space<vmem>>) semaphore(%run_scoped3A_39 : memref<!tpu.dma_semaphore, #tpu.memory_space<semaphore_mem>>) {add = true}
      %dma_wait3A = arith.constant 768 : i32
      %dma_wait3A_48 = arith.constant 0 : i32
      %dma_wait3A_49 = tpu.memref_slice %arg7[%dma_wait3A, %dma_wait3A_48] : memref<896x128xi32, #tpu.memory_space<vmem>> -> memref<128x128xi32, #tpu.memory_space<vmem>>
      %dma_wait3A_50 = arith.constant 0 : i32
      %dma_wait3A_51 = tpu.memref_slice %arg8[%run_scoped3A_33, %dma_wait3A_50] : memref<7x128xi32, #tpu.memory_space<vmem>> -> memref<1x128xi32, #tpu.memory_space<vmem>>
      %dma_wait3A_52 = tpu.memref_squeeze %dma_wait3A_51 : memref<1x128xi32, #tpu.memory_space<vmem>> -> memref<128xi32, #tpu.memory_space<vmem>>
      %dma_wait3A_53 = arith.constant 0 : i32
      %dma_wait3A_54 = arith.constant 0 : i32
      %dma_wait3A_55 = tpu.memref_slice %arg9[%dma_wait3A_53, %dma_wait3A_54] : memref<896x128xi32, #tpu.memory_space<vmem_shared>> -> memref<896x128xi32, #tpu.memory_space<vmem_shared>>
      tpu.wait_indirect_dma semaphore(%run_scoped3A_39 : memref<!tpu.dma_semaphore, #tpu.memory_space<semaphore_mem>>) src(%dma_wait3A_49 : memref<128x128xi32, #tpu.memory_space<vmem>>) dst(%dma_wait3A_55 : memref<896x128xi32, #tpu.memory_space<vmem_shared>>)
      tpu.yield
    }) : () -> ()
    %barrier3A_34 = arith.constant 0 : index
    tpu.barrier barrier_id(%barrier3A_34)
    %mul3A_35 = arith.constant 56 : i32
    %mul3A_36 = arith.muli %arg1, %mul3A_35 : i32
    %mul3A_37 = arith.constant 56 : i32
    %mul3A_38 = arith.muli %arg1, %mul3A_37 : i32
    "tpu.region"() ({
      %run_scoped3A_39 = tpu.sem_alloc : memref<!tpu.dma_semaphore, #tpu.memory_space<semaphore_mem>>
      %dma_start3A = arith.constant 0 : i32
      %dma_start3A_40 = tpu.memref_slice %arg4[%arg0, %mul3A_38, %dma_start3A] : memref<2x896x128xi32, #tpu.memory_space<hbm>> -> memref<1x56x128xi32, #tpu.memory_space<hbm>>
      %dma_start3A_41 = tpu.memref_squeeze %dma_start3A_40 : memref<1x56x128xi32, #tpu.memory_space<hbm>> -> memref<56x128xi32, #tpu.memory_space<hbm>>
      %dma_start3A_42 = arith.constant 0 : i32
      %dma_start3A_43 = tpu.memref_slice %arg9[%mul3A_36, %dma_start3A_42] : memref<896x128xi32, #tpu.memory_space<vmem_shared>> -> memref<56x128xi32, #tpu.memory_space<vmem_shared>>
      tpu.enqueue_dma source(%dma_start3A_43 : memref<56x128xi32, #tpu.memory_space<vmem_shared>>) target(%dma_start3A_41 : memref<56x128xi32, #tpu.memory_space<hbm>>) target_semaphore(%run_scoped3A_39 : memref<!tpu.dma_semaphore, #tpu.memory_space<semaphore_mem>>)
      %dma_wait3A = arith.constant 0 : i32
      %dma_wait3A_44 = tpu.memref_slice %arg4[%arg0, %mul3A_38, %dma_wait3A] : memref<2x896x128xi32, #tpu.memory_space<hbm>> -> memref<1x56x128xi32, #tpu.memory_space<hbm>>
      %dma_wait3A_45 = tpu.memref_squeeze %dma_wait3A_44 : memref<1x56x128xi32, #tpu.memory_space<hbm>> -> memref<56x128xi32, #tpu.memory_space<hbm>>
      %dma_wait3A_46 = arith.constant 0 : i32
      %dma_wait3A_47 = tpu.memref_slice %arg9[%mul3A_36, %dma_wait3A_46] : memref<896x128xi32, #tpu.memory_space<vmem_shared>> -> memref<56x128xi32, #tpu.memory_space<vmem_shared>>
      tpu.wait_dma2 semaphore(%run_scoped3A_39 : memref<!tpu.dma_semaphore, #tpu.memory_space<semaphore_mem>>) src(%dma_wait3A_47 : memref<56x128xi32, #tpu.memory_space<vmem_shared>>) dst(%dma_wait3A_45 : memref<56x128xi32, #tpu.memory_space<hbm>>)
      tpu.yield
    }) : () -> ()
    return
  }
}

module attributes {stable_mosaic.version = 14 : i64} {
  func.func @_stage_a_body(%arg0: i32, %arg1: memref<1x1000x128xf32, #tpu.memory_space<vmem>>, %arg2: memref<1x1x1000xi32, #tpu.memory_space<vmem>>, %arg3: memref<1x1x1000xf32, #tpu.memory_space<vmem>>) attributes {dimension_semantics = [#tpu.dimension_semantics<arbitrary>], iteration_bounds = array<i64: 100>, scalar_prefetch = 0 : i64, scratch_operands = 0 : i64, tpu.core_type = #tpu.core_type<tc>, window_params = [{transform_indices = @transform_0, window_bounds = array<i64: 1, 1000, 128>}, {transform_indices = @transform_1, window_bounds = array<i64: 1, 1, 1000>}, {transform_indices = @transform_2, window_bounds = array<i64: 1, 1, 1000>}]} {
    %get3A = arith.constant 0 : index
    %get3A_0 = arith.constant 0 : index
    %get3A_1 = arith.constant 0 : index
    %get3A_2 = vector.load %arg1[%get3A, %get3A_0, %get3A_1] : memref<1x1000x128xf32, #tpu.memory_space<vmem>>, vector<1x1000x128xf32>
    %get3A_3 = vector.shape_cast %get3A_2 : vector<1x1000x128xf32> to vector<1000x128xf32>
    %reduce_max3A = arith.constant dense<0xFF800000> : vector<1000xf32>
    %reduce_max3A_4 = vector.multi_reduction <maximumf>, %get3A_3, %reduce_max3A [1] : vector<1000x128xf32> to vector<1000xf32>
    %broadcast_in_dim3A = vector.shape_cast %reduce_max3A_4 : vector<1000xf32> to vector<1000x1xf32>
    %sub3A = vector.broadcast %broadcast_in_dim3A : vector<1000x1xf32> to vector<1000x128xf32>
    %sub3A_5 = arith.subf %get3A_3, %sub3A : vector<1000x128xf32>
    %exp3A = math.exp %sub3A_5 : vector<1000x128xf32>
    %broadcast_in_dim3A_6 = arith.constant 1.000000e+00 : f32
    %broadcast_in_dim3A_7 = vector.broadcast %broadcast_in_dim3A_6 : f32 to vector<128x1xf32>
    %dot_general3A = arith.constant dense<0.000000e+00> : vector<1000x1xf32>
    %dot_general3A_8 = tpu.matmul %exp3A, %broadcast_in_dim3A_7, %dot_general3A {dimension_numbers = #tpu.dot_dimension_numbers<[1], [0], [0], [1], [0, 0, 1, 1], [], []>, transpose_lhs_hint = false} : vector<1000x128xf32>, vector<128x1xf32>, vector<1000x1xf32> -> vector<1000x1xf32>
    %squeeze3A = vector.shape_cast %dot_general3A_8 : vector<1000x1xf32> to vector<1000xf32>
    %div3A = arith.constant 1.000000e+00 : f32
    %div3A_9 = vector.broadcast %div3A : f32 to vector<1000xf32>
    %div3A_10 = arith.divf %div3A_9, %squeeze3A : vector<1000xf32>
    %get3A_11 = arith.constant 0 : index
    %get3A_12 = arith.constant 0 : index
    %get3A_13 = arith.constant 0 : index
    %get3A_14 = vector.load %arg2[%get3A_11, %get3A_12, %get3A_13] : memref<1x1x1000xi32, #tpu.memory_space<vmem>>, vector<1x1x1000xi32>
    %get3A_15 = vector.shape_cast %get3A_14 : vector<1x1x1000xi32> to vector<1000xi32>
    %iota3A = tpu.iota {dimensions = array<i32: 1>} : vector<1000x128xi32>
    %broadcast_in_dim3A_16 = vector.shape_cast %get3A_15 : vector<1000xi32> to vector<1000x1xi32>
    %eq3A = vector.broadcast %broadcast_in_dim3A_16 : vector<1000x1xi32> to vector<1000x128xi32>
    %eq3A_17 = arith.cmpi eq, %iota3A, %eq3A : vector<1000x128xi32>
    %jit3A = arith.constant 0xFF800000 : f32
    %broadcast_in_dim3A_18 = vector.broadcast %jit3A : f32 to vector<1000x128xf32>
    %select_n3A = arith.select %eq3A_17, %get3A_3, %broadcast_in_dim3A_18 : vector<1000x128xi1>, vector<1000x128xf32>
    %reduce_max3A_19 = arith.constant dense<0xFF800000> : vector<1000xf32>
    %reduce_max3A_20 = vector.multi_reduction <maximumf>, %select_n3A, %reduce_max3A_19 [1] : vector<1000x128xf32> to vector<1000xf32>
    %squeeze3A_21 = vector.shape_cast %broadcast_in_dim3A : vector<1000x1xf32> to vector<1000xf32>
    %eq3A_22 = arith.cmpf oeq, %reduce_max3A_20, %squeeze3A_21 : vector<1000xf32>
    %neg3A = arith.constant 0.000000e+00 : f32
    %neg3A_23 = vector.broadcast %neg3A : f32 to vector<1000xf32>
    %neg3A_24 = arith.subf %neg3A_23, %div3A_10 : vector<1000xf32>
    %select_n3A_25 = arith.select %eq3A_22, %neg3A_24, %div3A_10 : vector<1000xi1>, vector<1000xf32>
    %swap3A = arith.constant 0 : index
    %swap3A_26 = arith.constant 0 : index
    %swap3A_27 = arith.constant 0 : index
    %swap3A_28 = vector.load %arg3[%swap3A, %swap3A_26, %swap3A_27] : memref<1x1x1000xf32, #tpu.memory_space<vmem>>, vector<1x1x1000xf32>
    %swap3A_29 = vector.shape_cast %swap3A_28 : vector<1x1x1000xf32> to vector<1000xf32>
    %swap3A_30 = vector.shape_cast %select_n3A_25 : vector<1000xf32> to vector<1x1x1000xf32>
    tpu.vector_store %arg3[%swap3A, %swap3A_26, %swap3A_27], %swap3A_30 {strides = array<i32>} : memref<1x1x1000xf32, #tpu.memory_space<vmem>>, vector<1x1x1000xf32>,
    return
  }
  func.func @transform_0(%arg0: i32) -> (i32, i32, i32) {
    %c0_i32 = arith.constant 0 : i32
    %c0_i32_0 = arith.constant 0 : i32
    %c0_i32_1 = arith.constant 0 : i32
    return %arg0, %c0_i32, %c0_i32_0 : i32, i32, i32
  }
  func.func @transform_1(%arg0: i32) -> (i32, i32, i32) {
    %c0_i32 = arith.constant 0 : i32
    %c0_i32_0 = arith.constant 0 : i32
    %c0_i32_1 = arith.constant 0 : i32
    return %arg0, %c0_i32, %c0_i32_0 : i32, i32, i32
  }
  func.func @transform_2(%arg0: i32) -> (i32, i32, i32) {
    %c0_i32 = arith.constant 0 : i32
    %c0_i32_0 = arith.constant 0 : i32
    %c0_i32_1 = arith.constant 0 : i32
    return %arg0, %c0_i32, %c0_i32_0 : i32, i32, i32
  }
}

</mosaic_0001>

<sc_bundles>
// kernel: kernel.10.cloned.1.call-start
scs
__scs_entry_jumppad:
0x0: {  	(pc) =	sbr.rel $0x88, $3  }
0x1: {  	(tag) =	ssettag $0x0;
	lr =	simm.s32 $0x1  }
0x2: {  	[smem:$0x3F9F] =	sst lr;
	_ =	strace $0xD0000000  }
0x3: {  	_ = 	snop  }
0x4: {  	_ = 	snop  }
0x5: {  	_ = 	snop  }
0x6: {  	_ = 	snop  }
0x7: {  	_ = 	snop  }
__scs_overlays_trampoline_lowered:
0x8: {  	[smem:$0x3FAE] =	sst s0  }
0x9: {  	[smem:$0x3FAF] =	sst s1  }
0xa: {  	[smem:$0x3FB0] =	sst s2  }
0xb: {  	[smem:$0x3FB1] =	sst s3  }
0xc: {  	[smem:$0x3FB2] =	sst s4  }
0xd: {  	[smem:$0x3FB3] =	sst s5  }
0xe: {  	[smem:$0x3FB4] =	sst s6  }
0xf: {  	[smem:$0x3FB5] =	sst s7  }
0x10: {  	[smem:$0x3FB6] =	sst s8  }
0x11: {  	[smem:$0x3FB7] =	sst s9;
	s0 =	simm.s32 @!p0 $0x0  }
0x12: {  	s1 =	sld [smem:$0x3F9D];
	s0 =	simm.s32 @p0 $0x1  }
0x13: {  	[smem:$0x3FB8] =	sst s0;
	s0 =	simm.s32 @!p1 $0x0  }
0x14: {  	s2 =	sld [smem:$0x3F9C];
	s0 =	simm.s32 @p1 $0x1  }
0x15: {  	[smem:$0x3FB9] =	sst s0;
	s0 =	simm.s32 @!p2 $0x0  }
0x16: {  	s3 =	sld [smem:$0x3FDB];
	s0 =	simm.s32 @p2 $0x1  }
0x17: {  	s4 =	simm.s32 $0x1BF5;
	[smem:$0x3FBB] =	sst s0  }
0x18: {  	s0 =	sld [smem:$0x3F9E];
	_ =	swait.ge [sflag:s4], $0x0  }
0x19: {  	s7 =	sld [smem:$0x3F9F]  }
0x1a: {  	s8 =	sadd.s32 $0xFFFFE003, lr  }
0x1b: {  	s9 =	sadd.s32 $0xFFFFFEF7, lr;
	s5 =	simm.s32 $0xFFFFFFFF;
	p2 =	slt.u32 s8, $0xFFFFF086  }
0x1c: {  	p1 =	slt.u32 s9, $0xF7A;
	s5 =	simm.s32 @!p2 $0x0  }
0x1d: {  	s5 =	simm.s32 @p1 $0x1;
	p0 =	seq.s32 s7, s2  }
0x1e: {  	s7 =	smul.u32 @!p0 $0xF7A, s2;
	p2 =	seq.s32 @!p0 s5, $0x0  }
0x1f: {  	s9 =	smul.u32 $0xF7A, s1;
	s8 =	simm.s32 @!p0 $0x1BF5;
	p2 =	por !p2, p0  }
0x20: {  	[sflag:s8] =	ssyncset.s32 @!p0 $0xFFFFF086;
	s6 =	sadd.s32 @!p0 s3, s7;
	s7 =	simm.s32 @!p0 $0x108  }
0x21: {  	s3 =	sadd.s32 s3, s9;
	s6 =	sadd.s32 @!p0 $0x88, s6;
	s7 =	simm.s32 @p2 $0x1082  }
0x22: {  	[simem:s7], [sflag:s8] =	dma.local @!p0 [hbm:s6], $0xF7A  }
0x23: {  	s9 =	sor.u32 $0xD0000000, s2;
	s6 =	simm.s32 $0x108;
	_ =	swait.ge @!p0 [sflag:s8], $0x0  }
0x24: {  	s3 =	sadd.s32 $0x88, s3;
	s6 =	simm.s32 @!p1 $0x1082;
	[sflag:s4] =	ssyncset.s32 $0xFFFFF086  }
0x25: {  	[simem:s6], [sflag:s4] =	dma.local [hbm:s3], $0xF7A  }
0x26: {  	[smem:$0x3F9F] =	sst s1;
	(tag) =	ssettag s2;
	_ =	strace s9  }
0x27: {  	s1 =	sld [smem:$0x3FAF]  }
0x28: {  	s2 =	sld [smem:$0x3FB0]  }
0x29: {  	s4 =	sld [smem:$0x3FB2]  }
0x2a: {  	p0 =	seq.s32 s5, $0x0;
	s5 =	sld [smem:$0x3FB3]  }
0x2b: {  	s6 =	sld [smem:$0x3FB4]  }
0x2c: {  	s7 =	sld [smem:$0x3FB5]  }
0x2d: {  	s3 =	simm.s32 $0x108;
	s8 =	sld [smem:$0x3FB6]  }
0x2e: {  	s3 =	simm.s32 @!p0 $0x1082;
	s9 =	sld [smem:$0x3FB7]  }
0x2f: {  	lr =	sadd.s32 s0, s3;
	s0 =	sld [smem:$0x3FAE]  }
0x30: {  	s3 =	sld [smem:$0x3FB1]  }
0x31: {  	[smem:$0x3FBA] =	sst s10  }
0x32: {  	s10 =	sld [smem:$0x3FB8];
	_ =	sdelay $0x3  }
0x33: {  	p0 =	seq.s32 s10, $0x1;
	s10 =	sld [smem:$0x3FBA];
	_ =	sdelay $0x3  }
0x34: {  	[smem:$0x3FBA] =	sst s10  }
0x35: {  	s10 =	sld [smem:$0x3FB9];
	_ =	sdelay $0x3  }
0x36: {  	p1 =	seq.s32 s10, $0x1;
	s10 =	sld [smem:$0x3FBA];
	_ =	sdelay $0x3  }
0x37: {  	[smem:$0x3FBA] =	sst s10  }
0x38: {  	s10 =	sld [smem:$0x3FBB]  }
0x39: {  	_ = 	snop;
	(pc) =	sbr.ind lr, $3  }
0x3a: {  	_ = 	snop  }
0x3b: {  	_ = 	snop  }
0x3c: {  	p2 =	seq.s32 s10, $0x1;
	s10 =	sld [smem:$0x3FBA]  }
0x3d: {  	_ =	shalt  }
0x3e: {  	_ =	shalt  }
0x3f: {  	_ =	shalt  }
0x40: {  	_ =	shalt  }
0x41: {  	_ =	shalt  }
0x42: {  	_ =	shalt  }
0x43: {  	_ =	shalt  }
0x44: {  	_ =	shalt  }
0x45: {  	_ =	shalt  }
0x46: {  	_ =	shalt  }
0x47: {  	_ =	shalt  }
0x48: {  	_ =	shalt  }
0x49: {  	_ =	shalt  }
0x4a: {  	_ =	shalt  }
0x4b: {  	_ =	shalt  }
0x4c: {  	_ =	shalt  }
0x4d: {  	_ =	shalt  }
0x4e: {  	_ =	shalt  }
0x4f: {  	_ =	shalt  }
0x50: {  	_ =	shalt  }
0x51: {  	_ =	shalt  }
0x52: {  	_ =	shalt  }
0x53: {  	_ =	shalt  }
0x54: {  	_ =	shalt  }
0x55: {  	_ =	shalt  }
0x56: {  	_ =	shalt  }
0x57: {  	_ =	shalt  }
0x58: {  	_ =	shalt  }
0x59: {  	_ =	shalt  }
0x5a: {  	_ =	shalt  }
0x5b: {  	_ =	shalt  }
0x5c: {  	_ =	shalt  }
0x5d: {  	_ =	shalt  }
0x5e: {  	_ =	shalt  }
0x5f: {  	_ =	shalt  }
0x60: {  	_ =	shalt  }
0x61: {  	_ =	shalt  }
0x62: {  	_ =	shalt  }
0x63: {  	_ =	shalt  }
0x64: {  	_ =	shalt  }
0x65: {  	_ =	shalt  }
0x66: {  	_ =	shalt  }
0x67: {  	_ =	shalt  }
0x68: {  	_ =	shalt  }
0x69: {  	_ =	shalt  }
0x6a: {  	_ =	shalt  }
0x6b: {  	_ =	shalt  }
0x6c: {  	_ =	shalt  }
0x6d: {  	_ =	shalt  }
0x6e: {  	_ =	shalt  }
0x6f: {  	_ =	shalt  }
0x70: {  	_ =	shalt  }
0x71: {  	_ =	shalt  }
0x72: {  	_ =	shalt  }
0x73: {  	_ =	shalt  }
0x74: {  	_ =	shalt  }
0x75: {  	_ =	shalt  }
0x76: {  	_ =	shalt  }
0x77: {  	_ =	shalt  }
0x78: {  	_ =	shalt  }
0x79: {  	_ =	shalt  }
0x7a: {  	_ =	shalt  }
0x7b: {  	_ =	shalt  }
0x7c: {  	_ =	shalt  }
0x7d: {  	_ =	shalt  }
0x7e: {  	_ =	shalt  }
0x7f: {  	_ =	shalt  }
0x80: {  	_ =	shalt  }
0x81: {  	_ =	shalt  }
0x82: {  	_ =	shalt  }
0x83: {  	_ =	shalt  }
0x84: {  	_ =	shalt  }
0x85: {  	_ =	shalt  }
0x86: {  	_ =	shalt  }
0x87: {  	_ =	shalt  }
.Lfunc_end0:
.L_simem_size_0:
called_computation.1_lowered:
.L_overlay_start_0:
0x88: {  	s2 =	sld [smem:$0x3FD9]  }
0x89: {  	s3 =	sld [smem:$0x3FFE];
	_ =	sdelay $0x1  }
0x8a: {  	s1 =	srdreg.scid  }
0x8b: {  	s0 =	sand.u32 $0x1, s1  }
0x8c: {  	s16 =	sshll.u32 s0, $0xA;
	s2 =	sadd.s32 s3, s2  }
0x8d: {  	s2 =	sadd.s32 s2, s16  }
0x8e: {  	[smem:$0x3FC6] =	sst s2  }
0x8f: {  	_ = 	snop  }
0x90: {  	(tm) =	ssettm $0x1  }
0x91: {  	s17 =	sld [smem:$0x3FFB];
	_ =	sdelay $0x3  }
0x92: {  	_ =	strace s17  }
0x93: {  	s2 =	sld [smem:$0x3FFC];
	_ =	sdelay $0x3  }
0x94: {  	_ =	strace s2  }
0x95: {  	s2 =	sld [smem:$0x3FFD];
	_ =	sdelay $0x3  }
0x96: {  	_ =	strace s2  }
0x97: {  	_ =	strace $0x8FFFFFFF  }
0x98: {  	s18 =	sld [smem:$0x3FDB];
	_ =	sdelay $0x1  }
0x99: {  	s19 =	simm.s32 $_scs_section_size  }
0x9a: {  	s4 =	simm.s32 $_size__tile_overlayer_lowered;
	s5 =	simm.s32 $_tile_overlayer_lowered  }
0x9b: {  	s22 =	simm.s32 $0x1BFF;
	s21 =	sshll.u32 s5, $0x1;
	s2 =	sadd.s32 s19, s18  }
0x9c: {  	s6 =	simm.s32 $0x0;
	s20 =	sshll.u32 s4, $0x1;
	s4 =	sadd.s32 s21, s2  }
0x9d: {  	[timem:s6], [sflag:s22] =	dma.local [hbm:s4], s20  }
0x9e: {  	_ =	swait.ge [sflag:s22], s20  }
0x9f: {  	s3 =	ssub.s32 $0x0, s20;
	[sflag:s22] =	ssyncset.done $0x0  }
0xa0: {  	[sflag:s22] =	ssyncadd.s32 s3;
	_ =	sdelay $0x1  }
0xa1: {  	s23 =	simm.s32 $0x1B8B  }
0xa2: {  	_ =	swait.ge [sflag:s23], $0x1  }
0xa3: {  	[sflag:s23] =	ssyncset.done $0x0  }
0xa4: {  	s25 =	simm.s32 $0x1B8E;
	s24 =	sld [smem:$0x3FFE];
	[sflag:s23] =	ssyncadd.s32 $0xFFFFFFFF  }
0xa5: {  	s26 =	simm.s32 $execute0_lowered;
	[smem:$0x3FD2] =	sst s25  }
0xa6: {  	s4 =	sshll.u32 s26, $0x1;
	_ =	strace $0x80000049;
	[dreg:$0x1] =	wrdreg $0xFFFFFFFF  }
0xa7: {  	s28 =	simm.s32 $_size_execute0_lowered;
	s2 =	sadd.s32 s2, s4;
	[dreg:$0x0] =	wrdreg $0x0  }
0xa8: {  	s4 =	sshll.u32 s28, $0x1;
	[dreg:$0x2] =	wrdreg s2  }
0xa9: {  	[dreg:$0x3] =	wrdreg s4  }
0xaa: {  	[dreg:$0x4] =	wrdreg $0xC0  }
0xab: {  	_ =	task [dreg:s6], $0x5FFFF  }
0xac: {  	[dreg:$0x1] =	wrdreg $0xFFFFFFFF  }
0xad: {  	[dreg:$0x0] =	wrdreg $0x60  }
0xae: {  	[dreg:$0x2] =	wrdreg s24  }
0xaf: {  	[dreg:$0x3] =	wrdreg $0x1D2800  }
0xb0: {  	[dreg:$0x4] =	wrdreg $0x9  }
0xb1: {  	_ =	task.clear_ibuf [dreg:s6], $0x5FFFF;
	_ =	strace $0x90000049  }
0xb2: {  	s29 =	simm.s32 $0x9;
	_ =	strace $0x8000004B  }
0xb3: {  	_ =	swait.ge [sflag:s29], $0x1  }
0xb4: {  	[sflag:s29] =	ssyncadd.s32 $0xFFFFFFFF  }
0xb5: {  	_ =	strace $0x9000004B  }
0xb6: {  	_ =	sfence  }
0xb7: {  	s30 =	sld [smem:$0x0];
	_ =	sdelay $0x2  }
0xb8: {  	s31 =	sshll.u32 s1, $0xD;
	s1 =	sshrl.u32 s1, $0x2  }
0xb9: {  	s3 =	sand.u32 $0x4000, s31;
	s1 =	sadd.s32 s1, s30  }
0xba: {  	s0 =	sor.u32 s3, s0;
	s1 =	sshll.u32 s1, $0x11  }
0xbb: {  	s0 =	sor.u32 s1, s0  }
0xbc: {  	s0 =	sadd.s32 $0x8F2B, s0  }
0xbd: {  	[sflag:s0] =	ssyncadd.remote.s32 $0x1  }
0xbe: {  	_ =	sfence.sel $0xFFFF  }
0xbf: {  	[dreg:$0x0] =	wrdreg $0xFFFFFFFF;
	(pc) =	sbr.abs _section_cstart, $3  }
0xc0: {  	[dreg:$0x1] =	wrdreg $0xFFFFFFFF  }
0xc1: {  	_ =	task.clear_ibuf [dreg:s6], $0x2FFFF;
	_ =	strace $0x9FFFFFFF  }
0xc2: {  	(tm) =	ssettm $0x7FFFFFFF  }
0xc3: {  	_ =	shalt  }
tec
execute0_lowered:
.L_overlay_start_1:
0x0: {  	(tag) =	ssettag $0x1  }
0x1: {  	s5 =	rddreg [dreg:$0x0]  }
0x2: {  	s2 =	rddreg [dreg:$0x1];
	s1 =	srdreg.scid  }
0x3: {  	s0 =	rddreg [dreg:$0x2];
	s3 =	simm.s32 $0x0;
	s11 =	simm.s32 $0xE80  }
0x4: {  	s12 =	simm.s32 $0x80;
	s13 =	simm.s32 $0x1CE80;
	s14 =	simm.s32 $0x1CF00  }
0x5: {  	s15 =	simm.s32 $0x4E80;
	s16 =	simm.s32 $0x1CF80;
	s17 =	simm.s32 $0x8E80  }
0x6: {  	s18 =	simm.s32 $0x1D000;
	s19 =	simm.s32 $0xCE80;
	s20 =	simm.s32 $0x1D080  }
0x7: {  	s21 =	simm.s32 $0x10E80;
	s22 =	simm.s32 $0x1D100;
	s23 =	simm.s32 $0x14E80  }
0x8: {  	s24 =	simm.s32 $0x1D180;
	s25 =	simm.s32 $0x18E80;
	s4 =	sand.u32 $0x1, s1  }
0x9: {  	s26 =	simm.s32 $0x0;
	s1 =	stileid.u32;
	s6 =	smul.u32 $0x1C000, s4  }
0xa: {  	[smem:$0x7FF] =	sst s3;
	s7 =	smul.u32 $0x1C00, s1;
	s8 =	sshll.u32 s1, $0x1  }
0xb: {  	_ =	strace $0x8000004A;
	s29 =	ssub.s32 $0x2, s4;
	s9 =	smul.u32 $0x7000, s1  }
0xc: {  	s8 =	sor.u32 s4, s8;
	s4 =	sadd.s32 $0x3200, s5;
	s30 =	sshrl.u32 s29, $0x1  }
0xd: {  	v0 =	vimm.s32 $0x0;
	v1 =	vlaneseq.u32;
	v2 =	vimm.s32 $0x10;
	s6 =	sadd.s32 s7, s6;
	s28 =	smul.u32 $0x188, s8;
	s8 =	ssub.s32 s29, s30  }
0xe: {  	v3 =	vimm.s32 $0xFF;
	v4 =	vimm.s32 $0x100;
	v5 =	vimm.s32 $0x80;
	s31 =	sshrl.u32 s9, $0x2;
	s9 =	simm.s32 $0x1;
	s6 =	sshrl.u32 s6, $0x3  }
0xf: {  	v6 =	vimm.s32 $0x40;
	v7 =	vimm.s32 $0x20;
	v8 =	vimm.s32 $0x8;
	s8 =	smax.u32 s8, $0x1;
	s10 =	sadd.s32 s6, s5;
	s5 =	sadd.s32 s5, s28  }
0x10: {  	v9 =	vimm.s32 $0x4;
	v10 =	vimm.s32 $0x1;
	v11 =	vimm.s32 $0x2;
	s6 =	sadd.s32 s31, s2;
	s7 =	sadd.s32 $0x3400, s10;
	s10 =	simm.s32 $0xC80  }
.LBB2_1:
0x11: {  	[tilespmem:s3], [sflag:$0x1] =	stream.linear.gather [hbm4b:s5+s3], $0xC40, $0x38;
	[tilespmem:$0x1EE80] =	vst v63  }
0x12: {  	_ =	swait.ge [sflag:s9], $0xC40  }
0x13: {  	[sflag:s9] =	ssyncset.done $0x0  }
0x14: {  	[sflag:s9] =	ssyncadd.s32 $0xFFFFF3C0  }
0x15: {  	[tilespmem:s10], [sflag:$0x1] =	stream.linear.gather [hbm4b:s4+s3], $0x200, $0x38;
	[tilespmem:$0x1EE80] =	vst v63  }
0x16: {  	_ =	swait.ge [sflag:s9], $0x200  }
0x17: {  	[sflag:s9] =	ssyncset.done $0x0  }
0x18: {  	s28 =	simm.s32 $0x0;
	s29 =	simm.s32 $0x0;
	[sflag:s9] =	ssyncadd.s32 $0xFFFFFE00  }
.LBB2_2:
0x19: {  	p0 =	sne.s32 s29, $0x6FFC0  }
.Ltmp0:
0x1a: {  	_ = 	snop;
	(pc) =	sbr.rel @p0 .LBB2_2-.Ltmp0, $4  }
0x1b: {  	s30 =	sand.u32 $0x7FE00, s29  }
0x1c: {  	s31 =	sand.u32 $0x70, s28;
	s30 =	sshrl.u32 s30, $0x2  }
0x1d: {  	s30 =	sor.u32 s31, s30  }
0x1e: {  	s28 =	sadd.s32 $0x10, s28;
	s29 =	sadd.s32 $0x40, s29;
	[tilespmem:s30+$0xE80] =	vst v0  }
0x1f: {  	s29 =	simm.s32 $0x0  }
0x20: {  	s28 =	simm.s32 $0x10;
	v12 =	vor.u32 s29, v1;
	s29 =	sand.u32 $0x3F0, s29  }
.LBB2_4:
0x21: {  	p0 =	sne.s32 s28, $0x370;
	[tilespmem:s29+$0x1CE80] =	vst v12;
	s29 =	smov.u32 s28;
	s28 =	sadd.s32 $0x10, s28  }
.Ltmp1:
0x22: {  	(pc) =	sbr.rel @p0 .LBB2_4-.Ltmp1, $2  }
0x23: {  	_ =	sdelay $0x2  }
0x24: {  	v12 =	vor.u32 s29, v1;
	s29 =	sand.u32 $0x3F0, s29  }
0x25: {  	[tilespmem:s29+$0x1CE80] =	vst v12  }
0x26: {  	[spmem:s6] =	stream.linear.scatter [tilespmem:s11], [sflag:$0x1], $0x1C00, $0x38;
	[tilespmem:$0x1EE80] =	vst v63  }
0x27: {  	_ =	swait.ge [sflag:s9], $0x1C00  }
0x28: {  	[sflag:s9] =	ssyncset.done $0x0  }
0x29: {  	[sflag:s9] =	ssyncadd.s32 $0xFFFFE400  }
0x2a: {  	s28 =	simm.s32 $0x0;
	[bflag:$0x0] =	sbarrier.arrive $0xFFFF  }
.LBB2_6:
0x2b: {  	s29 =	sshra.s32 s28, $0x2  }
0x2c: {  	v18 =	vld [tilespmem:s29+$0x0];
	_ =	sdelay $0x1  }
0x2d: {  	v20 =	vld.idx.msk [tilespmem:v3+s10+$0x0], $0xffff;
	_ =	sdelay $0x2  }
0x2e: {  	v12 =	vshrl.u32 v18, $0x10  }
0x2f: {  	v19 =	vand.u32 $0x7FFF, v12  }
0x30: {  	vm0 =	vgt.s32 v20, v19  }
0x31: {  	v50 =	vsel vm0, $0x0, v4  }
0x32: {  	v13 =	vor.u32 $0x7F, v50;
	_ =	sdelay $0x2  }
0x33: {  	v16 =	vld [tilespmem:s29+$0x10];
	_ =	sdelay $0x1  }
0x34: {  	v13 =	vld.idx.msk [tilespmem:v13+s10+$0x0], $0xffff;
	_ =	sdelay $0x2  }
0x35: {  	v14 =	vshrl.u32 v16, $0x10  }
0x36: {  	v17 =	vand.u32 $0x7FFF, v14  }
0x37: {  	vm8 =	vgt.s32 v20, v17;
	vm1 =	vgt.s32 v13, v19  }
0x38: {  	v21 =	vsel vm8, $0x0, v4;
	v13 =	vsel vm1, $0x0, v5  }
0x39: {  	v15 =	vor.u32 $0x7F, v21;
	v23 =	vor.u32 v50, v13  }
0x3a: {  	v14 =	vld [tilespmem:s29+$0x20];
	v13 =	vor.u32 $0x3F, v23;
	_ =	sdelay $0x1  }
0x3b: {  	v12 =	vld [tilespmem:s29+$0x30];
	_ =	sdelay $0x1  }
0x3c: {  	v24 =	vld.idx.msk [tilespmem:v15+s10+$0x0], $0xffff  }
0x3d: {  	v22 =	vshrl.u32 v14, $0x10;
	v25 =	vld.idx.msk [tilespmem:v13+s10+$0x0], $0xffff  }
0x3e: {  	v15 =	vand.u32 $0x7FFF, v22  }
0x3f: {  	v51 =	vshrl.u32 v12, $0x10;
	vm9 =	vgt.s32 v20, v15  }
0x40: {  	v52 =	vsel vm9, $0x0, v4;
	v13 =	vand.u32 $0x7FFF, v51  }
0x41: {  	v53 =	vor.u32 $0x7F, v52;
	vm11 =	vgt.s32 v24, v17;
	vm10 =	vgt.s32 v20, v13  }
0x42: {  	v24 =	vsel vm11, $0x0, v5;
	v26 =	vsel vm10, $0x0, v4;
	vm12 =	vgt.s32 v25, v19  }
0x43: {  	v21 =	vor.u32 v21, v24;
	v27 =	vor.u32 $0x7F, v26;
	v54 =	vsel vm12, $0x0, v6  }
0x44: {  	v55 =	vor.u32 $0x3F, v21;
	v28 =	vor.u32 v54, v23  }
0x45: {  	v28 =	vor.u32 $0x1F, v28  }
0x46: {  	v20 =	vld.idx.msk [tilespmem:v53+s10+$0x0], $0xffff;
	_ =	sdelay $0x1  }
0x47: {  	v27 =	vld.idx.msk [tilespmem:v27+s10+$0x0], $0xffff  }
0x48: {  	v25 =	vld.idx.msk [tilespmem:v55+s10+$0x0], $0xffff  }
0x49: {  	v28 =	vld.idx.msk [tilespmem:v28+s10+$0x0], $0xffff  }
0x4a: {  	vm13 =	vgt.s32 v20, v15  }
0x4b: {  	v20 =	vsel vm13, $0x0, v5  }
0x4c: {  	v20 =	vor.u32 v52, v20;
	vm14 =	vgt.s32 v27, v13  }
0x4d: {  	v57 =	vor.u32 $0x3F, v20;
	vm15 =	vgt.s32 v25, v17;
	v56 =	vsel vm14, $0x0, v5  }
0x4e: {  	v25 =	vsel vm15, $0x0, v6;
	v22 =	vor.u32 v26, v56;
	vm4 =	vgt.s32 v28, v19  }
0x4f: {  	v59 =	vor.u32 v25, v21;
	v58 =	vor.u32 $0x3F, v22;
	v29 =	vsel vm4, $0x0, v7  }
0x50: {  	v28 =	vor.u32 $0x1F, v59;
	v24 =	vor.u32 v54, v29  }
0x51: {  	v29 =	vor.u32 v23, v24  }
0x52: {  	v26 =	vld.idx.msk [tilespmem:v57+s10+$0x0], $0xffff;
	v30 =	vor.u32 $0xF, v29;
	_ =	sdelay $0x1  }
0x53: {  	v27 =	vld.idx.msk [tilespmem:v58+s10+$0x0], $0xffff  }
0x54: {  	v28 =	vld.idx.msk [tilespmem:v28+s10+$0x0], $0xffff;
	_ =	sdelay $0x1  }
0x55: {  	vm5 =	vgt.s32 v26, v15;
	v60 =	vld.idx.msk [tilespmem:v30+s10+$0x0], $0xffff  }
0x56: {  	v26 =	vsel vm5, $0x0, v6  }
0x57: {  	v31 =	vor.u32 v26, v20  }
0x58: {  	v31 =	vor.u32 $0x1F, v31;
	vm6 =	vgt.s32 v27, v13;
	vm7 =	vgt.s32 v28, v17  }
0x59: {  	v61 =	vsel vm6, $0x0, v6;
	v28 =	vsel vm7, $0x0, v7  }
0x5a: {  	v32 =	vor.u32 v61, v22;
	v25 =	vor.u32 v25, v28;
	vm8 =	vgt.s32 v60, v19  }
0x5b: {  	v32 =	vor.u32 $0x1F, v32;
	v62 =	vor.u32 v21, v25;
	v63 =	vsel vm8, $0x0, v2  }
0x5c: {  	v33 =	vor.u32 $0xF, v62;
	v34 =	vor.u32 v63, v29  }
0x5d: {  	v31 =	vld.idx.msk [tilespmem:v31+s10+$0x0], $0xffff;
	v34 =	vor.u32 $0x7, v34;
	_ =	sdelay $0x2  }
0x5e: {  	v32 =	vld.idx.msk [tilespmem:v32+s10+$0x0], $0xffff  }
0x5f: {  	v40 =	vld.idx.msk [tilespmem:v33+s10+$0x0], $0xffff  }
0x60: {  	vm9 =	vgt.s32 v31, v15;
	v42 =	vld.idx.msk [tilespmem:v34+s10+$0x0], $0xffff  }
0x61: {  	v41 =	vsel vm9, $0x0, v7  }
0x62: {  	v26 =	vor.u32 v26, v41  }
0x63: {  	v44 =	vor.u32 v20, v26;
	vm10 =	vgt.s32 v32, v13  }
0x64: {  	v45 =	vor.u32 $0xF, v44;
	v43 =	vsel vm10, $0x0, v7  }
0x65: {  	v30 =	vor.u32 v61, v43;
	vm11 =	vgt.s32 v40, v17;
	vm12 =	vgt.s32 v42, v19  }
0x66: {  	v35 =	vor.u32 v22, v30;
	v31 =	vsel vm11, $0x0, v2;
	v32 =	vsel vm12, $0x0, v8  }
0x67: {  	v36 =	vor.u32 $0xF, v35;
	v37 =	vor.u32 v31, v62;
	v28 =	vor.u32 v63, v32  }
0x68: {  	v47 =	vor.u32 $0x7, v37;
	v29 =	vor.u32 v28, v29  }
0x69: {  	v29 =	vor.u32 $0x3, v29  }
0x6a: {  	v46 =	vld.idx.msk [tilespmem:v45+s10+$0x0], $0xffff;
	_ =	sdelay $0x1  }
0x6b: {  	v36 =	vld.idx.msk [tilespmem:v36+s10+$0x0], $0xffff  }
0x6c: {  	v48 =	vld.idx.msk [tilespmem:v47+s10+$0x0], $0xffff  }
0x6d: {  	v29 =	vld.idx.msk [tilespmem:v29+s10+$0x0], $0xffff  }
0x6e: {  	vm13 =	vgt.s32 v46, v15  }
0x6f: {  	v49 =	vsel vm13, $0x0, v2  }
0x70: {  	v50 =	vor.u32 v49, v44;
	vm14 =	vgt.s32 v36, v13  }
0x71: {  	v37 =	vor.u32 $0x7, v50;
	v36 =	vsel vm14, $0x0, v2;
	vm15 =	vgt.s32 v48, v17  }
0x72: {  	v38 =	vor.u32 v36, v35;
	v32 =	vsel vm15, $0x0, v8;
	vm4 =	vgt.s32 v29, v19  }
0x73: {  	v38 =	vor.u32 $0x7, v38;
	v51 =	vor.u32 v31, v32;
	v52 =	vsel vm4, $0x0, v9  }
0x74: {  	v27 =	vor.u32 v51, v62;
	v31 =	vor.u32 v52, v23  }
0x75: {  	v27 =	vor.u32 $0x3, v27;
	v24 =	vor.u32 v24, v31  }
0x76: {  	v53 =	vld.idx.msk [tilespmem:v37+s10+$0x0], $0xffff;
	v24 =	vor.u32 v28, v24  }
0x77: {  	v28 =	vand.u32 $0x7C, v24  }
0x78: {  	v54 =	vld.idx.msk [tilespmem:v38+s10+$0x0], $0xffff;
	v28 =	vor.u32 v28, v23  }
0x79: {  	v28 =	vor.u32 $0x1, v28  }
0x7a: {  	v27 =	vld.idx.msk [tilespmem:v27+s10+$0x0], $0xffff  }
0x7b: {  	vm5 =	vgt.s32 v53, v15  }
0x7c: {  	v55 =	vsel vm5, $0x0, v8  }
0x7d: {  	v31 =	vor.u32 v49, v55;
	vm6 =	vgt.s32 v54, v13  }
0x7e: {  	v33 =	vor.u32 v31, v44;
	v56 =	vsel vm6, $0x0, v8;
	v28 =	vld.idx.msk [tilespmem:v28+s10+$0x0], $0xffff  }
0x7f: {  	v33 =	vor.u32 $0x3, v33;
	v32 =	vor.u32 v36, v56;
	vm7 =	vgt.s32 v27, v17  }
0x80: {  	v57 =	vor.u32 v32, v35;
	v27 =	vsel vm7, $0x0, v9  }
0x81: {  	v34 =	vor.u32 $0x3, v57;
	v27 =	vor.u32 v27, v21  }
0x82: {  	v25 =	vor.u32 v25, v27  }
0x83: {  	v25 =	vor.u32 v51, v25;
	vm8 =	vgt.s32 v28, v19  }
0x84: {  	v33 =	vld.idx.msk [tilespmem:v33+s10+$0x0], $0xffff;
	v59 =	vand.u32 $0x7C, v25;
	v60 =	vsel vm8, $0x0, v11  }
0x85: {  	v28 =	vor.u32 v59, v21;
	v24 =	vor.u32 v24, v60  }
0x86: {  	v58 =	vld.idx.msk [tilespmem:v34+s10+$0x0], $0xffff;
	v28 =	vor.u32 $0x1, v28;
	v29 =	vand.u32 $0x7F, v24  }
0x87: {  	v23 =	vor.u32 v23, v29;
	_ =	sdelay $0x1  }
0x88: {  	vm9 =	vgt.s32 v33, v15  }
0x89: {  	v61 =	vsel vm9, $0x0, v9  }
0x8a: {  	v62 =	vor.u32 v61, v20;
	vm10 =	vgt.s32 v58, v13;
	v28 =	vld.idx.msk [tilespmem:v28+s10+$0x0], $0xffff  }
0x8b: {  	v26 =	vor.u32 v26, v62;
	v63 =	vsel vm10, $0x0, v9;
	v23 =	vld.idx.msk [tilespmem:v23+s10+$0x0], $0xffff  }
0x8c: {  	v26 =	vor.u32 v31, v26;
	v33 =	vor.u32 v63, v22  }
0x8d: {  	v34 =	vand.u32 $0x7C, v26;
	v27 =	vor.u32 v30, v33  }
0x8e: {  	v29 =	vor.u32 v34, v20;
	v27 =	vor.u32 v32, v27  }
0x8f: {  	v29 =	vor.u32 $0x1, v29;
	v35 =	vand.u32 $0x7C, v27;
	vm11 =	vgt.s32 v28, v17  }
0x90: {  	v30 =	vor.u32 v35, v22;
	v28 =	vsel vm11, $0x0, v11;
	vm12 =	vle.s32 v23, v19  }
0x91: {  	v30 =	vor.u32 $0x1, v30;
	v36 =	vor.u32 v25, v28;
	v37 =	vsel vm12, $0x1, v0  }
0x92: {  	v39 =	vand.u32 $0x7F, v36;
	v24 =	vor.u32 v37, v24  }
0x93: {  	v21 =	vor.u32 v21, v39;
	v41 =	vmax.u32 v24, $0x1  }
0x94: {  	v38 =	vld.idx.msk [tilespmem:v29+s10+$0x0], $0xffff;
	v29 =	vsub.s32 v41, v10;
	_ =	sdelay $0x1  }
0x95: {  	v40 =	vld.idx.msk [tilespmem:v30+s10+$0x0], $0xffff;
	_ =	sdelay $0x1  }
0x96: {  	v21 =	vld.idx.msk [tilespmem:v21+s10+$0x0], $0xffff  }
0x97: {  	v18 =	vshrl.u32 v18, $0x8;
	vm13 =	vgt.s32 v38, v15;
	v44 =	vld.idx.msk [tilespmem:v29+s10+$0x0], $0xffff  }
0x98: {  	v48 =	vand.u32 $0x80, v18;
	v42 =	vsel vm13, $0x0, v11  }
0x99: {  	v18 =	vand.u32 $0x7F, v18;
	v25 =	vor.u32 v26, v42;
	vm14 =	vgt.s32 v40, v13  }
0x9a: {  	vm4 =	vne.s32 v24, $0x0;
	v46 =	vand.u32 $0x7F, v25;
	v43 =	vsel vm14, $0x0, v11  }
0x9b: {  	v20 =	vor.u32 v20, v46;
	v47 =	vshll.u32 v29, $0x8;
	v45 =	vor.u32 v27, v43  }
0x9c: {  	v28 =	vand.u32 $0x7F, v45;
	vm15 =	vle.s32 v21, v17;
	vm2 =	veq.s32 v44, v19  }
0x9d: {  	v49 =	vsel vm15, $0x1, v0;
	v19 =	vor.u32 v48, v47;
	vm5 =	vmand vm4, vm2  }
0x9e: {  	v22 =	vor.u32 v22, v28;
	v50 =	vor.u32 v49, v36;
	v19 =	vnsel vm5, $0x0, v19  }
0x9f: {  	v51 =	vmax.u32 v50, $0x1;
	v18 =	vor.u32 v18, v19  }
0xa0: {  	v19 =	vsub.s32 v51, v10;
	_ =	sdelay $0x1  }
0xa1: {  	v20 =	vld.idx.msk [tilespmem:v20+s10+$0x0], $0xffff  }
0xa2: {  	v22 =	vld.idx.msk [tilespmem:v22+s10+$0x0], $0xffff  }
0xa3: {  	[tilespmem:v18+s11+$0x0] =	vst.idx.add.s32.msk vm5, v10  }
0xa4: {  	v18 =	vld.idx.msk [tilespmem:v19+s10+$0x0], $0xffff;
	_ =	sdelay $0x2  }
0xa5: {  	v16 =	vshrl.u32 v16, $0x8  }
0xa6: {  	v53 =	vand.u32 $0x80, v16;
	vm7 =	vne.s32 v50, $0x0  }
0xa7: {  	vm6 =	vle.s32 v20, v15;
	v52 =	vshll.u32 v19, $0x8;
	vm8 =	veq.s32 v18, v17  }
0xa8: {  	v54 =	vsel vm6, $0x1, v0;
	v17 =	vor.u32 v53, v52;
	vm9 =	vmand vm7, vm8  }
0xa9: {  	v16 =	vand.u32 $0x7F, v16;
	v55 =	vor.u32 v54, v25;
	v17 =	vnsel vm9, $0x0, v17  }
0xaa: {  	v56 =	vmax.u32 v55, $0x1;
	v16 =	vor.u32 v16, v17  }
0xab: {  	v17 =	vsub.s32 v56, v10;
	_ =	sdelay $0x3  }
0xac: {  	[tilespmem:v16+s11+$0x0] =	vst.idx.add.s32.msk vm9, v10  }
0xad: {  	v16 =	vld.idx.msk [tilespmem:v17+s10+$0x0], $0xffff;
	_ =	sdelay $0x2  }
0xae: {  	v14 =	vshrl.u32 v14, $0x8  }
0xaf: {  	v58 =	vand.u32 $0x80, v14;
	vm11 =	vne.s32 v55, $0x0  }
0xb0: {  	vm10 =	vle.s32 v22, v13;
	v57 =	vshll.u32 v17, $0x8;
	vm12 =	veq.s32 v16, v15  }
0xb1: {  	v59 =	vsel vm10, $0x1, v0;
	v15 =	vor.u32 v58, v57;
	vm13 =	vmand vm11, vm12  }
0xb2: {  	v14 =	vand.u32 $0x7F, v14;
	v60 =	vor.u32 v59, v45;
	v15 =	vnsel vm13, $0x0, v15  }
0xb3: {  	v61 =	vmax.u32 v60, $0x1;
	v14 =	vor.u32 v14, v15  }
0xb4: {  	v15 =	vsub.s32 v61, v10;
	_ =	sdelay $0x3  }
0xb5: {  	[tilespmem:v14+s11+$0x0] =	vst.idx.add.s32.msk vm13, v10  }
0xb6: {  	v14 =	vld.idx.msk [tilespmem:v15+s10+$0x0], $0xffff;
	_ =	sdelay $0x2  }
0xb7: {  	v12 =	vshrl.u32 v12, $0x8  }
0xb8: {  	v63 =	vand.u32 $0x80, v12  }
0xb9: {  	vm14 =	vne.s32 v60, $0x0;
	v62 =	vshll.u32 v15, $0x8;
	vm15 =	veq.s32 v14, v13  }
0xba: {  	v13 =	vor.u32 v63, v62;
	vm0 =	vmand vm14, vm15  }
0xbb: {  	v12 =	vand.u32 $0x7F, v12;
	v13 =	vnsel vm0, $0x0, v13  }
0xbc: {  	p0 =	sne.s32 s28, $0x3000;
	v12 =	vor.u32 v12, v13  }
.Ltmp2:
0xbd: {  	_ = 	snop;
	(pc) =	sbr.rel @p0 .LBB2_6-.Ltmp2, $2  }
0xbe: {  	_ =	sdelay $0x2  }
0xbf: {  	s28 =	sadd.s32 $0x100, s28;
	[tilespmem:v12+s11+$0x0] =	vst.idx.add.s32.msk vm0, v10  }
0xc0: {  	[spmem:s2] =	stream.indirect.scatter.add.s32 [tilespmem:s11], [sflag:$0x1], $0x80, s13, s12, $0xb8;
	[tilespmem:$0x1EE80] =	vst v63  }
0xc1: {  	_ =	swait.ge [sflag:s9], $0x4000  }
0xc2: {  	[sflag:s9] =	ssyncset.done $0x0  }
0xc3: {  	[sflag:s9] =	ssyncadd.s32 $0xFFFFC000  }
0xc4: {  	[spmem:s2] =	stream.indirect.scatter.add.s32 [tilespmem:s15], [sflag:$0x1], $0x80, s14, s12, $0xb8;
	[tilespmem:$0x1EE80] =	vst v63  }
0xc5: {  	_ =	swait.ge [sflag:s9], $0x4000  }
0xc6: {  	[sflag:s9] =	ssyncset.done $0x0  }
0xc7: {  	[sflag:s9] =	ssyncadd.s32 $0xFFFFC000  }
0xc8: {  	[spmem:s2] =	stream.indirect.scatter.add.s32 [tilespmem:s17], [sflag:$0x1], $0x80, s16, s12, $0xb8;
	[tilespmem:$0x1EE80] =	vst v63  }
0xc9: {  	_ =	swait.ge [sflag:s9], $0x4000  }
0xca: {  	[sflag:s9] =	ssyncset.done $0x0  }
0xcb: {  	[sflag:s9] =	ssyncadd.s32 $0xFFFFC000  }
0xcc: {  	[spmem:s2] =	stream.indirect.scatter.add.s32 [tilespmem:s19], [sflag:$0x1], $0x80, s18, s12, $0xb8;
	[tilespmem:$0x1EE80] =	vst v63  }
0xcd: {  	_ =	swait.ge [sflag:s9], $0x4000  }
0xce: {  	[sflag:s9] =	ssyncset.done $0x0  }
0xcf: {  	[sflag:s9] =	ssyncadd.s32 $0xFFFFC000  }
0xd0: {  	[spmem:s2] =	stream.indirect.scatter.add.s32 [tilespmem:s21], [sflag:$0x1], $0x80, s20, s12, $0xb8;
	[tilespmem:$0x1EE80] =	vst v63  }
0xd1: {  	_ =	swait.ge [sflag:s9], $0x4000  }
0xd2: {  	[sflag:s9] =	ssyncset.done $0x0  }
0xd3: {  	[sflag:s9] =	ssyncadd.s32 $0xFFFFC000  }
0xd4: {  	[spmem:s2] =	stream.indirect.scatter.add.s32 [tilespmem:s23], [sflag:$0x1], $0x80, s22, s12, $0xb8;
	[tilespmem:$0x1EE80] =	vst v63  }
0xd5: {  	_ =	swait.ge [sflag:s9], $0x4000  }
0xd6: {  	[sflag:s9] =	ssyncset.done $0x0  }
0xd7: {  	[sflag:s9] =	ssyncadd.s32 $0xFFFFC000  }
0xd8: {  	[spmem:s2] =	stream.indirect.scatter.add.s32 [tilespmem:s25], [sflag:$0x1], $0x80, s24, s12, $0xb8;
	[tilespmem:$0x1EE80] =	vst v63  }
0xd9: {  	_ =	swait.ge [sflag:s9], $0x4000  }
0xda: {  	s28 =	sshll.u32 s1, $0x6;
	s26 =	sadd.s32 $0x1, s26;
	[sflag:s9] =	ssyncset.done $0x0  }
0xdb: {  	s29 =	sshrl.u32 s6, $0x3;
	p0 =	sne.s32 s26, s8;
	[sflag:s9] =	ssyncadd.s32 $0xFFFFC000  }
.Ltmp3:
0xdc: {  	s28 =	sor.u32 $0x1C01, s28;
	[bflag:$0x0] =	sbarrier.arrive $0xFFFF;
	(pc) =	sbr.rel @p0 .LBB2_1-.Ltmp3, $4  }
0xdd: {  	[hbm:s7], [sflag:s28] =	dma.local [spmem:s29], $0x380  }
0xde: {  	_ =	swait.ge [sflag:s9], $0x380  }
0xdf: {  	[sflag:s9] =	ssyncset.done $0x0  }
0xe0: {  	[sflag:s9] =	ssyncadd.s32 $0xFFFFFC80  }
0xe1: {  	_ =	sfence.sel $0x180000  }
0xe2: {  	[bflag:$0x0] =	sbarrier.arrive $0xFFFF  }
0xe3: {  	p0 =	sne.s32 s1, $0x0;
	_ =	strace $0x9000004A  }
0xe4: {  	s0 =	sadd.s32 @!p0 $0x100000, s0;
	[bflag:$0x2] =	sbarrier.arrive $0xFFFF  }
0xe5: {  	[sflag:s0] =	ssyncadd.tile.s32 @!p0 $0x1;
	_ =	shalt  }
.Lfunc_end2:
_tile_overlayer_lowered:
.L_overlay_start_2:
0xe6: {  	(tag) =	ssettag $0x2  }
0xe7: {  	s0 =	rddreg [dreg:$0x0];
	s2 =	stileid.u32  }
0xe8: {  	s1 =	rddreg [dreg:$0x1];
	p0 =	sne.s32 s2, $0x0  }
0xe9: {  	s3 =	rddreg [dreg:$0x2];
	[bflag:$0x3] =	sbarrier.arrive $0xFFFF;
	s2 =	simm.s32 @!p0 $0x1C01  }
0xea: {  	[timem:s3], [sflag:s2] =	dma.local @!p0 [hbm:s0], s1  }
0xeb: {  	s0 =	simm.s32 @!p0 $0x1  }
0xec: {  	_ =	swait.ge @!p0 [sflag:s0], s1  }
0xed: {  	s1 =	ssub.s32 @!p0 $0x0, s1;
	[sflag:s0] =	ssyncset.done @!p0 $0x0  }
0xee: {  	[sflag:s0] =	ssyncadd.s32 @!p0 s1  }
0xef: {  	[bflag:$0x3] =	sbarrier.arrive $0xFFFF  }
0xf0: {  	_ =	shalt  }

// kernel: kernel.13.cloned.1.call-start
scs
__scs_entry_jumppad:
0x0: {  	(pc) =	sbr.rel $0x88, $3  }
0x1: {  	(tag) =	ssettag $0x0;
	lr =	simm.s32 $0x1  }
0x2: {  	[smem:$0x3F9F] =	sst lr;
	_ =	strace $0xD0000000  }
0x3: {  	_ = 	snop  }
0x4: {  	_ = 	snop  }
0x5: {  	_ = 	snop  }
0x6: {  	_ = 	snop  }
0x7: {  	_ = 	snop  }
__scs_overlays_trampoline_lowered:
0x8: {  	[smem:$0x3FAE] =	sst s0  }
0x9: {  	[smem:$0x3FAF] =	sst s1  }
0xa: {  	[smem:$0x3FB0] =	sst s2  }
0xb: {  	[smem:$0x3FB1] =	sst s3  }
0xc: {  	[smem:$0x3FB2] =	sst s4  }
0xd: {  	[smem:$0x3FB3] =	sst s5  }
0xe: {  	[smem:$0x3FB4] =	sst s6  }
0xf: {  	[smem:$0x3FB5] =	sst s7  }
0x10: {  	[smem:$0x3FB6] =	sst s8  }
0x11: {  	[smem:$0x3FB7] =	sst s9;
	s0 =	simm.s32 @!p0 $0x0  }
0x12: {  	s1 =	sld [smem:$0x3F9D];
	s0 =	simm.s32 @p0 $0x1  }
0x13: {  	[smem:$0x3FB8] =	sst s0;
	s0 =	simm.s32 @!p1 $0x0  }
0x14: {  	s2 =	sld [smem:$0x3F9C];
	s0 =	simm.s32 @p1 $0x1  }
0x15: {  	[smem:$0x3FB9] =	sst s0;
	s0 =	simm.s32 @!p2 $0x0  }
0x16: {  	s3 =	sld [smem:$0x3FDB];
	s0 =	simm.s32 @p2 $0x1  }
0x17: {  	s4 =	simm.s32 $0x1BF5;
	[smem:$0x3FBB] =	sst s0  }
0x18: {  	s0 =	sld [smem:$0x3F9E];
	_ =	swait.ge [sflag:s4], $0x0  }
0x19: {  	s7 =	sld [smem:$0x3F9F]  }
0x1a: {  	s8 =	sadd.s32 $0xFFFFE003, lr  }
0x1b: {  	s9 =	sadd.s32 $0xFFFFFEF7, lr;
	s5 =	simm.s32 $0xFFFFFFFF;
	p2 =	slt.u32 s8, $0xFFFFF086  }
0x1c: {  	p1 =	slt.u32 s9, $0xF7A;
	s5 =	simm.s32 @!p2 $0x0  }
0x1d: {  	s5 =	simm.s32 @p1 $0x1;
	p0 =	seq.s32 s7, s2  }
0x1e: {  	s7 =	smul.u32 @!p0 $0xF7A, s2;
	p2 =	seq.s32 @!p0 s5, $0x0  }
0x1f: {  	s9 =	smul.u32 $0xF7A, s1;
	s8 =	simm.s32 @!p0 $0x1BF5;
	p2 =	por !p2, p0  }
0x20: {  	[sflag:s8] =	ssyncset.s32 @!p0 $0xFFFFF086;
	s6 =	sadd.s32 @!p0 s3, s7;
	s7 =	simm.s32 @!p0 $0x108  }
0x21: {  	s3 =	sadd.s32 s3, s9;
	s6 =	sadd.s32 @!p0 $0x88, s6;
	s7 =	simm.s32 @p2 $0x1082  }
0x22: {  	[simem:s7], [sflag:s8] =	dma.local @!p0 [hbm:s6], $0xF7A  }
0x23: {  	s9 =	sor.u32 $0xD0000000, s2;
	s6 =	simm.s32 $0x108;
	_ =	swait.ge @!p0 [sflag:s8], $0x0  }
0x24: {  	s3 =	sadd.s32 $0x88, s3;
	s6 =	simm.s32 @!p1 $0x1082;
	[sflag:s4] =	ssyncset.s32 $0xFFFFF086  }
0x25: {  	[simem:s6], [sflag:s4] =	dma.local [hbm:s3], $0xF7A  }
0x26: {  	[smem:$0x3F9F] =	sst s1;
	(tag) =	ssettag s2;
	_ =	strace s9  }
0x27: {  	s1 =	sld [smem:$0x3FAF]  }
0x28: {  	s2 =	sld [smem:$0x3FB0]  }
0x29: {  	s4 =	sld [smem:$0x3FB2]  }
0x2a: {  	p0 =	seq.s32 s5, $0x0;
	s5 =	sld [smem:$0x3FB3]  }
0x2b: {  	s6 =	sld [smem:$0x3FB4]  }
0x2c: {  	s7 =	sld [smem:$0x3FB5]  }
0x2d: {  	s3 =	simm.s32 $0x108;
	s8 =	sld [smem:$0x3FB6]  }
0x2e: {  	s3 =	simm.s32 @!p0 $0x1082;
	s9 =	sld [smem:$0x3FB7]  }
0x2f: {  	lr =	sadd.s32 s0, s3;
	s0 =	sld [smem:$0x3FAE]  }
0x30: {  	s3 =	sld [smem:$0x3FB1]  }
0x31: {  	[smem:$0x3FBA] =	sst s10  }
0x32: {  	s10 =	sld [smem:$0x3FB8];
	_ =	sdelay $0x3  }
0x33: {  	p0 =	seq.s32 s10, $0x1;
	s10 =	sld [smem:$0x3FBA];
	_ =	sdelay $0x3  }
0x34: {  	[smem:$0x3FBA] =	sst s10  }
0x35: {  	s10 =	sld [smem:$0x3FB9];
	_ =	sdelay $0x3  }
0x36: {  	p1 =	seq.s32 s10, $0x1;
	s10 =	sld [smem:$0x3FBA];
	_ =	sdelay $0x3  }
0x37: {  	[smem:$0x3FBA] =	sst s10  }
0x38: {  	s10 =	sld [smem:$0x3FBB]  }
0x39: {  	_ = 	snop;
	(pc) =	sbr.ind lr, $3  }
0x3a: {  	_ = 	snop  }
0x3b: {  	_ = 	snop  }
0x3c: {  	p2 =	seq.s32 s10, $0x1;
	s10 =	sld [smem:$0x3FBA]  }
0x3d: {  	_ =	shalt  }
0x3e: {  	_ =	shalt  }
0x3f: {  	_ =	shalt  }
0x40: {  	_ =	shalt  }
0x41: {  	_ =	shalt  }
0x42: {  	_ =	shalt  }
0x43: {  	_ =	shalt  }
0x44: {  	_ =	shalt  }
0x45: {  	_ =	shalt  }
0x46: {  	_ =	shalt  }
0x47: {  	_ =	shalt  }
0x48: {  	_ =	shalt  }
0x49: {  	_ =	shalt  }
0x4a: {  	_ =	shalt  }
0x4b: {  	_ =	shalt  }
0x4c: {  	_ =	shalt  }
0x4d: {  	_ =	shalt  }
0x4e: {  	_ =	shalt  }
0x4f: {  	_ =	shalt  }
0x50: {  	_ =	shalt  }
0x51: {  	_ =	shalt  }
0x52: {  	_ =	shalt  }
0x53: {  	_ =	shalt  }
0x54: {  	_ =	shalt  }
0x55: {  	_ =	shalt  }
0x56: {  	_ =	shalt  }
0x57: {  	_ =	shalt  }
0x58: {  	_ =	shalt  }
0x59: {  	_ =	shalt  }
0x5a: {  	_ =	shalt  }
0x5b: {  	_ =	shalt  }
0x5c: {  	_ =	shalt  }
0x5d: {  	_ =	shalt  }
0x5e: {  	_ =	shalt  }
0x5f: {  	_ =	shalt  }
0x60: {  	_ =	shalt  }
0x61: {  	_ =	shalt  }
0x62: {  	_ =	shalt  }
0x63: {  	_ =	shalt  }
0x64: {  	_ =	shalt  }
0x65: {  	_ =	shalt  }
0x66: {  	_ =	shalt  }
0x67: {  	_ =	shalt  }
0x68: {  	_ =	shalt  }
0x69: {  	_ =	shalt  }
0x6a: {  	_ =	shalt  }
0x6b: {  	_ =	shalt  }
0x6c: {  	_ =	shalt  }
0x6d: {  	_ =	shalt  }
0x6e: {  	_ =	shalt  }
0x6f: {  	_ =	shalt  }
0x70: {  	_ =	shalt  }
0x71: {  	_ =	shalt  }
0x72: {  	_ =	shalt  }
0x73: {  	_ =	shalt  }
0x74: {  	_ =	shalt  }
0x75: {  	_ =	shalt  }
0x76: {  	_ =	shalt  }
0x77: {  	_ =	shalt  }
0x78: {  	_ =	shalt  }
0x79: {  	_ =	shalt  }
0x7a: {  	_ =	shalt  }
0x7b: {  	_ =	shalt  }
0x7c: {  	_ =	shalt  }
0x7d: {  	_ =	shalt  }
0x7e: {  	_ =	shalt  }
0x7f: {  	_ =	shalt  }
0x80: {  	_ =	shalt  }
0x81: {  	_ =	shalt  }
0x82: {  	_ =	shalt  }
0x83: {  	_ =	shalt  }
0x84: {  	_ =	shalt  }
0x85: {  	_ =	shalt  }
0x86: {  	_ =	shalt  }
0x87: {  	_ =	shalt  }
.Lfunc_end0:
.L_simem_size_0:
called_computation.2_lowered:
.L_overlay_start_0:
0x88: {  	s2 =	sld [smem:$0x3FD9]  }
0x89: {  	s3 =	sld [smem:$0x3FFE];
	_ =	sdelay $0x1  }
0x8a: {  	s1 =	srdreg.scid  }
0x8b: {  	s0 =	sand.u32 $0x1, s1  }
0x8c: {  	s16 =	sshll.u32 s0, $0xA;
	s2 =	sadd.s32 s3, s2  }
0x8d: {  	s2 =	sadd.s32 s2, s16  }
0x8e: {  	[smem:$0x3FC6] =	sst s2  }
0x8f: {  	_ = 	snop  }
0x90: {  	(tm) =	ssettm $0x1  }
0x91: {  	s17 =	sld [smem:$0x3FFB];
	_ =	sdelay $0x3  }
0x92: {  	_ =	strace s17  }
0x93: {  	s2 =	sld [smem:$0x3FFC];
	_ =	sdelay $0x3  }
0x94: {  	_ =	strace s2  }
0x95: {  	s2 =	sld [smem:$0x3FFD];
	_ =	sdelay $0x3  }
0x96: {  	_ =	strace s2  }
0x97: {  	_ =	strace $0x8FFFFFFF  }
0x98: {  	s18 =	sld [smem:$0x3FDB];
	_ =	sdelay $0x1  }
0x99: {  	s19 =	simm.s32 $_scs_section_size  }
0x9a: {  	s4 =	simm.s32 $_size__tile_overlayer_lowered;
	s5 =	simm.s32 $_tile_overlayer_lowered  }
0x9b: {  	s22 =	simm.s32 $0x1BFF;
	s21 =	sshll.u32 s5, $0x1;
	s2 =	sadd.s32 s19, s18  }
0x9c: {  	s6 =	simm.s32 $0x0;
	s20 =	sshll.u32 s4, $0x1;
	s4 =	sadd.s32 s21, s2  }
0x9d: {  	[timem:s6], [sflag:s22] =	dma.local [hbm:s4], s20  }
0x9e: {  	_ =	swait.ge [sflag:s22], s20  }
0x9f: {  	s3 =	ssub.s32 $0x0, s20;
	[sflag:s22] =	ssyncset.done $0x0  }
0xa0: {  	[sflag:s22] =	ssyncadd.s32 s3;
	_ =	sdelay $0x1  }
0xa1: {  	s23 =	simm.s32 $0x1B8B  }
0xa2: {  	_ =	swait.ge [sflag:s23], $0x1  }
0xa3: {  	[sflag:s23] =	ssyncset.done $0x0  }
0xa4: {  	s25 =	simm.s32 $0x1B8E;
	s24 =	sld [smem:$0x3FFE];
	[sflag:s23] =	ssyncadd.s32 $0xFFFFFFFF  }
0xa5: {  	s26 =	simm.s32 $execute0_lowered;
	[smem:$0x3FD2] =	sst s25  }
0xa6: {  	s4 =	sshll.u32 s26, $0x1;
	_ =	strace $0x8000004C;
	[dreg:$0x1] =	wrdreg $0xFFFFFFFF  }
0xa7: {  	s28 =	simm.s32 $_size_execute0_lowered;
	s2 =	sadd.s32 s2, s4;
	[dreg:$0x0] =	wrdreg $0x0  }
0xa8: {  	s4 =	sshll.u32 s28, $0x1;
	[dreg:$0x2] =	wrdreg s2  }
0xa9: {  	[dreg:$0x3] =	wrdreg s4  }
0xaa: {  	[dreg:$0x4] =	wrdreg $0xC0  }
0xab: {  	_ =	task [dreg:s6], $0x5FFFF  }
0xac: {  	[dreg:$0x1] =	wrdreg $0xFFFFFFFF  }
0xad: {  	[dreg:$0x0] =	wrdreg $0x60  }
0xae: {  	[dreg:$0x2] =	wrdreg s24  }
0xaf: {  	[dreg:$0x3] =	wrdreg $0x1D2800  }
0xb0: {  	[dreg:$0x4] =	wrdreg $0x9  }
0xb1: {  	_ =	task.clear_ibuf [dreg:s6], $0x5FFFF;
	_ =	strace $0x9000004C  }
0xb2: {  	s29 =	simm.s32 $0x9;
	_ =	strace $0x8000004E  }
0xb3: {  	_ =	swait.ge [sflag:s29], $0x1  }
0xb4: {  	[sflag:s29] =	ssyncadd.s32 $0xFFFFFFFF  }
0xb5: {  	_ =	strace $0x9000004E  }
0xb6: {  	_ =	sfence  }
0xb7: {  	s30 =	sld [smem:$0x0];
	_ =	sdelay $0x2  }
0xb8: {  	s31 =	sshll.u32 s1, $0xD;
	s1 =	sshrl.u32 s1, $0x2  }
0xb9: {  	s3 =	sand.u32 $0x4000, s31;
	s1 =	sadd.s32 s1, s30  }
0xba: {  	s0 =	sor.u32 s3, s0;
	s1 =	sshll.u32 s1, $0x11  }
0xbb: {  	s0 =	sor.u32 s1, s0  }
0xbc: {  	s0 =	sadd.s32 $0x8F2B, s0  }
0xbd: {  	[sflag:s0] =	ssyncadd.remote.s32 $0x1  }
0xbe: {  	_ =	sfence.sel $0xFFFF  }
0xbf: {  	[dreg:$0x0] =	wrdreg $0xFFFFFFFF;
	(pc) =	sbr.abs _section_cstart, $3  }
0xc0: {  	[dreg:$0x1] =	wrdreg $0xFFFFFFFF  }
0xc1: {  	_ =	task.clear_ibuf [dreg:s6], $0x2FFFF;
	_ =	strace $0x9FFFFFFF  }
0xc2: {  	(tm) =	ssettm $0x7FFFFFFF  }
0xc3: {  	_ =	shalt  }
tec
execute0_lowered:
.L_overlay_start_1:
0x0: {  	(tag) =	ssettag $0x1  }
0x1: {  	s5 =	rddreg [dreg:$0x0]  }
0x2: {  	s2 =	rddreg [dreg:$0x1];
	s1 =	srdreg.scid  }
0x3: {  	s0 =	rddreg [dreg:$0x2];
	s3 =	simm.s32 $0x0;
	s11 =	simm.s32 $0xE80  }
0x4: {  	s12 =	simm.s32 $0x80;
	s13 =	simm.s32 $0x1CE80;
	s14 =	simm.s32 $0x1CF00  }
0x5: {  	s15 =	simm.s32 $0x4E80;
	s16 =	simm.s32 $0x1CF80;
	s17 =	simm.s32 $0x8E80  }
0x6: {  	s18 =	simm.s32 $0x1D000;
	s19 =	simm.s32 $0xCE80;
	s20 =	simm.s32 $0x1D080  }
0x7: {  	s21 =	simm.s32 $0x10E80;
	s22 =	simm.s32 $0x1D100;
	s23 =	simm.s32 $0x14E80  }
0x8: {  	s24 =	simm.s32 $0x1D180;
	s25 =	simm.s32 $0x18E80;
	s4 =	sand.u32 $0x1, s1  }
0x9: {  	s26 =	simm.s32 $0x0;
	s1 =	stileid.u32;
	s6 =	smul.u32 $0x1C000, s4  }
0xa: {  	[smem:$0x7FF] =	sst s3;
	s7 =	smul.u32 $0x1C00, s1;
	s8 =	sshll.u32 s1, $0x1  }
0xb: {  	_ =	strace $0x8000004D;
	s29 =	ssub.s32 $0x2, s4;
	s9 =	smul.u32 $0x7000, s1  }
0xc: {  	s8 =	sor.u32 s4, s8;
	s4 =	sadd.s32 $0x3200, s5;
	s30 =	sshrl.u32 s29, $0x1  }
0xd: {  	v0 =	vimm.s32 $0x0;
	v1 =	vlaneseq.u32;
	v2 =	vimm.s32 $0x8;
	s6 =	sadd.s32 s7, s6;
	s28 =	smul.u32 $0x188, s8;
	s8 =	ssub.s32 s29, s30  }
0xe: {  	v3 =	vimm.s32 $0xFF;
	v4 =	vimm.s32 $0x100;
	v5 =	vimm.s32 $0x80;
	s31 =	sshrl.u32 s9, $0x2;
	s9 =	simm.s32 $0x1;
	s6 =	sshrl.u32 s6, $0x3  }
0xf: {  	v6 =	vimm.s32 $0x40;
	v7 =	vimm.s32 $0x20;
	v8 =	vimm.s32 $0x10;
	s8 =	smax.u32 s8, $0x1;
	s10 =	sadd.s32 s6, s5;
	s5 =	sadd.s32 s5, s28  }
0x10: {  	v9 =	vimm.s32 $0x4;
	v10 =	vimm.s32 $0x1;
	v11 =	vimm.s32 $0x2;
	s6 =	sadd.s32 s31, s2;
	s7 =	sadd.s32 $0x3400, s10;
	s10 =	simm.s32 $0xC80  }
.LBB2_1:
0x11: {  	[tilespmem:s3], [sflag:$0x1] =	stream.linear.gather [hbm4b:s5+s3], $0xC40, $0x38;
	[tilespmem:$0x1EE80] =	vst v63  }
0x12: {  	_ =	swait.ge [sflag:s9], $0xC40  }
0x13: {  	[sflag:s9] =	ssyncset.done $0x0  }
0x14: {  	[sflag:s9] =	ssyncadd.s32 $0xFFFFF3C0  }
0x15: {  	[tilespmem:s10], [sflag:$0x1] =	stream.linear.gather [hbm4b:s4+s3], $0x200, $0x38;
	[tilespmem:$0x1EE80] =	vst v63  }
0x16: {  	_ =	swait.ge [sflag:s9], $0x200  }
0x17: {  	[sflag:s9] =	ssyncset.done $0x0  }
0x18: {  	s28 =	simm.s32 $0x0;
	s29 =	simm.s32 $0x0;
	[sflag:s9] =	ssyncadd.s32 $0xFFFFFE00  }
.LBB2_2:
0x19: {  	p0 =	sne.s32 s29, $0x6FFC0  }
.Ltmp0:
0x1a: {  	_ = 	snop;
	(pc) =	sbr.rel @p0 .LBB2_2-.Ltmp0, $4  }
0x1b: {  	s30 =	sand.u32 $0x7FE00, s29  }
0x1c: {  	s31 =	sand.u32 $0x70, s28;
	s30 =	sshrl.u32 s30, $0x2  }
0x1d: {  	s30 =	sor.u32 s31, s30  }
0x1e: {  	s28 =	sadd.s32 $0x10, s28;
	s29 =	sadd.s32 $0x40, s29;
	[tilespmem:s30+$0xE80] =	vst v0  }
0x1f: {  	s29 =	simm.s32 $0x0  }
0x20: {  	s28 =	simm.s32 $0x10;
	v12 =	vor.u32 s29, v1;
	s29 =	sand.u32 $0x3F0, s29  }
.LBB2_4:
0x21: {  	p0 =	sne.s32 s28, $0x370;
	[tilespmem:s29+$0x1CE80] =	vst v12;
	s29 =	smov.u32 s28;
	s28 =	sadd.s32 $0x10, s28  }
.Ltmp1:
0x22: {  	(pc) =	sbr.rel @p0 .LBB2_4-.Ltmp1, $2  }
0x23: {  	_ =	sdelay $0x2  }
0x24: {  	v12 =	vor.u32 s29, v1;
	s29 =	sand.u32 $0x3F0, s29  }
0x25: {  	[tilespmem:s29+$0x1CE80] =	vst v12  }
0x26: {  	[spmem:s6] =	stream.linear.scatter [tilespmem:s11], [sflag:$0x1], $0x1C00, $0x38;
	[tilespmem:$0x1EE80] =	vst v63  }
0x27: {  	_ =	swait.ge [sflag:s9], $0x1C00  }
0x28: {  	[sflag:s9] =	ssyncset.done $0x0  }
0x29: {  	[sflag:s9] =	ssyncadd.s32 $0xFFFFE400  }
0x2a: {  	s28 =	simm.s32 $0x0;
	[bflag:$0x0] =	sbarrier.arrive $0xFFFF  }
.LBB2_6:
0x2b: {  	s29 =	sshra.s32 s28, $0x2  }
0x2c: {  	v17 =	vld [tilespmem:s29+$0x0];
	_ =	sdelay $0x1  }
0x2d: {  	v20 =	vld.idx.msk [tilespmem:v3+s10+$0x0], $0xffff;
	_ =	sdelay $0x2  }
0x2e: {  	v12 =	vshrl.u32 v17, $0x8  }
0x2f: {  	v19 =	vand.u32 $0x7FFFFF, v12  }
0x30: {  	vm0 =	vgt.s32 v20, v19  }
0x31: {  	v57 =	vsel vm0, $0x0, v4  }
0x32: {  	v13 =	vor.u32 $0x7F, v57;
	_ =	sdelay $0x2  }
0x33: {  	v15 =	vld [tilespmem:s29+$0x10];
	_ =	sdelay $0x1  }
0x34: {  	v13 =	vld.idx.msk [tilespmem:v13+s10+$0x0], $0xffff;
	_ =	sdelay $0x2  }
0x35: {  	v14 =	vshrl.u32 v15, $0x8  }
0x36: {  	v18 =	vand.u32 $0x7FFFFF, v14  }
0x37: {  	vm8 =	vgt.s32 v20, v18;
	vm1 =	vgt.s32 v13, v19  }
0x38: {  	v21 =	vsel vm8, $0x0, v4;
	v13 =	vsel vm1, $0x0, v5  }
0x39: {  	v58 =	vor.u32 $0x7F, v21;
	v23 =	vor.u32 v57, v13  }
0x3a: {  	v12 =	vld [tilespmem:s29+$0x30];
	v16 =	vor.u32 $0x3F, v23  }
0x3b: {  	v13 =	vld [tilespmem:s29+$0x20];
	_ =	sdelay $0x2  }
0x3c: {  	v22 =	vld.idx.msk [tilespmem:v58+s10+$0x0], $0xffff  }
0x3d: {  	v60 =	vshrl.u32 v12, $0x8;
	v24 =	vld.idx.msk [tilespmem:v16+s10+$0x0], $0xffff  }
0x3e: {  	v14 =	vand.u32 $0x7FFFFF, v60;
	v59 =	vshrl.u32 v13, $0x8  }
0x3f: {  	vm10 =	vgt.s32 v20, v14;
	v16 =	vand.u32 $0x7FFFFF, v59  }
0x40: {  	v26 =	vsel vm10, $0x0, v4;
	vm9 =	vgt.s32 v20, v16  }
0x41: {  	v27 =	vor.u32 $0x7F, v26;
	vm11 =	vgt.s32 v22, v18;
	v25 =	vsel vm9, $0x0, v4  }
0x42: {  	v22 =	vsel vm11, $0x0, v5;
	v61 =	vor.u32 $0x7F, v25;
	vm12 =	vgt.s32 v24, v19  }
0x43: {  	v22 =	vor.u32 v21, v22;
	v24 =	vsel vm12, $0x0, v6  }
0x44: {  	v21 =	vor.u32 $0x3F, v22;
	v28 =	vor.u32 v24, v23  }
0x45: {  	v28 =	vor.u32 $0x1F, v28  }
0x46: {  	v27 =	vld.idx.msk [tilespmem:v27+s10+$0x0], $0xffff  }
0x47: {  	v20 =	vld.idx.msk [tilespmem:v61+s10+$0x0], $0xffff;
	_ =	sdelay $0x1  }
0x48: {  	v29 =	vld.idx.msk [tilespmem:v21+s10+$0x0], $0xffff  }
0x49: {  	v28 =	vld.idx.msk [tilespmem:v28+s10+$0x0], $0xffff  }
0x4a: {  	vm14 =	vgt.s32 v27, v14  }
0x4b: {  	v62 =	vsel vm14, $0x0, v5;
	vm13 =	vgt.s32 v20, v16  }
0x4c: {  	v21 =	vor.u32 v26, v62;
	v20 =	vsel vm13, $0x0, v5  }
0x4d: {  	v26 =	vor.u32 $0x3F, v21;
	vm15 =	vgt.s32 v29, v18;
	v20 =	vor.u32 v25, v20  }
0x4e: {  	v63 =	vsel vm15, $0x0, v6;
	v25 =	vor.u32 $0x3F, v20;
	vm4 =	vgt.s32 v28, v19  }
0x4f: {  	v36 =	vor.u32 v63, v22;
	v37 =	vsel vm4, $0x0, v7  }
0x50: {  	v28 =	vor.u32 $0x1F, v36;
	v24 =	vor.u32 v24, v37  }
0x51: {  	v29 =	vor.u32 v23, v24  }
0x52: {  	v26 =	vld.idx.msk [tilespmem:v26+s10+$0x0], $0xffff;
	v30 =	vor.u32 $0xF, v29  }
0x53: {  	v25 =	vld.idx.msk [tilespmem:v25+s10+$0x0], $0xffff;
	_ =	sdelay $0x1  }
0x54: {  	v28 =	vld.idx.msk [tilespmem:v28+s10+$0x0], $0xffff;
	_ =	sdelay $0x1  }
0x55: {  	vm6 =	vgt.s32 v26, v14;
	v38 =	vld.idx.msk [tilespmem:v30+s10+$0x0], $0xffff  }
0x56: {  	v26 =	vsel vm6, $0x0, v6;
	vm5 =	vgt.s32 v25, v16  }
0x57: {  	v32 =	vor.u32 v26, v21;
	v39 =	vsel vm5, $0x0, v6  }
0x58: {  	v40 =	vor.u32 $0x1F, v32;
	v31 =	vor.u32 v39, v20;
	vm7 =	vgt.s32 v28, v18  }
0x59: {  	v31 =	vor.u32 $0x1F, v31;
	v41 =	vsel vm7, $0x0, v7  }
0x5a: {  	v27 =	vor.u32 v63, v41;
	vm8 =	vgt.s32 v38, v19  }
0x5b: {  	v42 =	vor.u32 v22, v27;
	v43 =	vsel vm8, $0x0, v8  }
0x5c: {  	v33 =	vor.u32 $0xF, v42;
	v34 =	vor.u32 v43, v29  }
0x5d: {  	v28 =	vld.idx.msk [tilespmem:v40+s10+$0x0], $0xffff;
	v34 =	vor.u32 $0x7, v34  }
0x5e: {  	v31 =	vld.idx.msk [tilespmem:v31+s10+$0x0], $0xffff;
	_ =	sdelay $0x2  }
0x5f: {  	v33 =	vld.idx.msk [tilespmem:v33+s10+$0x0], $0xffff  }
0x60: {  	v44 =	vld.idx.msk [tilespmem:v34+s10+$0x0], $0xffff  }
0x61: {  	vm10 =	vgt.s32 v28, v14;
	vm9 =	vgt.s32 v31, v16  }
0x62: {  	v47 =	vsel vm10, $0x0, v7;
	v45 =	vsel vm9, $0x0, v7  }
0x63: {  	v26 =	vor.u32 v26, v47;
	v46 =	vor.u32 v39, v45  }
0x64: {  	v35 =	vor.u32 v21, v26;
	v48 =	vor.u32 v20, v46  }
0x65: {  	vm11 =	vgt.s32 v33, v18;
	v49 =	vor.u32 $0xF, v48;
	vm12 =	vgt.s32 v44, v19  }
0x66: {  	v36 =	vor.u32 $0xF, v35;
	v50 =	vsel vm11, $0x0, v8;
	v51 =	vsel vm12, $0x0, v2  }
0x67: {  	v37 =	vor.u32 v50, v42;
	v32 =	vor.u32 v43, v51  }
0x68: {  	v52 =	vor.u32 $0x7, v37;
	v29 =	vor.u32 v32, v29  }
0x69: {  	v29 =	vor.u32 $0x3, v29  }
0x6a: {  	v34 =	vld.idx.msk [tilespmem:v49+s10+$0x0], $0xffff  }
0x6b: {  	v36 =	vld.idx.msk [tilespmem:v36+s10+$0x0], $0xffff;
	_ =	sdelay $0x1  }
0x6c: {  	v33 =	vld.idx.msk [tilespmem:v52+s10+$0x0], $0xffff  }
0x6d: {  	v29 =	vld.idx.msk [tilespmem:v29+s10+$0x0], $0xffff  }
0x6e: {  	vm13 =	vgt.s32 v34, v16  }
0x6f: {  	vm14 =	vgt.s32 v36, v14;
	v34 =	vsel vm13, $0x0, v8  }
0x70: {  	v36 =	vsel vm14, $0x0, v8;
	v53 =	vor.u32 v34, v48  }
0x71: {  	v38 =	vor.u32 v36, v35;
	vm15 =	vgt.s32 v33, v18;
	v37 =	vor.u32 $0x7, v53  }
0x72: {  	v38 =	vor.u32 $0x7, v38;
	v33 =	vsel vm15, $0x0, v2;
	vm4 =	vgt.s32 v29, v19  }
0x73: {  	v54 =	vor.u32 v50, v33;
	v55 =	vsel vm4, $0x0, v9  }
0x74: {  	v25 =	vor.u32 v54, v42;
	v31 =	vor.u32 v55, v23  }
0x75: {  	v25 =	vor.u32 $0x3, v25;
	v24 =	vor.u32 v24, v31  }
0x76: {  	v56 =	vld.idx.msk [tilespmem:v37+s10+$0x0], $0xffff;
	v24 =	vor.u32 v32, v24  }
0x77: {  	v57 =	vld.idx.msk [tilespmem:v38+s10+$0x0], $0xffff;
	v32 =	vand.u32 $0x7C, v24  }
0x78: {  	v32 =	vor.u32 v32, v23  }
0x79: {  	v32 =	vor.u32 $0x1, v32  }
0x7a: {  	v25 =	vld.idx.msk [tilespmem:v25+s10+$0x0], $0xffff  }
0x7b: {  	vm5 =	vgt.s32 v56, v16  }
0x7c: {  	vm6 =	vgt.s32 v57, v14;
	v33 =	vsel vm5, $0x0, v2  }
0x7d: {  	v59 =	vsel vm6, $0x0, v2;
	v58 =	vor.u32 v34, v33  }
0x7e: {  	v33 =	vor.u32 v36, v59;
	v30 =	vor.u32 v58, v48;
	v32 =	vld.idx.msk [tilespmem:v32+s10+$0x0], $0xffff  }
0x7f: {  	v60 =	vor.u32 v33, v35;
	vm7 =	vgt.s32 v25, v18;
	v30 =	vor.u32 $0x3, v30  }
0x80: {  	v34 =	vor.u32 $0x3, v60;
	v25 =	vsel vm7, $0x0, v9  }
0x81: {  	v25 =	vor.u32 v25, v22  }
0x82: {  	v25 =	vor.u32 v27, v25  }
0x83: {  	v25 =	vor.u32 v54, v25;
	vm8 =	vgt.s32 v32, v19  }
0x84: {  	v63 =	vand.u32 $0x7C, v25;
	v61 =	vld.idx.msk [tilespmem:v30+s10+$0x0], $0xffff;
	v32 =	vsel vm8, $0x0, v11  }
0x85: {  	v62 =	vld.idx.msk [tilespmem:v34+s10+$0x0], $0xffff;
	v30 =	vor.u32 v63, v22;
	v24 =	vor.u32 v24, v32  }
0x86: {  	v30 =	vor.u32 $0x1, v30;
	v32 =	vand.u32 $0x7F, v24  }
0x87: {  	v23 =	vor.u32 v23, v32;
	_ =	sdelay $0x1  }
0x88: {  	vm9 =	vgt.s32 v61, v16  }
0x89: {  	vm10 =	vgt.s32 v62, v14;
	v27 =	vsel vm9, $0x0, v9  }
0x8a: {  	v29 =	vsel vm10, $0x0, v9;
	v35 =	vld.idx.msk [tilespmem:v30+s10+$0x0], $0xffff;
	v27 =	vor.u32 v27, v20  }
0x8b: {  	v34 =	vor.u32 v29, v21;
	v27 =	vor.u32 v46, v27;
	v23 =	vld.idx.msk [tilespmem:v23+s10+$0x0], $0xffff  }
0x8c: {  	v26 =	vor.u32 v26, v34;
	v27 =	vor.u32 v58, v27  }
0x8d: {  	v26 =	vor.u32 v33, v26;
	v36 =	vand.u32 $0x7C, v27  }
0x8e: {  	v37 =	vand.u32 $0x7C, v26;
	v28 =	vor.u32 v36, v20  }
0x8f: {  	v30 =	vor.u32 v37, v21;
	vm11 =	vgt.s32 v35, v18;
	v28 =	vor.u32 $0x1, v28  }
0x90: {  	v30 =	vor.u32 $0x1, v30;
	v29 =	vsel vm11, $0x0, v11;
	vm12 =	vle.s32 v23, v19  }
0x91: {  	v38 =	vor.u32 v25, v29;
	v39 =	vsel vm12, $0x1, v0  }
0x92: {  	v29 =	vand.u32 $0x7F, v38;
	v24 =	vor.u32 v39, v24  }
0x93: {  	v22 =	vor.u32 v22, v29;
	v41 =	vmax.u32 v24, $0x1  }
0x94: {  	v40 =	vld.idx.msk [tilespmem:v28+s10+$0x0], $0xffff;
	v28 =	vsub.s32 v41, v10  }
0x95: {  	v42 =	vld.idx.msk [tilespmem:v30+s10+$0x0], $0xffff;
	_ =	sdelay $0x2  }
0x96: {  	v22 =	vld.idx.msk [tilespmem:v22+s10+$0x0], $0xffff  }
0x97: {  	v43 =	vld.idx.msk [tilespmem:v28+s10+$0x0], $0xffff  }
0x98: {  	v48 =	vand.u32 $0x80, v17;
	vm13 =	vgt.s32 v40, v16;
	vm14 =	vgt.s32 v42, v14  }
0x99: {  	v17 =	vand.u32 $0x7F, v17;
	v25 =	vsel vm13, $0x0, v11;
	v44 =	vsel vm14, $0x0, v11  }
0x9a: {  	vm4 =	vne.s32 v24, $0x0;
	v25 =	vor.u32 v27, v25;
	v26 =	vor.u32 v26, v44  }
0x9b: {  	v47 =	vshll.u32 v28, $0x8;
	v45 =	vand.u32 $0x7F, v25;
	v46 =	vand.u32 $0x7F, v26  }
0x9c: {  	vm15 =	vle.s32 v22, v18;
	v20 =	vor.u32 v20, v45;
	vm2 =	veq.s32 v43, v19  }
0x9d: {  	v49 =	vsel vm15, $0x1, v0;
	v19 =	vor.u32 v48, v47;
	vm5 =	vmand vm4, vm2  }
0x9e: {  	v21 =	vor.u32 v21, v46;
	v50 =	vor.u32 v49, v38;
	v19 =	vnsel vm5, $0x0, v19  }
0x9f: {  	v51 =	vmax.u32 v50, $0x1;
	v17 =	vor.u32 v17, v19  }
0xa0: {  	v19 =	vsub.s32 v51, v10;
	_ =	sdelay $0x1  }
0xa1: {  	v20 =	vld.idx.msk [tilespmem:v20+s10+$0x0], $0xffff  }
0xa2: {  	v21 =	vld.idx.msk [tilespmem:v21+s10+$0x0], $0xffff  }
0xa3: {  	[tilespmem:v17+s11+$0x0] =	vst.idx.add.s32.msk vm5, v10  }
0xa4: {  	v17 =	vld.idx.msk [tilespmem:v19+s10+$0x0], $0xffff;
	_ =	sdelay $0x3  }
0xa5: {  	v53 =	vand.u32 $0x80, v15;
	vm7 =	vne.s32 v50, $0x0  }
0xa6: {  	v52 =	vshll.u32 v19, $0x8;
	vm6 =	vle.s32 v20, v16;
	vm8 =	veq.s32 v17, v18  }
0xa7: {  	v54 =	vsel vm6, $0x1, v0;
	v17 =	vor.u32 v53, v52;
	vm9 =	vmand vm7, vm8  }
0xa8: {  	v15 =	vand.u32 $0x7F, v15;
	v55 =	vor.u32 v54, v25;
	v17 =	vnsel vm9, $0x0, v17  }
0xa9: {  	v56 =	vmax.u32 v55, $0x1;
	v15 =	vor.u32 v15, v17  }
0xaa: {  	v17 =	vsub.s32 v56, v10;
	_ =	sdelay $0x3  }
0xab: {  	[tilespmem:v15+s11+$0x0] =	vst.idx.add.s32.msk vm9, v10  }
0xac: {  	v15 =	vld.idx.msk [tilespmem:v17+s10+$0x0], $0xffff;
	_ =	sdelay $0x3  }
0xad: {  	v58 =	vand.u32 $0x80, v13;
	vm10 =	vle.s32 v21, v14  }
0xae: {  	vm11 =	vne.s32 v55, $0x0;
	v57 =	vshll.u32 v17, $0x8;
	vm12 =	veq.s32 v15, v16  }
0xaf: {  	v59 =	vsel vm10, $0x1, v0;
	v15 =	vor.u32 v58, v57;
	vm13 =	vmand vm11, vm12  }
0xb0: {  	v13 =	vand.u32 $0x7F, v13;
	v60 =	vor.u32 v59, v26;
	v15 =	vnsel vm13, $0x0, v15  }
0xb1: {  	v61 =	vmax.u32 v60, $0x1;
	v13 =	vor.u32 v13, v15  }
0xb2: {  	v15 =	vsub.s32 v61, v10;
	_ =	sdelay $0x3  }
0xb3: {  	[tilespmem:v13+s11+$0x0] =	vst.idx.add.s32.msk vm13, v10  }
0xb4: {  	v13 =	vld.idx.msk [tilespmem:v15+s10+$0x0], $0xffff;
	_ =	sdelay $0x3  }
0xb5: {  	v63 =	vand.u32 $0x80, v12  }
0xb6: {  	vm14 =	vne.s32 v60, $0x0;
	v62 =	vshll.u32 v15, $0x8;
	vm15 =	veq.s32 v13, v14  }
0xb7: {  	v13 =	vor.u32 v63, v62;
	vm0 =	vmand vm14, vm15  }
0xb8: {  	v12 =	vand.u32 $0x7F, v12;
	v13 =	vnsel vm0, $0x0, v13  }
0xb9: {  	p0 =	sne.s32 s28, $0x3000;
	v12 =	vor.u32 v12, v13  }
.Ltmp2:
0xba: {  	_ = 	snop;
	(pc) =	sbr.rel @p0 .LBB2_6-.Ltmp2, $2  }
0xbb: {  	_ =	sdelay $0x2  }
0xbc: {  	s28 =	sadd.s32 $0x100, s28;
	[tilespmem:v12+s11+$0x0] =	vst.idx.add.s32.msk vm0, v10  }
0xbd: {  	[spmem:s2] =	stream.indirect.scatter.add.s32 [tilespmem:s11], [sflag:$0x1], $0x80, s13, s12, $0xb8;
	[tilespmem:$0x1EE80] =	vst v63  }
0xbe: {  	_ =	swait.ge [sflag:s9], $0x4000  }
0xbf: {  	[sflag:s9] =	ssyncset.done $0x0  }
0xc0: {  	[sflag:s9] =	ssyncadd.s32 $0xFFFFC000  }
0xc1: {  	[spmem:s2] =	stream.indirect.scatter.add.s32 [tilespmem:s15], [sflag:$0x1], $0x80, s14, s12, $0xb8;
	[tilespmem:$0x1EE80] =	vst v63  }
0xc2: {  	_ =	swait.ge [sflag:s9], $0x4000  }
0xc3: {  	[sflag:s9] =	ssyncset.done $0x0  }
0xc4: {  	[sflag:s9] =	ssyncadd.s32 $0xFFFFC000  }
0xc5: {  	[spmem:s2] =	stream.indirect.scatter.add.s32 [tilespmem:s17], [sflag:$0x1], $0x80, s16, s12, $0xb8;
	[tilespmem:$0x1EE80] =	vst v63  }
0xc6: {  	_ =	swait.ge [sflag:s9], $0x4000  }
0xc7: {  	[sflag:s9] =	ssyncset.done $0x0  }
0xc8: {  	[sflag:s9] =	ssyncadd.s32 $0xFFFFC000  }
0xc9: {  	[spmem:s2] =	stream.indirect.scatter.add.s32 [tilespmem:s19], [sflag:$0x1], $0x80, s18, s12, $0xb8;
	[tilespmem:$0x1EE80] =	vst v63  }
0xca: {  	_ =	swait.ge [sflag:s9], $0x4000  }
0xcb: {  	[sflag:s9] =	ssyncset.done $0x0  }
0xcc: {  	[sflag:s9] =	ssyncadd.s32 $0xFFFFC000  }
0xcd: {  	[spmem:s2] =	stream.indirect.scatter.add.s32 [tilespmem:s21], [sflag:$0x1], $0x80, s20, s12, $0xb8;
	[tilespmem:$0x1EE80] =	vst v63  }
0xce: {  	_ =	swait.ge [sflag:s9], $0x4000  }
0xcf: {  	[sflag:s9] =	ssyncset.done $0x0  }
0xd0: {  	[sflag:s9] =	ssyncadd.s32 $0xFFFFC000  }
0xd1: {  	[spmem:s2] =	stream.indirect.scatter.add.s32 [tilespmem:s23], [sflag:$0x1], $0x80, s22, s12, $0xb8;
	[tilespmem:$0x1EE80] =	vst v63  }
0xd2: {  	_ =	swait.ge [sflag:s9], $0x4000  }
0xd3: {  	[sflag:s9] =	ssyncset.done $0x0  }
0xd4: {  	[sflag:s9] =	ssyncadd.s32 $0xFFFFC000  }
0xd5: {  	[spmem:s2] =	stream.indirect.scatter.add.s32 [tilespmem:s25], [sflag:$0x1], $0x80, s24, s12, $0xb8;
	[tilespmem:$0x1EE80] =	vst v63  }
0xd6: {  	_ =	swait.ge [sflag:s9], $0x4000  }
0xd7: {  	s28 =	sshll.u32 s1, $0x6;
	s26 =	sadd.s32 $0x1, s26;
	[sflag:s9] =	ssyncset.done $0x0  }
0xd8: {  	s29 =	sshrl.u32 s6, $0x3;
	p0 =	sne.s32 s26, s8;
	[sflag:s9] =	ssyncadd.s32 $0xFFFFC000  }
.Ltmp3:
0xd9: {  	s28 =	sor.u32 $0x1C01, s28;
	[bflag:$0x0] =	sbarrier.arrive $0xFFFF;
	(pc) =	sbr.rel @p0 .LBB2_1-.Ltmp3, $4  }
0xda: {  	[hbm:s7], [sflag:s28] =	dma.local [spmem:s29], $0x380  }
0xdb: {  	_ =	swait.ge [sflag:s9], $0x380  }
0xdc: {  	[sflag:s9] =	ssyncset.done $0x0  }
0xdd: {  	[sflag:s9] =	ssyncadd.s32 $0xFFFFFC80  }
0xde: {  	_ =	sfence.sel $0x180000  }
0xdf: {  	[bflag:$0x0] =	sbarrier.arrive $0xFFFF  }
0xe0: {  	p0 =	sne.s32 s1, $0x0;
	_ =	strace $0x9000004D  }
0xe1: {  	s0 =	sadd.s32 @!p0 $0x100000, s0;
	[bflag:$0x2] =	sbarrier.arrive $0xFFFF  }
0xe2: {  	[sflag:s0] =	ssyncadd.tile.s32 @!p0 $0x1;
	_ =	shalt  }
.Lfunc_end2:
_tile_overlayer_lowered:
.L_overlay_start_2:
0xe3: {  	(tag) =	ssettag $0x2  }
0xe4: {  	s0 =	rddreg [dreg:$0x0];
	s2 =	stileid.u32  }
0xe5: {  	s1 =	rddreg [dreg:$0x1];
	p0 =	sne.s32 s2, $0x0  }
0xe6: {  	s3 =	rddreg [dreg:$0x2];
	[bflag:$0x3] =	sbarrier.arrive $0xFFFF;
	s2 =	simm.s32 @!p0 $0x1C01  }
0xe7: {  	[timem:s3], [sflag:s2] =	dma.local @!p0 [hbm:s0], s1  }
0xe8: {  	s0 =	simm.s32 @!p0 $0x1  }
0xe9: {  	_ =	swait.ge @!p0 [sflag:s0], s1  }
0xea: {  	s1 =	ssub.s32 @!p0 $0x0, s1;
	[sflag:s0] =	ssyncset.done @!p0 $0x0  }
0xeb: {  	[sflag:s0] =	ssyncadd.s32 @!p0 s1  }
0xec: {  	[bflag:$0x3] =	sbarrier.arrive $0xFFFF  }
0xed: {  	_ =	shalt  }

// kernel: kernel.16.cloned.1.call-start
scs
__scs_entry_jumppad:
0x0: {  	(pc) =	sbr.rel $0x88, $3  }
0x1: {  	(tag) =	ssettag $0x0;
	lr =	simm.s32 $0x1  }
0x2: {  	[smem:$0x3F9F] =	sst lr;
	_ =	strace $0xD0000000  }
0x3: {  	_ = 	snop  }
0x4: {  	_ = 	snop  }
0x5: {  	_ = 	snop  }
0x6: {  	_ = 	snop  }
0x7: {  	_ = 	snop  }
__scs_overlays_trampoline_lowered:
0x8: {  	[smem:$0x3FAE] =	sst s0  }
0x9: {  	[smem:$0x3FAF] =	sst s1  }
0xa: {  	[smem:$0x3FB0] =	sst s2  }
0xb: {  	[smem:$0x3FB1] =	sst s3  }
0xc: {  	[smem:$0x3FB2] =	sst s4  }
0xd: {  	[smem:$0x3FB3] =	sst s5  }
0xe: {  	[smem:$0x3FB4] =	sst s6  }
0xf: {  	[smem:$0x3FB5] =	sst s7  }
0x10: {  	[smem:$0x3FB6] =	sst s8  }
0x11: {  	[smem:$0x3FB7] =	sst s9;
	s0 =	simm.s32 @!p0 $0x0  }
0x12: {  	s1 =	sld [smem:$0x3F9D];
	s0 =	simm.s32 @p0 $0x1  }
0x13: {  	[smem:$0x3FB8] =	sst s0;
	s0 =	simm.s32 @!p1 $0x0  }
0x14: {  	s2 =	sld [smem:$0x3F9C];
	s0 =	simm.s32 @p1 $0x1  }
0x15: {  	[smem:$0x3FB9] =	sst s0;
	s0 =	simm.s32 @!p2 $0x0  }
0x16: {  	s3 =	sld [smem:$0x3FDB];
	s0 =	simm.s32 @p2 $0x1  }
0x17: {  	s4 =	simm.s32 $0x1BF5;
	[smem:$0x3FBB] =	sst s0  }
0x18: {  	s0 =	sld [smem:$0x3F9E];
	_ =	swait.ge [sflag:s4], $0x0  }
0x19: {  	s7 =	sld [smem:$0x3F9F]  }
0x1a: {  	s8 =	sadd.s32 $0xFFFFE003, lr  }
0x1b: {  	s9 =	sadd.s32 $0xFFFFFEF7, lr;
	s5 =	simm.s32 $0xFFFFFFFF;
	p2 =	slt.u32 s8, $0xFFFFF086  }
0x1c: {  	p1 =	slt.u32 s9, $0xF7A;
	s5 =	simm.s32 @!p2 $0x0  }
0x1d: {  	s5 =	simm.s32 @p1 $0x1;
	p0 =	seq.s32 s7, s2  }
0x1e: {  	s7 =	smul.u32 @!p0 $0xF7A, s2;
	p2 =	seq.s32 @!p0 s5, $0x0  }
0x1f: {  	s9 =	smul.u32 $0xF7A, s1;
	s8 =	simm.s32 @!p0 $0x1BF5;
	p2 =	por !p2, p0  }
0x20: {  	[sflag:s8] =	ssyncset.s32 @!p0 $0xFFFFF086;
	s6 =	sadd.s32 @!p0 s3, s7;
	s7 =	simm.s32 @!p0 $0x108  }
0x21: {  	s3 =	sadd.s32 s3, s9;
	s6 =	sadd.s32 @!p0 $0x88, s6;
	s7 =	simm.s32 @p2 $0x1082  }
0x22: {  	[simem:s7], [sflag:s8] =	dma.local @!p0 [hbm:s6], $0xF7A  }
0x23: {  	s9 =	sor.u32 $0xD0000000, s2;
	s6 =	simm.s32 $0x108;
	_ =	swait.ge @!p0 [sflag:s8], $0x0  }
0x24: {  	s3 =	sadd.s32 $0x88, s3;
	s6 =	simm.s32 @!p1 $0x1082;
	[sflag:s4] =	ssyncset.s32 $0xFFFFF086  }
0x25: {  	[simem:s6], [sflag:s4] =	dma.local [hbm:s3], $0xF7A  }
0x26: {  	[smem:$0x3F9F] =	sst s1;
	(tag) =	ssettag s2;
	_ =	strace s9  }
0x27: {  	s1 =	sld [smem:$0x3FAF]  }
0x28: {  	s2 =	sld [smem:$0x3FB0]  }
0x29: {  	s4 =	sld [smem:$0x3FB2]  }
0x2a: {  	p0 =	seq.s32 s5, $0x0;
	s5 =	sld [smem:$0x3FB3]  }
0x2b: {  	s6 =	sld [smem:$0x3FB4]  }
0x2c: {  	s7 =	sld [smem:$0x3FB5]  }
0x2d: {  	s3 =	simm.s32 $0x108;
	s8 =	sld [smem:$0x3FB6]  }
0x2e: {  	s3 =	simm.s32 @!p0 $0x1082;
	s9 =	sld [smem:$0x3FB7]  }
0x2f: {  	lr =	sadd.s32 s0, s3;
	s0 =	sld [smem:$0x3FAE]  }
0x30: {  	s3 =	sld [smem:$0x3FB1]  }
0x31: {  	[smem:$0x3FBA] =	sst s10  }
0x32: {  	s10 =	sld [smem:$0x3FB8];
	_ =	sdelay $0x3  }
0x33: {  	p0 =	seq.s32 s10, $0x1;
	s10 =	sld [smem:$0x3FBA];
	_ =	sdelay $0x3  }
0x34: {  	[smem:$0x3FBA] =	sst s10  }
0x35: {  	s10 =	sld [smem:$0x3FB9];
	_ =	sdelay $0x3  }
0x36: {  	p1 =	seq.s32 s10, $0x1;
	s10 =	sld [smem:$0x3FBA];
	_ =	sdelay $0x3  }
0x37: {  	[smem:$0x3FBA] =	sst s10  }
0x38: {  	s10 =	sld [smem:$0x3FBB]  }
0x39: {  	_ = 	snop;
	(pc) =	sbr.ind lr, $3  }
0x3a: {  	_ = 	snop  }
0x3b: {  	_ = 	snop  }
0x3c: {  	p2 =	seq.s32 s10, $0x1;
	s10 =	sld [smem:$0x3FBA]  }
0x3d: {  	_ =	shalt  }
0x3e: {  	_ =	shalt  }
0x3f: {  	_ =	shalt  }
0x40: {  	_ =	shalt  }
0x41: {  	_ =	shalt  }
0x42: {  	_ =	shalt  }
0x43: {  	_ =	shalt  }
0x44: {  	_ =	shalt  }
0x45: {  	_ =	shalt  }
0x46: {  	_ =	shalt  }
0x47: {  	_ =	shalt  }
0x48: {  	_ =	shalt  }
0x49: {  	_ =	shalt  }
0x4a: {  	_ =	shalt  }
0x4b: {  	_ =	shalt  }
0x4c: {  	_ =	shalt  }
0x4d: {  	_ =	shalt  }
0x4e: {  	_ =	shalt  }
0x4f: {  	_ =	shalt  }
0x50: {  	_ =	shalt  }
0x51: {  	_ =	shalt  }
0x52: {  	_ =	shalt  }
0x53: {  	_ =	shalt  }
0x54: {  	_ =	shalt  }
0x55: {  	_ =	shalt  }
0x56: {  	_ =	shalt  }
0x57: {  	_ =	shalt  }
0x58: {  	_ =	shalt  }
0x59: {  	_ =	shalt  }
0x5a: {  	_ =	shalt  }
0x5b: {  	_ =	shalt  }
0x5c: {  	_ =	shalt  }
0x5d: {  	_ =	shalt  }
0x5e: {  	_ =	shalt  }
0x5f: {  	_ =	shalt  }
0x60: {  	_ =	shalt  }
0x61: {  	_ =	shalt  }
0x62: {  	_ =	shalt  }
0x63: {  	_ =	shalt  }
0x64: {  	_ =	shalt  }
0x65: {  	_ =	shalt  }
0x66: {  	_ =	shalt  }
0x67: {  	_ =	shalt  }
0x68: {  	_ =	shalt  }
0x69: {  	_ =	shalt  }
0x6a: {  	_ =	shalt  }
0x6b: {  	_ =	shalt  }
0x6c: {  	_ =	shalt  }
0x6d: {  	_ =	shalt  }
0x6e: {  	_ =	shalt  }
0x6f: {  	_ =	shalt  }
0x70: {  	_ =	shalt  }
0x71: {  	_ =	shalt  }
0x72: {  	_ =	shalt  }
0x73: {  	_ =	shalt  }
0x74: {  	_ =	shalt  }
0x75: {  	_ =	shalt  }
0x76: {  	_ =	shalt  }
0x77: {  	_ =	shalt  }
0x78: {  	_ =	shalt  }
0x79: {  	_ =	shalt  }
0x7a: {  	_ =	shalt  }
0x7b: {  	_ =	shalt  }
0x7c: {  	_ =	shalt  }
0x7d: {  	_ =	shalt  }
0x7e: {  	_ =	shalt  }
0x7f: {  	_ =	shalt  }
0x80: {  	_ =	shalt  }
0x81: {  	_ =	shalt  }
0x82: {  	_ =	shalt  }
0x83: {  	_ =	shalt  }
0x84: {  	_ =	shalt  }
0x85: {  	_ =	shalt  }
0x86: {  	_ =	shalt  }
0x87: {  	_ =	shalt  }
.Lfunc_end0:
.L_simem_size_0:
called_computation.3_lowered:
.L_overlay_start_0:
0x88: {  	s2 =	sld [smem:$0x3FD9]  }
0x89: {  	s3 =	sld [smem:$0x3FFE];
	_ =	sdelay $0x1  }
0x8a: {  	s1 =	srdreg.scid  }
0x8b: {  	s0 =	sand.u32 $0x1, s1  }
0x8c: {  	s16 =	sshll.u32 s0, $0xA;
	s2 =	sadd.s32 s3, s2  }
0x8d: {  	s2 =	sadd.s32 s2, s16  }
0x8e: {  	[smem:$0x3FC6] =	sst s2  }
0x8f: {  	_ = 	snop  }
0x90: {  	(tm) =	ssettm $0x1  }
0x91: {  	s17 =	sld [smem:$0x3FFB];
	_ =	sdelay $0x3  }
0x92: {  	_ =	strace s17  }
0x93: {  	s2 =	sld [smem:$0x3FFC];
	_ =	sdelay $0x3  }
0x94: {  	_ =	strace s2  }
0x95: {  	s2 =	sld [smem:$0x3FFD];
	_ =	sdelay $0x3  }
0x96: {  	_ =	strace s2  }
0x97: {  	_ =	strace $0x8FFFFFFF  }
0x98: {  	s18 =	sld [smem:$0x3FDB];
	_ =	sdelay $0x1  }
0x99: {  	s19 =	simm.s32 $_scs_section_size  }
0x9a: {  	s4 =	simm.s32 $_size__tile_overlayer_lowered;
	s5 =	simm.s32 $_tile_overlayer_lowered  }
0x9b: {  	s22 =	simm.s32 $0x1BFF;
	s21 =	sshll.u32 s5, $0x1;
	s2 =	sadd.s32 s19, s18  }
0x9c: {  	s6 =	simm.s32 $0x0;
	s20 =	sshll.u32 s4, $0x1;
	s4 =	sadd.s32 s21, s2  }
0x9d: {  	[timem:s6], [sflag:s22] =	dma.local [hbm:s4], s20  }
0x9e: {  	_ =	swait.ge [sflag:s22], s20  }
0x9f: {  	s3 =	ssub.s32 $0x0, s20;
	[sflag:s22] =	ssyncset.done $0x0  }
0xa0: {  	[sflag:s22] =	ssyncadd.s32 s3;
	_ =	sdelay $0x1  }
0xa1: {  	s23 =	simm.s32 $0x1B8B  }
0xa2: {  	_ =	swait.ge [sflag:s23], $0x1  }
0xa3: {  	[sflag:s23] =	ssyncset.done $0x0  }
0xa4: {  	s25 =	simm.s32 $0x1B8E;
	s24 =	sld [smem:$0x3FFE];
	[sflag:s23] =	ssyncadd.s32 $0xFFFFFFFF  }
0xa5: {  	s26 =	simm.s32 $execute0_lowered;
	[smem:$0x3FD2] =	sst s25  }
0xa6: {  	s4 =	sshll.u32 s26, $0x1;
	_ =	strace $0x8000004F;
	[dreg:$0x1] =	wrdreg $0xFFFFFFFF  }
0xa7: {  	s28 =	simm.s32 $_size_execute0_lowered;
	s2 =	sadd.s32 s2, s4;
	[dreg:$0x0] =	wrdreg $0x0  }
0xa8: {  	s4 =	sshll.u32 s28, $0x1;
	[dreg:$0x2] =	wrdreg s2  }
0xa9: {  	[dreg:$0x3] =	wrdreg s4  }
0xaa: {  	[dreg:$0x4] =	wrdreg $0xC0  }
0xab: {  	_ =	task [dreg:s6], $0x5FFFF  }
0xac: {  	[dreg:$0x1] =	wrdreg $0xFFFFFFFF  }
0xad: {  	[dreg:$0x0] =	wrdreg $0x60  }
0xae: {  	[dreg:$0x2] =	wrdreg s24  }
0xaf: {  	[dreg:$0x3] =	wrdreg $0x9  }
0xb0: {  	_ =	task.clear_ibuf [dreg:s6], $0x4FFFF;
	_ =	strace $0x9000004F  }
0xb1: {  	s29 =	simm.s32 $0x9;
	_ =	strace $0x80000051  }
0xb2: {  	_ =	swait.ge [sflag:s29], $0x1  }
0xb3: {  	[sflag:s29] =	ssyncadd.s32 $0xFFFFFFFF  }
0xb4: {  	_ =	strace $0x90000051  }
0xb5: {  	_ =	sfence  }
0xb6: {  	s30 =	sld [smem:$0x0];
	_ =	sdelay $0x2  }
0xb7: {  	s31 =	sshll.u32 s1, $0xD;
	s1 =	sshrl.u32 s1, $0x2  }
0xb8: {  	s3 =	sand.u32 $0x4000, s31;
	s1 =	sadd.s32 s1, s30  }
0xb9: {  	s0 =	sor.u32 s3, s0;
	s1 =	sshll.u32 s1, $0x11  }
0xba: {  	s0 =	sor.u32 s1, s0  }
0xbb: {  	s0 =	sadd.s32 $0x8F2B, s0  }
0xbc: {  	[sflag:s0] =	ssyncadd.remote.s32 $0x1  }
0xbd: {  	_ =	sfence.sel $0xFFFF  }
0xbe: {  	[dreg:$0x0] =	wrdreg $0xFFFFFFFF;
	(pc) =	sbr.abs _section_cstart, $3  }
0xbf: {  	[dreg:$0x1] =	wrdreg $0xFFFFFFFF  }
0xc0: {  	_ =	task.clear_ibuf [dreg:s6], $0x2FFFF;
	_ =	strace $0x9FFFFFFF  }
0xc1: {  	(tm) =	ssettm $0x7FFFFFFF  }
tec
execute0_lowered:
.L_overlay_start_1:
0x0: {  	(tag) =	ssettag $0x1  }
0x1: {  	s4 =	rddreg [dreg:$0x0];
	s2 =	srdreg.scid  }
0x2: {  	s1 =	stileid.u32;
	s0 =	rddreg [dreg:$0x1];
	s12 =	simm.s32 $0x400  }
0x3: {  	s13 =	simm.s32 $0x0;
	s5 =	sand.u32 $0x1, s2;
	s3 =	sshll.u32 s1, $0x1  }
0x4: {  	s2 =	simm.s32 $0x0;
	s26 =	sshrl.u32 s1, $0x2;
	s9 =	smul.u32 $0x1880, s1  }
0x5: {  	s6 =	sor.u32 s5, s3;
	[smem:$0x7FF] =	sst s2;
	s7 =	smul.u32 $0x5000, s26  }
0x6: {  	s3 =	sadd.s32 $0x3200, s4;
	s29 =	ssub.s32 $0x2, s5;
	s28 =	sshll.u32 s6, $0x7  }
0x7: {  	s11 =	smul.u32 $0xC40, s5;
	_ =	strace $0x80000050;
	s8 =	sand.u32 $0x380, s28  }
0x8: {  	v0 =	vimm.f32 $0.0e+00;
	v1 =	vimm.s32 $0xFF;
	s6 =	smul.u32 $0xC40, s6;
	s10 =	sshrl.u32 s29, $0x1;
	s7 =	sor.u32 s7, s8  }
0x9: {  	v2 =	vimm.s32 $0x100;
	v3 =	vimm.s32 $0x80;
	v4 =	vimm.s32 $0x40;
	s31 =	ssub.s32 s29, s10;
	s10 =	simm.s32 $0xE80;
	s7 =	sshrl.u32 s7, $0x3  }
0xa: {  	v5 =	vimm.s32 $0x20;
	v6 =	vimm.s32 $0x10;
	v7 =	vimm.s32 $0x8;
	s6 =	sshrl.u32 s6, $0x3;
	s8 =	simm.s32 $0x1;
	s30 =	sadd.s32 s7, s4  }
0xb: {  	v8 =	vimm.s32 $0x4;
	v9 =	vimm.s32 $0x1;
	v10 =	vimm.s32 $0x2;
	s4 =	sadd.s32 s4, s6;
	s6 =	smax.u32 s31, $0x1;
	s7 =	sadd.s32 s11, s9  }
0xc: {  	v11 =	vimm.s32 $0x0;
	v12 =	vimm.f32 $1.000000000e+00;
	vm0 =	vmxor vm0, vm0;
	s9 =	simm.s32 $0xC80;
	s11 =	simm.s32 $0x80;
	s5 =	sadd.s32 $0x3400, s30  }
.LBB2_1:
0xd: {  	[tilespmem:s2], [sflag:$0x1] =	stream.linear.gather [hbm4b:s4+s2], $0xC40, $0x38;
	[tilespmem:$0x1880] =	vst v63  }
0xe: {  	_ =	swait.ge [sflag:s8], $0xC40  }
0xf: {  	[sflag:s8] =	ssyncset.done $0x0  }
0x10: {  	[sflag:s8] =	ssyncadd.s32 $0xFFFFF3C0  }
0x11: {  	[tilespmem:s9], [sflag:$0x1] =	stream.linear.gather [hbm4b:s3+s2], $0x200, $0x38;
	[tilespmem:$0x1880] =	vst v63  }
0x12: {  	_ =	swait.ge [sflag:s8], $0x200  }
0x13: {  	[sflag:s8] =	ssyncset.done $0x0  }
0x14: {  	s14 =	simm.s32 $0x0;
	[sflag:s8] =	ssyncadd.s32 $0xFFFFFE00  }
.LBB2_2:
0x15: {  	p0 =	sne.s32 s14, $0x27C0  }
.Ltmp0:
0x16: {  	_ = 	snop;
	(pc) =	sbr.rel @p0 .LBB2_2-.Ltmp0, $3  }
0x17: {  	_ =	sdelay $0x1  }
0x18: {  	s15 =	sshra.s32 s14, $0x2  }
0x19: {  	s14 =	sadd.s32 $0x40, s14;
	[tilespmem:s15+$0xE80] =	vst v0  }
0x1a: {  	s14 =	simm.s32 $0x0;
	s15 =	simm.s32 $0x20  }
.LBB2_4:
0x1b: {  	v20 =	vld [tilespmem:s15+$0xFFFFFFE0]  }
0x1c: {  	v21 =	vld.idx.msk [tilespmem:v1+s9+$0x0], $0xffff;
	_ =	sdelay $0x3  }
0x1d: {  	v19 =	vand.u32 $0x7FFFFFFF, v20  }
0x1e: {  	vm1 =	vgt.s32 v21, v19  }
0x1f: {  	v22 =	vsel vm1, $0x0, v2  }
0x20: {  	v13 =	vor.u32 $0x7F, v22  }
0x21: {  	v18 =	vld [tilespmem:s15+$0xFFFFFFF0]  }
0x22: {  	v16 =	vld [tilespmem:s15+$0x0]  }
0x23: {  	v14 =	vld [tilespmem:s15+$0x10];
	_ =	sdelay $0x1  }
0x24: {  	v23 =	vld.idx.msk [tilespmem:v13+s9+$0x0], $0xffff  }
0x25: {  	v17 =	vand.u32 $0x7FFFFFFF, v18  }
0x26: {  	v15 =	vand.u32 $0x7FFFFFFF, v16;
	vm1 =	vgt.s32 v21, v17  }
0x27: {  	v25 =	vsel vm1, $0x0, v2;
	vm1 =	vgt.s32 v21, v15;
	v13 =	vand.u32 $0x7FFFFFFF, v14  }
0x28: {  	v26 =	vsel vm1, $0x0, v2;
	v49 =	vor.u32 $0x7F, v25;
	vm1 =	vgt.s32 v21, v13  }
0x29: {  	v28 =	vor.u32 $0x7F, v26;
	v27 =	vsel vm1, $0x0, v2;
	vm1 =	vgt.s32 v23, v19  }
0x2a: {  	v24 =	vsel vm1, $0x0, v3  }
0x2b: {  	v50 =	vor.u32 $0x7F, v27;
	v24 =	vor.u32 v22, v24  }
0x2c: {  	v22 =	vor.u32 $0x3F, v24  }
0x2d: {  	v21 =	vld.idx.msk [tilespmem:v49+s9+$0x0], $0xffff  }
0x2e: {  	v28 =	vld.idx.msk [tilespmem:v28+s9+$0x0], $0xffff;
	_ =	sdelay $0x1  }
0x2f: {  	v29 =	vld.idx.msk [tilespmem:v50+s9+$0x0], $0xffff  }
0x30: {  	v30 =	vld.idx.msk [tilespmem:v22+s9+$0x0], $0xffff  }
0x31: {  	vm1 =	vgt.s32 v21, v17  }
0x32: {  	v21 =	vsel vm1, $0x0, v3;
	vm1 =	vgt.s32 v28, v15  }
0x33: {  	v23 =	vor.u32 v25, v21;
	v51 =	vsel vm1, $0x0, v3  }
0x34: {  	v25 =	vor.u32 $0x3F, v23;
	vm1 =	vgt.s32 v29, v13;
	v22 =	vor.u32 v26, v51  }
0x35: {  	v52 =	vsel vm1, $0x0, v3;
	v26 =	vor.u32 $0x3F, v22;
	vm1 =	vgt.s32 v30, v19  }
0x36: {  	v21 =	vor.u32 v27, v52;
	v53 =	vsel vm1, $0x0, v4  }
0x37: {  	v27 =	vor.u32 $0x3F, v21;
	v54 =	vor.u32 v53, v24  }
0x38: {  	v29 =	vor.u32 $0x1F, v54  }
0x39: {  	v25 =	vld.idx.msk [tilespmem:v25+s9+$0x0], $0xffff  }
0x3a: {  	v26 =	vld.idx.msk [tilespmem:v26+s9+$0x0], $0xffff;
	_ =	sdelay $0x1  }
0x3b: {  	v27 =	vld.idx.msk [tilespmem:v27+s9+$0x0], $0xffff  }
0x3c: {  	v29 =	vld.idx.msk [tilespmem:v29+s9+$0x0], $0xffff  }
0x3d: {  	vm1 =	vgt.s32 v25, v17  }
0x3e: {  	v25 =	vsel vm1, $0x0, v4;
	vm1 =	vgt.s32 v26, v15  }
0x3f: {  	v55 =	vor.u32 v25, v23;
	v26 =	vsel vm1, $0x0, v4  }
0x40: {  	vm1 =	vgt.s32 v27, v13;
	v27 =	vor.u32 $0x1F, v55;
	v31 =	vor.u32 v26, v22  }
0x41: {  	v56 =	vsel vm1, $0x0, v4;
	v31 =	vor.u32 $0x1F, v31;
	vm1 =	vgt.s32 v29, v19  }
0x42: {  	v32 =	vor.u32 v56, v21;
	v58 =	vsel vm1, $0x0, v5  }
0x43: {  	v57 =	vor.u32 $0x1F, v32;
	v28 =	vor.u32 v53, v58  }
0x44: {  	v32 =	vor.u32 v24, v28  }
0x45: {  	v27 =	vld.idx.msk [tilespmem:v27+s9+$0x0], $0xffff;
	v33 =	vor.u32 $0xF, v32  }
0x46: {  	v31 =	vld.idx.msk [tilespmem:v31+s9+$0x0], $0xffff;
	_ =	sdelay $0x1  }
0x47: {  	v29 =	vld.idx.msk [tilespmem:v57+s9+$0x0], $0xffff;
	_ =	sdelay $0x1  }
0x48: {  	vm1 =	vgt.s32 v27, v17;
	v59 =	vld.idx.msk [tilespmem:v33+s9+$0x0], $0xffff  }
0x49: {  	v60 =	vsel vm1, $0x0, v5;
	vm1 =	vgt.s32 v31, v15  }
0x4a: {  	v25 =	vor.u32 v25, v60;
	v31 =	vsel vm1, $0x0, v5  }
0x4b: {  	vm1 =	vgt.s32 v29, v13;
	v26 =	vor.u32 v26, v31;
	v61 =	vor.u32 v23, v25  }
0x4c: {  	v29 =	vsel vm1, $0x0, v5;
	v62 =	vor.u32 $0xF, v61;
	v63 =	vor.u32 v22, v26  }
0x4d: {  	v29 =	vor.u32 v56, v29;
	v34 =	vor.u32 $0xF, v63;
	vm1 =	vgt.s32 v59, v19  }
0x4e: {  	v35 =	vor.u32 v21, v29;
	v36 =	vsel vm1, $0x0, v6  }
0x4f: {  	v44 =	vor.u32 $0xF, v35;
	v37 =	vor.u32 v36, v32  }
0x50: {  	v37 =	vor.u32 $0x7, v37  }
0x51: {  	v30 =	vld.idx.msk [tilespmem:v62+s9+$0x0], $0xffff  }
0x52: {  	v34 =	vld.idx.msk [tilespmem:v34+s9+$0x0], $0xffff;
	_ =	sdelay $0x1  }
0x53: {  	v27 =	vld.idx.msk [tilespmem:v44+s9+$0x0], $0xffff  }
0x54: {  	v37 =	vld.idx.msk [tilespmem:v37+s9+$0x0], $0xffff  }
0x55: {  	vm1 =	vgt.s32 v30, v17  }
0x56: {  	v30 =	vsel vm1, $0x0, v6;
	vm1 =	vgt.s32 v34, v15  }
0x57: {  	v34 =	vsel vm1, $0x0, v6;
	v45 =	vor.u32 v30, v61  }
0x58: {  	vm1 =	vgt.s32 v27, v13;
	v27 =	vor.u32 $0x7, v45;
	v39 =	vor.u32 v34, v63  }
0x59: {  	v38 =	vsel vm1, $0x0, v6;
	v39 =	vor.u32 $0x7, v39;
	vm1 =	vgt.s32 v37, v19  }
0x5a: {  	v40 =	vor.u32 v38, v35;
	v47 =	vsel vm1, $0x0, v7  }
0x5b: {  	v46 =	vor.u32 $0x7, v40;
	v36 =	vor.u32 v36, v47  }
0x5c: {  	v32 =	vor.u32 v36, v32  }
0x5d: {  	v27 =	vld.idx.msk [tilespmem:v27+s9+$0x0], $0xffff;
	v32 =	vor.u32 $0x3, v32  }
0x5e: {  	v39 =	vld.idx.msk [tilespmem:v39+s9+$0x0], $0xffff;
	_ =	sdelay $0x1  }
0x5f: {  	v37 =	vld.idx.msk [tilespmem:v46+s9+$0x0], $0xffff;
	_ =	sdelay $0x1  }
0x60: {  	vm1 =	vgt.s32 v27, v17;
	v48 =	vld.idx.msk [tilespmem:v32+s9+$0x0], $0xffff  }
0x61: {  	v49 =	vsel vm1, $0x0, v7;
	vm1 =	vgt.s32 v39, v15  }
0x62: {  	v30 =	vor.u32 v30, v49;
	v50 =	vsel vm1, $0x0, v7  }
0x63: {  	vm1 =	vgt.s32 v37, v13;
	v31 =	vor.u32 v30, v61;
	v32 =	vor.u32 v34, v50  }
0x64: {  	v51 =	vsel vm1, $0x0, v7;
	v31 =	vor.u32 $0x3, v31;
	v33 =	vor.u32 v32, v63  }
0x65: {  	v34 =	vor.u32 v38, v51;
	v33 =	vor.u32 $0x3, v33;
	vm1 =	vgt.s32 v48, v19  }
0x66: {  	v35 =	vor.u32 v34, v35;
	v53 =	vsel vm1, $0x0, v8  }
0x67: {  	v52 =	vor.u32 $0x3, v35;
	v35 =	vor.u32 v53, v24  }
0x68: {  	v28 =	vor.u32 v28, v35  }
0x69: {  	v31 =	vld.idx.msk [tilespmem:v31+s9+$0x0], $0xffff;
	v28 =	vor.u32 v36, v28  }
0x6a: {  	v33 =	vld.idx.msk [tilespmem:v33+s9+$0x0], $0xffff;
	v54 =	vand.u32 $0x7C, v28  }
0x6b: {  	v35 =	vor.u32 v54, v24  }
0x6c: {  	v27 =	vld.idx.msk [tilespmem:v52+s9+$0x0], $0xffff;
	v35 =	vor.u32 $0x1, v35;
	_ =	sdelay $0x1  }
0x6d: {  	vm1 =	vgt.s32 v31, v17  }
0x6e: {  	v31 =	vsel vm1, $0x0, v8;
	vm1 =	vgt.s32 v33, v15  }
0x6f: {  	v31 =	vor.u32 v31, v23;
	v33 =	vsel vm1, $0x0, v8  }
0x70: {  	vm1 =	vgt.s32 v27, v13;
	v25 =	vor.u32 v25, v31;
	v55 =	vor.u32 v33, v22;
	v57 =	vld.idx.msk [tilespmem:v35+s9+$0x0], $0xffff  }
0x71: {  	v56 =	vsel vm1, $0x0, v8;
	v25 =	vor.u32 v30, v25;
	v26 =	vor.u32 v26, v55  }
0x72: {  	v58 =	vor.u32 v56, v21;
	v59 =	vand.u32 $0x7C, v25;
	v26 =	vor.u32 v32, v26  }
0x73: {  	v27 =	vor.u32 v29, v58;
	v29 =	vor.u32 v59, v23;
	v60 =	vand.u32 $0x7C, v26  }
0x74: {  	v27 =	vor.u32 v34, v27;
	v29 =	vor.u32 $0x1, v29;
	v30 =	vor.u32 v60, v22  }
0x75: {  	v61 =	vand.u32 $0x7C, v27;
	v30 =	vor.u32 $0x1, v30;
	vm1 =	vgt.s32 v57, v19  }
0x76: {  	v31 =	vor.u32 v61, v21;
	v62 =	vsel vm1, $0x0, v10  }
0x77: {  	v31 =	vor.u32 $0x1, v31;
	v28 =	vor.u32 v28, v62  }
0x78: {  	v32 =	vand.u32 $0x7F, v28  }
0x79: {  	v29 =	vld.idx.msk [tilespmem:v29+s9+$0x0], $0xffff;
	v24 =	vor.u32 v24, v32  }
0x7a: {  	v30 =	vld.idx.msk [tilespmem:v30+s9+$0x0], $0xffff;
	_ =	sdelay $0x1  }
0x7b: {  	v31 =	vld.idx.msk [tilespmem:v31+s9+$0x0], $0xffff;
	_ =	sdelay $0x1  }
0x7c: {  	vm1 =	vgt.s32 v29, v17;
	v24 =	vld.idx.msk [tilespmem:v24+s9+$0x0], $0xffff  }
0x7d: {  	v29 =	vsel vm1, $0x0, v10;
	vm1 =	vgt.s32 v30, v15  }
0x7e: {  	v25 =	vor.u32 v25, v29;
	v63 =	vsel vm1, $0x0, v10  }
0x7f: {  	vm2 =	vgt.s32 v31, v13;
	v34 =	vand.u32 $0x7F, v25;
	v26 =	vor.u32 v26, v63  }
0x80: {  	v33 =	vsel vm2, $0x0, v10;
	v23 =	vor.u32 v23, v34;
	v35 =	vand.u32 $0x7F, v26  }
0x81: {  	s16 =	sadd.s32 s14, s7;
	v27 =	vor.u32 v27, v33;
	v22 =	vor.u32 v22, v35;
	vm1 =	vle.s32 v24, v19  }
0x82: {  	p0 =	slt.u32 s16, $0x186A0;
	v36 =	vand.u32 $0x7F, v27;
	v37 =	vsel vm1, $0x1, v11;
	vm1 =	vmmov vm0  }
0x83: {  	v21 =	vor.u32 v21, v36;
	v38 =	vor.u32 v37, v28;
	vm1 =	vmneg @p0 vm1  }
0x84: {  	v28 =	vmin.u32 v38, $0x18C  }
0x85: {  	v39 =	vor.u32 $0x200, v28  }
0x86: {  	v23 =	vld.idx.msk [tilespmem:v23+s9+$0x0], $0xffff;
	v40 =	vor.u32 $0x400, v28;
	v41 =	vmax.u32 v28, $0x1  }
0x87: {  	v22 =	vld.idx.msk [tilespmem:v22+s9+$0x0], $0xffff;
	v31 =	vsub.s32 v41, v9  }
0x88: {  	v21 =	vld.idx.msk [tilespmem:v21+s9+$0x0], $0xffff  }
0x89: {  	vm2 =	vlt.s32 v20, $0x0;
	[tilespmem:v28+s10+$0x0] =	vst.idx.add.f32.msk vm1, v12  }
0x8a: {  	v20 =	vsel vm2, $0x3F800000, v0;
	[tilespmem:v39+s10+$0x0] =	vst.idx.add.f32.msk vm1, v19  }
0x8b: {  	[tilespmem:v40+s10+$0x0] =	vst.idx.add.f32.msk vm1, v20  }
0x8c: {  	v28 =	vld.idx.msk [tilespmem:v31+s9+$0x0], $0xffff;
	_ =	sdelay $0x4  }
0x8d: {  	vm2 =	vne.s32 v38, $0x0;
	vm3 =	veq.s32 v28, v19  }
0x8e: {  	vm2 =	vmand vm2, vm3  }
0x8f: {  	s17 =	sadd.s32 $0x10, s16;
	vm3 =	vle.s32 v23, v17;
	vm1 =	vmand vm1, vm2  }
0x90: {  	p0 =	slt.u32 s17, $0x186A0;
	v43 =	vor.u32 $0x600, v31;
	v42 =	vsel vm3, $0x1, v11;
	vm2 =	vmmov vm0  }
0x91: {  	v44 =	vor.u32 $0x800, v31;
	v19 =	vor.u32 v42, v25;
	vm2 =	vmneg @p0 vm2  }
0x92: {  	v25 =	vmin.u32 v19, $0x18C  }
0x93: {  	v45 =	vor.u32 $0x200, v25  }
0x94: {  	v46 =	vor.u32 $0x400, v25;
	v47 =	vmax.u32 v25, $0x1  }
0x95: {  	v48 =	vsub.s32 v47, v9;
	[tilespmem:v43+s10+$0x0] =	vst.idx.add.f32.msk vm1, v12  }
0x96: {  	[tilespmem:v44+s10+$0x0] =	vst.idx.add.f32.msk vm1, v20  }
0x97: {  	vm1 =	vlt.s32 v18, $0x0;
	[tilespmem:v25+s10+$0x0] =	vst.idx.add.f32.msk vm2, v12  }
0x98: {  	v18 =	vsel vm1, $0x3F800000, v0;
	[tilespmem:v45+s10+$0x0] =	vst.idx.add.f32.msk vm2, v17  }
0x99: {  	[tilespmem:v46+s10+$0x0] =	vst.idx.add.f32.msk vm2, v18  }
0x9a: {  	v20 =	vld.idx.msk [tilespmem:v48+s9+$0x0], $0xffff;
	_ =	sdelay $0x4  }
0x9b: {  	vm1 =	vne.s32 v19, $0x0;
	vm3 =	veq.s32 v20, v17  }
0x9c: {  	vm1 =	vmand vm1, vm3  }
0x9d: {  	s31 =	sadd.s32 $0x20, s16;
	vm3 =	vle.s32 v22, v15;
	vm1 =	vmand vm2, vm1  }
0x9e: {  	p0 =	slt.u32 s31, $0x186A0;
	v50 =	vor.u32 $0x600, v48;
	v49 =	vsel vm3, $0x1, v11;
	vm2 =	vmmov vm0  }
0x9f: {  	v51 =	vor.u32 $0x800, v48;
	v17 =	vor.u32 v49, v26;
	vm2 =	vmneg @p0 vm2  }
0xa0: {  	v52 =	vmin.u32 v17, $0x18C  }
0xa1: {  	v53 =	vor.u32 $0x200, v52  }
0xa2: {  	v54 =	vor.u32 $0x400, v52;
	v55 =	vmax.u32 v52, $0x1  }
0xa3: {  	v56 =	vsub.s32 v55, v9;
	[tilespmem:v50+s10+$0x0] =	vst.idx.add.f32.msk vm1, v12  }
0xa4: {  	[tilespmem:v51+s10+$0x0] =	vst.idx.add.f32.msk vm1, v18  }
0xa5: {  	vm1 =	vlt.s32 v16, $0x0;
	[tilespmem:v52+s10+$0x0] =	vst.idx.add.f32.msk vm2, v12  }
0xa6: {  	v16 =	vsel vm1, $0x3F800000, v0;
	[tilespmem:v53+s10+$0x0] =	vst.idx.add.f32.msk vm2, v15  }
0xa7: {  	[tilespmem:v54+s10+$0x0] =	vst.idx.add.f32.msk vm2, v16  }
0xa8: {  	v18 =	vld.idx.msk [tilespmem:v56+s9+$0x0], $0xffff;
	_ =	sdelay $0x4  }
0xa9: {  	vm1 =	vne.s32 v17, $0x0;
	vm3 =	veq.s32 v18, v15  }
0xaa: {  	vm1 =	vmand vm1, vm3  }
0xab: {  	s16 =	sadd.s32 $0x30, s16;
	vm3 =	vle.s32 v21, v13;
	vm1 =	vmand vm2, vm1  }
0xac: {  	p0 =	slt.u32 s16, $0x186A0;
	v57 =	vor.u32 $0x600, v56;
	v15 =	vsel vm3, $0x1, v11;
	vm2 =	vmmov vm0  }
0xad: {  	v58 =	vor.u32 $0x800, v56;
	v15 =	vor.u32 v15, v27;
	vm2 =	vmneg @p0 vm2  }
0xae: {  	v59 =	vmin.u32 v15, $0x18C  }
0xaf: {  	v60 =	vor.u32 $0x200, v59  }
0xb0: {  	v61 =	vor.u32 $0x400, v59;
	v62 =	vmax.u32 v59, $0x1  }
0xb1: {  	v63 =	vsub.s32 v62, v9;
	[tilespmem:v57+s10+$0x0] =	vst.idx.add.f32.msk vm1, v12  }
0xb2: {  	[tilespmem:v58+s10+$0x0] =	vst.idx.add.f32.msk vm1, v16  }
0xb3: {  	vm1 =	vlt.s32 v14, $0x0;
	[tilespmem:v59+s10+$0x0] =	vst.idx.add.f32.msk vm2, v12  }
0xb4: {  	v14 =	vsel vm1, $0x3F800000, v0;
	[tilespmem:v60+s10+$0x0] =	vst.idx.add.f32.msk vm2, v13  }
0xb5: {  	[tilespmem:v61+s10+$0x0] =	vst.idx.add.f32.msk vm2, v14  }
0xb6: {  	v16 =	vld.idx.msk [tilespmem:v63+s9+$0x0], $0xffff;
	_ =	sdelay $0x4  }
0xb7: {  	vm1 =	vne.s32 v15, $0x0;
	vm3 =	veq.s32 v16, v13  }
0xb8: {  	vm1 =	vmand vm1, vm3  }
0xb9: {  	vm1 =	vmand vm2, vm1  }
0xba: {  	v13 =	vor.u32 $0x600, v63  }
0xbb: {  	p0 =	sne.s32 s14, $0xC00;
	v15 =	vor.u32 $0x800, v63  }
.Ltmp1:
0xbc: {  	_ = 	snop;
	(pc) =	sbr.rel @p0 .LBB2_4-.Ltmp1, $3  }
0xbd: {  	_ =	sdelay $0x1  }
0xbe: {  	[tilespmem:v13+s10+$0x0] =	vst.idx.add.f32.msk vm1, v12  }
0xbf: {  	s15 =	sadd.s32 $0x40, s15;
	s14 =	sadd.s32 $0x40, s14;
	[tilespmem:v15+s10+$0x0] =	vst.idx.add.f32.msk vm1, v14  }
0xc0: {  	s13 =	sadd.s32 $0x1, s13  }
0xc1: {  	p0 =	sne.s32 s13, s6  }
.Ltmp2:
0xc2: {  	_ = 	snop;
	(pc) =	sbr.rel @p0 .LBB2_1-.Ltmp2, $4  }
0xc3: {  	[hbm4b:s5+s11] =	stream.strided.scatter [tilespmem:s10], [sflag:$0x1], $0xA00, s12, s11, $0x38;
	[tilespmem:$0x1880] =	vst v63  }
0xc4: {  	_ =	swait.ge [sflag:s8], $0xA00  }
0xc5: {  	[sflag:s8] =	ssyncset.done $0x0  }
0xc6: {  	[sflag:s8] =	ssyncadd.s32 $0xFFFFF600  }
0xc7: {  	_ =	sfence.sel $0x180000  }
0xc8: {  	[bflag:$0x0] =	sbarrier.arrive $0xFFFF  }
0xc9: {  	p0 =	sne.s32 s1, $0x0;
	_ =	strace $0x90000050  }
0xca: {  	s0 =	sadd.s32 @!p0 $0x100000, s0;
	[bflag:$0x2] =	sbarrier.arrive $0xFFFF  }
0xcb: {  	[sflag:s0] =	ssyncadd.tile.s32 @!p0 $0x1;
	_ =	shalt  }
.Lfunc_end2:
_tile_overlayer_lowered:
.L_overlay_start_2:
0xcc: {  	(tag) =	ssettag $0x2  }
0xcd: {  	s0 =	rddreg [dreg:$0x0];
	s2 =	stileid.u32  }
0xce: {  	s1 =	rddreg [dreg:$0x1];
	p0 =	sne.s32 s2, $0x0  }
0xcf: {  	s3 =	rddreg [dreg:$0x2];
	[bflag:$0x3] =	sbarrier.arrive $0xFFFF;
	s2 =	simm.s32 @!p0 $0x1C01  }
0xd0: {  	[timem:s3], [sflag:s2] =	dma.local @!p0 [hbm:s0], s1  }
0xd1: {  	s0 =	simm.s32 @!p0 $0x1  }
0xd2: {  	_ =	swait.ge @!p0 [sflag:s0], s1  }
0xd3: {  	s1 =	ssub.s32 @!p0 $0x0, s1;
	[sflag:s0] =	ssyncset.done @!p0 $0x0  }
0xd4: {  	[sflag:s0] =	ssyncadd.s32 @!p0 s1  }
0xd5: {  	[bflag:$0x3] =	sbarrier.arrive $0xFFFF  }
0xd6: {  	_ =	shalt  }

// kernel: kernel.7.cloned.1.call-start
scs
__scs_entry_jumppad:
0x0: {  	(pc) =	sbr.rel $0x88, $3  }
0x1: {  	(tag) =	ssettag $0x0;
	lr =	simm.s32 $0x1  }
0x2: {  	[smem:$0x3F9F] =	sst lr;
	_ =	strace $0xD0000000  }
0x3: {  	_ = 	snop  }
0x4: {  	_ = 	snop  }
0x5: {  	_ = 	snop  }
0x6: {  	_ = 	snop  }
0x7: {  	_ = 	snop  }
__scs_overlays_trampoline_lowered:
0x8: {  	[smem:$0x3FAE] =	sst s0  }
0x9: {  	[smem:$0x3FAF] =	sst s1  }
0xa: {  	[smem:$0x3FB0] =	sst s2  }
0xb: {  	[smem:$0x3FB1] =	sst s3  }
0xc: {  	[smem:$0x3FB2] =	sst s4  }
0xd: {  	[smem:$0x3FB3] =	sst s5  }
0xe: {  	[smem:$0x3FB4] =	sst s6  }
0xf: {  	[smem:$0x3FB5] =	sst s7  }
0x10: {  	[smem:$0x3FB6] =	sst s8  }
0x11: {  	[smem:$0x3FB7] =	sst s9;
	s0 =	simm.s32 @!p0 $0x0  }
0x12: {  	s1 =	sld [smem:$0x3F9D];
	s0 =	simm.s32 @p0 $0x1  }
0x13: {  	[smem:$0x3FB8] =	sst s0;
	s0 =	simm.s32 @!p1 $0x0  }
0x14: {  	s2 =	sld [smem:$0x3F9C];
	s0 =	simm.s32 @p1 $0x1  }
0x15: {  	[smem:$0x3FB9] =	sst s0;
	s0 =	simm.s32 @!p2 $0x0  }
0x16: {  	s3 =	sld [smem:$0x3FDB];
	s0 =	simm.s32 @p2 $0x1  }
0x17: {  	s4 =	simm.s32 $0x1BF5;
	[smem:$0x3FBB] =	sst s0  }
0x18: {  	s0 =	sld [smem:$0x3F9E];
	_ =	swait.ge [sflag:s4], $0x0  }
0x19: {  	s7 =	sld [smem:$0x3F9F]  }
0x1a: {  	s8 =	sadd.s32 $0xFFFFE003, lr  }
0x1b: {  	s9 =	sadd.s32 $0xFFFFFEF7, lr;
	s5 =	simm.s32 $0xFFFFFFFF;
	p2 =	slt.u32 s8, $0xFFFFF086  }
0x1c: {  	p1 =	slt.u32 s9, $0xF7A;
	s5 =	simm.s32 @!p2 $0x0  }
0x1d: {  	s5 =	simm.s32 @p1 $0x1;
	p0 =	seq.s32 s7, s2  }
0x1e: {  	s7 =	smul.u32 @!p0 $0xF7A, s2;
	p2 =	seq.s32 @!p0 s5, $0x0  }
0x1f: {  	s9 =	smul.u32 $0xF7A, s1;
	s8 =	simm.s32 @!p0 $0x1BF5;
	p2 =	por !p2, p0  }
0x20: {  	[sflag:s8] =	ssyncset.s32 @!p0 $0xFFFFF086;
	s6 =	sadd.s32 @!p0 s3, s7;
	s7 =	simm.s32 @!p0 $0x108  }
0x21: {  	s3 =	sadd.s32 s3, s9;
	s6 =	sadd.s32 @!p0 $0x88, s6;
	s7 =	simm.s32 @p2 $0x1082  }
0x22: {  	[simem:s7], [sflag:s8] =	dma.local @!p0 [hbm:s6], $0xF7A  }
0x23: {  	s9 =	sor.u32 $0xD0000000, s2;
	s6 =	simm.s32 $0x108;
	_ =	swait.ge @!p0 [sflag:s8], $0x0  }
0x24: {  	s3 =	sadd.s32 $0x88, s3;
	s6 =	simm.s32 @!p1 $0x1082;
	[sflag:s4] =	ssyncset.s32 $0xFFFFF086  }
0x25: {  	[simem:s6], [sflag:s4] =	dma.local [hbm:s3], $0xF7A  }
0x26: {  	[smem:$0x3F9F] =	sst s1;
	(tag) =	ssettag s2;
	_ =	strace s9  }
0x27: {  	s1 =	sld [smem:$0x3FAF]  }
0x28: {  	s2 =	sld [smem:$0x3FB0]  }
0x29: {  	s4 =	sld [smem:$0x3FB2]  }
0x2a: {  	p0 =	seq.s32 s5, $0x0;
	s5 =	sld [smem:$0x3FB3]  }
0x2b: {  	s6 =	sld [smem:$0x3FB4]  }
0x2c: {  	s7 =	sld [smem:$0x3FB5]  }
0x2d: {  	s3 =	simm.s32 $0x108;
	s8 =	sld [smem:$0x3FB6]  }
0x2e: {  	s3 =	simm.s32 @!p0 $0x1082;
	s9 =	sld [smem:$0x3FB7]  }
0x2f: {  	lr =	sadd.s32 s0, s3;
	s0 =	sld [smem:$0x3FAE]  }
0x30: {  	s3 =	sld [smem:$0x3FB1]  }
0x31: {  	[smem:$0x3FBA] =	sst s10  }
0x32: {  	s10 =	sld [smem:$0x3FB8];
	_ =	sdelay $0x3  }
0x33: {  	p0 =	seq.s32 s10, $0x1;
	s10 =	sld [smem:$0x3FBA];
	_ =	sdelay $0x3  }
0x34: {  	[smem:$0x3FBA] =	sst s10  }
0x35: {  	s10 =	sld [smem:$0x3FB9];
	_ =	sdelay $0x3  }
0x36: {  	p1 =	seq.s32 s10, $0x1;
	s10 =	sld [smem:$0x3FBA];
	_ =	sdelay $0x3  }
0x37: {  	[smem:$0x3FBA] =	sst s10  }
0x38: {  	s10 =	sld [smem:$0x3FBB]  }
0x39: {  	_ = 	snop;
	(pc) =	sbr.ind lr, $3  }
0x3a: {  	_ = 	snop  }
0x3b: {  	_ = 	snop  }
0x3c: {  	p2 =	seq.s32 s10, $0x1;
	s10 =	sld [smem:$0x3FBA]  }
0x3d: {  	_ =	shalt  }
0x3e: {  	_ =	shalt  }
0x3f: {  	_ =	shalt  }
0x40: {  	_ =	shalt  }
0x41: {  	_ =	shalt  }
0x42: {  	_ =	shalt  }
0x43: {  	_ =	shalt  }
0x44: {  	_ =	shalt  }
0x45: {  	_ =	shalt  }
0x46: {  	_ =	shalt  }
0x47: {  	_ =	shalt  }
0x48: {  	_ =	shalt  }
0x49: {  	_ =	shalt  }
0x4a: {  	_ =	shalt  }
0x4b: {  	_ =	shalt  }
0x4c: {  	_ =	shalt  }
0x4d: {  	_ =	shalt  }
0x4e: {  	_ =	shalt  }
0x4f: {  	_ =	shalt  }
0x50: {  	_ =	shalt  }
0x51: {  	_ =	shalt  }
0x52: {  	_ =	shalt  }
0x53: {  	_ =	shalt  }
0x54: {  	_ =	shalt  }
0x55: {  	_ =	shalt  }
0x56: {  	_ =	shalt  }
0x57: {  	_ =	shalt  }
0x58: {  	_ =	shalt  }
0x59: {  	_ =	shalt  }
0x5a: {  	_ =	shalt  }
0x5b: {  	_ =	shalt  }
0x5c: {  	_ =	shalt  }
0x5d: {  	_ =	shalt  }
0x5e: {  	_ =	shalt  }
0x5f: {  	_ =	shalt  }
0x60: {  	_ =	shalt  }
0x61: {  	_ =	shalt  }
0x62: {  	_ =	shalt  }
0x63: {  	_ =	shalt  }
0x64: {  	_ =	shalt  }
0x65: {  	_ =	shalt  }
0x66: {  	_ =	shalt  }
0x67: {  	_ =	shalt  }
0x68: {  	_ =	shalt  }
0x69: {  	_ =	shalt  }
0x6a: {  	_ =	shalt  }
0x6b: {  	_ =	shalt  }
0x6c: {  	_ =	shalt  }
0x6d: {  	_ =	shalt  }
0x6e: {  	_ =	shalt  }
0x6f: {  	_ =	shalt  }
0x70: {  	_ =	shalt  }
0x71: {  	_ =	shalt  }
0x72: {  	_ =	shalt  }
0x73: {  	_ =	shalt  }
0x74: {  	_ =	shalt  }
0x75: {  	_ =	shalt  }
0x76: {  	_ =	shalt  }
0x77: {  	_ =	shalt  }
0x78: {  	_ =	shalt  }
0x79: {  	_ =	shalt  }
0x7a: {  	_ =	shalt  }
0x7b: {  	_ =	shalt  }
0x7c: {  	_ =	shalt  }
0x7d: {  	_ =	shalt  }
0x7e: {  	_ =	shalt  }
0x7f: {  	_ =	shalt  }
0x80: {  	_ =	shalt  }
0x81: {  	_ =	shalt  }
0x82: {  	_ =	shalt  }
0x83: {  	_ =	shalt  }
0x84: {  	_ =	shalt  }
0x85: {  	_ =	shalt  }
0x86: {  	_ =	shalt  }
0x87: {  	_ =	shalt  }
.Lfunc_end0:
.L_simem_size_0:
called_computation_lowered:
.L_overlay_start_0:
0x88: {  	s2 =	sld [smem:$0x3FD9]  }
0x89: {  	s3 =	sld [smem:$0x3FFE];
	_ =	sdelay $0x1  }
0x8a: {  	s1 =	srdreg.scid  }
0x8b: {  	s0 =	sand.u32 $0x1, s1  }
0x8c: {  	s16 =	sshll.u32 s0, $0xA;
	s2 =	sadd.s32 s3, s2  }
0x8d: {  	s2 =	sadd.s32 s2, s16  }
0x8e: {  	[smem:$0x3FC6] =	sst s2  }
0x8f: {  	_ = 	snop  }
0x90: {  	(tm) =	ssettm $0x1  }
0x91: {  	s17 =	sld [smem:$0x3FFB];
	_ =	sdelay $0x3  }
0x92: {  	_ =	strace s17  }
0x93: {  	s2 =	sld [smem:$0x3FFC];
	_ =	sdelay $0x3  }
0x94: {  	_ =	strace s2  }
0x95: {  	s2 =	sld [smem:$0x3FFD];
	_ =	sdelay $0x3  }
0x96: {  	_ =	strace s2  }
0x97: {  	_ =	strace $0x8FFFFFFF  }
0x98: {  	s18 =	sld [smem:$0x3FDB];
	_ =	sdelay $0x1  }
0x99: {  	s19 =	simm.s32 $_scs_section_size  }
0x9a: {  	s4 =	simm.s32 $_size__tile_overlayer_lowered;
	s5 =	simm.s32 $_tile_overlayer_lowered  }
0x9b: {  	s22 =	simm.s32 $0x1BFF;
	s21 =	sshll.u32 s5, $0x1;
	s2 =	sadd.s32 s19, s18  }
0x9c: {  	s6 =	simm.s32 $0x0;
	s20 =	sshll.u32 s4, $0x1;
	s4 =	sadd.s32 s21, s2  }
0x9d: {  	[timem:s6], [sflag:s22] =	dma.local [hbm:s4], s20  }
0x9e: {  	_ =	swait.ge [sflag:s22], s20  }
0x9f: {  	s3 =	ssub.s32 $0x0, s20;
	[sflag:s22] =	ssyncset.done $0x0  }
0xa0: {  	[sflag:s22] =	ssyncadd.s32 s3;
	_ =	sdelay $0x1  }
0xa1: {  	s23 =	simm.s32 $0x1B8B  }
0xa2: {  	_ =	swait.ge [sflag:s23], $0x1  }
0xa3: {  	[sflag:s23] =	ssyncset.done $0x0  }
0xa4: {  	s25 =	simm.s32 $0x1B8E;
	s24 =	sld [smem:$0x3FFE];
	[sflag:s23] =	ssyncadd.s32 $0xFFFFFFFF  }
0xa5: {  	s26 =	simm.s32 $execute0_lowered;
	[smem:$0x3FD2] =	sst s25  }
0xa6: {  	s4 =	sshll.u32 s26, $0x1;
	_ =	strace $0x80000046;
	[dreg:$0x1] =	wrdreg $0xFFFFFFFF  }
0xa7: {  	s28 =	simm.s32 $_size_execute0_lowered;
	s2 =	sadd.s32 s2, s4;
	[dreg:$0x0] =	wrdreg $0x0  }
0xa8: {  	s4 =	sshll.u32 s28, $0x1;
	[dreg:$0x2] =	wrdreg s2  }
0xa9: {  	[dreg:$0x3] =	wrdreg s4  }
0xaa: {  	[dreg:$0x4] =	wrdreg $0xC0  }
0xab: {  	_ =	task [dreg:s6], $0x5FFFF  }
0xac: {  	[dreg:$0x1] =	wrdreg $0xFFFFFFFF  }
0xad: {  	[dreg:$0x0] =	wrdreg $0x60  }
0xae: {  	[dreg:$0x2] =	wrdreg s24  }
0xaf: {  	[dreg:$0x3] =	wrdreg $0x9  }
0xb0: {  	_ =	task.clear_ibuf [dreg:s6], $0x4FFFF;
	_ =	strace $0x90000046  }
0xb1: {  	s29 =	simm.s32 $0x9;
	_ =	strace $0x80000048  }
0xb2: {  	_ =	swait.ge [sflag:s29], $0x1  }
0xb3: {  	[sflag:s29] =	ssyncadd.s32 $0xFFFFFFFF  }
0xb4: {  	_ =	strace $0x90000048  }
0xb5: {  	_ =	sfence  }
0xb6: {  	s30 =	sld [smem:$0x0];
	_ =	sdelay $0x2  }
0xb7: {  	s31 =	sshll.u32 s1, $0xD;
	s1 =	sshrl.u32 s1, $0x2  }
0xb8: {  	s3 =	sand.u32 $0x4000, s31;
	s1 =	sadd.s32 s1, s30  }
0xb9: {  	s0 =	sor.u32 s3, s0;
	s1 =	sshll.u32 s1, $0x11  }
0xba: {  	s0 =	sor.u32 s1, s0  }
0xbb: {  	s0 =	sadd.s32 $0x8F2B, s0  }
0xbc: {  	[sflag:s0] =	ssyncadd.remote.s32 $0x1  }
0xbd: {  	_ =	sfence.sel $0xFFFF  }
0xbe: {  	[dreg:$0x0] =	wrdreg $0xFFFFFFFF;
	(pc) =	sbr.abs _section_cstart, $3  }
0xbf: {  	[dreg:$0x1] =	wrdreg $0xFFFFFFFF  }
0xc0: {  	_ =	task.clear_ibuf [dreg:s6], $0x2FFFF;
	_ =	strace $0x9FFFFFFF  }
0xc1: {  	(tm) =	ssettm $0x7FFFFFFF  }
tec
execute0_lowered:
.L_overlay_start_1:
0x0: {  	(tag) =	ssettag $0x1  }
0x1: {  	s3 =	rddreg [dreg:$0x0]  }
0x2: {  	s0 =	rddreg [dreg:$0x1]  }
0x3: {  	s1 =	stileid.u32;
	s2 =	srdreg.scid  }
0x4: {  	s9 =	simm.s32 $0x400;
	s10 =	simm.s32 $0x0;
	s4 =	sshll.u32 s1, $0x8  }
0x5: {  	s5 =	sand.u32 $0x1, s2;
	s6 =	sshll.u32 s1, $0x1;
	s2 =	simm.s32 $0x0  }
0x6: {  	s4 =	sand.u32 $0xC00, s4;
	s6 =	sor.u32 s5, s6;
	[smem:$0x7FF] =	sst s2  }
0x7: {  	s5 =	ssub.s32 $0x2, s5;
	s4 =	sadd.s32 s4, s3;
	s7 =	sshll.u32 s6, $0x4  }
0x8: {  	s6 =	smul.u32 $0x188, s6;
	_ =	strace $0x80000047;
	s8 =	sshrl.u32 s5, $0x1  }
0x9: {  	s7 =	sand.u32 $0x70, s7;
	s5 =	ssub.s32 s5, s8;
	s8 =	simm.s32 $0x80  }
0xa: {  	s4 =	sadd.s32 s7, s4;
	s3 =	sadd.s32 s3, s6;
	s5 =	smax.u32 s5, $0x1  }
0xb: {  	v0 =	vimm.s32 $0x0;
	v1 =	vimm.s32 $0x1;
	s6 =	simm.s32 $0x1;
	s7 =	simm.s32 $0xC80;
	s4 =	sadd.s32 $0x3200, s4  }
.LBB2_1:
0xc: {  	[tilespmem:s2], [sflag:$0x1] =	stream.linear.gather [hbm4b:s3+s2], $0xC40, $0x38;
	[tilespmem:$0x1080] =	vst v63  }
0xd: {  	_ =	swait.ge [sflag:s6], $0xC40  }
0xe: {  	[sflag:s6] =	ssyncset.done $0x0  }
0xf: {  	s11 =	simm.s32 $0x0;
	[sflag:s6] =	ssyncadd.s32 $0xFFFFF3C0  }
.LBB2_2:
0x10: {  	p0 =	sne.s32 s11, $0xFC0  }
.Ltmp0:
0x11: {  	_ = 	snop;
	(pc) =	sbr.rel @p0 .LBB2_2-.Ltmp0, $3  }
0x12: {  	_ =	sdelay $0x1  }
0x13: {  	s12 =	sshra.s32 s11, $0x2  }
0x14: {  	s11 =	sadd.s32 $0x40, s11;
	[tilespmem:s12+$0xC80] =	vst v0  }
0x15: {  	s11 =	simm.s32 $0x0  }
.LBB2_4:
0x16: {  	s12 =	sshra.s32 s11, $0x2  }
0x17: {  	v2 =	vld [tilespmem:s12+$0x0];
	_ =	sdelay $0x4  }
0x18: {  	v2 =	vshrl.u32 v2, $0x10  }
0x19: {  	v2 =	vand.u32 $0x7FFF, v2  }
0x1a: {  	v2 =	vmax.u32 v2, $0x3BF0  }
0x1b: {  	v2 =	vmin.u32 v2, $0x3FEF  }
0x1c: {  	v2 =	vadd.s32 $0xFFFFC410, v2;
	_ =	sdelay $0x4  }
0x1d: {  	[tilespmem:v2+s7+$0x0] =	vst.idx.add.s32.msk $0xffff, v1  }
0x1e: {  	v2 =	vld [tilespmem:s12+$0x10];
	_ =	sdelay $0x4  }
0x1f: {  	v2 =	vshrl.u32 v2, $0x10  }
0x20: {  	v2 =	vand.u32 $0x7FFF, v2  }
0x21: {  	v2 =	vmax.u32 v2, $0x3BF0  }
0x22: {  	v2 =	vmin.u32 v2, $0x3FEF  }
0x23: {  	v2 =	vadd.s32 $0xFFFFC410, v2;
	_ =	sdelay $0x4  }
0x24: {  	[tilespmem:v2+s7+$0x0] =	vst.idx.add.s32.msk $0xffff, v1  }
0x25: {  	v2 =	vld [tilespmem:s12+$0x20];
	_ =	sdelay $0x4  }
0x26: {  	v2 =	vshrl.u32 v2, $0x10  }
0x27: {  	v2 =	vand.u32 $0x7FFF, v2  }
0x28: {  	v2 =	vmax.u32 v2, $0x3BF0  }
0x29: {  	v2 =	vmin.u32 v2, $0x3FEF  }
0x2a: {  	v2 =	vadd.s32 $0xFFFFC410, v2;
	_ =	sdelay $0x4  }
0x2b: {  	[tilespmem:v2+s7+$0x0] =	vst.idx.add.s32.msk $0xffff, v1  }
0x2c: {  	v2 =	vld [tilespmem:s12+$0x30];
	_ =	sdelay $0x4  }
0x2d: {  	v2 =	vshrl.u32 v2, $0x10  }
0x2e: {  	v2 =	vand.u32 $0x7FFF, v2  }
0x2f: {  	v2 =	vmax.u32 v2, $0x3BF0  }
0x30: {  	v2 =	vmin.u32 v2, $0x3FEF  }
0x31: {  	p0 =	sne.s32 s11, $0x3000;
	v2 =	vadd.s32 $0xFFFFC410, v2  }
.Ltmp1:
0x32: {  	_ = 	snop;
	(pc) =	sbr.rel @p0 .LBB2_4-.Ltmp1, $2  }
0x33: {  	_ =	sdelay $0x2  }
0x34: {  	s11 =	sadd.s32 $0x100, s11;
	[tilespmem:v2+s7+$0x0] =	vst.idx.add.s32.msk $0xffff, v1  }
0x35: {  	s10 =	sadd.s32 $0x1, s10  }
0x36: {  	p0 =	sne.s32 s10, s5  }
.Ltmp2:
0x37: {  	_ = 	snop;
	(pc) =	sbr.rel @p0 .LBB2_1-.Ltmp2, $4  }
0x38: {  	[hbm4b:s4+s8] =	stream.strided.scatter [tilespmem:s7], [sflag:$0x1], $0x400, s9, s8, $0x38;
	[tilespmem:$0x1080] =	vst v63  }
0x39: {  	_ =	swait.ge [sflag:s6], $0x400  }
0x3a: {  	[sflag:s6] =	ssyncset.done $0x0  }
0x3b: {  	[sflag:s6] =	ssyncadd.s32 $0xFFFFFC00  }
0x3c: {  	_ =	sfence.sel $0x180000  }
0x3d: {  	[bflag:$0x0] =	sbarrier.arrive $0xFFFF  }
0x3e: {  	p0 =	sne.s32 s1, $0x0;
	_ =	strace $0x90000047  }
0x3f: {  	s0 =	sadd.s32 @!p0 $0x100000, s0;
	[bflag:$0x2] =	sbarrier.arrive $0xFFFF  }
0x40: {  	[sflag:s0] =	ssyncadd.tile.s32 @!p0 $0x1;
	_ =	shalt  }
.Lfunc_end2:
_tile_overlayer_lowered:
.L_overlay_start_2:
0x41: {  	(tag) =	ssettag $0x2  }
0x42: {  	s0 =	rddreg [dreg:$0x0];
	s2 =	stileid.u32  }
0x43: {  	s1 =	rddreg [dreg:$0x1];
	p0 =	sne.s32 s2, $0x0  }
0x44: {  	s3 =	rddreg [dreg:$0x2];
	[bflag:$0x3] =	sbarrier.arrive $0xFFFF;
	s2 =	simm.s32 @!p0 $0x1C01  }
0x45: {  	[timem:s3], [sflag:s2] =	dma.local @!p0 [hbm:s0], s1  }
0x46: {  	s0 =	simm.s32 @!p0 $0x1  }
0x47: {  	_ =	swait.ge @!p0 [sflag:s0], s1  }
0x48: {  	s1 =	ssub.s32 @!p0 $0x0, s1;
	[sflag:s0] =	ssyncset.done @!p0 $0x0  }
0x49: {  	[sflag:s0] =	ssyncadd.s32 @!p0 s1  }
0x4a: {  	[bflag:$0x3] =	sbarrier.arrive $0xFFFF  }
0x4b: {  	_ =	shalt  }

</sc_bundles>
